<compile_context>
chip_gen: v7x
topology: tpu7x:2x2x1
jax: 0.10.2.dev20260603
libtpu: 0.0.44.dev20260713+nightly
codegen_flags: <defaults>
</compile_context>

<pallas_src>
import jax
import jax.numpy as jnp
from jax import lax
from jax.experimental import pallas as pl
from jax.experimental.pallas import tpu as pltpu
from jax.experimental.pallas import tpu_sc as plsc

_B, _N, _K, _C = 4, 16384, 1024, 64
_S = 32
_R = 0.1
_R2 = _R * _R
_NVEC = _N // 16
_KSUB = _K // 8
_U = 16

_MESH = plsc.VectorSubcoreMesh(core_axis_name="c", subcore_axis_name="s")
_CPARAMS = pltpu.CompilerParams(needs_layout_passes=False,
                                disable_bounds_checks=True)


def _wid():
    return lax.axis_index("s") * 2 + lax.axis_index("c")


def _ball_query_kernel(pts_hbm, cent_hbm, idx_out, gp_out, pts_v, cent_v,
                       idxb_v, gp_v):
    w = _wid()
    b = w // 8
    kgrp = w % 8
    koff = kgrp * _KSUB

    pltpu.sync_copy(pts_hbm.at[pl.ds(b * 3 * _N, 3 * _N)], pts_v)
    for c in range(3):
        pltpu.sync_copy(
            cent_hbm.at[pl.ds(b * 3 * _K + c * _K + koff, _KSUB)],
            cent_v.at[pl.ds(c * _KSUB, _KSUB)])

    io16 = lax.iota(jnp.int32, 16)

    def per_centroid(k, _):
        kidx = jnp.full((16,), k, jnp.int32)
        cx = plsc.load_gather(cent_v, [kidx])
        cy = plsc.load_gather(cent_v, [kidx + _KSUB])
        cz = plsc.load_gather(cent_v, [kidx + 2 * _KSUB])
        row = pl.multiple_of(k * _S, 16)

        def cond(st):
            j, cnt = st
            return (j < _NVEC) & (cnt < _S)

        def body(st):
            j, cnt = st
            base0 = pl.multiple_of(j * 16, 16)
            ds = []
            for u in range(_U):
                base = base0 + u * 16
                dx = cx - pts_v[pl.ds(base, 16)]
                dy = cy - pts_v[pl.ds(base + _N, 16)]
                dz = cz - pts_v[pl.ds(base + 2 * _N, 16)]
                ds.append(dx * dx + dy * dy + dz * dz)
            dmin = ds[0]
            for u in range(1, _U):
                dmin = jnp.minimum(dmin, ds[u])
            t = plsc.all_reduce_population_count(
                dmin < jnp.float32(_R2))[0]

            def do_append():
                off = jnp.broadcast_to(cnt, (16,))
                for u in range(_U):
                    m = ds[u] < jnp.float32(_R2)
                    incl = plsc.cumsum(m.astype(jnp.int32))
                    pos = off + incl - 1
                    plsc.store_scatter(idxb_v, [row + pos],
                                       base0 + u * 16 + io16,
                                       mask=m & (pos < _S))
                    off = off + plsc.all_reduce_population_count(m)
                return off[0]

            cnt = lax.cond(t > 0, do_append, lambda: cnt)
            return (j + jnp.int32(_U), cnt)

        _, cnt = lax.while_loop(cond, body, (jnp.int32(0), jnp.int32(0)))

        pad = jnp.where(cnt > 0, idxb_v[pl.ds(row, 16)][0], 0)
        padv = jnp.broadcast_to(pad, (16,))
        plsc.store_scatter(idxb_v, [row + io16], padv, mask=io16 >= cnt)
        plsc.store_scatter(idxb_v, [row + io16 + 16], padv,
                           mask=(io16 + 16) >= cnt)

        iv0 = idxb_v[pl.ds(row, 16)]
        iv1 = idxb_v[pl.ds(row + 16, 16)]
        for c, cc in ((0, cx), (1, cy), (2, cz)):
            for h, iv in ((0, iv0), (1, iv1)):
                g = plsc.load_gather(pts_v, [iv + c * _N])
                gp_v[pl.ds(pl.multiple_of((c * _KSUB + k) * _S + h * 16, 16),
                           16)] = (g - cc) / jnp.float32(_R)
        return 0

    lax.fori_loop(0, _KSUB, per_centroid, 0)

    pltpu.sync_copy(idxb_v, idx_out.at[pl.ds((b * _K + koff) * _S,
                                             _KSUB * _S)])
    for c in range(3):
        pltpu.sync_copy(
            gp_v.at[pl.ds(c * _KSUB * _S, _KSUB * _S)],
            gp_out.at[pl.ds(((b * 3 + c) * _K + koff) * _S, _KSUB * _S)])


def _group_feats_kernel(feat_hbm, idx_hbm, nf_out, idx_v, rows_v, outs_v,
                        rsems, osems):
    w = _wid()
    b = w // 8
    c0 = (w % 8) * (_C // 8)
    nchan = _C // 8
    half = _K // 2

    pltpu.sync_copy(idx_hbm.at[pl.ds(b * _K * _S, _K * _S)], idx_v)

    def row_copy(ci, slot):
        return pltpu.async_copy(
            feat_hbm.at[pl.ds((b * _C + c0 + ci) * _N, _N)],
            rows_v.at[pl.ds(slot * _N, _N)], rsems[slot])

    pending_row = row_copy(0, 0)
    pending_out = [None, None]
    for ci in range(nchan):
        slot = ci % 2
        pending_row.wait()
        if ci + 1 < nchan:
            pending_row = row_copy(ci + 1, 1 - slot)
        roff = slot * _N
        for h in range(2):
            if pending_out[h] is not None:
                pending_out[h].wait()
            ooff = h * half * _S

            def _gather(i, _):
                ks = pl.multiple_of(i * 4 * 16, 16)
                ivs = [idx_v[pl.ds(ks + 16 * q, 16)] + roff
                       for q in range(4)]
                gs = [plsc.load_gather(rows_v, [iv]) for iv in ivs]
                for q in range(4):
                    outs_v[pl.ds(ks + 16 * q, 16)] = gs[q]
                return 0

            lax.fori_loop(h * half // 2, (h + 1) * half // 2, _gather, 0)

            pending_out[h] = pltpu.async_copy(
                outs_v.at[pl.ds(ooff, half * _S)],
                nf_out.at[pl.ds((b * _C + c0 + ci) * _K * _S + h * half * _S,
                                half * _S)],
                osems[h])
    for h in range(2):
        pending_out[h].wait()


@jax.jit
def kernel(points, centroids, features):
    pts_t = jnp.transpose(points, (0, 2, 1)).reshape(-1)
    cent_t = jnp.transpose(centroids, (0, 2, 1)).reshape(-1)

    ball = pl.kernel(
        _ball_query_kernel,
        mesh=_MESH,
        compiler_params=_CPARAMS,
        out_type=(
            jax.ShapeDtypeStruct((_B * _K * _S,), jnp.int32),
            jax.ShapeDtypeStruct((_B * 3 * _K * _S,), jnp.float32),
        ),
        scratch_types=[
            pltpu.VMEM((3 * _N,), jnp.float32),
            pltpu.VMEM((3 * _KSUB,), jnp.float32),
            pltpu.VMEM((_KSUB * _S,), jnp.int32),
            pltpu.VMEM((3 * _KSUB * _S,), jnp.float32),
        ],
    )
    idx, gp = ball(pts_t, cent_t)
    grouped_pts = gp.reshape(_B, 3, _K, _S)

    group = pl.kernel(
        _group_feats_kernel,
        mesh=_MESH,
        compiler_params=_CPARAMS,
        out_type=jax.ShapeDtypeStruct((_B * _C * _K * _S,), jnp.float32),
        scratch_types=[
            pltpu.VMEM((_K * _S,), jnp.int32),
            pltpu.VMEM((2 * _N,), jnp.float32),
            pltpu.VMEM((_K * _S,), jnp.float32),
            [pltpu.SemaphoreType.DMA, pltpu.SemaphoreType.DMA],
            [pltpu.SemaphoreType.DMA, pltpu.SemaphoreType.DMA],
        ],
    )
    new_feats = group(features.reshape(-1), idx).reshape(_B, _C, _K, _S)
    return (grouped_pts, new_feats)

# --- scband reference (transcript-rebuilt; emitter-appended) ---
"""Pipeline reference for scband-query-and-group-15444702396515 (READ-ONLY COPY).

The authoritative reference and input builder live on the scoring server;
editing this copy changes nothing except your own understanding.
"""

import jax, jax.numpy as jnp
import numpy as np

B, N, K, C = 4, 16384, 1024, 64
N_SAMPLE = 32
RADIUS = 0.1
NORMALIZE_DP = True


def setup_inputs(seed: int = 0) -> dict:
    key = jax.random.key(seed)
    k1, k2, k3 = jax.random.split(key, 3)
    points = jax.random.uniform(k1, (B, N, 3), dtype=jnp.float32)
    centroids = jax.random.uniform(k2, (B, K, 3), dtype=jnp.float32)
    features = jax.random.normal(k3, (B, C, N), dtype=jnp.float32)
    return {"points": points, "centroids": centroids, "features": features}


def _ball_query(points, centroids, n_sample, radius):
    # points: (B, N, 3), centroids: (B, K, 3) -> (B, K, n_sample) int32
    # CUDA ball_query semantics: take the first n_sample point indices (in order)
    # whose squared distance to the centroid is < radius^2; pad with the first
    # found index (or 0 if the ball is empty).
    d2 = jnp.sum((centroids[:, :, None, :] - points[:, None, :, :]) ** 2, axis=-1)  # (B, K, N)
    n = points.shape[1]
    idx = jnp.arange(n, dtype=jnp.int32)
    scores = jnp.where(d2 < radius * radius, idx[None, None, :], n)  # in-ball -> own index, else sentinel n
    neg_top, _ = jax.lax.top_k(-scores, n_sample)  # smallest n_sample indices
    cand = -neg_top  # (B, K, n_sample), ascending, padded with n
    first = cand[..., :1]
    first = jnp.where(first < n, first, 0)
    cand = jnp.where(cand < n, cand, first)
    return cand.astype(jnp.int32)


def _grouping(feats, idx):
    # feats: (B, C, N), idx: (B, K, S) -> (B, C, K, S)
    def per_batch(f, i):
        return f[:, i]
    return jax.vmap(per_batch)(feats, idx)


def reference(points, centroids, features):
    indices = _ball_query(points, centroids, N_SAMPLE, RADIUS)
    grouped_pts = _grouping(jnp.transpose(points, (0, 2, 1)), indices)  # (B, 3, K, S)
    grouped_pts = grouped_pts - jnp.transpose(centroids, (0, 2, 1))[..., None]
    if NORMALIZE_DP:
        grouped_pts = grouped_pts / RADIUS
    new_feats = _grouping(features, indices)  # (B, C, K, S)
    return (grouped_pts, new_feats)

if __name__ == "__main__":
    import jax
    _d = setup_inputs()
    print(jax.jit(kernel)(*tuple(_d.values())))

</pallas_src>

<mosaic_0001>
#map = affine_map<(d0, d1) -> (0)>
module attributes {stable_mosaic.version = 14 : i64} {
  func.func @_ball_query_kernel(%arg0: i32, %arg1: i32, %arg2: memref<196608xf32, #tpu.memory_space<hbm>>, %arg3: memref<12288xf32, #tpu.memory_space<hbm>>, %arg4: memref<131072xi32, #tpu.memory_space<hbm>>, %arg5: memref<393216xf32, #tpu.memory_space<hbm>>, %arg6: memref<49152xf32, #tpu.memory_space<vmem>>, %arg7: memref<384xf32, #tpu.memory_space<vmem>>, %arg8: memref<4096xi32, #tpu.memory_space<vmem>>, %arg9: memref<12288xf32, #tpu.memory_space<vmem>>) attributes {dimension_semantics = [#tpu.dimension_semantics<core_parallel>, #tpu.dimension_semantics<subcore_parallel>], iteration_bounds = array<i64: 2, 16>, scalar_prefetch = 0 : i64, scratch_operands = 4 : i64, tpu.core_type = #tpu.core_type<sc_vector_subcore>, window_params = [{transform_indices = #map}, {transform_indices = #map}, {transform_indices = #map}, {transform_indices = #map}]} {
    %mul3A = arith.constant 2 : i32
    %mul3A_0 = arith.muli %arg1, %mul3A : i32
    %add3A = arith.addi %mul3A_0, %arg0 : i32
    %jit3A = arith.constant 8 : i32
    %div3A = arith.divsi %add3A, %jit3A : i32
    %sign3A = arith.constant 0 : i32
    %sign3A_1 = arith.cmpi sgt, %add3A, %sign3A : i32
    %sign3A_2 = arith.extui %sign3A_1 : i1 to i32
    %sign3A_3 = arith.constant 0 : i32
    %sign3A_4 = arith.cmpi slt, %add3A, %sign3A_3 : i32
    %sign3A_5 = arith.extui %sign3A_4 : i1 to i32
    %sign3A_6 = arith.subi %sign3A_2, %sign3A_5 : i32
    %sign3A_7 = arith.constant 0 : i32
    %sign3A_8 = arith.cmpi sgt, %jit3A, %sign3A_7 : i32
    %sign3A_9 = arith.extui %sign3A_8 : i1 to i32
    %sign3A_10 = arith.constant 0 : i32
    %sign3A_11 = arith.cmpi slt, %jit3A, %sign3A_10 : i32
    %sign3A_12 = arith.extui %sign3A_11 : i1 to i32
    %sign3A_13 = arith.subi %sign3A_9, %sign3A_12 : i32
    %ne3A = arith.cmpi ne, %sign3A_6, %sign3A_13 : i32
    %rem3A = arith.remsi %add3A, %jit3A : i32
    %ne3A_14 = arith.constant 0 : i32
    %ne3A_15 = arith.cmpi ne, %rem3A, %ne3A_14 : i32
    %and3A = arith.andi %ne3A, %ne3A_15 : i1
    %sub3A = arith.constant 1 : i32
    %sub3A_16 = arith.subi %div3A, %sub3A : i32
    %select_n3A = arith.select %and3A, %sub3A_16, %div3A : i32
    %jit3A_17 = arith.constant 8 : i32
    %eq3A = arith.constant 0 : i32
    %eq3A_18 = arith.cmpi eq, %jit3A_17, %eq3A : i32
    %jit3A_19 = arith.constant 1 : i32
    %select_n3A_20 = arith.select %eq3A_18, %jit3A_19, %jit3A_17 : i32
    %rem3A_21 = arith.remsi %add3A, %select_n3A_20 : i32
    %ne3A_22 = arith.constant 0 : i32
    %ne3A_23 = arith.cmpi ne, %rem3A_21, %ne3A_22 : i32
    %lt3A = arith.constant 0 : i32
    %lt3A_24 = arith.cmpi slt, %rem3A_21, %lt3A : i32
    %lt3A_25 = arith.constant 0 : i32
    %lt3A_26 = arith.cmpi slt, %select_n3A_20, %lt3A_25 : i32
    %ne3A_27 = arith.xori %lt3A_24, %lt3A_26 : i1
    %and3A_28 = arith.andi %ne3A_27, %ne3A_23 : i1
    %add3A_29 = arith.addi %rem3A_21, %select_n3A_20 : i32
    %select_n3A_30 = arith.select %and3A_28, %add3A_29, %rem3A_21 : i32
    %mul3A_31 = arith.constant 128 : i32
    %mul3A_32 = arith.muli %select_n3A_30, %mul3A_31 : i32
    %mul3A_33 = arith.constant 3 : i32
    %mul3A_34 = arith.muli %select_n3A, %mul3A_33 : i32
    %mul3A_35 = arith.constant 16384 : i32
    %mul3A_36 = arith.muli %mul3A_34, %mul3A_35 : i32
    "tpu.region"() ({
      %run_scoped3A = tpu.sem_alloc : memref<!tpu.dma_semaphore, #tpu.memory_space<semaphore_mem>>
      %dma_start3A = tpu.memref_slice %arg2[%mul3A_36] : memref<196608xf32, #tpu.memory_space<hbm>> -> memref<49152xf32, #tpu.memory_space<hbm>>
      %dma_start3A_96 = tpu.memref_slice %arg2[%mul3A_36] : memref<196608xf32, #tpu.memory_space<hbm>> -> memref<49152xf32, #tpu.memory_space<hbm>>
      tpu.enqueue_dma source(%dma_start3A_96 : memref<49152xf32, #tpu.memory_space<hbm>>) target(%arg6 : memref<49152xf32, #tpu.memory_space<vmem>>) target_semaphore(%run_scoped3A : memref<!tpu.dma_semaphore, #tpu.memory_space<semaphore_mem>>)
      %dma_wait3A = tpu.memref_slice %arg2[%mul3A_36] : memref<196608xf32, #tpu.memory_space<hbm>> -> memref<49152xf32, #tpu.memory_space<hbm>>
      %dma_wait3A_97 = tpu.memref_slice %arg2[%mul3A_36] : memref<196608xf32, #tpu.memory_space<hbm>> -> memref<49152xf32, #tpu.memory_space<hbm>>
      tpu.wait_dma2 semaphore(%run_scoped3A : memref<!tpu.dma_semaphore, #tpu.memory_space<semaphore_mem>>) src(%dma_wait3A_97 : memref<49152xf32, #tpu.memory_space<hbm>>) dst(%arg6 : memref<49152xf32, #tpu.memory_space<vmem>>)
      tpu.yield
    }) : () -> ()
    %mul3A_37 = arith.constant 3 : i32
    %mul3A_38 = arith.muli %select_n3A, %mul3A_37 : i32
    %mul3A_39 = arith.constant 1024 : i32
    %mul3A_40 = arith.muli %mul3A_38, %mul3A_39 : i32
    %add3A_41 = arith.constant 0 : i32
    %add3A_42 = arith.addi %mul3A_40, %add3A_41 : i32
    %add3A_43 = arith.addi %add3A_42, %mul3A_32 : i32
    "tpu.region"() ({
      %run_scoped3A = tpu.sem_alloc : memref<!tpu.dma_semaphore, #tpu.memory_space<semaphore_mem>>
      %dma_start3A = arith.constant 0 : i32
      %dma_start3A_96 = tpu.memref_slice %arg7[%dma_start3A] : memref<384xf32, #tpu.memory_space<vmem>> -> memref<128xf32, #tpu.memory_space<vmem>>
      %dma_start3A_97 = tpu.memref_slice %arg3[%add3A_43] : memref<12288xf32, #tpu.memory_space<hbm>> -> memref<128xf32, #tpu.memory_space<hbm>>
      %dma_start3A_98 = arith.constant 0 : i32
      %dma_start3A_99 = tpu.memref_slice %arg7[%dma_start3A_98] : memref<384xf32, #tpu.memory_space<vmem>> -> memref<128xf32, #tpu.memory_space<vmem>>
      %dma_start3A_100 = tpu.memref_slice %arg3[%add3A_43] : memref<12288xf32, #tpu.memory_space<hbm>> -> memref<128xf32, #tpu.memory_space<hbm>>
      tpu.enqueue_dma source(%dma_start3A_100 : memref<128xf32, #tpu.memory_space<hbm>>) target(%dma_start3A_99 : memref<128xf32, #tpu.memory_space<vmem>>) target_semaphore(%run_scoped3A : memref<!tpu.dma_semaphore, #tpu.memory_space<semaphore_mem>>)
      %dma_wait3A = arith.constant 0 : i32
      %dma_wait3A_101 = tpu.memref_slice %arg7[%dma_wait3A] : memref<384xf32, #tpu.memory_space<vmem>> -> memref<128xf32, #tpu.memory_space<vmem>>
      %dma_wait3A_102 = tpu.memref_slice %arg3[%add3A_43] : memref<12288xf32, #tpu.memory_space<hbm>> -> memref<128xf32, #tpu.memory_space<hbm>>
      %dma_wait3A_103 = arith.constant 0 : i32
      %dma_wait3A_104 = tpu.memref_slice %arg7[%dma_wait3A_103] : memref<384xf32, #tpu.memory_space<vmem>> -> memref<128xf32, #tpu.memory_space<vmem>>
      %dma_wait3A_105 = tpu.memref_slice %arg3[%add3A_43] : memref<12288xf32, #tpu.memory_space<hbm>> -> memref<128xf32, #tpu.memory_space<hbm>>
      tpu.wait_dma2 semaphore(%run_scoped3A : memref<!tpu.dma_semaphore, #tpu.memory_space<semaphore_mem>>) src(%dma_wait3A_105 : memref<128xf32, #tpu.memory_space<hbm>>) dst(%dma_wait3A_104 : memref<128xf32, #tpu.memory_space<vmem>>)
      tpu.yield
    }) : () -> ()
    %mul3A_44 = arith.constant 3 : i32
    %mul3A_45 = arith.muli %select_n3A, %mul3A_44 : i32
    %mul3A_46 = arith.constant 1024 : i32
    %mul3A_47 = arith.muli %mul3A_45, %mul3A_46 : i32
    %add3A_48 = arith.constant 1024 : i32
    %add3A_49 = arith.addi %mul3A_47, %add3A_48 : i32
    %add3A_50 = arith.addi %add3A_49, %mul3A_32 : i32
    "tpu.region"() ({
      %run_scoped3A = tpu.sem_alloc : memref<!tpu.dma_semaphore, #tpu.memory_space<semaphore_mem>>
      %dma_start3A = arith.constant 128 : i32
      %dma_start3A_96 = tpu.memref_slice %arg7[%dma_start3A] : memref<384xf32, #tpu.memory_space<vmem>> -> memref<128xf32, #tpu.memory_space<vmem>>
      %dma_start3A_97 = tpu.memref_slice %arg3[%add3A_50] : memref<12288xf32, #tpu.memory_space<hbm>> -> memref<128xf32, #tpu.memory_space<hbm>>
      %dma_start3A_98 = arith.constant 128 : i32
      %dma_start3A_99 = tpu.memref_slice %arg7[%dma_start3A_98] : memref<384xf32, #tpu.memory_space<vmem>> -> memref<128xf32, #tpu.memory_space<vmem>>
      %dma_start3A_100 = tpu.memref_slice %arg3[%add3A_50] : memref<12288xf32, #tpu.memory_space<hbm>> -> memref<128xf32, #tpu.memory_space<hbm>>
      tpu.enqueue_dma source(%dma_start3A_100 : memref<128xf32, #tpu.memory_space<hbm>>) target(%dma_start3A_99 : memref<128xf32, #tpu.memory_space<vmem>>) target_semaphore(%run_scoped3A : memref<!tpu.dma_semaphore, #tpu.memory_space<semaphore_mem>>)
      %dma_wait3A = arith.constant 128 : i32
      %dma_wait3A_101 = tpu.memref_slice %arg7[%dma_wait3A] : memref<384xf32, #tpu.memory_space<vmem>> -> memref<128xf32, #tpu.memory_space<vmem>>
      %dma_wait3A_102 = tpu.memref_slice %arg3[%add3A_50] : memref<12288xf32, #tpu.memory_space<hbm>> -> memref<128xf32, #tpu.memory_space<hbm>>
      %dma_wait3A_103 = arith.constant 128 : i32
      %dma_wait3A_104 = tpu.memref_slice %arg7[%dma_wait3A_103] : memref<384xf32, #tpu.memory_space<vmem>> -> memref<128xf32, #tpu.memory_space<vmem>>
      %dma_wait3A_105 = tpu.memref_slice %arg3[%add3A_50] : memref<12288xf32, #tpu.memory_space<hbm>> -> memref<128xf32, #tpu.memory_space<hbm>>
      tpu.wait_dma2 semaphore(%run_scoped3A : memref<!tpu.dma_semaphore, #tpu.memory_space<semaphore_mem>>) src(%dma_wait3A_105 : memref<128xf32, #tpu.memory_space<hbm>>) dst(%dma_wait3A_104 : memref<128xf32, #tpu.memory_space<vmem>>)
      tpu.yield
    }) : () -> ()
    %mul3A_51 = arith.constant 3 : i32
    %mul3A_52 = arith.muli %select_n3A, %mul3A_51 : i32
    %mul3A_53 = arith.constant 1024 : i32
    %mul3A_54 = arith.muli %mul3A_52, %mul3A_53 : i32
    %add3A_55 = arith.constant 2048 : i32
    %add3A_56 = arith.addi %mul3A_54, %add3A_55 : i32
    %add3A_57 = arith.addi %add3A_56, %mul3A_32 : i32
    "tpu.region"() ({
      %run_scoped3A = tpu.sem_alloc : memref<!tpu.dma_semaphore, #tpu.memory_space<semaphore_mem>>
      %dma_start3A = arith.constant 256 : i32
      %dma_start3A_96 = tpu.memref_slice %arg7[%dma_start3A] : memref<384xf32, #tpu.memory_space<vmem>> -> memref<128xf32, #tpu.memory_space<vmem>>
      %dma_start3A_97 = tpu.memref_slice %arg3[%add3A_57] : memref<12288xf32, #tpu.memory_space<hbm>> -> memref<128xf32, #tpu.memory_space<hbm>>
      %dma_start3A_98 = arith.constant 256 : i32
      %dma_start3A_99 = tpu.memref_slice %arg7[%dma_start3A_98] : memref<384xf32, #tpu.memory_space<vmem>> -> memref<128xf32, #tpu.memory_space<vmem>>
      %dma_start3A_100 = tpu.memref_slice %arg3[%add3A_57] : memref<12288xf32, #tpu.memory_space<hbm>> -> memref<128xf32, #tpu.memory_space<hbm>>
      tpu.enqueue_dma source(%dma_start3A_100 : memref<128xf32, #tpu.memory_space<hbm>>) target(%dma_start3A_99 : memref<128xf32, #tpu.memory_space<vmem>>) target_semaphore(%run_scoped3A : memref<!tpu.dma_semaphore, #tpu.memory_space<semaphore_mem>>)
      %dma_wait3A = arith.constant 256 : i32
      %dma_wait3A_101 = tpu.memref_slice %arg7[%dma_wait3A] : memref<384xf32, #tpu.memory_space<vmem>> -> memref<128xf32, #tpu.memory_space<vmem>>
      %dma_wait3A_102 = tpu.memref_slice %arg3[%add3A_57] : memref<12288xf32, #tpu.memory_space<hbm>> -> memref<128xf32, #tpu.memory_space<hbm>>
      %dma_wait3A_103 = arith.constant 256 : i32
      %dma_wait3A_104 = tpu.memref_slice %arg7[%dma_wait3A_103] : memref<384xf32, #tpu.memory_space<vmem>> -> memref<128xf32, #tpu.memory_space<vmem>>
      %dma_wait3A_105 = tpu.memref_slice %arg3[%add3A_57] : memref<12288xf32, #tpu.memory_space<hbm>> -> memref<128xf32, #tpu.memory_space<hbm>>
      tpu.wait_dma2 semaphore(%run_scoped3A : memref<!tpu.dma_semaphore, #tpu.memory_space<semaphore_mem>>) src(%dma_wait3A_105 : memref<128xf32, #tpu.memory_space<hbm>>) dst(%dma_wait3A_104 : memref<128xf32, #tpu.memory_space<vmem>>)
      tpu.yield
    }) : () -> ()
    %iota3A = tpu.iota {dimensions = array<i32: 0>} : vector<16xi32>
    %scan3A = arith.constant 0 : i32
    %scan3A_58 = arith.constant 0 : i32
    %scan3A_59 = arith.constant 128 : i32
    %scan3A_60 = arith.addi %scan3A_58, %scan3A_59 : i32
    %scan3A_61 = arith.constant 1 : i32
    %scan3A_62 = scf.for %scan3A_96 = %scan3A_58 to %scan3A_60 step %scan3A_61 iter_args(%scan3A_97 = %scan3A) -> (i32)  : i32 {
      %broadcast_in_dim3A = vector.broadcast %scan3A_96 : i32 to vector<16xi32>
      %gather3A = tpu.vector_load_idx %arg7[%broadcast_in_dim3A] : memref<384xf32, #tpu.memory_space<vmem>>[vector<16xi32>], vector<16xf32>,
      %add3A_98 = arith.constant 128 : i32
      %add3A_99 = vector.broadcast %add3A_98 : i32 to vector<16xi32>
      %add3A_100 = arith.addi %broadcast_in_dim3A, %add3A_99 : vector<16xi32>
      %gather3A_101 = tpu.vector_load_idx %arg7[%add3A_100] : memref<384xf32, #tpu.memory_space<vmem>>[vector<16xi32>], vector<16xf32>,
      %add3A_102 = arith.constant 256 : i32
      %add3A_103 = vector.broadcast %add3A_102 : i32 to vector<16xi32>
      %add3A_104 = arith.addi %broadcast_in_dim3A, %add3A_103 : vector<16xi32>
      %gather3A_105 = tpu.vector_load_idx %arg7[%add3A_104] : memref<384xf32, #tpu.memory_space<vmem>>[vector<16xi32>], vector<16xf32>,
      %mul3A_106 = arith.constant 32 : i32
      %mul3A_107 = arith.muli %scan3A_96, %mul3A_106 : i32
      %multiple_of3A = tpu.assume_multiple %mul3A_107, 16 : i32
      %while3A = arith.constant 0 : i32
      %while3A_108 = arith.constant 0 : i32
      %while3A_109:2 = scf.while (%while3A_236 = %while3A, %while3A_237 = %while3A_108) : (i32, i32) -> (i32, i32) {
        %lt3A_238 = arith.constant 1024 : i32
        %lt3A_239 = arith.cmpi slt, %while3A_236, %lt3A_238 : i32
        %lt3A_240 = arith.constant 32 : i32
        %lt3A_241 = arith.cmpi slt, %while3A_237, %lt3A_240 : i32
        %and3A_242 = arith.andi %lt3A_239, %lt3A_241 : i1
        scf.condition(%and3A_242) %while3A_236, %while3A_237 : i32, i32
      } do {
      ^bb0(%while3A_236: i32, %while3A_237: i32):
        %mul3A_238 = arith.constant 16 : i32
        %mul3A_239 = arith.muli %while3A_236, %mul3A_238 : i32
        %multiple_of3A_240 = tpu.assume_multiple %mul3A_239, 16 : i32
        %add3A_241 = arith.constant 0 : i32
        %add3A_242 = arith.addi %multiple_of3A_240, %add3A_241 : i32
        %get3A_243 = arith.index_cast %add3A_242 : i32 to index
        %get3A_244 = tpu.vector_load %arg6[%get3A_243] {strides = array<i32>} : memref<49152xf32, #tpu.memory_space<vmem>>, vector<16xf32>,
        %sub3A_245 = arith.subf %gather3A, %get3A_244 : vector<16xf32>
        %add3A_246 = arith.constant 16384 : i32
        %add3A_247 = arith.addi %add3A_242, %add3A_246 : i32
        %get3A_248 = arith.index_cast %add3A_247 : i32 to index
        %get3A_249 = tpu.vector_load %arg6[%get3A_248] {strides = array<i32>} : memref<49152xf32, #tpu.memory_space<vmem>>, vector<16xf32>,
        %sub3A_250 = arith.subf %gather3A_101, %get3A_249 : vector<16xf32>
        %add3A_251 = arith.constant 32768 : i32
        %add3A_252 = arith.addi %add3A_242, %add3A_251 : i32
        %get3A_253 = arith.index_cast %add3A_252 : i32 to index
        %get3A_254 = tpu.vector_load %arg6[%get3A_253] {strides = array<i32>} : memref<49152xf32, #tpu.memory_space<vmem>>, vector<16xf32>,
        %sub3A_255 = arith.subf %gather3A_105, %get3A_254 : vector<16xf32>
        %mul3A_256 = arith.mulf %sub3A_245, %sub3A_245 : vector<16xf32>
        %mul3A_257 = arith.mulf %sub3A_250, %sub3A_250 : vector<16xf32>
        %add3A_258 = arith.addf %mul3A_256, %mul3A_257 : vector<16xf32>
        %mul3A_259 = arith.mulf %sub3A_255, %sub3A_255 : vector<16xf32>
        %add3A_260 = arith.addf %add3A_258, %mul3A_259 : vector<16xf32>
        %add3A_261 = arith.constant 16 : i32
        %add3A_262 = arith.addi %multiple_of3A_240, %add3A_261 : i32
        %get3A_263 = arith.index_cast %add3A_262 : i32 to index
        %get3A_264 = tpu.vector_load %arg6[%get3A_263] {strides = array<i32>} : memref<49152xf32, #tpu.memory_space<vmem>>, vector<16xf32>,
        %sub3A_265 = arith.subf %gather3A, %get3A_264 : vector<16xf32>
        %add3A_266 = arith.constant 16384 : i32
        %add3A_267 = arith.addi %add3A_262, %add3A_266 : i32
        %get3A_268 = arith.index_cast %add3A_267 : i32 to index
        %get3A_269 = tpu.vector_load %arg6[%get3A_268] {strides = array<i32>} : memref<49152xf32, #tpu.memory_space<vmem>>, vector<16xf32>,
        %sub3A_270 = arith.subf %gather3A_101, %get3A_269 : vector<16xf32>
        %add3A_271 = arith.constant 32768 : i32
        %add3A_272 = arith.addi %add3A_262, %add3A_271 : i32
        %get3A_273 = arith.index_cast %add3A_272 : i32 to index
        %get3A_274 = tpu.vector_load %arg6[%get3A_273] {strides = array<i32>} : memref<49152xf32, #tpu.memory_space<vmem>>, vector<16xf32>,
        %sub3A_275 = arith.subf %gather3A_105, %get3A_274 : vector<16xf32>
        %mul3A_276 = arith.mulf %sub3A_265, %sub3A_265 : vector<16xf32>
        %mul3A_277 = arith.mulf %sub3A_270, %sub3A_270 : vector<16xf32>
        %add3A_278 = arith.addf %mul3A_276, %mul3A_277 : vector<16xf32>
        %mul3A_279 = arith.mulf %sub3A_275, %sub3A_275 : vector<16xf32>
        %add3A_280 = arith.addf %add3A_278, %mul3A_279 : vector<16xf32>
        %add3A_281 = arith.constant 32 : i32
        %add3A_282 = arith.addi %multiple_of3A_240, %add3A_281 : i32
        %get3A_283 = arith.index_cast %add3A_282 : i32 to index
        %get3A_284 = tpu.vector_load %arg6[%get3A_283] {strides = array<i32>} : memref<49152xf32, #tpu.memory_space<vmem>>, vector<16xf32>,
        %sub3A_285 = arith.subf %gather3A, %get3A_284 : vector<16xf32>
        %add3A_286 = arith.constant 16384 : i32
        %add3A_287 = arith.addi %add3A_282, %add3A_286 : i32
        %get3A_288 = arith.index_cast %add3A_287 : i32 to index
        %get3A_289 = tpu.vector_load %arg6[%get3A_288] {strides = array<i32>} : memref<49152xf32, #tpu.memory_space<vmem>>, vector<16xf32>,
        %sub3A_290 = arith.subf %gather3A_101, %get3A_289 : vector<16xf32>
        %add3A_291 = arith.constant 32768 : i32
        %add3A_292 = arith.addi %add3A_282, %add3A_291 : i32
        %get3A_293 = arith.index_cast %add3A_292 : i32 to index
        %get3A_294 = tpu.vector_load %arg6[%get3A_293] {strides = array<i32>} : memref<49152xf32, #tpu.memory_space<vmem>>, vector<16xf32>,
        %sub3A_295 = arith.subf %gather3A_105, %get3A_294 : vector<16xf32>
        %mul3A_296 = arith.mulf %sub3A_285, %sub3A_285 : vector<16xf32>
        %mul3A_297 = arith.mulf %sub3A_290, %sub3A_290 : vector<16xf32>
        %add3A_298 = arith.addf %mul3A_296, %mul3A_297 : vector<16xf32>
        %mul3A_299 = arith.mulf %sub3A_295, %sub3A_295 : vector<16xf32>
        %add3A_300 = arith.addf %add3A_298, %mul3A_299 : vector<16xf32>
        %add3A_301 = arith.constant 48 : i32
        %add3A_302 = arith.addi %multiple_of3A_240, %add3A_301 : i32
        %get3A_303 = arith.index_cast %add3A_302 : i32 to index
        %get3A_304 = tpu.vector_load %arg6[%get3A_303] {strides = array<i32>} : memref<49152xf32, #tpu.memory_space<vmem>>, vector<16xf32>,
        %sub3A_305 = arith.subf %gather3A, %get3A_304 : vector<16xf32>
        %add3A_306 = arith.constant 16384 : i32
        %add3A_307 = arith.addi %add3A_302, %add3A_306 : i32
        %get3A_308 = arith.index_cast %add3A_307 : i32 to index
        %get3A_309 = tpu.vector_load %arg6[%get3A_308] {strides = array<i32>} : memref<49152xf32, #tpu.memory_space<vmem>>, vector<16xf32>,
        %sub3A_310 = arith.subf %gather3A_101, %get3A_309 : vector<16xf32>
        %add3A_311 = arith.constant 32768 : i32
        %add3A_312 = arith.addi %add3A_302, %add3A_311 : i32
        %get3A_313 = arith.index_cast %add3A_312 : i32 to index
        %get3A_314 = tpu.vector_load %arg6[%get3A_313] {strides = array<i32>} : memref<49152xf32, #tpu.memory_space<vmem>>, vector<16xf32>,
        %sub3A_315 = arith.subf %gather3A_105, %get3A_314 : vector<16xf32>
        %mul3A_316 = arith.mulf %sub3A_305, %sub3A_305 : vector<16xf32>
        %mul3A_317 = arith.mulf %sub3A_310, %sub3A_310 : vector<16xf32>
        %add3A_318 = arith.addf %mul3A_316, %mul3A_317 : vector<16xf32>
        %mul3A_319 = arith.mulf %sub3A_315, %sub3A_315 : vector<16xf32>
        %add3A_320 = arith.addf %add3A_318, %mul3A_319 : vector<16xf32>
        %add3A_321 = arith.constant 64 : i32
        %add3A_322 = arith.addi %multiple_of3A_240, %add3A_321 : i32
        %get3A_323 = arith.index_cast %add3A_322 : i32 to index
        %get3A_324 = tpu.vector_load %arg6[%get3A_323] {strides = array<i32>} : memref<49152xf32, #tpu.memory_space<vmem>>, vector<16xf32>,
        %sub3A_325 = arith.subf %gather3A, %get3A_324 : vector<16xf32>
        %add3A_326 = arith.constant 16384 : i32
        %add3A_327 = arith.addi %add3A_322, %add3A_326 : i32
        %get3A_328 = arith.index_cast %add3A_327 : i32 to index
        %get3A_329 = tpu.vector_load %arg6[%get3A_328] {strides = array<i32>} : memref<49152xf32, #tpu.memory_space<vmem>>, vector<16xf32>,
        %sub3A_330 = arith.subf %gather3A_101, %get3A_329 : vector<16xf32>
        %add3A_331 = arith.constant 32768 : i32
        %add3A_332 = arith.addi %add3A_322, %add3A_331 : i32
        %get3A_333 = arith.index_cast %add3A_332 : i32 to index
        %get3A_334 = tpu.vector_load %arg6[%get3A_333] {strides = array<i32>} : memref<49152xf32, #tpu.memory_space<vmem>>, vector<16xf32>,
        %sub3A_335 = arith.subf %gather3A_105, %get3A_334 : vector<16xf32>
        %mul3A_336 = arith.mulf %sub3A_325, %sub3A_325 : vector<16xf32>
        %mul3A_337 = arith.mulf %sub3A_330, %sub3A_330 : vector<16xf32>
        %add3A_338 = arith.addf %mul3A_336, %mul3A_337 : vector<16xf32>
        %mul3A_339 = arith.mulf %sub3A_335, %sub3A_335 : vector<16xf32>
        %add3A_340 = arith.addf %add3A_338, %mul3A_339 : vector<16xf32>
        %add3A_341 = arith.constant 80 : i32
        %add3A_342 = arith.addi %multiple_of3A_240, %add3A_341 : i32
        %get3A_343 = arith.index_cast %add3A_342 : i32 to index
        %get3A_344 = tpu.vector_load %arg6[%get3A_343] {strides = array<i32>} : memref<49152xf32, #tpu.memory_space<vmem>>, vector<16xf32>,
        %sub3A_345 = arith.subf %gather3A, %get3A_344 : vector<16xf32>
        %add3A_346 = arith.constant 16384 : i32
        %add3A_347 = arith.addi %add3A_342, %add3A_346 : i32
        %get3A_348 = arith.index_cast %add3A_347 : i32 to index
        %get3A_349 = tpu.vector_load %arg6[%get3A_348] {strides = array<i32>} : memref<49152xf32, #tpu.memory_space<vmem>>, vector<16xf32>,
        %sub3A_350 = arith.subf %gather3A_101, %get3A_349 : vector<16xf32>
        %add3A_351 = arith.constant 32768 : i32
        %add3A_352 = arith.addi %add3A_342, %add3A_351 : i32
        %get3A_353 = arith.index_cast %add3A_352 : i32 to index
        %get3A_354 = tpu.vector_load %arg6[%get3A_353] {strides = array<i32>} : memref<49152xf32, #tpu.memory_space<vmem>>, vector<16xf32>,
        %sub3A_355 = arith.subf %gather3A_105, %get3A_354 : vector<16xf32>
        %mul3A_356 = arith.mulf %sub3A_345, %sub3A_345 : vector<16xf32>
        %mul3A_357 = arith.mulf %sub3A_350, %sub3A_350 : vector<16xf32>
        %add3A_358 = arith.addf %mul3A_356, %mul3A_357 : vector<16xf32>
        %mul3A_359 = arith.mulf %sub3A_355, %sub3A_355 : vector<16xf32>
        %add3A_360 = arith.addf %add3A_358, %mul3A_359 : vector<16xf32>
        %add3A_361 = arith.constant 96 : i32
        %add3A_362 = arith.addi %multiple_of3A_240, %add3A_361 : i32
        %get3A_363 = arith.index_cast %add3A_362 : i32 to index
        %get3A_364 = tpu.vector_load %arg6[%get3A_363] {strides = array<i32>} : memref<49152xf32, #tpu.memory_space<vmem>>, vector<16xf32>,
        %sub3A_365 = arith.subf %gather3A, %get3A_364 : vector<16xf32>
        %add3A_366 = arith.constant 16384 : i32
        %add3A_367 = arith.addi %add3A_362, %add3A_366 : i32
        %get3A_368 = arith.index_cast %add3A_367 : i32 to index
        %get3A_369 = tpu.vector_load %arg6[%get3A_368] {strides = array<i32>} : memref<49152xf32, #tpu.memory_space<vmem>>, vector<16xf32>,
        %sub3A_370 = arith.subf %gather3A_101, %get3A_369 : vector<16xf32>
        %add3A_371 = arith.constant 32768 : i32
        %add3A_372 = arith.addi %add3A_362, %add3A_371 : i32
        %get3A_373 = arith.index_cast %add3A_372 : i32 to index
        %get3A_374 = tpu.vector_load %arg6[%get3A_373] {strides = array<i32>} : memref<49152xf32, #tpu.memory_space<vmem>>, vector<16xf32>,
        %sub3A_375 = arith.subf %gather3A_105, %get3A_374 : vector<16xf32>
        %mul3A_376 = arith.mulf %sub3A_365, %sub3A_365 : vector<16xf32>
        %mul3A_377 = arith.mulf %sub3A_370, %sub3A_370 : vector<16xf32>
        %add3A_378 = arith.addf %mul3A_376, %mul3A_377 : vector<16xf32>
        %mul3A_379 = arith.mulf %sub3A_375, %sub3A_375 : vector<16xf32>
        %add3A_380 = arith.addf %add3A_378, %mul3A_379 : vector<16xf32>
        %add3A_381 = arith.constant 112 : i32
        %add3A_382 = arith.addi %multiple_of3A_240, %add3A_381 : i32
        %get3A_383 = arith.index_cast %add3A_382 : i32 to index
        %get3A_384 = tpu.vector_load %arg6[%get3A_383] {strides = array<i32>} : memref<49152xf32, #tpu.memory_space<vmem>>, vector<16xf32>,
        %sub3A_385 = arith.subf %gather3A, %get3A_384 : vector<16xf32>
        %add3A_386 = arith.constant 16384 : i32
        %add3A_387 = arith.addi %add3A_382, %add3A_386 : i32
        %get3A_388 = arith.index_cast %add3A_387 : i32 to index
        %get3A_389 = tpu.vector_load %arg6[%get3A_388] {strides = array<i32>} : memref<49152xf32, #tpu.memory_space<vmem>>, vector<16xf32>,
        %sub3A_390 = arith.subf %gather3A_101, %get3A_389 : vector<16xf32>
        %add3A_391 = arith.constant 32768 : i32
        %add3A_392 = arith.addi %add3A_382, %add3A_391 : i32
        %get3A_393 = arith.index_cast %add3A_392 : i32 to index
        %get3A_394 = tpu.vector_load %arg6[%get3A_393] {strides = array<i32>} : memref<49152xf32, #tpu.memory_space<vmem>>, vector<16xf32>,
        %sub3A_395 = arith.subf %gather3A_105, %get3A_394 : vector<16xf32>
        %mul3A_396 = arith.mulf %sub3A_385, %sub3A_385 : vector<16xf32>
        %mul3A_397 = arith.mulf %sub3A_390, %sub3A_390 : vector<16xf32>
        %add3A_398 = arith.addf %mul3A_396, %mul3A_397 : vector<16xf32>
        %mul3A_399 = arith.mulf %sub3A_395, %sub3A_395 : vector<16xf32>
        %add3A_400 = arith.addf %add3A_398, %mul3A_399 : vector<16xf32>
        %add3A_401 = arith.constant 128 : i32
        %add3A_402 = arith.addi %multiple_of3A_240, %add3A_401 : i32
        %get3A_403 = arith.index_cast %add3A_402 : i32 to index
        %get3A_404 = tpu.vector_load %arg6[%get3A_403] {strides = array<i32>} : memref<49152xf32, #tpu.memory_space<vmem>>, vector<16xf32>,
        %sub3A_405 = arith.subf %gather3A, %get3A_404 : vector<16xf32>
        %add3A_406 = arith.constant 16384 : i32
        %add3A_407 = arith.addi %add3A_402, %add3A_406 : i32
        %get3A_408 = arith.index_cast %add3A_407 : i32 to index
        %get3A_409 = tpu.vector_load %arg6[%get3A_408] {strides = array<i32>} : memref<49152xf32, #tpu.memory_space<vmem>>, vector<16xf32>,
        %sub3A_410 = arith.subf %gather3A_101, %get3A_409 : vector<16xf32>
        %add3A_411 = arith.constant 32768 : i32
        %add3A_412 = arith.addi %add3A_402, %add3A_411 : i32
        %get3A_413 = arith.index_cast %add3A_412 : i32 to index
        %get3A_414 = tpu.vector_load %arg6[%get3A_413] {strides = array<i32>} : memref<49152xf32, #tpu.memory_space<vmem>>, vector<16xf32>,
        %sub3A_415 = arith.subf %gather3A_105, %get3A_414 : vector<16xf32>
        %mul3A_416 = arith.mulf %sub3A_405, %sub3A_405 : vector<16xf32>
        %mul3A_417 = arith.mulf %sub3A_410, %sub3A_410 : vector<16xf32>
        %add3A_418 = arith.addf %mul3A_416, %mul3A_417 : vector<16xf32>
        %mul3A_419 = arith.mulf %sub3A_415, %sub3A_415 : vector<16xf32>
        %add3A_420 = arith.addf %add3A_418, %mul3A_419 : vector<16xf32>
        %add3A_421 = arith.constant 144 : i32
        %add3A_422 = arith.addi %multiple_of3A_240, %add3A_421 : i32
        %get3A_423 = arith.index_cast %add3A_422 : i32 to index
        %get3A_424 = tpu.vector_load %arg6[%get3A_423] {strides = array<i32>} : memref<49152xf32, #tpu.memory_space<vmem>>, vector<16xf32>,
        %sub3A_425 = arith.subf %gather3A, %get3A_424 : vector<16xf32>
        %add3A_426 = arith.constant 16384 : i32
        %add3A_427 = arith.addi %add3A_422, %add3A_426 : i32
        %get3A_428 = arith.index_cast %add3A_427 : i32 to index
        %get3A_429 = tpu.vector_load %arg6[%get3A_428] {strides = array<i32>} : memref<49152xf32, #tpu.memory_space<vmem>>, vector<16xf32>,
        %sub3A_430 = arith.subf %gather3A_101, %get3A_429 : vector<16xf32>
        %add3A_431 = arith.constant 32768 : i32
        %add3A_432 = arith.addi %add3A_422, %add3A_431 : i32
        %get3A_433 = arith.index_cast %add3A_432 : i32 to index
        %get3A_434 = tpu.vector_load %arg6[%get3A_433] {strides = array<i32>} : memref<49152xf32, #tpu.memory_space<vmem>>, vector<16xf32>,
        %sub3A_435 = arith.subf %gather3A_105, %get3A_434 : vector<16xf32>
        %mul3A_436 = arith.mulf %sub3A_425, %sub3A_425 : vector<16xf32>
        %mul3A_437 = arith.mulf %sub3A_430, %sub3A_430 : vector<16xf32>
        %add3A_438 = arith.addf %mul3A_436, %mul3A_437 : vector<16xf32>
        %mul3A_439 = arith.mulf %sub3A_435, %sub3A_435 : vector<16xf32>
        %add3A_440 = arith.addf %add3A_438, %mul3A_439 : vector<16xf32>
        %add3A_441 = arith.constant 160 : i32
        %add3A_442 = arith.addi %multiple_of3A_240, %add3A_441 : i32
        %get3A_443 = arith.index_cast %add3A_442 : i32 to index
        %get3A_444 = tpu.vector_load %arg6[%get3A_443] {strides = array<i32>} : memref<49152xf32, #tpu.memory_space<vmem>>, vector<16xf32>,
        %sub3A_445 = arith.subf %gather3A, %get3A_444 : vector<16xf32>
        %add3A_446 = arith.constant 16384 : i32
        %add3A_447 = arith.addi %add3A_442, %add3A_446 : i32
        %get3A_448 = arith.index_cast %add3A_447 : i32 to index
        %get3A_449 = tpu.vector_load %arg6[%get3A_448] {strides = array<i32>} : memref<49152xf32, #tpu.memory_space<vmem>>, vector<16xf32>,
        %sub3A_450 = arith.subf %gather3A_101, %get3A_449 : vector<16xf32>
        %add3A_451 = arith.constant 32768 : i32
        %add3A_452 = arith.addi %add3A_442, %add3A_451 : i32
        %get3A_453 = arith.index_cast %add3A_452 : i32 to index
        %get3A_454 = tpu.vector_load %arg6[%get3A_453] {strides = array<i32>} : memref<49152xf32, #tpu.memory_space<vmem>>, vector<16xf32>,
        %sub3A_455 = arith.subf %gather3A_105, %get3A_454 : vector<16xf32>
        %mul3A_456 = arith.mulf %sub3A_445, %sub3A_445 : vector<16xf32>
        %mul3A_457 = arith.mulf %sub3A_450, %sub3A_450 : vector<16xf32>
        %add3A_458 = arith.addf %mul3A_456, %mul3A_457 : vector<16xf32>
        %mul3A_459 = arith.mulf %sub3A_455, %sub3A_455 : vector<16xf32>
        %add3A_460 = arith.addf %add3A_458, %mul3A_459 : vector<16xf32>
        %add3A_461 = arith.constant 176 : i32
        %add3A_462 = arith.addi %multiple_of3A_240, %add3A_461 : i32
        %get3A_463 = arith.index_cast %add3A_462 : i32 to index
        %get3A_464 = tpu.vector_load %arg6[%get3A_463] {strides = array<i32>} : memref<49152xf32, #tpu.memory_space<vmem>>, vector<16xf32>,
        %sub3A_465 = arith.subf %gather3A, %get3A_464 : vector<16xf32>
        %add3A_466 = arith.constant 16384 : i32
        %add3A_467 = arith.addi %add3A_462, %add3A_466 : i32
        %get3A_468 = arith.index_cast %add3A_467 : i32 to index
        %get3A_469 = tpu.vector_load %arg6[%get3A_468] {strides = array<i32>} : memref<49152xf32, #tpu.memory_space<vmem>>, vector<16xf32>,
        %sub3A_470 = arith.subf %gather3A_101, %get3A_469 : vector<16xf32>
        %add3A_471 = arith.constant 32768 : i32
        %add3A_472 = arith.addi %add3A_462, %add3A_471 : i32
        %get3A_473 = arith.index_cast %add3A_472 : i32 to index
        %get3A_474 = tpu.vector_load %arg6[%get3A_473] {strides = array<i32>} : memref<49152xf32, #tpu.memory_space<vmem>>, vector<16xf32>,
        %sub3A_475 = arith.subf %gather3A_105, %get3A_474 : vector<16xf32>
        %mul3A_476 = arith.mulf %sub3A_465, %sub3A_465 : vector<16xf32>
        %mul3A_477 = arith.mulf %sub3A_470, %sub3A_470 : vector<16xf32>
        %add3A_478 = arith.addf %mul3A_476, %mul3A_477 : vector<16xf32>
        %mul3A_479 = arith.mulf %sub3A_475, %sub3A_475 : vector<16xf32>
        %add3A_480 = arith.addf %add3A_478, %mul3A_479 : vector<16xf32>
        %add3A_481 = arith.constant 192 : i32
        %add3A_482 = arith.addi %multiple_of3A_240, %add3A_481 : i32
        %get3A_483 = arith.index_cast %add3A_482 : i32 to index
        %get3A_484 = tpu.vector_load %arg6[%get3A_483] {strides = array<i32>} : memref<49152xf32, #tpu.memory_space<vmem>>, vector<16xf32>,
        %sub3A_485 = arith.subf %gather3A, %get3A_484 : vector<16xf32>
        %add3A_486 = arith.constant 16384 : i32
        %add3A_487 = arith.addi %add3A_482, %add3A_486 : i32
        %get3A_488 = arith.index_cast %add3A_487 : i32 to index
        %get3A_489 = tpu.vector_load %arg6[%get3A_488] {strides = array<i32>} : memref<49152xf32, #tpu.memory_space<vmem>>, vector<16xf32>,
        %sub3A_490 = arith.subf %gather3A_101, %get3A_489 : vector<16xf32>
        %add3A_491 = arith.constant 32768 : i32
        %add3A_492 = arith.addi %add3A_482, %add3A_491 : i32
        %get3A_493 = arith.index_cast %add3A_492 : i32 to index
        %get3A_494 = tpu.vector_load %arg6[%get3A_493] {strides = array<i32>} : memref<49152xf32, #tpu.memory_space<vmem>>, vector<16xf32>,
        %sub3A_495 = arith.subf %gather3A_105, %get3A_494 : vector<16xf32>
        %mul3A_496 = arith.mulf %sub3A_485, %sub3A_485 : vector<16xf32>
        %mul3A_497 = arith.mulf %sub3A_490, %sub3A_490 : vector<16xf32>
        %add3A_498 = arith.addf %mul3A_496, %mul3A_497 : vector<16xf32>
        %mul3A_499 = arith.mulf %sub3A_495, %sub3A_495 : vector<16xf32>
        %add3A_500 = arith.addf %add3A_498, %mul3A_499 : vector<16xf32>
        %add3A_501 = arith.constant 208 : i32
        %add3A_502 = arith.addi %multiple_of3A_240, %add3A_501 : i32
        %get3A_503 = arith.index_cast %add3A_502 : i32 to index
        %get3A_504 = tpu.vector_load %arg6[%get3A_503] {strides = array<i32>} : memref<49152xf32, #tpu.memory_space<vmem>>, vector<16xf32>,
        %sub3A_505 = arith.subf %gather3A, %get3A_504 : vector<16xf32>
        %add3A_506 = arith.constant 16384 : i32
        %add3A_507 = arith.addi %add3A_502, %add3A_506 : i32
        %get3A_508 = arith.index_cast %add3A_507 : i32 to index
        %get3A_509 = tpu.vector_load %arg6[%get3A_508] {strides = array<i32>} : memref<49152xf32, #tpu.memory_space<vmem>>, vector<16xf32>,
        %sub3A_510 = arith.subf %gather3A_101, %get3A_509 : vector<16xf32>
        %add3A_511 = arith.constant 32768 : i32
        %add3A_512 = arith.addi %add3A_502, %add3A_511 : i32
        %get3A_513 = arith.index_cast %add3A_512 : i32 to index
        %get3A_514 = tpu.vector_load %arg6[%get3A_513] {strides = array<i32>} : memref<49152xf32, #tpu.memory_space<vmem>>, vector<16xf32>,
        %sub3A_515 = arith.subf %gather3A_105, %get3A_514 : vector<16xf32>
        %mul3A_516 = arith.mulf %sub3A_505, %sub3A_505 : vector<16xf32>
        %mul3A_517 = arith.mulf %sub3A_510, %sub3A_510 : vector<16xf32>
        %add3A_518 = arith.addf %mul3A_516, %mul3A_517 : vector<16xf32>
        %mul3A_519 = arith.mulf %sub3A_515, %sub3A_515 : vector<16xf32>
        %add3A_520 = arith.addf %add3A_518, %mul3A_519 : vector<16xf32>
        %add3A_521 = arith.constant 224 : i32
        %add3A_522 = arith.addi %multiple_of3A_240, %add3A_521 : i32
        %get3A_523 = arith.index_cast %add3A_522 : i32 to index
        %get3A_524 = tpu.vector_load %arg6[%get3A_523] {strides = array<i32>} : memref<49152xf32, #tpu.memory_space<vmem>>, vector<16xf32>,
        %sub3A_525 = arith.subf %gather3A, %get3A_524 : vector<16xf32>
        %add3A_526 = arith.constant 16384 : i32
        %add3A_527 = arith.addi %add3A_522, %add3A_526 : i32
        %get3A_528 = arith.index_cast %add3A_527 : i32 to index
        %get3A_529 = tpu.vector_load %arg6[%get3A_528] {strides = array<i32>} : memref<49152xf32, #tpu.memory_space<vmem>>, vector<16xf32>,
        %sub3A_530 = arith.subf %gather3A_101, %get3A_529 : vector<16xf32>
        %add3A_531 = arith.constant 32768 : i32
        %add3A_532 = arith.addi %add3A_522, %add3A_531 : i32
        %get3A_533 = arith.index_cast %add3A_532 : i32 to index
        %get3A_534 = tpu.vector_load %arg6[%get3A_533] {strides = array<i32>} : memref<49152xf32, #tpu.memory_space<vmem>>, vector<16xf32>,
        %sub3A_535 = arith.subf %gather3A_105, %get3A_534 : vector<16xf32>
        %mul3A_536 = arith.mulf %sub3A_525, %sub3A_525 : vector<16xf32>
        %mul3A_537 = arith.mulf %sub3A_530, %sub3A_530 : vector<16xf32>
        %add3A_538 = arith.addf %mul3A_536, %mul3A_537 : vector<16xf32>
        %mul3A_539 = arith.mulf %sub3A_535, %sub3A_535 : vector<16xf32>
        %add3A_540 = arith.addf %add3A_538, %mul3A_539 : vector<16xf32>
        %add3A_541 = arith.constant 240 : i32
        %add3A_542 = arith.addi %multiple_of3A_240, %add3A_541 : i32
        %get3A_543 = arith.index_cast %add3A_542 : i32 to index
        %get3A_544 = tpu.vector_load %arg6[%get3A_543] {strides = array<i32>} : memref<49152xf32, #tpu.memory_space<vmem>>, vector<16xf32>,
        %sub3A_545 = arith.subf %gather3A, %get3A_544 : vector<16xf32>
        %add3A_546 = arith.constant 16384 : i32
        %add3A_547 = arith.addi %add3A_542, %add3A_546 : i32
        %get3A_548 = arith.index_cast %add3A_547 : i32 to index
        %get3A_549 = tpu.vector_load %arg6[%get3A_548] {strides = array<i32>} : memref<49152xf32, #tpu.memory_space<vmem>>, vector<16xf32>,
        %sub3A_550 = arith.subf %gather3A_101, %get3A_549 : vector<16xf32>
        %add3A_551 = arith.constant 32768 : i32
        %add3A_552 = arith.addi %add3A_542, %add3A_551 : i32
        %get3A_553 = arith.index_cast %add3A_552 : i32 to index
        %get3A_554 = tpu.vector_load %arg6[%get3A_553] {strides = array<i32>} : memref<49152xf32, #tpu.memory_space<vmem>>, vector<16xf32>,
        %sub3A_555 = arith.subf %gather3A_105, %get3A_554 : vector<16xf32>
        %mul3A_556 = arith.mulf %sub3A_545, %sub3A_545 : vector<16xf32>
        %mul3A_557 = arith.mulf %sub3A_550, %sub3A_550 : vector<16xf32>
        %add3A_558 = arith.addf %mul3A_556, %mul3A_557 : vector<16xf32>
        %mul3A_559 = arith.mulf %sub3A_555, %sub3A_555 : vector<16xf32>
        %add3A_560 = arith.addf %add3A_558, %mul3A_559 : vector<16xf32>
        %min3A = arith.minimumf %add3A_260, %add3A_280 : vector<16xf32>
        %min3A_561 = arith.minimumf %min3A, %add3A_300 : vector<16xf32>
        %min3A_562 = arith.minimumf %min3A_561, %add3A_320 : vector<16xf32>
        %min3A_563 = arith.minimumf %min3A_562, %add3A_340 : vector<16xf32>
        %min3A_564 = arith.minimumf %min3A_563, %add3A_360 : vector<16xf32>
        %min3A_565 = arith.minimumf %min3A_564, %add3A_380 : vector<16xf32>
        %min3A_566 = arith.minimumf %min3A_565, %add3A_400 : vector<16xf32>
        %min3A_567 = arith.minimumf %min3A_566, %add3A_420 : vector<16xf32>
        %min3A_568 = arith.minimumf %min3A_567, %add3A_440 : vector<16xf32>
        %min3A_569 = arith.minimumf %min3A_568, %add3A_460 : vector<16xf32>
        %min3A_570 = arith.minimumf %min3A_569, %add3A_480 : vector<16xf32>
        %min3A_571 = arith.minimumf %min3A_570, %add3A_500 : vector<16xf32>
        %min3A_572 = arith.minimumf %min3A_571, %add3A_520 : vector<16xf32>
        %min3A_573 = arith.minimumf %min3A_572, %add3A_540 : vector<16xf32>
        %min3A_574 = arith.minimumf %min3A_573, %add3A_560 : vector<16xf32>
        %lt3A_575 = arith.constant 0.00999999977 : f32
        %lt3A_576 = vector.broadcast %lt3A_575 : f32 to vector<16xf32>
        %lt3A_577 = arith.cmpf olt, %min3A_574, %lt3A_576 : vector<16xf32>
        %all_reduce_population_count3A = tpu.all_reduce %lt3A_577 {dim = 0 : i64, kind = #tpu.reduction_kind<sum>} : vector<16xi1> -> vector<16xi32>
        %slice3A_578 = vector.extract_strided_slice %all_reduce_population_count3A {offsets = [0], sizes = [1], strides = [1]} : vector<16xi32> to vector<1xi32>
        %squeeze3A_579 = vector.extract %slice3A_578[0] : i32 from vector<1xi32>
        %gt3A_580 = arith.constant 0 : i32
        %gt3A_581 = arith.cmpi sgt, %squeeze3A_579, %gt3A_580 : i32
        %convert_element_type3A = arith.extui %gt3A_581 : i1 to i32
        %cond3A = arith.constant 0 : i32
        %cond3A_582 = arith.cmpi ne, %convert_element_type3A, %cond3A : i32
        %cond3A_583 = scf.if %cond3A_582 -> (i32) {
          %broadcast_in_dim3A_586 = vector.broadcast %while3A_237 : i32 to vector<16xi32>
          %lt3A_587 = arith.constant 0.00999999977 : f32
          %lt3A_588 = vector.broadcast %lt3A_587 : f32 to vector<16xf32>
          %lt3A_589 = arith.cmpf olt, %add3A_260, %lt3A_588 : vector<16xf32>
          %convert_element_type3A_590 = arith.extui %lt3A_589 : vector<16xi1> to vector<16xi32>
          %broadcast_in_dim3A_591 = arith.constant true
          %broadcast_in_dim3A_592 = vector.broadcast %broadcast_in_dim3A_591 : i1 to vector<16xi1>
          %masked_cumsum3A = tpu.scan <sum>, %convert_element_type3A_590 masked %broadcast_in_dim3A_592 : vector<16xi32>, vector<16xi1> -> vector<16xi32>
          %add3A_593 = arith.addi %broadcast_in_dim3A_586, %masked_cumsum3A : vector<16xi32>
          %sub3A_594 = arith.constant 1 : i32
          %sub3A_595 = vector.broadcast %sub3A_594 : i32 to vector<16xi32>
          %sub3A_596 = arith.subi %add3A_593, %sub3A_595 : vector<16xi32>
          %add3A_597 = vector.broadcast %multiple_of3A : i32 to vector<16xi32>
          %add3A_598 = arith.addi %add3A_597, %sub3A_596 : vector<16xi32>
          %add3A_599 = arith.constant 0 : i32
          %add3A_600 = arith.addi %multiple_of3A_240, %add3A_599 : i32
          %add3A_601 = vector.broadcast %add3A_600 : i32 to vector<16xi32>
          %add3A_602 = arith.addi %add3A_601, %iota3A : vector<16xi32>
          %lt3A_603 = arith.constant 32 : i32
          %lt3A_604 = vector.broadcast %lt3A_603 : i32 to vector<16xi32>
          %lt3A_605 = arith.cmpi slt, %sub3A_596, %lt3A_604 : vector<16xi32>
          %and3A_606 = arith.andi %lt3A_589, %lt3A_605 : vector<16xi1>
          tpu.vector_store_idx %arg8[%add3A_598], %add3A_602 masked %and3A_606 : memref<4096xi32, #tpu.memory_space<vmem>>[vector<16xi32>], vector<16xi32>, vector<16xi1>
          %all_reduce_population_count3A_607 = tpu.all_reduce %lt3A_589 {dim = 0 : i64, kind = #tpu.reduction_kind<sum>} : vector<16xi1> -> vector<16xi32>
          %add3A_608 = arith.addi %broadcast_in_dim3A_586, %all_reduce_population_count3A_607 : vector<16xi32>
          %lt3A_609 = arith.constant 0.00999999977 : f32
          %lt3A_610 = vector.broadcast %lt3A_609 : f32 to vector<16xf32>
          %lt3A_611 = arith.cmpf olt, %add3A_280, %lt3A_610 : vector<16xf32>
          %convert_element_type3A_612 = arith.extui %lt3A_611 : vector<16xi1> to vector<16xi32>
          %broadcast_in_dim3A_613 = arith.constant true
          %broadcast_in_dim3A_614 = vector.broadcast %broadcast_in_dim3A_613 : i1 to vector<16xi1>
          %masked_cumsum3A_615 = tpu.scan <sum>, %convert_element_type3A_612 masked %broadcast_in_dim3A_614 : vector<16xi32>, vector<16xi1> -> vector<16xi32>
          %add3A_616 = arith.addi %add3A_608, %masked_cumsum3A_615 : vector<16xi32>
          %sub3A_617 = arith.constant 1 : i32
          %sub3A_618 = vector.broadcast %sub3A_617 : i32 to vector<16xi32>
          %sub3A_619 = arith.subi %add3A_616, %sub3A_618 : vector<16xi32>
          %add3A_620 = vector.broadcast %multiple_of3A : i32 to vector<16xi32>
          %add3A_621 = arith.addi %add3A_620, %sub3A_619 : vector<16xi32>
          %add3A_622 = arith.constant 16 : i32
          %add3A_623 = arith.addi %multiple_of3A_240, %add3A_622 : i32
          %add3A_624 = vector.broadcast %add3A_623 : i32 to vector<16xi32>
          %add3A_625 = arith.addi %add3A_624, %iota3A : vector<16xi32>
          %lt3A_626 = arith.constant 32 : i32
          %lt3A_627 = vector.broadcast %lt3A_626 : i32 to vector<16xi32>
          %lt3A_628 = arith.cmpi slt, %sub3A_619, %lt3A_627 : vector<16xi32>
          %and3A_629 = arith.andi %lt3A_611, %lt3A_628 : vector<16xi1>
          tpu.vector_store_idx %arg8[%add3A_621], %add3A_625 masked %and3A_629 : memref<4096xi32, #tpu.memory_space<vmem>>[vector<16xi32>], vector<16xi32>, vector<16xi1>
          %all_reduce_population_count3A_630 = tpu.all_reduce %lt3A_611 {dim = 0 : i64, kind = #tpu.reduction_kind<sum>} : vector<16xi1> -> vector<16xi32>
          %add3A_631 = arith.addi %add3A_608, %all_reduce_population_count3A_630 : vector<16xi32>
          %lt3A_632 = arith.constant 0.00999999977 : f32
          %lt3A_633 = vector.broadcast %lt3A_632 : f32 to vector<16xf32>
          %lt3A_634 = arith.cmpf olt, %add3A_300, %lt3A_633 : vector<16xf32>
          %convert_element_type3A_635 = arith.extui %lt3A_634 : vector<16xi1> to vector<16xi32>
          %broadcast_in_dim3A_636 = arith.constant true
          %broadcast_in_dim3A_637 = vector.broadcast %broadcast_in_dim3A_636 : i1 to vector<16xi1>
          %masked_cumsum3A_638 = tpu.scan <sum>, %convert_element_type3A_635 masked %broadcast_in_dim3A_637 : vector<16xi32>, vector<16xi1> -> vector<16xi32>
          %add3A_639 = arith.addi %add3A_631, %masked_cumsum3A_638 : vector<16xi32>
          %sub3A_640 = arith.constant 1 : i32
          %sub3A_641 = vector.broadcast %sub3A_640 : i32 to vector<16xi32>
          %sub3A_642 = arith.subi %add3A_639, %sub3A_641 : vector<16xi32>
          %add3A_643 = vector.broadcast %multiple_of3A : i32 to vector<16xi32>
          %add3A_644 = arith.addi %add3A_643, %sub3A_642 : vector<16xi32>
          %add3A_645 = arith.constant 32 : i32
          %add3A_646 = arith.addi %multiple_of3A_240, %add3A_645 : i32
          %add3A_647 = vector.broadcast %add3A_646 : i32 to vector<16xi32>
          %add3A_648 = arith.addi %add3A_647, %iota3A : vector<16xi32>
          %lt3A_649 = arith.constant 32 : i32
          %lt3A_650 = vector.broadcast %lt3A_649 : i32 to vector<16xi32>
          %lt3A_651 = arith.cmpi slt, %sub3A_642, %lt3A_650 : vector<16xi32>
          %and3A_652 = arith.andi %lt3A_634, %lt3A_651 : vector<16xi1>
          tpu.vector_store_idx %arg8[%add3A_644], %add3A_648 masked %and3A_652 : memref<4096xi32, #tpu.memory_space<vmem>>[vector<16xi32>], vector<16xi32>, vector<16xi1>
          %all_reduce_population_count3A_653 = tpu.all_reduce %lt3A_634 {dim = 0 : i64, kind = #tpu.reduction_kind<sum>} : vector<16xi1> -> vector<16xi32>
          %add3A_654 = arith.addi %add3A_631, %all_reduce_population_count3A_653 : vector<16xi32>
          %lt3A_655 = arith.constant 0.00999999977 : f32
          %lt3A_656 = vector.broadcast %lt3A_655 : f32 to vector<16xf32>
          %lt3A_657 = arith.cmpf olt, %add3A_320, %lt3A_656 : vector<16xf32>
          %convert_element_type3A_658 = arith.extui %lt3A_657 : vector<16xi1> to vector<16xi32>
          %broadcast_in_dim3A_659 = arith.constant true
          %broadcast_in_dim3A_660 = vector.broadcast %broadcast_in_dim3A_659 : i1 to vector<16xi1>
          %masked_cumsum3A_661 = tpu.scan <sum>, %convert_element_type3A_658 masked %broadcast_in_dim3A_660 : vector<16xi32>, vector<16xi1> -> vector<16xi32>
          %add3A_662 = arith.addi %add3A_654, %masked_cumsum3A_661 : vector<16xi32>
          %sub3A_663 = arith.constant 1 : i32
          %sub3A_664 = vector.broadcast %sub3A_663 : i32 to vector<16xi32>
          %sub3A_665 = arith.subi %add3A_662, %sub3A_664 : vector<16xi32>
          %add3A_666 = vector.broadcast %multiple_of3A : i32 to vector<16xi32>
          %add3A_667 = arith.addi %add3A_666, %sub3A_665 : vector<16xi32>
          %add3A_668 = arith.constant 48 : i32
          %add3A_669 = arith.addi %multiple_of3A_240, %add3A_668 : i32
          %add3A_670 = vector.broadcast %add3A_669 : i32 to vector<16xi32>
          %add3A_671 = arith.addi %add3A_670, %iota3A : vector<16xi32>
          %lt3A_672 = arith.constant 32 : i32
          %lt3A_673 = vector.broadcast %lt3A_672 : i32 to vector<16xi32>
          %lt3A_674 = arith.cmpi slt, %sub3A_665, %lt3A_673 : vector<16xi32>
          %and3A_675 = arith.andi %lt3A_657, %lt3A_674 : vector<16xi1>
          tpu.vector_store_idx %arg8[%add3A_667], %add3A_671 masked %and3A_675 : memref<4096xi32, #tpu.memory_space<vmem>>[vector<16xi32>], vector<16xi32>, vector<16xi1>
          %all_reduce_population_count3A_676 = tpu.all_reduce %lt3A_657 {dim = 0 : i64, kind = #tpu.reduction_kind<sum>} : vector<16xi1> -> vector<16xi32>
          %add3A_677 = arith.addi %add3A_654, %all_reduce_population_count3A_676 : vector<16xi32>
          %lt3A_678 = arith.constant 0.00999999977 : f32
          %lt3A_679 = vector.broadcast %lt3A_678 : f32 to vector<16xf32>
          %lt3A_680 = arith.cmpf olt, %add3A_340, %lt3A_679 : vector<16xf32>
          %convert_element_type3A_681 = arith.extui %lt3A_680 : vector<16xi1> to vector<16xi32>
          %broadcast_in_dim3A_682 = arith.constant true
          %broadcast_in_dim3A_683 = vector.broadcast %broadcast_in_dim3A_682 : i1 to vector<16xi1>
          %masked_cumsum3A_684 = tpu.scan <sum>, %convert_element_type3A_681 masked %broadcast_in_dim3A_683 : vector<16xi32>, vector<16xi1> -> vector<16xi32>
          %add3A_685 = arith.addi %add3A_677, %masked_cumsum3A_684 : vector<16xi32>
          %sub3A_686 = arith.constant 1 : i32
          %sub3A_687 = vector.broadcast %sub3A_686 : i32 to vector<16xi32>
          %sub3A_688 = arith.subi %add3A_685, %sub3A_687 : vector<16xi32>
          %add3A_689 = vector.broadcast %multiple_of3A : i32 to vector<16xi32>
          %add3A_690 = arith.addi %add3A_689, %sub3A_688 : vector<16xi32>
          %add3A_691 = arith.constant 64 : i32
          %add3A_692 = arith.addi %multiple_of3A_240, %add3A_691 : i32
          %add3A_693 = vector.broadcast %add3A_692 : i32 to vector<16xi32>
          %add3A_694 = arith.addi %add3A_693, %iota3A : vector<16xi32>
          %lt3A_695 = arith.constant 32 : i32
          %lt3A_696 = vector.broadcast %lt3A_695 : i32 to vector<16xi32>
          %lt3A_697 = arith.cmpi slt, %sub3A_688, %lt3A_696 : vector<16xi32>
          %and3A_698 = arith.andi %lt3A_680, %lt3A_697 : vector<16xi1>
          tpu.vector_store_idx %arg8[%add3A_690], %add3A_694 masked %and3A_698 : memref<4096xi32, #tpu.memory_space<vmem>>[vector<16xi32>], vector<16xi32>, vector<16xi1>
          %all_reduce_population_count3A_699 = tpu.all_reduce %lt3A_680 {dim = 0 : i64, kind = #tpu.reduction_kind<sum>} : vector<16xi1> -> vector<16xi32>
          %add3A_700 = arith.addi %add3A_677, %all_reduce_population_count3A_699 : vector<16xi32>
          %lt3A_701 = arith.constant 0.00999999977 : f32
          %lt3A_702 = vector.broadcast %lt3A_701 : f32 to vector<16xf32>
          %lt3A_703 = arith.cmpf olt, %add3A_360, %lt3A_702 : vector<16xf32>
          %convert_element_type3A_704 = arith.extui %lt3A_703 : vector<16xi1> to vector<16xi32>
          %broadcast_in_dim3A_705 = arith.constant true
          %broadcast_in_dim3A_706 = vector.broadcast %broadcast_in_dim3A_705 : i1 to vector<16xi1>
          %masked_cumsum3A_707 = tpu.scan <sum>, %convert_element_type3A_704 masked %broadcast_in_dim3A_706 : vector<16xi32>, vector<16xi1> -> vector<16xi32>
          %add3A_708 = arith.addi %add3A_700, %masked_cumsum3A_707 : vector<16xi32>
          %sub3A_709 = arith.constant 1 : i32
          %sub3A_710 = vector.broadcast %sub3A_709 : i32 to vector<16xi32>
          %sub3A_711 = arith.subi %add3A_708, %sub3A_710 : vector<16xi32>
          %add3A_712 = vector.broadcast %multiple_of3A : i32 to vector<16xi32>
          %add3A_713 = arith.addi %add3A_712, %sub3A_711 : vector<16xi32>
          %add3A_714 = arith.constant 80 : i32
          %add3A_715 = arith.addi %multiple_of3A_240, %add3A_714 : i32
          %add3A_716 = vector.broadcast %add3A_715 : i32 to vector<16xi32>
          %add3A_717 = arith.addi %add3A_716, %iota3A : vector<16xi32>
          %lt3A_718 = arith.constant 32 : i32
          %lt3A_719 = vector.broadcast %lt3A_718 : i32 to vector<16xi32>
          %lt3A_720 = arith.cmpi slt, %sub3A_711, %lt3A_719 : vector<16xi32>
          %and3A_721 = arith.andi %lt3A_703, %lt3A_720 : vector<16xi1>
          tpu.vector_store_idx %arg8[%add3A_713], %add3A_717 masked %and3A_721 : memref<4096xi32, #tpu.memory_space<vmem>>[vector<16xi32>], vector<16xi32>, vector<16xi1>
          %all_reduce_population_count3A_722 = tpu.all_reduce %lt3A_703 {dim = 0 : i64, kind = #tpu.reduction_kind<sum>} : vector<16xi1> -> vector<16xi32>
          %add3A_723 = arith.addi %add3A_700, %all_reduce_population_count3A_722 : vector<16xi32>
          %lt3A_724 = arith.constant 0.00999999977 : f32
          %lt3A_725 = vector.broadcast %lt3A_724 : f32 to vector<16xf32>
          %lt3A_726 = arith.cmpf olt, %add3A_380, %lt3A_725 : vector<16xf32>
          %convert_element_type3A_727 = arith.extui %lt3A_726 : vector<16xi1> to vector<16xi32>
          %broadcast_in_dim3A_728 = arith.constant true
          %broadcast_in_dim3A_729 = vector.broadcast %broadcast_in_dim3A_728 : i1 to vector<16xi1>
          %masked_cumsum3A_730 = tpu.scan <sum>, %convert_element_type3A_727 masked %broadcast_in_dim3A_729 : vector<16xi32>, vector<16xi1> -> vector<16xi32>
          %add3A_731 = arith.addi %add3A_723, %masked_cumsum3A_730 : vector<16xi32>
          %sub3A_732 = arith.constant 1 : i32
          %sub3A_733 = vector.broadcast %sub3A_732 : i32 to vector<16xi32>
          %sub3A_734 = arith.subi %add3A_731, %sub3A_733 : vector<16xi32>
          %add3A_735 = vector.broadcast %multiple_of3A : i32 to vector<16xi32>
          %add3A_736 = arith.addi %add3A_735, %sub3A_734 : vector<16xi32>
          %add3A_737 = arith.constant 96 : i32
          %add3A_738 = arith.addi %multiple_of3A_240, %add3A_737 : i32
          %add3A_739 = vector.broadcast %add3A_738 : i32 to vector<16xi32>
          %add3A_740 = arith.addi %add3A_739, %iota3A : vector<16xi32>
          %lt3A_741 = arith.constant 32 : i32
          %lt3A_742 = vector.broadcast %lt3A_741 : i32 to vector<16xi32>
          %lt3A_743 = arith.cmpi slt, %sub3A_734, %lt3A_742 : vector<16xi32>
          %and3A_744 = arith.andi %lt3A_726, %lt3A_743 : vector<16xi1>
          tpu.vector_store_idx %arg8[%add3A_736], %add3A_740 masked %and3A_744 : memref<4096xi32, #tpu.memory_space<vmem>>[vector<16xi32>], vector<16xi32>, vector<16xi1>
          %all_reduce_population_count3A_745 = tpu.all_reduce %lt3A_726 {dim = 0 : i64, kind = #tpu.reduction_kind<sum>} : vector<16xi1> -> vector<16xi32>
          %add3A_746 = arith.addi %add3A_723, %all_reduce_population_count3A_745 : vector<16xi32>
          %lt3A_747 = arith.constant 0.00999999977 : f32
          %lt3A_748 = vector.broadcast %lt3A_747 : f32 to vector<16xf32>
          %lt3A_749 = arith.cmpf olt, %add3A_400, %lt3A_748 : vector<16xf32>
          %convert_element_type3A_750 = arith.extui %lt3A_749 : vector<16xi1> to vector<16xi32>
          %broadcast_in_dim3A_751 = arith.constant true
          %broadcast_in_dim3A_752 = vector.broadcast %broadcast_in_dim3A_751 : i1 to vector<16xi1>
          %masked_cumsum3A_753 = tpu.scan <sum>, %convert_element_type3A_750 masked %broadcast_in_dim3A_752 : vector<16xi32>, vector<16xi1> -> vector<16xi32>
          %add3A_754 = arith.addi %add3A_746, %masked_cumsum3A_753 : vector<16xi32>
          %sub3A_755 = arith.constant 1 : i32
          %sub3A_756 = vector.broadcast %sub3A_755 : i32 to vector<16xi32>
          %sub3A_757 = arith.subi %add3A_754, %sub3A_756 : vector<16xi32>
          %add3A_758 = vector.broadcast %multiple_of3A : i32 to vector<16xi32>
          %add3A_759 = arith.addi %add3A_758, %sub3A_757 : vector<16xi32>
          %add3A_760 = arith.constant 112 : i32
          %add3A_761 = arith.addi %multiple_of3A_240, %add3A_760 : i32
          %add3A_762 = vector.broadcast %add3A_761 : i32 to vector<16xi32>
          %add3A_763 = arith.addi %add3A_762, %iota3A : vector<16xi32>
          %lt3A_764 = arith.constant 32 : i32
          %lt3A_765 = vector.broadcast %lt3A_764 : i32 to vector<16xi32>
          %lt3A_766 = arith.cmpi slt, %sub3A_757, %lt3A_765 : vector<16xi32>
          %and3A_767 = arith.andi %lt3A_749, %lt3A_766 : vector<16xi1>
          tpu.vector_store_idx %arg8[%add3A_759], %add3A_763 masked %and3A_767 : memref<4096xi32, #tpu.memory_space<vmem>>[vector<16xi32>], vector<16xi32>, vector<16xi1>
          %all_reduce_population_count3A_768 = tpu.all_reduce %lt3A_749 {dim = 0 : i64, kind = #tpu.reduction_kind<sum>} : vector<16xi1> -> vector<16xi32>
          %add3A_769 = arith.addi %add3A_746, %all_reduce_population_count3A_768 : vector<16xi32>
          %lt3A_770 = arith.constant 0.00999999977 : f32
          %lt3A_771 = vector.broadcast %lt3A_770 : f32 to vector<16xf32>
          %lt3A_772 = arith.cmpf olt, %add3A_420, %lt3A_771 : vector<16xf32>
          %convert_element_type3A_773 = arith.extui %lt3A_772 : vector<16xi1> to vector<16xi32>
          %broadcast_in_dim3A_774 = arith.constant true
          %broadcast_in_dim3A_775 = vector.broadcast %broadcast_in_dim3A_774 : i1 to vector<16xi1>
          %masked_cumsum3A_776 = tpu.scan <sum>, %convert_element_type3A_773 masked %broadcast_in_dim3A_775 : vector<16xi32>, vector<16xi1> -> vector<16xi32>
          %add3A_777 = arith.addi %add3A_769, %masked_cumsum3A_776 : vector<16xi32>
          %sub3A_778 = arith.constant 1 : i32
          %sub3A_779 = vector.broadcast %sub3A_778 : i32 to vector<16xi32>
          %sub3A_780 = arith.subi %add3A_777, %sub3A_779 : vector<16xi32>
          %add3A_781 = vector.broadcast %multiple_of3A : i32 to vector<16xi32>
          %add3A_782 = arith.addi %add3A_781, %sub3A_780 : vector<16xi32>
          %add3A_783 = arith.constant 128 : i32
          %add3A_784 = arith.addi %multiple_of3A_240, %add3A_783 : i32
          %add3A_785 = vector.broadcast %add3A_784 : i32 to vector<16xi32>
          %add3A_786 = arith.addi %add3A_785, %iota3A : vector<16xi32>
          %lt3A_787 = arith.constant 32 : i32
          %lt3A_788 = vector.broadcast %lt3A_787 : i32 to vector<16xi32>
          %lt3A_789 = arith.cmpi slt, %sub3A_780, %lt3A_788 : vector<16xi32>
          %and3A_790 = arith.andi %lt3A_772, %lt3A_789 : vector<16xi1>
          tpu.vector_store_idx %arg8[%add3A_782], %add3A_786 masked %and3A_790 : memref<4096xi32, #tpu.memory_space<vmem>>[vector<16xi32>], vector<16xi32>, vector<16xi1>
          %all_reduce_population_count3A_791 = tpu.all_reduce %lt3A_772 {dim = 0 : i64, kind = #tpu.reduction_kind<sum>} : vector<16xi1> -> vector<16xi32>
          %add3A_792 = arith.addi %add3A_769, %all_reduce_population_count3A_791 : vector<16xi32>
          %lt3A_793 = arith.constant 0.00999999977 : f32
          %lt3A_794 = vector.broadcast %lt3A_793 : f32 to vector<16xf32>
          %lt3A_795 = arith.cmpf olt, %add3A_440, %lt3A_794 : vector<16xf32>
          %convert_element_type3A_796 = arith.extui %lt3A_795 : vector<16xi1> to vector<16xi32>
          %broadcast_in_dim3A_797 = arith.constant true
          %broadcast_in_dim3A_798 = vector.broadcast %broadcast_in_dim3A_797 : i1 to vector<16xi1>
          %masked_cumsum3A_799 = tpu.scan <sum>, %convert_element_type3A_796 masked %broadcast_in_dim3A_798 : vector<16xi32>, vector<16xi1> -> vector<16xi32>
          %add3A_800 = arith.addi %add3A_792, %masked_cumsum3A_799 : vector<16xi32>
          %sub3A_801 = arith.constant 1 : i32
          %sub3A_802 = vector.broadcast %sub3A_801 : i32 to vector<16xi32>
          %sub3A_803 = arith.subi %add3A_800, %sub3A_802 : vector<16xi32>
          %add3A_804 = vector.broadcast %multiple_of3A : i32 to vector<16xi32>
          %add3A_805 = arith.addi %add3A_804, %sub3A_803 : vector<16xi32>
          %add3A_806 = arith.constant 144 : i32
          %add3A_807 = arith.addi %multiple_of3A_240, %add3A_806 : i32
          %add3A_808 = vector.broadcast %add3A_807 : i32 to vector<16xi32>
          %add3A_809 = arith.addi %add3A_808, %iota3A : vector<16xi32>
          %lt3A_810 = arith.constant 32 : i32
          %lt3A_811 = vector.broadcast %lt3A_810 : i32 to vector<16xi32>
          %lt3A_812 = arith.cmpi slt, %sub3A_803, %lt3A_811 : vector<16xi32>
          %and3A_813 = arith.andi %lt3A_795, %lt3A_812 : vector<16xi1>
          tpu.vector_store_idx %arg8[%add3A_805], %add3A_809 masked %and3A_813 : memref<4096xi32, #tpu.memory_space<vmem>>[vector<16xi32>], vector<16xi32>, vector<16xi1>
          %all_reduce_population_count3A_814 = tpu.all_reduce %lt3A_795 {dim = 0 : i64, kind = #tpu.reduction_kind<sum>} : vector<16xi1> -> vector<16xi32>
          %add3A_815 = arith.addi %add3A_792, %all_reduce_population_count3A_814 : vector<16xi32>
          %lt3A_816 = arith.constant 0.00999999977 : f32
          %lt3A_817 = vector.broadcast %lt3A_816 : f32 to vector<16xf32>
          %lt3A_818 = arith.cmpf olt, %add3A_460, %lt3A_817 : vector<16xf32>
          %convert_element_type3A_819 = arith.extui %lt3A_818 : vector<16xi1> to vector<16xi32>
          %broadcast_in_dim3A_820 = arith.constant true
          %broadcast_in_dim3A_821 = vector.broadcast %broadcast_in_dim3A_820 : i1 to vector<16xi1>
          %masked_cumsum3A_822 = tpu.scan <sum>, %convert_element_type3A_819 masked %broadcast_in_dim3A_821 : vector<16xi32>, vector<16xi1> -> vector<16xi32>
          %add3A_823 = arith.addi %add3A_815, %masked_cumsum3A_822 : vector<16xi32>
          %sub3A_824 = arith.constant 1 : i32
          %sub3A_825 = vector.broadcast %sub3A_824 : i32 to vector<16xi32>
          %sub3A_826 = arith.subi %add3A_823, %sub3A_825 : vector<16xi32>
          %add3A_827 = vector.broadcast %multiple_of3A : i32 to vector<16xi32>
          %add3A_828 = arith.addi %add3A_827, %sub3A_826 : vector<16xi32>
          %add3A_829 = arith.constant 160 : i32
          %add3A_830 = arith.addi %multiple_of3A_240, %add3A_829 : i32
          %add3A_831 = vector.broadcast %add3A_830 : i32 to vector<16xi32>
          %add3A_832 = arith.addi %add3A_831, %iota3A : vector<16xi32>
          %lt3A_833 = arith.constant 32 : i32
          %lt3A_834 = vector.broadcast %lt3A_833 : i32 to vector<16xi32>
          %lt3A_835 = arith.cmpi slt, %sub3A_826, %lt3A_834 : vector<16xi32>
          %and3A_836 = arith.andi %lt3A_818, %lt3A_835 : vector<16xi1>
          tpu.vector_store_idx %arg8[%add3A_828], %add3A_832 masked %and3A_836 : memref<4096xi32, #tpu.memory_space<vmem>>[vector<16xi32>], vector<16xi32>, vector<16xi1>
          %all_reduce_population_count3A_837 = tpu.all_reduce %lt3A_818 {dim = 0 : i64, kind = #tpu.reduction_kind<sum>} : vector<16xi1> -> vector<16xi32>
          %add3A_838 = arith.addi %add3A_815, %all_reduce_population_count3A_837 : vector<16xi32>
          %lt3A_839 = arith.constant 0.00999999977 : f32
          %lt3A_840 = vector.broadcast %lt3A_839 : f32 to vector<16xf32>
          %lt3A_841 = arith.cmpf olt, %add3A_480, %lt3A_840 : vector<16xf32>
          %convert_element_type3A_842 = arith.extui %lt3A_841 : vector<16xi1> to vector<16xi32>
          %broadcast_in_dim3A_843 = arith.constant true
          %broadcast_in_dim3A_844 = vector.broadcast %broadcast_in_dim3A_843 : i1 to vector<16xi1>
          %masked_cumsum3A_845 = tpu.scan <sum>, %convert_element_type3A_842 masked %broadcast_in_dim3A_844 : vector<16xi32>, vector<16xi1> -> vector<16xi32>
          %add3A_846 = arith.addi %add3A_838, %masked_cumsum3A_845 : vector<16xi32>
          %sub3A_847 = arith.constant 1 : i32
          %sub3A_848 = vector.broadcast %sub3A_847 : i32 to vector<16xi32>
          %sub3A_849 = arith.subi %add3A_846, %sub3A_848 : vector<16xi32>
          %add3A_850 = vector.broadcast %multiple_of3A : i32 to vector<16xi32>
          %add3A_851 = arith.addi %add3A_850, %sub3A_849 : vector<16xi32>
          %add3A_852 = arith.constant 176 : i32
          %add3A_853 = arith.addi %multiple_of3A_240, %add3A_852 : i32
          %add3A_854 = vector.broadcast %add3A_853 : i32 to vector<16xi32>
          %add3A_855 = arith.addi %add3A_854, %iota3A : vector<16xi32>
          %lt3A_856 = arith.constant 32 : i32
          %lt3A_857 = vector.broadcast %lt3A_856 : i32 to vector<16xi32>
          %lt3A_858 = arith.cmpi slt, %sub3A_849, %lt3A_857 : vector<16xi32>
          %and3A_859 = arith.andi %lt3A_841, %lt3A_858 : vector<16xi1>
          tpu.vector_store_idx %arg8[%add3A_851], %add3A_855 masked %and3A_859 : memref<4096xi32, #tpu.memory_space<vmem>>[vector<16xi32>], vector<16xi32>, vector<16xi1>
          %all_reduce_population_count3A_860 = tpu.all_reduce %lt3A_841 {dim = 0 : i64, kind = #tpu.reduction_kind<sum>} : vector<16xi1> -> vector<16xi32>
          %add3A_861 = arith.addi %add3A_838, %all_reduce_population_count3A_860 : vector<16xi32>
          %lt3A_862 = arith.constant 0.00999999977 : f32
          %lt3A_863 = vector.broadcast %lt3A_862 : f32 to vector<16xf32>
          %lt3A_864 = arith.cmpf olt, %add3A_500, %lt3A_863 : vector<16xf32>
          %convert_element_type3A_865 = arith.extui %lt3A_864 : vector<16xi1> to vector<16xi32>
          %broadcast_in_dim3A_866 = arith.constant true
          %broadcast_in_dim3A_867 = vector.broadcast %broadcast_in_dim3A_866 : i1 to vector<16xi1>
          %masked_cumsum3A_868 = tpu.scan <sum>, %convert_element_type3A_865 masked %broadcast_in_dim3A_867 : vector<16xi32>, vector<16xi1> -> vector<16xi32>
          %add3A_869 = arith.addi %add3A_861, %masked_cumsum3A_868 : vector<16xi32>
          %sub3A_870 = arith.constant 1 : i32
          %sub3A_871 = vector.broadcast %sub3A_870 : i32 to vector<16xi32>
          %sub3A_872 = arith.subi %add3A_869, %sub3A_871 : vector<16xi32>
          %add3A_873 = vector.broadcast %multiple_of3A : i32 to vector<16xi32>
          %add3A_874 = arith.addi %add3A_873, %sub3A_872 : vector<16xi32>
          %add3A_875 = arith.constant 192 : i32
          %add3A_876 = arith.addi %multiple_of3A_240, %add3A_875 : i32
          %add3A_877 = vector.broadcast %add3A_876 : i32 to vector<16xi32>
          %add3A_878 = arith.addi %add3A_877, %iota3A : vector<16xi32>
          %lt3A_879 = arith.constant 32 : i32
          %lt3A_880 = vector.broadcast %lt3A_879 : i32 to vector<16xi32>
          %lt3A_881 = arith.cmpi slt, %sub3A_872, %lt3A_880 : vector<16xi32>
          %and3A_882 = arith.andi %lt3A_864, %lt3A_881 : vector<16xi1>
          tpu.vector_store_idx %arg8[%add3A_874], %add3A_878 masked %and3A_882 : memref<4096xi32, #tpu.memory_space<vmem>>[vector<16xi32>], vector<16xi32>, vector<16xi1>
          %all_reduce_population_count3A_883 = tpu.all_reduce %lt3A_864 {dim = 0 : i64, kind = #tpu.reduction_kind<sum>} : vector<16xi1> -> vector<16xi32>
          %add3A_884 = arith.addi %add3A_861, %all_reduce_population_count3A_883 : vector<16xi32>
          %lt3A_885 = arith.constant 0.00999999977 : f32
          %lt3A_886 = vector.broadcast %lt3A_885 : f32 to vector<16xf32>
          %lt3A_887 = arith.cmpf olt, %add3A_520, %lt3A_886 : vector<16xf32>
          %convert_element_type3A_888 = arith.extui %lt3A_887 : vector<16xi1> to vector<16xi32>
          %broadcast_in_dim3A_889 = arith.constant true
          %broadcast_in_dim3A_890 = vector.broadcast %broadcast_in_dim3A_889 : i1 to vector<16xi1>
          %masked_cumsum3A_891 = tpu.scan <sum>, %convert_element_type3A_888 masked %broadcast_in_dim3A_890 : vector<16xi32>, vector<16xi1> -> vector<16xi32>
          %add3A_892 = arith.addi %add3A_884, %masked_cumsum3A_891 : vector<16xi32>
          %sub3A_893 = arith.constant 1 : i32
          %sub3A_894 = vector.broadcast %sub3A_893 : i32 to vector<16xi32>
          %sub3A_895 = arith.subi %add3A_892, %sub3A_894 : vector<16xi32>
          %add3A_896 = vector.broadcast %multiple_of3A : i32 to vector<16xi32>
          %add3A_897 = arith.addi %add3A_896, %sub3A_895 : vector<16xi32>
          %add3A_898 = arith.constant 208 : i32
          %add3A_899 = arith.addi %multiple_of3A_240, %add3A_898 : i32
          %add3A_900 = vector.broadcast %add3A_899 : i32 to vector<16xi32>
          %add3A_901 = arith.addi %add3A_900, %iota3A : vector<16xi32>
          %lt3A_902 = arith.constant 32 : i32
          %lt3A_903 = vector.broadcast %lt3A_902 : i32 to vector<16xi32>
          %lt3A_904 = arith.cmpi slt, %sub3A_895, %lt3A_903 : vector<16xi32>
          %and3A_905 = arith.andi %lt3A_887, %lt3A_904 : vector<16xi1>
          tpu.vector_store_idx %arg8[%add3A_897], %add3A_901 masked %and3A_905 : memref<4096xi32, #tpu.memory_space<vmem>>[vector<16xi32>], vector<16xi32>, vector<16xi1>
          %all_reduce_population_count3A_906 = tpu.all_reduce %lt3A_887 {dim = 0 : i64, kind = #tpu.reduction_kind<sum>} : vector<16xi1> -> vector<16xi32>
          %add3A_907 = arith.addi %add3A_884, %all_reduce_population_count3A_906 : vector<16xi32>
          %lt3A_908 = arith.constant 0.00999999977 : f32
          %lt3A_909 = vector.broadcast %lt3A_908 : f32 to vector<16xf32>
          %lt3A_910 = arith.cmpf olt, %add3A_540, %lt3A_909 : vector<16xf32>
          %convert_element_type3A_911 = arith.extui %lt3A_910 : vector<16xi1> to vector<16xi32>
          %broadcast_in_dim3A_912 = arith.constant true
          %broadcast_in_dim3A_913 = vector.broadcast %broadcast_in_dim3A_912 : i1 to vector<16xi1>
          %masked_cumsum3A_914 = tpu.scan <sum>, %convert_element_type3A_911 masked %broadcast_in_dim3A_913 : vector<16xi32>, vector<16xi1> -> vector<16xi32>
          %add3A_915 = arith.addi %add3A_907, %masked_cumsum3A_914 : vector<16xi32>
          %sub3A_916 = arith.constant 1 : i32
          %sub3A_917 = vector.broadcast %sub3A_916 : i32 to vector<16xi32>
          %sub3A_918 = arith.subi %add3A_915, %sub3A_917 : vector<16xi32>
          %add3A_919 = vector.broadcast %multiple_of3A : i32 to vector<16xi32>
          %add3A_920 = arith.addi %add3A_919, %sub3A_918 : vector<16xi32>
          %add3A_921 = arith.constant 224 : i32
          %add3A_922 = arith.addi %multiple_of3A_240, %add3A_921 : i32
          %add3A_923 = vector.broadcast %add3A_922 : i32 to vector<16xi32>
          %add3A_924 = arith.addi %add3A_923, %iota3A : vector<16xi32>
          %lt3A_925 = arith.constant 32 : i32
          %lt3A_926 = vector.broadcast %lt3A_925 : i32 to vector<16xi32>
          %lt3A_927 = arith.cmpi slt, %sub3A_918, %lt3A_926 : vector<16xi32>
          %and3A_928 = arith.andi %lt3A_910, %lt3A_927 : vector<16xi1>
          tpu.vector_store_idx %arg8[%add3A_920], %add3A_924 masked %and3A_928 : memref<4096xi32, #tpu.memory_space<vmem>>[vector<16xi32>], vector<16xi32>, vector<16xi1>
          %all_reduce_population_count3A_929 = tpu.all_reduce %lt3A_910 {dim = 0 : i64, kind = #tpu.reduction_kind<sum>} : vector<16xi1> -> vector<16xi32>
          %add3A_930 = arith.addi %add3A_907, %all_reduce_population_count3A_929 : vector<16xi32>
          %lt3A_931 = arith.constant 0.00999999977 : f32
          %lt3A_932 = vector.broadcast %lt3A_931 : f32 to vector<16xf32>
          %lt3A_933 = arith.cmpf olt, %add3A_560, %lt3A_932 : vector<16xf32>
          %convert_element_type3A_934 = arith.extui %lt3A_933 : vector<16xi1> to vector<16xi32>
          %broadcast_in_dim3A_935 = arith.constant true
          %broadcast_in_dim3A_936 = vector.broadcast %broadcast_in_dim3A_935 : i1 to vector<16xi1>
          %masked_cumsum3A_937 = tpu.scan <sum>, %convert_element_type3A_934 masked %broadcast_in_dim3A_936 : vector<16xi32>, vector<16xi1> -> vector<16xi32>
          %add3A_938 = arith.addi %add3A_930, %masked_cumsum3A_937 : vector<16xi32>
          %sub3A_939 = arith.constant 1 : i32
          %sub3A_940 = vector.broadcast %sub3A_939 : i32 to vector<16xi32>
          %sub3A_941 = arith.subi %add3A_938, %sub3A_940 : vector<16xi32>
          %add3A_942 = vector.broadcast %multiple_of3A : i32 to vector<16xi32>
          %add3A_943 = arith.addi %add3A_942, %sub3A_941 : vector<16xi32>
          %add3A_944 = arith.constant 240 : i32
          %add3A_945 = arith.addi %multiple_of3A_240, %add3A_944 : i32
          %add3A_946 = vector.broadcast %add3A_945 : i32 to vector<16xi32>
          %add3A_947 = arith.addi %add3A_946, %iota3A : vector<16xi32>
          %lt3A_948 = arith.constant 32 : i32
          %lt3A_949 = vector.broadcast %lt3A_948 : i32 to vector<16xi32>
          %lt3A_950 = arith.cmpi slt, %sub3A_941, %lt3A_949 : vector<16xi32>
          %and3A_951 = arith.andi %lt3A_933, %lt3A_950 : vector<16xi1>
          tpu.vector_store_idx %arg8[%add3A_943], %add3A_947 masked %and3A_951 : memref<4096xi32, #tpu.memory_space<vmem>>[vector<16xi32>], vector<16xi32>, vector<16xi1>
          %all_reduce_population_count3A_952 = tpu.all_reduce %lt3A_933 {dim = 0 : i64, kind = #tpu.reduction_kind<sum>} : vector<16xi1> -> vector<16xi32>
          %add3A_953 = arith.addi %add3A_930, %all_reduce_population_count3A_952 : vector<16xi32>
          %slice3A_954 = vector.extract_strided_slice %add3A_953 {offsets = [0], sizes = [1], strides = [1]} : vector<16xi32> to vector<1xi32>
          %squeeze3A_955 = vector.extract %slice3A_954[0] : i32 from vector<1xi32>
          scf.yield %squeeze3A_955 : i32
        } else {
          scf.yield %while3A_237 : i32
        }
        %add3A_584 = arith.constant 16 : i32
        %add3A_585 = arith.addi %while3A_236, %add3A_584 : i32
        scf.yield %add3A_585, %cond3A_583 : i32, i32
      }
      %gt3A = arith.constant 0 : i32
      %gt3A_110 = arith.cmpi sgt, %while3A_109#1, %gt3A : i32
      %get3A = arith.index_cast %multiple_of3A : i32 to index
      %get3A_111 = tpu.vector_load %arg8[%get3A] {strides = array<i32>} : memref<4096xi32, #tpu.memory_space<vmem>>, vector<16xi32>,
      %slice3A = vector.extract_strided_slice %get3A_111 {offsets = [0], sizes = [1], strides = [1]} : vector<16xi32> to vector<1xi32>
      %squeeze3A = vector.extract %slice3A[0] : i32 from vector<1xi32>
      %jit3A_112 = arith.constant 0 : i32
      %select_n3A_113 = arith.select %gt3A_110, %squeeze3A, %jit3A_112 : i32
      %broadcast_in_dim3A_114 = vector.broadcast %select_n3A_113 : i32 to vector<16xi32>
      %add3A_115 = vector.broadcast %multiple_of3A : i32 to vector<16xi32>
      %add3A_116 = arith.addi %add3A_115, %iota3A : vector<16xi32>
      %ge3A = vector.broadcast %while3A_109#1 : i32 to vector<16xi32>
      %ge3A_117 = arith.cmpi sge, %iota3A, %ge3A : vector<16xi32>
      tpu.vector_store_idx %arg8[%add3A_116], %broadcast_in_dim3A_114 masked %ge3A_117 : memref<4096xi32, #tpu.memory_space<vmem>>[vector<16xi32>], vector<16xi32>, vector<16xi1>
      %add3A_118 = vector.broadcast %multiple_of3A : i32 to vector<16xi32>
      %add3A_119 = arith.addi %add3A_118, %iota3A : vector<16xi32>
      %add3A_120 = arith.constant 16 : i32
      %add3A_121 = vector.broadcast %add3A_120 : i32 to vector<16xi32>
      %add3A_122 = arith.addi %add3A_119, %add3A_121 : vector<16xi32>
      %add3A_123 = arith.constant 16 : i32
      %add3A_124 = vector.broadcast %add3A_123 : i32 to vector<16xi32>
      %add3A_125 = arith.addi %iota3A, %add3A_124 : vector<16xi32>
      %ge3A_126 = vector.broadcast %while3A_109#1 : i32 to vector<16xi32>
      %ge3A_127 = arith.cmpi sge, %add3A_125, %ge3A_126 : vector<16xi32>
      tpu.vector_store_idx %arg8[%add3A_122], %broadcast_in_dim3A_114 masked %ge3A_127 : memref<4096xi32, #tpu.memory_space<vmem>>[vector<16xi32>], vector<16xi32>, vector<16xi1>
      %get3A_128 = arith.index_cast %multiple_of3A : i32 to index
      %get3A_129 = tpu.vector_load %arg8[%get3A_128] {strides = array<i32>} : memref<4096xi32, #tpu.memory_space<vmem>>, vector<16xi32>,
      %add3A_130 = arith.constant 16 : i32
      %add3A_131 = arith.addi %multiple_of3A, %add3A_130 : i32
      %get3A_132 = arith.index_cast %add3A_131 : i32 to index
      %get3A_133 = tpu.vector_load %arg8[%get3A_132] {strides = array<i32>} : memref<4096xi32, #tpu.memory_space<vmem>>, vector<16xi32>,
      %add3A_134 = arith.constant 0 : i32
      %add3A_135 = vector.broadcast %add3A_134 : i32 to vector<16xi32>
      %add3A_136 = arith.addi %get3A_129, %add3A_135 : vector<16xi32>
      %gather3A_137 = tpu.vector_load_idx %arg6[%add3A_136] : memref<49152xf32, #tpu.memory_space<vmem>>[vector<16xi32>], vector<16xf32>,
      %sub3A_138 = arith.subf %gather3A_137, %gather3A : vector<16xf32>
      %div3A_139 = arith.constant 1.000000e-01 : f32
      %div3A_140 = vector.broadcast %div3A_139 : f32 to vector<16xf32>
      %div3A_141 = arith.divf %sub3A_138, %div3A_140 : vector<16xf32>
      %add3A_142 = arith.constant 0 : i32
      %add3A_143 = arith.addi %add3A_142, %scan3A_96 : i32
      %mul3A_144 = arith.constant 32 : i32
      %mul3A_145 = arith.muli %add3A_143, %mul3A_144 : i32
      %add3A_146 = arith.constant 0 : i32
      %add3A_147 = arith.addi %mul3A_145, %add3A_146 : i32
      %multiple_of3A_148 = tpu.assume_multiple %add3A_147, 16 : i32
      %swap3A = arith.index_cast %multiple_of3A_148 : i32 to index
      %swap3A_149 = tpu.vector_load %arg9[%swap3A] {strides = array<i32>} : memref<12288xf32, #tpu.memory_space<vmem>>, vector<16xf32>,
      tpu.vector_store %arg9[%swap3A], %div3A_141 {strides = array<i32>} : memref<12288xf32, #tpu.memory_space<vmem>>, vector<16xf32>,
      %add3A_150 = arith.constant 0 : i32
      %add3A_151 = vector.broadcast %add3A_150 : i32 to vector<16xi32>
      %add3A_152 = arith.addi %get3A_133, %add3A_151 : vector<16xi32>
      %gather3A_153 = tpu.vector_load_idx %arg6[%add3A_152] : memref<49152xf32, #tpu.memory_space<vmem>>[vector<16xi32>], vector<16xf32>,
      %sub3A_154 = arith.subf %gather3A_153, %gather3A : vector<16xf32>
      %div3A_155 = arith.constant 1.000000e-01 : f32
      %div3A_156 = vector.broadcast %div3A_155 : f32 to vector<16xf32>
      %div3A_157 = arith.divf %sub3A_154, %div3A_156 : vector<16xf32>
      %add3A_158 = arith.constant 0 : i32
      %add3A_159 = arith.addi %add3A_158, %scan3A_96 : i32
      %mul3A_160 = arith.constant 32 : i32
      %mul3A_161 = arith.muli %add3A_159, %mul3A_160 : i32
      %add3A_162 = arith.constant 16 : i32
      %add3A_163 = arith.addi %mul3A_161, %add3A_162 : i32
      %multiple_of3A_164 = tpu.assume_multiple %add3A_163, 16 : i32
      %swap3A_165 = arith.index_cast %multiple_of3A_164 : i32 to index
      %swap3A_166 = tpu.vector_load %arg9[%swap3A_165] {strides = array<i32>} : memref<12288xf32, #tpu.memory_space<vmem>>, vector<16xf32>,
      tpu.vector_store %arg9[%swap3A_165], %div3A_157 {strides = array<i32>} : memref<12288xf32, #tpu.memory_space<vmem>>, vector<16xf32>,
      %add3A_167 = arith.constant 16384 : i32
      %add3A_168 = vector.broadcast %add3A_167 : i32 to vector<16xi32>
      %add3A_169 = arith.addi %get3A_129, %add3A_168 : vector<16xi32>
      %gather3A_170 = tpu.vector_load_idx %arg6[%add3A_169] : memref<49152xf32, #tpu.memory_space<vmem>>[vector<16xi32>], vector<16xf32>,
      %sub3A_171 = arith.subf %gather3A_170, %gather3A_101 : vector<16xf32>
      %div3A_172 = arith.constant 1.000000e-01 : f32
      %div3A_173 = vector.broadcast %div3A_172 : f32 to vector<16xf32>
      %div3A_174 = arith.divf %sub3A_171, %div3A_173 : vector<16xf32>
      %add3A_175 = arith.constant 128 : i32
      %add3A_176 = arith.addi %add3A_175, %scan3A_96 : i32
      %mul3A_177 = arith.constant 32 : i32
      %mul3A_178 = arith.muli %add3A_176, %mul3A_177 : i32
      %add3A_179 = arith.constant 0 : i32
      %add3A_180 = arith.addi %mul3A_178, %add3A_179 : i32
      %multiple_of3A_181 = tpu.assume_multiple %add3A_180, 16 : i32
      %swap3A_182 = arith.index_cast %multiple_of3A_181 : i32 to index
      %swap3A_183 = tpu.vector_load %arg9[%swap3A_182] {strides = array<i32>} : memref<12288xf32, #tpu.memory_space<vmem>>, vector<16xf32>,
      tpu.vector_store %arg9[%swap3A_182], %div3A_174 {strides = array<i32>} : memref<12288xf32, #tpu.memory_space<vmem>>, vector<16xf32>,
      %add3A_184 = arith.constant 16384 : i32
      %add3A_185 = vector.broadcast %add3A_184 : i32 to vector<16xi32>
      %add3A_186 = arith.addi %get3A_133, %add3A_185 : vector<16xi32>
      %gather3A_187 = tpu.vector_load_idx %arg6[%add3A_186] : memref<49152xf32, #tpu.memory_space<vmem>>[vector<16xi32>], vector<16xf32>,
      %sub3A_188 = arith.subf %gather3A_187, %gather3A_101 : vector<16xf32>
      %div3A_189 = arith.constant 1.000000e-01 : f32
      %div3A_190 = vector.broadcast %div3A_189 : f32 to vector<16xf32>
      %div3A_191 = arith.divf %sub3A_188, %div3A_190 : vector<16xf32>
      %add3A_192 = arith.constant 128 : i32
      %add3A_193 = arith.addi %add3A_192, %scan3A_96 : i32
      %mul3A_194 = arith.constant 32 : i32
      %mul3A_195 = arith.muli %add3A_193, %mul3A_194 : i32
      %add3A_196 = arith.constant 16 : i32
      %add3A_197 = arith.addi %mul3A_195, %add3A_196 : i32
      %multiple_of3A_198 = tpu.assume_multiple %add3A_197, 16 : i32
      %swap3A_199 = arith.index_cast %multiple_of3A_198 : i32 to index
      %swap3A_200 = tpu.vector_load %arg9[%swap3A_199] {strides = array<i32>} : memref<12288xf32, #tpu.memory_space<vmem>>, vector<16xf32>,
      tpu.vector_store %arg9[%swap3A_199], %div3A_191 {strides = array<i32>} : memref<12288xf32, #tpu.memory_space<vmem>>, vector<16xf32>,
      %add3A_201 = arith.constant 32768 : i32
      %add3A_202 = vector.broadcast %add3A_201 : i32 to vector<16xi32>
      %add3A_203 = arith.addi %get3A_129, %add3A_202 : vector<16xi32>
      %gather3A_204 = tpu.vector_load_idx %arg6[%add3A_203] : memref<49152xf32, #tpu.memory_space<vmem>>[vector<16xi32>], vector<16xf32>,
      %sub3A_205 = arith.subf %gather3A_204, %gather3A_105 : vector<16xf32>
      %div3A_206 = arith.constant 1.000000e-01 : f32
      %div3A_207 = vector.broadcast %div3A_206 : f32 to vector<16xf32>
      %div3A_208 = arith.divf %sub3A_205, %div3A_207 : vector<16xf32>
      %add3A_209 = arith.constant 256 : i32
      %add3A_210 = arith.addi %add3A_209, %scan3A_96 : i32
      %mul3A_211 = arith.constant 32 : i32
      %mul3A_212 = arith.muli %add3A_210, %mul3A_211 : i32
      %add3A_213 = arith.constant 0 : i32
      %add3A_214 = arith.addi %mul3A_212, %add3A_213 : i32
      %multiple_of3A_215 = tpu.assume_multiple %add3A_214, 16 : i32
      %swap3A_216 = arith.index_cast %multiple_of3A_215 : i32 to index
      %swap3A_217 = tpu.vector_load %arg9[%swap3A_216] {strides = array<i32>} : memref<12288xf32, #tpu.memory_space<vmem>>, vector<16xf32>,
      tpu.vector_store %arg9[%swap3A_216], %div3A_208 {strides = array<i32>} : memref<12288xf32, #tpu.memory_space<vmem>>, vector<16xf32>,
      %add3A_218 = arith.constant 32768 : i32
      %add3A_219 = vector.broadcast %add3A_218 : i32 to vector<16xi32>
      %add3A_220 = arith.addi %get3A_133, %add3A_219 : vector<16xi32>
      %gather3A_221 = tpu.vector_load_idx %arg6[%add3A_220] : memref<49152xf32, #tpu.memory_space<vmem>>[vector<16xi32>], vector<16xf32>,
      %sub3A_222 = arith.subf %gather3A_221, %gather3A_105 : vector<16xf32>
      %div3A_223 = arith.constant 1.000000e-01 : f32
      %div3A_224 = vector.broadcast %div3A_223 : f32 to vector<16xf32>
      %div3A_225 = arith.divf %sub3A_222, %div3A_224 : vector<16xf32>
      %add3A_226 = arith.constant 256 : i32
      %add3A_227 = arith.addi %add3A_226, %scan3A_96 : i32
      %mul3A_228 = arith.constant 32 : i32
      %mul3A_229 = arith.muli %add3A_227, %mul3A_228 : i32
      %add3A_230 = arith.constant 16 : i32
      %add3A_231 = arith.addi %mul3A_229, %add3A_230 : i32
      %multiple_of3A_232 = tpu.assume_multiple %add3A_231, 16 : i32
      %swap3A_233 = arith.index_cast %multiple_of3A_232 : i32 to index
      %swap3A_234 = tpu.vector_load %arg9[%swap3A_233] {strides = array<i32>} : memref<12288xf32, #tpu.memory_space<vmem>>, vector<16xf32>,
      tpu.vector_store %arg9[%swap3A_233], %div3A_225 {strides = array<i32>} : memref<12288xf32, #tpu.memory_space<vmem>>, vector<16xf32>,
      %scan3A_235 = arith.constant 0 : i32
      scf.yield %scan3A_235 : i32
    }
    %scan3A_63 = arith.constant 128 : i32
    %mul3A_64 = arith.constant 1024 : i32
    %mul3A_65 = arith.muli %select_n3A, %mul3A_64 : i32
    %add3A_66 = arith.addi %mul3A_65, %mul3A_32 : i32
    %mul3A_67 = arith.constant 32 : i32
    %mul3A_68 = arith.muli %add3A_66, %mul3A_67 : i32
    "tpu.region"() ({
      %run_scoped3A = tpu.sem_alloc : memref<!tpu.dma_semaphore, #tpu.memory_space<semaphore_mem>>
      %dma_start3A = tpu.memref_slice %arg4[%mul3A_68] : memref<131072xi32, #tpu.memory_space<hbm>> -> memref<4096xi32, #tpu.memory_space<hbm>>
      %dma_start3A_96 = tpu.memref_slice %arg4[%mul3A_68] : memref<131072xi32, #tpu.memory_space<hbm>> -> memref<4096xi32, #tpu.memory_space<hbm>>
      tpu.enqueue_dma source(%arg8 : memref<4096xi32, #tpu.memory_space<vmem>>) target(%dma_start3A_96 : memref<4096xi32, #tpu.memory_space<hbm>>) target_semaphore(%run_scoped3A : memref<!tpu.dma_semaphore, #tpu.memory_space<semaphore_mem>>)
      %dma_wait3A = tpu.memref_slice %arg4[%mul3A_68] : memref<131072xi32, #tpu.memory_space<hbm>> -> memref<4096xi32, #tpu.memory_space<hbm>>
      %dma_wait3A_97 = tpu.memref_slice %arg4[%mul3A_68] : memref<131072xi32, #tpu.memory_space<hbm>> -> memref<4096xi32, #tpu.memory_space<hbm>>
      tpu.wait_dma2 semaphore(%run_scoped3A : memref<!tpu.dma_semaphore, #tpu.memory_space<semaphore_mem>>) src(%arg8 : memref<4096xi32, #tpu.memory_space<vmem>>) dst(%dma_wait3A_97 : memref<4096xi32, #tpu.memory_space<hbm>>)
      tpu.yield
    }) : () -> ()
    %mul3A_69 = arith.constant 3 : i32
    %mul3A_70 = arith.muli %select_n3A, %mul3A_69 : i32
    %add3A_71 = arith.constant 0 : i32
    %add3A_72 = arith.addi %mul3A_70, %add3A_71 : i32
    %mul3A_73 = arith.constant 1024 : i32
    %mul3A_74 = arith.muli %add3A_72, %mul3A_73 : i32
    %add3A_75 = arith.addi %mul3A_74, %mul3A_32 : i32
    %mul3A_76 = arith.constant 32 : i32
    %mul3A_77 = arith.muli %add3A_75, %mul3A_76 : i32
    "tpu.region"() ({
      %run_scoped3A = tpu.sem_alloc : memref<!tpu.dma_semaphore, #tpu.memory_space<semaphore_mem>>
      %dma_start3A = arith.constant 0 : i32
      %dma_start3A_96 = tpu.memref_slice %arg9[%dma_start3A] : memref<12288xf32, #tpu.memory_space<vmem>> -> memref<4096xf32, #tpu.memory_space<vmem>>
      %dma_start3A_97 = tpu.memref_slice %arg5[%mul3A_77] : memref<393216xf32, #tpu.memory_space<hbm>> -> memref<4096xf32, #tpu.memory_space<hbm>>
      %dma_start3A_98 = tpu.memref_slice %arg5[%mul3A_77] : memref<393216xf32, #tpu.memory_space<hbm>> -> memref<4096xf32, #tpu.memory_space<hbm>>
      %dma_start3A_99 = arith.constant 0 : i32
      %dma_start3A_100 = tpu.memref_slice %arg9[%dma_start3A_99] : memref<12288xf32, #tpu.memory_space<vmem>> -> memref<4096xf32, #tpu.memory_space<vmem>>
      tpu.enqueue_dma source(%dma_start3A_100 : memref<4096xf32, #tpu.memory_space<vmem>>) target(%dma_start3A_98 : memref<4096xf32, #tpu.memory_space<hbm>>) target_semaphore(%run_scoped3A : memref<!tpu.dma_semaphore, #tpu.memory_space<semaphore_mem>>)
      %dma_wait3A = arith.constant 0 : i32
      %dma_wait3A_101 = tpu.memref_slice %arg9[%dma_wait3A] : memref<12288xf32, #tpu.memory_space<vmem>> -> memref<4096xf32, #tpu.memory_space<vmem>>
      %dma_wait3A_102 = tpu.memref_slice %arg5[%mul3A_77] : memref<393216xf32, #tpu.memory_space<hbm>> -> memref<4096xf32, #tpu.memory_space<hbm>>
      %dma_wait3A_103 = tpu.memref_slice %arg5[%mul3A_77] : memref<393216xf32, #tpu.memory_space<hbm>> -> memref<4096xf32, #tpu.memory_space<hbm>>
      %dma_wait3A_104 = arith.constant 0 : i32
      %dma_wait3A_105 = tpu.memref_slice %arg9[%dma_wait3A_104] : memref<12288xf32, #tpu.memory_space<vmem>> -> memref<4096xf32, #tpu.memory_space<vmem>>
      tpu.wait_dma2 semaphore(%run_scoped3A : memref<!tpu.dma_semaphore, #tpu.memory_space<semaphore_mem>>) src(%dma_wait3A_105 : memref<4096xf32, #tpu.memory_space<vmem>>) dst(%dma_wait3A_103 : memref<4096xf32, #tpu.memory_space<hbm>>)
      tpu.yield
    }) : () -> ()
    %mul3A_78 = arith.constant 3 : i32
    %mul3A_79 = arith.muli %select_n3A, %mul3A_78 : i32
    %add3A_80 = arith.constant 1 : i32
    %add3A_81 = arith.addi %mul3A_79, %add3A_80 : i32
    %mul3A_82 = arith.constant 1024 : i32
    %mul3A_83 = arith.muli %add3A_81, %mul3A_82 : i32
    %add3A_84 = arith.addi %mul3A_83, %mul3A_32 : i32
    %mul3A_85 = arith.constant 32 : i32
    %mul3A_86 = arith.muli %add3A_84, %mul3A_85 : i32
    "tpu.region"() ({
      %run_scoped3A = tpu.sem_alloc : memref<!tpu.dma_semaphore, #tpu.memory_space<semaphore_mem>>
      %dma_start3A = arith.constant 4096 : i32
      %dma_start3A_96 = tpu.memref_slice %arg9[%dma_start3A] : memref<12288xf32, #tpu.memory_space<vmem>> -> memref<4096xf32, #tpu.memory_space<vmem>>
      %dma_start3A_97 = tpu.memref_slice %arg5[%mul3A_86] : memref<393216xf32, #tpu.memory_space<hbm>> -> memref<4096xf32, #tpu.memory_space<hbm>>
      %dma_start3A_98 = tpu.memref_slice %arg5[%mul3A_86] : memref<393216xf32, #tpu.memory_space<hbm>> -> memref<4096xf32, #tpu.memory_space<hbm>>
      %dma_start3A_99 = arith.constant 4096 : i32
      %dma_start3A_100 = tpu.memref_slice %arg9[%dma_start3A_99] : memref<12288xf32, #tpu.memory_space<vmem>> -> memref<4096xf32, #tpu.memory_space<vmem>>
      tpu.enqueue_dma source(%dma_start3A_100 : memref<4096xf32, #tpu.memory_space<vmem>>) target(%dma_start3A_98 : memref<4096xf32, #tpu.memory_space<hbm>>) target_semaphore(%run_scoped3A : memref<!tpu.dma_semaphore, #tpu.memory_space<semaphore_mem>>)
      %dma_wait3A = arith.constant 4096 : i32
      %dma_wait3A_101 = tpu.memref_slice %arg9[%dma_wait3A] : memref<12288xf32, #tpu.memory_space<vmem>> -> memref<4096xf32, #tpu.memory_space<vmem>>
      %dma_wait3A_102 = tpu.memref_slice %arg5[%mul3A_86] : memref<393216xf32, #tpu.memory_space<hbm>> -> memref<4096xf32, #tpu.memory_space<hbm>>
      %dma_wait3A_103 = tpu.memref_slice %arg5[%mul3A_86] : memref<393216xf32, #tpu.memory_space<hbm>> -> memref<4096xf32, #tpu.memory_space<hbm>>
      %dma_wait3A_104 = arith.constant 4096 : i32
      %dma_wait3A_105 = tpu.memref_slice %arg9[%dma_wait3A_104] : memref<12288xf32, #tpu.memory_space<vmem>> -> memref<4096xf32, #tpu.memory_space<vmem>>
      tpu.wait_dma2 semaphore(%run_scoped3A : memref<!tpu.dma_semaphore, #tpu.memory_space<semaphore_mem>>) src(%dma_wait3A_105 : memref<4096xf32, #tpu.memory_space<vmem>>) dst(%dma_wait3A_103 : memref<4096xf32, #tpu.memory_space<hbm>>)
      tpu.yield
    }) : () -> ()
    %mul3A_87 = arith.constant 3 : i32
    %mul3A_88 = arith.muli %select_n3A, %mul3A_87 : i32
    %add3A_89 = arith.constant 2 : i32
    %add3A_90 = arith.addi %mul3A_88, %add3A_89 : i32
    %mul3A_91 = arith.constant 1024 : i32
    %mul3A_92 = arith.muli %add3A_90, %mul3A_91 : i32
    %add3A_93 = arith.addi %mul3A_92, %mul3A_32 : i32
    %mul3A_94 = arith.constant 32 : i32
    %mul3A_95 = arith.muli %add3A_93, %mul3A_94 : i32
    "tpu.region"() ({
      %run_scoped3A = tpu.sem_alloc : memref<!tpu.dma_semaphore, #tpu.memory_space<semaphore_mem>>
      %dma_start3A = arith.constant 8192 : i32
      %dma_start3A_96 = tpu.memref_slice %arg9[%dma_start3A] : memref<12288xf32, #tpu.memory_space<vmem>> -> memref<4096xf32, #tpu.memory_space<vmem>>
      %dma_start3A_97 = tpu.memref_slice %arg5[%mul3A_95] : memref<393216xf32, #tpu.memory_space<hbm>> -> memref<4096xf32, #tpu.memory_space<hbm>>
      %dma_start3A_98 = tpu.memref_slice %arg5[%mul3A_95] : memref<393216xf32, #tpu.memory_space<hbm>> -> memref<4096xf32, #tpu.memory_space<hbm>>
      %dma_start3A_99 = arith.constant 8192 : i32
      %dma_start3A_100 = tpu.memref_slice %arg9[%dma_start3A_99] : memref<12288xf32, #tpu.memory_space<vmem>> -> memref<4096xf32, #tpu.memory_space<vmem>>
      tpu.enqueue_dma source(%dma_start3A_100 : memref<4096xf32, #tpu.memory_space<vmem>>) target(%dma_start3A_98 : memref<4096xf32, #tpu.memory_space<hbm>>) target_semaphore(%run_scoped3A : memref<!tpu.dma_semaphore, #tpu.memory_space<semaphore_mem>>)
      %dma_wait3A = arith.constant 8192 : i32
      %dma_wait3A_101 = tpu.memref_slice %arg9[%dma_wait3A] : memref<12288xf32, #tpu.memory_space<vmem>> -> memref<4096xf32, #tpu.memory_space<vmem>>
      %dma_wait3A_102 = tpu.memref_slice %arg5[%mul3A_95] : memref<393216xf32, #tpu.memory_space<hbm>> -> memref<4096xf32, #tpu.memory_space<hbm>>
      %dma_wait3A_103 = tpu.memref_slice %arg5[%mul3A_95] : memref<393216xf32, #tpu.memory_space<hbm>> -> memref<4096xf32, #tpu.memory_space<hbm>>
      %dma_wait3A_104 = arith.constant 8192 : i32
      %dma_wait3A_105 = tpu.memref_slice %arg9[%dma_wait3A_104] : memref<12288xf32, #tpu.memory_space<vmem>> -> memref<4096xf32, #tpu.memory_space<vmem>>
      tpu.wait_dma2 semaphore(%run_scoped3A : memref<!tpu.dma_semaphore, #tpu.memory_space<semaphore_mem>>) src(%dma_wait3A_105 : memref<4096xf32, #tpu.memory_space<vmem>>) dst(%dma_wait3A_103 : memref<4096xf32, #tpu.memory_space<hbm>>)
      tpu.yield
    }) : () -> ()
    return
  }
}

#map = affine_map<(d0, d1) -> (0)>
module attributes {stable_mosaic.version = 14 : i64} {
  func.func @_group_feats_kernel(%arg0: i32, %arg1: i32, %arg2: memref<4194304xf32, #tpu.memory_space<hbm>>, %arg3: memref<131072xi32, #tpu.memory_space<hbm>>, %arg4: memref<8388608xf32, #tpu.memory_space<hbm>>, %arg5: memref<32768xi32, #tpu.memory_space<vmem>>, %arg6: memref<32768xf32, #tpu.memory_space<vmem>>, %arg7: memref<32768xf32, #tpu.memory_space<vmem>>, %arg8: memref<!tpu.dma_semaphore, #tpu.memory_space<semaphore_mem>>, %arg9: memref<!tpu.dma_semaphore, #tpu.memory_space<semaphore_mem>>, %arg10: memref<!tpu.dma_semaphore, #tpu.memory_space<semaphore_mem>>, %arg11: memref<!tpu.dma_semaphore, #tpu.memory_space<semaphore_mem>>) attributes {dimension_semantics = [#tpu.dimension_semantics<core_parallel>, #tpu.dimension_semantics<subcore_parallel>], iteration_bounds = array<i64: 2, 16>, scalar_prefetch = 0 : i64, scratch_operands = 7 : i64, tpu.core_type = #tpu.core_type<sc_vector_subcore>, window_params = [{transform_indices = #map}, {transform_indices = #map}, {transform_indices = #map}]} {
    %mul3A = arith.constant 2 : i32
    %mul3A_0 = arith.muli %arg1, %mul3A : i32
    %add3A = arith.addi %mul3A_0, %arg0 : i32
    %jit3A = arith.constant 8 : i32
    %div3A = arith.divsi %add3A, %jit3A : i32
    %sign3A = arith.constant 0 : i32
    %sign3A_1 = arith.cmpi sgt, %add3A, %sign3A : i32
    %sign3A_2 = arith.extui %sign3A_1 : i1 to i32
    %sign3A_3 = arith.constant 0 : i32
    %sign3A_4 = arith.cmpi slt, %add3A, %sign3A_3 : i32
    %sign3A_5 = arith.extui %sign3A_4 : i1 to i32
    %sign3A_6 = arith.subi %sign3A_2, %sign3A_5 : i32
    %sign3A_7 = arith.constant 0 : i32
    %sign3A_8 = arith.cmpi sgt, %jit3A, %sign3A_7 : i32
    %sign3A_9 = arith.extui %sign3A_8 : i1 to i32
    %sign3A_10 = arith.constant 0 : i32
    %sign3A_11 = arith.cmpi slt, %jit3A, %sign3A_10 : i32
    %sign3A_12 = arith.extui %sign3A_11 : i1 to i32
    %sign3A_13 = arith.subi %sign3A_9, %sign3A_12 : i32
    %ne3A = arith.cmpi ne, %sign3A_6, %sign3A_13 : i32
    %rem3A = arith.remsi %add3A, %jit3A : i32
    %ne3A_14 = arith.constant 0 : i32
    %ne3A_15 = arith.cmpi ne, %rem3A, %ne3A_14 : i32
    %and3A = arith.andi %ne3A, %ne3A_15 : i1
    %sub3A = arith.constant 1 : i32
    %sub3A_16 = arith.subi %div3A, %sub3A : i32
    %select_n3A = arith.select %and3A, %sub3A_16, %div3A : i32
    %jit3A_17 = arith.constant 8 : i32
    %eq3A = arith.constant 0 : i32
    %eq3A_18 = arith.cmpi eq, %jit3A_17, %eq3A : i32
    %jit3A_19 = arith.constant 1 : i32
    %select_n3A_20 = arith.select %eq3A_18, %jit3A_19, %jit3A_17 : i32
    %rem3A_21 = arith.remsi %add3A, %select_n3A_20 : i32
    %ne3A_22 = arith.constant 0 : i32
    %ne3A_23 = arith.cmpi ne, %rem3A_21, %ne3A_22 : i32
    %lt3A = arith.constant 0 : i32
    %lt3A_24 = arith.cmpi slt, %rem3A_21, %lt3A : i32
    %lt3A_25 = arith.constant 0 : i32
    %lt3A_26 = arith.cmpi slt, %select_n3A_20, %lt3A_25 : i32
    %ne3A_27 = arith.xori %lt3A_24, %lt3A_26 : i1
    %and3A_28 = arith.andi %ne3A_27, %ne3A_23 : i1
    %add3A_29 = arith.addi %rem3A_21, %select_n3A_20 : i32
    %select_n3A_30 = arith.select %and3A_28, %add3A_29, %rem3A_21 : i32
    %mul3A_31 = arith.constant 8 : i32
    %mul3A_32 = arith.muli %select_n3A_30, %mul3A_31 : i32
    %mul3A_33 = arith.constant 1024 : i32
    %mul3A_34 = arith.muli %select_n3A, %mul3A_33 : i32
    %mul3A_35 = arith.constant 32 : i32
    %mul3A_36 = arith.muli %mul3A_34, %mul3A_35 : i32
    "tpu.region"() ({
      %run_scoped3A = tpu.sem_alloc : memref<!tpu.dma_semaphore, #tpu.memory_space<semaphore_mem>>
      %dma_start3A_666 = tpu.memref_slice %arg3[%mul3A_36] : memref<131072xi32, #tpu.memory_space<hbm>> -> memref<32768xi32, #tpu.memory_space<hbm>>
      %dma_start3A_667 = tpu.memref_slice %arg3[%mul3A_36] : memref<131072xi32, #tpu.memory_space<hbm>> -> memref<32768xi32, #tpu.memory_space<hbm>>
      tpu.enqueue_dma source(%dma_start3A_667 : memref<32768xi32, #tpu.memory_space<hbm>>) target(%arg5 : memref<32768xi32, #tpu.memory_space<vmem>>) target_semaphore(%run_scoped3A : memref<!tpu.dma_semaphore, #tpu.memory_space<semaphore_mem>>)
      %dma_wait3A_668 = tpu.memref_slice %arg3[%mul3A_36] : memref<131072xi32, #tpu.memory_space<hbm>> -> memref<32768xi32, #tpu.memory_space<hbm>>
      %dma_wait3A_669 = tpu.memref_slice %arg3[%mul3A_36] : memref<131072xi32, #tpu.memory_space<hbm>> -> memref<32768xi32, #tpu.memory_space<hbm>>
      tpu.wait_dma2 semaphore(%run_scoped3A : memref<!tpu.dma_semaphore, #tpu.memory_space<semaphore_mem>>) src(%dma_wait3A_669 : memref<32768xi32, #tpu.memory_space<hbm>>) dst(%arg5 : memref<32768xi32, #tpu.memory_space<vmem>>)
      tpu.yield
    }) : () -> ()
    %mul3A_37 = arith.constant 64 : i32
    %mul3A_38 = arith.muli %select_n3A, %mul3A_37 : i32
    %add3A_39 = arith.addi %mul3A_38, %mul3A_32 : i32
    %add3A_40 = arith.constant 0 : i32
    %add3A_41 = arith.addi %add3A_39, %add3A_40 : i32
    %mul3A_42 = arith.constant 16384 : i32
    %mul3A_43 = arith.muli %add3A_41, %mul3A_42 : i32
    %dma_start3A = arith.constant 0 : i32
    %dma_start3A_44 = tpu.memref_slice %arg6[%dma_start3A] : memref<32768xf32, #tpu.memory_space<vmem>> -> memref<16384xf32, #tpu.memory_space<vmem>>
    %dma_start3A_45 = tpu.memref_slice %arg2[%mul3A_43] : memref<4194304xf32, #tpu.memory_space<hbm>> -> memref<16384xf32, #tpu.memory_space<hbm>>
    %dma_start3A_46 = arith.constant 0 : i32
    %dma_start3A_47 = tpu.memref_slice %arg6[%dma_start3A_46] : memref<32768xf32, #tpu.memory_space<vmem>> -> memref<16384xf32, #tpu.memory_space<vmem>>
    %dma_start3A_48 = tpu.memref_slice %arg2[%mul3A_43] : memref<4194304xf32, #tpu.memory_space<hbm>> -> memref<16384xf32, #tpu.memory_space<hbm>>
    tpu.enqueue_dma source(%dma_start3A_48 : memref<16384xf32, #tpu.memory_space<hbm>>) target(%dma_start3A_47 : memref<16384xf32, #tpu.memory_space<vmem>>) target_semaphore(%arg8 : memref<!tpu.dma_semaphore, #tpu.memory_space<semaphore_mem>>)
    %dma_wait3A = arith.constant 0 : i32
    %dma_wait3A_49 = tpu.memref_slice %arg6[%dma_wait3A] : memref<32768xf32, #tpu.memory_space<vmem>> -> memref<16384xf32, #tpu.memory_space<vmem>>
    %dma_wait3A_50 = tpu.memref_slice %arg2[%mul3A_43] : memref<4194304xf32, #tpu.memory_space<hbm>> -> memref<16384xf32, #tpu.memory_space<hbm>>
    %dma_wait3A_51 = arith.constant 0 : i32
    %dma_wait3A_52 = tpu.memref_slice %arg6[%dma_wait3A_51] : memref<32768xf32, #tpu.memory_space<vmem>> -> memref<16384xf32, #tpu.memory_space<vmem>>
    %dma_wait3A_53 = tpu.memref_slice %arg2[%mul3A_43] : memref<4194304xf32, #tpu.memory_space<hbm>> -> memref<16384xf32, #tpu.memory_space<hbm>>
    tpu.wait_dma2 semaphore(%arg8 : memref<!tpu.dma_semaphore, #tpu.memory_space<semaphore_mem>>) src(%dma_wait3A_53 : memref<16384xf32, #tpu.memory_space<hbm>>) dst(%dma_wait3A_52 : memref<16384xf32, #tpu.memory_space<vmem>>)
    %mul3A_54 = arith.constant 64 : i32
    %mul3A_55 = arith.muli %select_n3A, %mul3A_54 : i32
    %add3A_56 = arith.addi %mul3A_55, %mul3A_32 : i32
    %add3A_57 = arith.constant 1 : i32
    %add3A_58 = arith.addi %add3A_56, %add3A_57 : i32
    %mul3A_59 = arith.constant 16384 : i32
    %mul3A_60 = arith.muli %add3A_58, %mul3A_59 : i32
    %dma_start3A_61 = arith.constant 16384 : i32
    %dma_start3A_62 = tpu.memref_slice %arg6[%dma_start3A_61] : memref<32768xf32, #tpu.memory_space<vmem>> -> memref<16384xf32, #tpu.memory_space<vmem>>
    %dma_start3A_63 = tpu.memref_slice %arg2[%mul3A_60] : memref<4194304xf32, #tpu.memory_space<hbm>> -> memref<16384xf32, #tpu.memory_space<hbm>>
    %dma_start3A_64 = arith.constant 16384 : i32
    %dma_start3A_65 = tpu.memref_slice %arg6[%dma_start3A_64] : memref<32768xf32, #tpu.memory_space<vmem>> -> memref<16384xf32, #tpu.memory_space<vmem>>
    %dma_start3A_66 = tpu.memref_slice %arg2[%mul3A_60] : memref<4194304xf32, #tpu.memory_space<hbm>> -> memref<16384xf32, #tpu.memory_space<hbm>>
    tpu.enqueue_dma source(%dma_start3A_66 : memref<16384xf32, #tpu.memory_space<hbm>>) target(%dma_start3A_65 : memref<16384xf32, #tpu.memory_space<vmem>>) target_semaphore(%arg9 : memref<!tpu.dma_semaphore, #tpu.memory_space<semaphore_mem>>)
    %scan3A = arith.constant 0 : i32
    %scan3A_67 = arith.constant 0 : i32
    %scan3A_68 = arith.constant 256 : i32
    %scan3A_69 = arith.addi %scan3A_67, %scan3A_68 : i32
    %scan3A_70 = arith.constant 1 : i32
    %scan3A_71 = scf.for %scan3A_666 = %scan3A_67 to %scan3A_69 step %scan3A_70 iter_args(%scan3A_667 = %scan3A) -> (i32)  : i32 {
      %mul3A_668 = arith.constant 4 : i32
      %mul3A_669 = arith.muli %scan3A_666, %mul3A_668 : i32
      %mul3A_670 = arith.constant 16 : i32
      %mul3A_671 = arith.muli %mul3A_669, %mul3A_670 : i32
      %multiple_of3A = tpu.assume_multiple %mul3A_671, 16 : i32
      %add3A_672 = arith.constant 0 : i32
      %add3A_673 = arith.addi %multiple_of3A, %add3A_672 : i32
      %get3A = arith.index_cast %add3A_673 : i32 to index
      %get3A_674 = tpu.vector_load %arg5[%get3A] {strides = array<i32>} : memref<32768xi32, #tpu.memory_space<vmem>>, vector<16xi32>,
      %add3A_675 = arith.constant 0 : i32
      %add3A_676 = vector.broadcast %add3A_675 : i32 to vector<16xi32>
      %add3A_677 = arith.addi %get3A_674, %add3A_676 : vector<16xi32>
      %add3A_678 = arith.constant 16 : i32
      %add3A_679 = arith.addi %multiple_of3A, %add3A_678 : i32
      %get3A_680 = arith.index_cast %add3A_679 : i32 to index
      %get3A_681 = tpu.vector_load %arg5[%get3A_680] {strides = array<i32>} : memref<32768xi32, #tpu.memory_space<vmem>>, vector<16xi32>,
      %add3A_682 = arith.constant 0 : i32
      %add3A_683 = vector.broadcast %add3A_682 : i32 to vector<16xi32>
      %add3A_684 = arith.addi %get3A_681, %add3A_683 : vector<16xi32>
      %add3A_685 = arith.constant 32 : i32
      %add3A_686 = arith.addi %multiple_of3A, %add3A_685 : i32
      %get3A_687 = arith.index_cast %add3A_686 : i32 to index
      %get3A_688 = tpu.vector_load %arg5[%get3A_687] {strides = array<i32>} : memref<32768xi32, #tpu.memory_space<vmem>>, vector<16xi32>,
      %add3A_689 = arith.constant 0 : i32
      %add3A_690 = vector.broadcast %add3A_689 : i32 to vector<16xi32>
      %add3A_691 = arith.addi %get3A_688, %add3A_690 : vector<16xi32>
      %add3A_692 = arith.constant 48 : i32
      %add3A_693 = arith.addi %multiple_of3A, %add3A_692 : i32
      %get3A_694 = arith.index_cast %add3A_693 : i32 to index
      %get3A_695 = tpu.vector_load %arg5[%get3A_694] {strides = array<i32>} : memref<32768xi32, #tpu.memory_space<vmem>>, vector<16xi32>,
      %add3A_696 = arith.constant 0 : i32
      %add3A_697 = vector.broadcast %add3A_696 : i32 to vector<16xi32>
      %add3A_698 = arith.addi %get3A_695, %add3A_697 : vector<16xi32>
      %gather3A = tpu.vector_load_idx %arg6[%add3A_677] : memref<32768xf32, #tpu.memory_space<vmem>>[vector<16xi32>], vector<16xf32>,
      %gather3A_699 = tpu.vector_load_idx %arg6[%add3A_684] : memref<32768xf32, #tpu.memory_space<vmem>>[vector<16xi32>], vector<16xf32>,
      %gather3A_700 = tpu.vector_load_idx %arg6[%add3A_691] : memref<32768xf32, #tpu.memory_space<vmem>>[vector<16xi32>], vector<16xf32>,
      %gather3A_701 = tpu.vector_load_idx %arg6[%add3A_698] : memref<32768xf32, #tpu.memory_space<vmem>>[vector<16xi32>], vector<16xf32>,
      %add3A_702 = arith.constant 0 : i32
      %add3A_703 = arith.addi %multiple_of3A, %add3A_702 : i32
      %swap3A = arith.index_cast %add3A_703 : i32 to index
      %swap3A_704 = tpu.vector_load %arg7[%swap3A] {strides = array<i32>} : memref<32768xf32, #tpu.memory_space<vmem>>, vector<16xf32>,
      tpu.vector_store %arg7[%swap3A], %gather3A {strides = array<i32>} : memref<32768xf32, #tpu.memory_space<vmem>>, vector<16xf32>,
      %add3A_705 = arith.constant 16 : i32
      %add3A_706 = arith.addi %multiple_of3A, %add3A_705 : i32
      %swap3A_707 = arith.index_cast %add3A_706 : i32 to index
      %swap3A_708 = tpu.vector_load %arg7[%swap3A_707] {strides = array<i32>} : memref<32768xf32, #tpu.memory_space<vmem>>, vector<16xf32>,
      tpu.vector_store %arg7[%swap3A_707], %gather3A_699 {strides = array<i32>} : memref<32768xf32, #tpu.memory_space<vmem>>, vector<16xf32>,
      %add3A_709 = arith.constant 32 : i32
      %add3A_710 = arith.addi %multiple_of3A, %add3A_709 : i32
      %swap3A_711 = arith.index_cast %add3A_710 : i32 to index
      %swap3A_712 = tpu.vector_load %arg7[%swap3A_711] {strides = array<i32>} : memref<32768xf32, #tpu.memory_space<vmem>>, vector<16xf32>,
      tpu.vector_store %arg7[%swap3A_711], %gather3A_700 {strides = array<i32>} : memref<32768xf32, #tpu.memory_space<vmem>>, vector<16xf32>,
      %add3A_713 = arith.constant 48 : i32
      %add3A_714 = arith.addi %multiple_of3A, %add3A_713 : i32
      %swap3A_715 = arith.index_cast %add3A_714 : i32 to index
      %swap3A_716 = tpu.vector_load %arg7[%swap3A_715] {strides = array<i32>} : memref<32768xf32, #tpu.memory_space<vmem>>, vector<16xf32>,
      tpu.vector_store %arg7[%swap3A_715], %gather3A_701 {strides = array<i32>} : memref<32768xf32, #tpu.memory_space<vmem>>, vector<16xf32>,
      %scan3A_717 = arith.constant 0 : i32
      scf.yield %scan3A_717 : i32
    }
    %scan3A_72 = arith.constant 256 : i32
    %mul3A_73 = arith.constant 64 : i32
    %mul3A_74 = arith.muli %select_n3A, %mul3A_73 : i32
    %add3A_75 = arith.addi %mul3A_74, %mul3A_32 : i32
    %add3A_76 = arith.constant 0 : i32
    %add3A_77 = arith.addi %add3A_75, %add3A_76 : i32
    %mul3A_78 = arith.constant 1024 : i32
    %mul3A_79 = arith.muli %add3A_77, %mul3A_78 : i32
    %mul3A_80 = arith.constant 32 : i32
    %mul3A_81 = arith.muli %mul3A_79, %mul3A_80 : i32
    %add3A_82 = arith.constant 0 : i32
    %add3A_83 = arith.addi %mul3A_81, %add3A_82 : i32
    %dma_start3A_84 = arith.constant 0 : i32
    %dma_start3A_85 = tpu.memref_slice %arg7[%dma_start3A_84] : memref<32768xf32, #tpu.memory_space<vmem>> -> memref<16384xf32, #tpu.memory_space<vmem>>
    %dma_start3A_86 = tpu.memref_slice %arg4[%add3A_83] : memref<8388608xf32, #tpu.memory_space<hbm>> -> memref<16384xf32, #tpu.memory_space<hbm>>
    %dma_start3A_87 = tpu.memref_slice %arg4[%add3A_83] : memref<8388608xf32, #tpu.memory_space<hbm>> -> memref<16384xf32, #tpu.memory_space<hbm>>
    %dma_start3A_88 = arith.constant 0 : i32
    %dma_start3A_89 = tpu.memref_slice %arg7[%dma_start3A_88] : memref<32768xf32, #tpu.memory_space<vmem>> -> memref<16384xf32, #tpu.memory_space<vmem>>
    tpu.enqueue_dma source(%dma_start3A_89 : memref<16384xf32, #tpu.memory_space<vmem>>) target(%dma_start3A_87 : memref<16384xf32, #tpu.memory_space<hbm>>) target_semaphore(%arg10 : memref<!tpu.dma_semaphore, #tpu.memory_space<semaphore_mem>>)
    %scan3A_90 = arith.constant 0 : i32
    %scan3A_91 = arith.constant 256 : i32
    %scan3A_92 = arith.constant 256 : i32
    %scan3A_93 = arith.addi %scan3A_91, %scan3A_92 : i32
    %scan3A_94 = arith.constant 1 : i32
    %scan3A_95 = scf.for %scan3A_666 = %scan3A_91 to %scan3A_93 step %scan3A_94 iter_args(%scan3A_667 = %scan3A_90) -> (i32)  : i32 {
      %mul3A_668 = arith.constant 4 : i32
      %mul3A_669 = arith.muli %scan3A_666, %mul3A_668 : i32
      %mul3A_670 = arith.constant 16 : i32
      %mul3A_671 = arith.muli %mul3A_669, %mul3A_670 : i32
      %multiple_of3A = tpu.assume_multiple %mul3A_671, 16 : i32
      %add3A_672 = arith.constant 0 : i32
      %add3A_673 = arith.addi %multiple_of3A, %add3A_672 : i32
      %get3A = arith.index_cast %add3A_673 : i32 to index
      %get3A_674 = tpu.vector_load %arg5[%get3A] {strides = array<i32>} : memref<32768xi32, #tpu.memory_space<vmem>>, vector<16xi32>,
      %add3A_675 = arith.constant 0 : i32
      %add3A_676 = vector.broadcast %add3A_675 : i32 to vector<16xi32>
      %add3A_677 = arith.addi %get3A_674, %add3A_676 : vector<16xi32>
      %add3A_678 = arith.constant 16 : i32
      %add3A_679 = arith.addi %multiple_of3A, %add3A_678 : i32
      %get3A_680 = arith.index_cast %add3A_679 : i32 to index
      %get3A_681 = tpu.vector_load %arg5[%get3A_680] {strides = array<i32>} : memref<32768xi32, #tpu.memory_space<vmem>>, vector<16xi32>,
      %add3A_682 = arith.constant 0 : i32
      %add3A_683 = vector.broadcast %add3A_682 : i32 to vector<16xi32>
      %add3A_684 = arith.addi %get3A_681, %add3A_683 : vector<16xi32>
      %add3A_685 = arith.constant 32 : i32
      %add3A_686 = arith.addi %multiple_of3A, %add3A_685 : i32
      %get3A_687 = arith.index_cast %add3A_686 : i32 to index
      %get3A_688 = tpu.vector_load %arg5[%get3A_687] {strides = array<i32>} : memref<32768xi32, #tpu.memory_space<vmem>>, vector<16xi32>,
      %add3A_689 = arith.constant 0 : i32
      %add3A_690 = vector.broadcast %add3A_689 : i32 to vector<16xi32>
      %add3A_691 = arith.addi %get3A_688, %add3A_690 : vector<16xi32>
      %add3A_692 = arith.constant 48 : i32
      %add3A_693 = arith.addi %multiple_of3A, %add3A_692 : i32
      %get3A_694 = arith.index_cast %add3A_693 : i32 to index
      %get3A_695 = tpu.vector_load %arg5[%get3A_694] {strides = array<i32>} : memref<32768xi32, #tpu.memory_space<vmem>>, vector<16xi32>,
      %add3A_696 = arith.constant 0 : i32
      %add3A_697 = vector.broadcast %add3A_696 : i32 to vector<16xi32>
      %add3A_698 = arith.addi %get3A_695, %add3A_697 : vector<16xi32>
      %gather3A = tpu.vector_load_idx %arg6[%add3A_677] : memref<32768xf32, #tpu.memory_space<vmem>>[vector<16xi32>], vector<16xf32>,
      %gather3A_699 = tpu.vector_load_idx %arg6[%add3A_684] : memref<32768xf32, #tpu.memory_space<vmem>>[vector<16xi32>], vector<16xf32>,
      %gather3A_700 = tpu.vector_load_idx %arg6[%add3A_691] : memref<32768xf32, #tpu.memory_space<vmem>>[vector<16xi32>], vector<16xf32>,
      %gather3A_701 = tpu.vector_load_idx %arg6[%add3A_698] : memref<32768xf32, #tpu.memory_space<vmem>>[vector<16xi32>], vector<16xf32>,
      %add3A_702 = arith.constant 0 : i32
      %add3A_703 = arith.addi %multiple_of3A, %add3A_702 : i32
      %swap3A = arith.index_cast %add3A_703 : i32 to index
      %swap3A_704 = tpu.vector_load %arg7[%swap3A] {strides = array<i32>} : memref<32768xf32, #tpu.memory_space<vmem>>, vector<16xf32>,
      tpu.vector_store %arg7[%swap3A], %gather3A {strides = array<i32>} : memref<32768xf32, #tpu.memory_space<vmem>>, vector<16xf32>,
      %add3A_705 = arith.constant 16 : i32
      %add3A_706 = arith.addi %multiple_of3A, %add3A_705 : i32
      %swap3A_707 = arith.index_cast %add3A_706 : i32 to index
      %swap3A_708 = tpu.vector_load %arg7[%swap3A_707] {strides = array<i32>} : memref<32768xf32, #tpu.memory_space<vmem>>, vector<16xf32>,
      tpu.vector_store %arg7[%swap3A_707], %gather3A_699 {strides = array<i32>} : memref<32768xf32, #tpu.memory_space<vmem>>, vector<16xf32>,
      %add3A_709 = arith.constant 32 : i32
      %add3A_710 = arith.addi %multiple_of3A, %add3A_709 : i32
      %swap3A_711 = arith.index_cast %add3A_710 : i32 to index
      %swap3A_712 = tpu.vector_load %arg7[%swap3A_711] {strides = array<i32>} : memref<32768xf32, #tpu.memory_space<vmem>>, vector<16xf32>,
      tpu.vector_store %arg7[%swap3A_711], %gather3A_700 {strides = array<i32>} : memref<32768xf32, #tpu.memory_space<vmem>>, vector<16xf32>,
      %add3A_713 = arith.constant 48 : i32
      %add3A_714 = arith.addi %multiple_of3A, %add3A_713 : i32
      %swap3A_715 = arith.index_cast %add3A_714 : i32 to index
      %swap3A_716 = tpu.vector_load %arg7[%swap3A_715] {strides = array<i32>} : memref<32768xf32, #tpu.memory_space<vmem>>, vector<16xf32>,
      tpu.vector_store %arg7[%swap3A_715], %gather3A_701 {strides = array<i32>} : memref<32768xf32, #tpu.memory_space<vmem>>, vector<16xf32>,
      %scan3A_717 = arith.constant 0 : i32
      scf.yield %scan3A_717 : i32
    }
    %scan3A_96 = arith.constant 256 : i32
    %mul3A_97 = arith.constant 64 : i32
    %mul3A_98 = arith.muli %select_n3A, %mul3A_97 : i32
    %add3A_99 = arith.addi %mul3A_98, %mul3A_32 : i32
    %add3A_100 = arith.constant 0 : i32
    %add3A_101 = arith.addi %add3A_99, %add3A_100 : i32
    %mul3A_102 = arith.constant 1024 : i32
    %mul3A_103 = arith.muli %add3A_101, %mul3A_102 : i32
    %mul3A_104 = arith.constant 32 : i32
    %mul3A_105 = arith.muli %mul3A_103, %mul3A_104 : i32
    %add3A_106 = arith.constant 16384 : i32
    %add3A_107 = arith.addi %mul3A_105, %add3A_106 : i32
    %dma_start3A_108 = arith.constant 16384 : i32
    %dma_start3A_109 = tpu.memref_slice %arg7[%dma_start3A_108] : memref<32768xf32, #tpu.memory_space<vmem>> -> memref<16384xf32, #tpu.memory_space<vmem>>
    %dma_start3A_110 = tpu.memref_slice %arg4[%add3A_107] : memref<8388608xf32, #tpu.memory_space<hbm>> -> memref<16384xf32, #tpu.memory_space<hbm>>
    %dma_start3A_111 = tpu.memref_slice %arg4[%add3A_107] : memref<8388608xf32, #tpu.memory_space<hbm>> -> memref<16384xf32, #tpu.memory_space<hbm>>
    %dma_start3A_112 = arith.constant 16384 : i32
    %dma_start3A_113 = tpu.memref_slice %arg7[%dma_start3A_112] : memref<32768xf32, #tpu.memory_space<vmem>> -> memref<16384xf32, #tpu.memory_space<vmem>>
    tpu.enqueue_dma source(%dma_start3A_113 : memref<16384xf32, #tpu.memory_space<vmem>>) target(%dma_start3A_111 : memref<16384xf32, #tpu.memory_space<hbm>>) target_semaphore(%arg11 : memref<!tpu.dma_semaphore, #tpu.memory_space<semaphore_mem>>)
    %dma_wait3A_114 = arith.constant 16384 : i32
    %dma_wait3A_115 = tpu.memref_slice %arg6[%dma_wait3A_114] : memref<32768xf32, #tpu.memory_space<vmem>> -> memref<16384xf32, #tpu.memory_space<vmem>>
    %dma_wait3A_116 = tpu.memref_slice %arg2[%mul3A_60] : memref<4194304xf32, #tpu.memory_space<hbm>> -> memref<16384xf32, #tpu.memory_space<hbm>>
    %dma_wait3A_117 = arith.constant 16384 : i32
    %dma_wait3A_118 = tpu.memref_slice %arg6[%dma_wait3A_117] : memref<32768xf32, #tpu.memory_space<vmem>> -> memref<16384xf32, #tpu.memory_space<vmem>>
    %dma_wait3A_119 = tpu.memref_slice %arg2[%mul3A_60] : memref<4194304xf32, #tpu.memory_space<hbm>> -> memref<16384xf32, #tpu.memory_space<hbm>>
    tpu.wait_dma2 semaphore(%arg9 : memref<!tpu.dma_semaphore, #tpu.memory_space<semaphore_mem>>) src(%dma_wait3A_119 : memref<16384xf32, #tpu.memory_space<hbm>>) dst(%dma_wait3A_118 : memref<16384xf32, #tpu.memory_space<vmem>>)
    %mul3A_120 = arith.constant 64 : i32
    %mul3A_121 = arith.muli %select_n3A, %mul3A_120 : i32
    %add3A_122 = arith.addi %mul3A_121, %mul3A_32 : i32
    %add3A_123 = arith.constant 2 : i32
    %add3A_124 = arith.addi %add3A_122, %add3A_123 : i32
    %mul3A_125 = arith.constant 16384 : i32
    %mul3A_126 = arith.muli %add3A_124, %mul3A_125 : i32
    %dma_start3A_127 = arith.constant 0 : i32
    %dma_start3A_128 = tpu.memref_slice %arg6[%dma_start3A_127] : memref<32768xf32, #tpu.memory_space<vmem>> -> memref<16384xf32, #tpu.memory_space<vmem>>
    %dma_start3A_129 = tpu.memref_slice %arg2[%mul3A_126] : memref<4194304xf32, #tpu.memory_space<hbm>> -> memref<16384xf32, #tpu.memory_space<hbm>>
    %dma_start3A_130 = arith.constant 0 : i32
    %dma_start3A_131 = tpu.memref_slice %arg6[%dma_start3A_130] : memref<32768xf32, #tpu.memory_space<vmem>> -> memref<16384xf32, #tpu.memory_space<vmem>>
    %dma_start3A_132 = tpu.memref_slice %arg2[%mul3A_126] : memref<4194304xf32, #tpu.memory_space<hbm>> -> memref<16384xf32, #tpu.memory_space<hbm>>
    tpu.enqueue_dma source(%dma_start3A_132 : memref<16384xf32, #tpu.memory_space<hbm>>) target(%dma_start3A_131 : memref<16384xf32, #tpu.memory_space<vmem>>) target_semaphore(%arg8 : memref<!tpu.dma_semaphore, #tpu.memory_space<semaphore_mem>>)
    %dma_wait3A_133 = arith.constant 0 : i32
    %dma_wait3A_134 = tpu.memref_slice %arg7[%dma_wait3A_133] : memref<32768xf32, #tpu.memory_space<vmem>> -> memref<16384xf32, #tpu.memory_space<vmem>>
    %dma_wait3A_135 = tpu.memref_slice %arg4[%add3A_83] : memref<8388608xf32, #tpu.memory_space<hbm>> -> memref<16384xf32, #tpu.memory_space<hbm>>
    %dma_wait3A_136 = tpu.memref_slice %arg4[%add3A_83] : memref<8388608xf32, #tpu.memory_space<hbm>> -> memref<16384xf32, #tpu.memory_space<hbm>>
    %dma_wait3A_137 = arith.constant 0 : i32
    %dma_wait3A_138 = tpu.memref_slice %arg7[%dma_wait3A_137] : memref<32768xf32, #tpu.memory_space<vmem>> -> memref<16384xf32, #tpu.memory_space<vmem>>
    tpu.wait_dma2 semaphore(%arg10 : memref<!tpu.dma_semaphore, #tpu.memory_space<semaphore_mem>>) src(%dma_wait3A_138 : memref<16384xf32, #tpu.memory_space<vmem>>) dst(%dma_wait3A_136 : memref<16384xf32, #tpu.memory_space<hbm>>)
    %scan3A_139 = arith.constant 0 : i32
    %scan3A_140 = arith.constant 0 : i32
    %scan3A_141 = arith.constant 256 : i32
    %scan3A_142 = arith.addi %scan3A_140, %scan3A_141 : i32
    %scan3A_143 = arith.constant 1 : i32
    %scan3A_144 = scf.for %scan3A_666 = %scan3A_140 to %scan3A_142 step %scan3A_143 iter_args(%scan3A_667 = %scan3A_139) -> (i32)  : i32 {
      %mul3A_668 = arith.constant 4 : i32
      %mul3A_669 = arith.muli %scan3A_666, %mul3A_668 : i32
      %mul3A_670 = arith.constant 16 : i32
      %mul3A_671 = arith.muli %mul3A_669, %mul3A_670 : i32
      %multiple_of3A = tpu.assume_multiple %mul3A_671, 16 : i32
      %add3A_672 = arith.constant 0 : i32
      %add3A_673 = arith.addi %multiple_of3A, %add3A_672 : i32
      %get3A = arith.index_cast %add3A_673 : i32 to index
      %get3A_674 = tpu.vector_load %arg5[%get3A] {strides = array<i32>} : memref<32768xi32, #tpu.memory_space<vmem>>, vector<16xi32>,
      %add3A_675 = arith.constant 16384 : i32
      %add3A_676 = vector.broadcast %add3A_675 : i32 to vector<16xi32>
      %add3A_677 = arith.addi %get3A_674, %add3A_676 : vector<16xi32>
      %add3A_678 = arith.constant 16 : i32
      %add3A_679 = arith.addi %multiple_of3A, %add3A_678 : i32
      %get3A_680 = arith.index_cast %add3A_679 : i32 to index
      %get3A_681 = tpu.vector_load %arg5[%get3A_680] {strides = array<i32>} : memref<32768xi32, #tpu.memory_space<vmem>>, vector<16xi32>,
      %add3A_682 = arith.constant 16384 : i32
      %add3A_683 = vector.broadcast %add3A_682 : i32 to vector<16xi32>
      %add3A_684 = arith.addi %get3A_681, %add3A_683 : vector<16xi32>
      %add3A_685 = arith.constant 32 : i32
      %add3A_686 = arith.addi %multiple_of3A, %add3A_685 : i32
      %get3A_687 = arith.index_cast %add3A_686 : i32 to index
      %get3A_688 = tpu.vector_load %arg5[%get3A_687] {strides = array<i32>} : memref<32768xi32, #tpu.memory_space<vmem>>, vector<16xi32>,
      %add3A_689 = arith.constant 16384 : i32
      %add3A_690 = vector.broadcast %add3A_689 : i32 to vector<16xi32>
      %add3A_691 = arith.addi %get3A_688, %add3A_690 : vector<16xi32>
      %add3A_692 = arith.constant 48 : i32
      %add3A_693 = arith.addi %multiple_of3A, %add3A_692 : i32
      %get3A_694 = arith.index_cast %add3A_693 : i32 to index
      %get3A_695 = tpu.vector_load %arg5[%get3A_694] {strides = array<i32>} : memref<32768xi32, #tpu.memory_space<vmem>>, vector<16xi32>,
      %add3A_696 = arith.constant 16384 : i32
      %add3A_697 = vector.broadcast %add3A_696 : i32 to vector<16xi32>
      %add3A_698 = arith.addi %get3A_695, %add3A_697 : vector<16xi32>
      %gather3A = tpu.vector_load_idx %arg6[%add3A_677] : memref<32768xf32, #tpu.memory_space<vmem>>[vector<16xi32>], vector<16xf32>,
      %gather3A_699 = tpu.vector_load_idx %arg6[%add3A_684] : memref<32768xf32, #tpu.memory_space<vmem>>[vector<16xi32>], vector<16xf32>,
      %gather3A_700 = tpu.vector_load_idx %arg6[%add3A_691] : memref<32768xf32, #tpu.memory_space<vmem>>[vector<16xi32>], vector<16xf32>,
      %gather3A_701 = tpu.vector_load_idx %arg6[%add3A_698] : memref<32768xf32, #tpu.memory_space<vmem>>[vector<16xi32>], vector<16xf32>,
      %add3A_702 = arith.constant 0 : i32
      %add3A_703 = arith.addi %multiple_of3A, %add3A_702 : i32
      %swap3A = arith.index_cast %add3A_703 : i32 to index
      %swap3A_704 = tpu.vector_load %arg7[%swap3A] {strides = array<i32>} : memref<32768xf32, #tpu.memory_space<vmem>>, vector<16xf32>,
      tpu.vector_store %arg7[%swap3A], %gather3A {strides = array<i32>} : memref<32768xf32, #tpu.memory_space<vmem>>, vector<16xf32>,
      %add3A_705 = arith.constant 16 : i32
      %add3A_706 = arith.addi %multiple_of3A, %add3A_705 : i32
      %swap3A_707 = arith.index_cast %add3A_706 : i32 to index
      %swap3A_708 = tpu.vector_load %arg7[%swap3A_707] {strides = array<i32>} : memref<32768xf32, #tpu.memory_space<vmem>>, vector<16xf32>,
      tpu.vector_store %arg7[%swap3A_707], %gather3A_699 {strides = array<i32>} : memref<32768xf32, #tpu.memory_space<vmem>>, vector<16xf32>,
      %add3A_709 = arith.constant 32 : i32
      %add3A_710 = arith.addi %multiple_of3A, %add3A_709 : i32
      %swap3A_711 = arith.index_cast %add3A_710 : i32 to index
      %swap3A_712 = tpu.vector_load %arg7[%swap3A_711] {strides = array<i32>} : memref<32768xf32, #tpu.memory_space<vmem>>, vector<16xf32>,
      tpu.vector_store %arg7[%swap3A_711], %gather3A_700 {strides = array<i32>} : memref<32768xf32, #tpu.memory_space<vmem>>, vector<16xf32>,
      %add3A_713 = arith.constant 48 : i32
      %add3A_714 = arith.addi %multiple_of3A, %add3A_713 : i32
      %swap3A_715 = arith.index_cast %add3A_714 : i32 to index
      %swap3A_716 = tpu.vector_load %arg7[%swap3A_715] {strides = array<i32>} : memref<32768xf32, #tpu.memory_space<vmem>>, vector<16xf32>,
      tpu.vector_store %arg7[%swap3A_715], %gather3A_701 {strides = array<i32>} : memref<32768xf32, #tpu.memory_space<vmem>>, vector<16xf32>,
      %scan3A_717 = arith.constant 0 : i32
      scf.yield %scan3A_717 : i32
    }
    %scan3A_145 = arith.constant 256 : i32
    %mul3A_146 = arith.constant 64 : i32
    %mul3A_147 = arith.muli %select_n3A, %mul3A_146 : i32
    %add3A_148 = arith.addi %mul3A_147, %mul3A_32 : i32
    %add3A_149 = arith.constant 1 : i32
    %add3A_150 = arith.addi %add3A_148, %add3A_149 : i32
    %mul3A_151 = arith.constant 1024 : i32
    %mul3A_152 = arith.muli %add3A_150, %mul3A_151 : i32
    %mul3A_153 = arith.constant 32 : i32
    %mul3A_154 = arith.muli %mul3A_152, %mul3A_153 : i32
    %add3A_155 = arith.constant 0 : i32
    %add3A_156 = arith.addi %mul3A_154, %add3A_155 : i32
    %dma_start3A_157 = arith.constant 0 : i32
    %dma_start3A_158 = tpu.memref_slice %arg7[%dma_start3A_157] : memref<32768xf32, #tpu.memory_space<vmem>> -> memref<16384xf32, #tpu.memory_space<vmem>>
    %dma_start3A_159 = tpu.memref_slice %arg4[%add3A_156] : memref<8388608xf32, #tpu.memory_space<hbm>> -> memref<16384xf32, #tpu.memory_space<hbm>>
    %dma_start3A_160 = tpu.memref_slice %arg4[%add3A_156] : memref<8388608xf32, #tpu.memory_space<hbm>> -> memref<16384xf32, #tpu.memory_space<hbm>>
    %dma_start3A_161 = arith.constant 0 : i32
    %dma_start3A_162 = tpu.memref_slice %arg7[%dma_start3A_161] : memref<32768xf32, #tpu.memory_space<vmem>> -> memref<16384xf32, #tpu.memory_space<vmem>>
    tpu.enqueue_dma source(%dma_start3A_162 : memref<16384xf32, #tpu.memory_space<vmem>>) target(%dma_start3A_160 : memref<16384xf32, #tpu.memory_space<hbm>>) target_semaphore(%arg10 : memref<!tpu.dma_semaphore, #tpu.memory_space<semaphore_mem>>)
    %dma_wait3A_163 = arith.constant 16384 : i32
    %dma_wait3A_164 = tpu.memref_slice %arg7[%dma_wait3A_163] : memref<32768xf32, #tpu.memory_space<vmem>> -> memref<16384xf32, #tpu.memory_space<vmem>>
    %dma_wait3A_165 = tpu.memref_slice %arg4[%add3A_107] : memref<8388608xf32, #tpu.memory_space<hbm>> -> memref<16384xf32, #tpu.memory_space<hbm>>
    %dma_wait3A_166 = tpu.memref_slice %arg4[%add3A_107] : memref<8388608xf32, #tpu.memory_space<hbm>> -> memref<16384xf32, #tpu.memory_space<hbm>>
    %dma_wait3A_167 = arith.constant 16384 : i32
    %dma_wait3A_168 = tpu.memref_slice %arg7[%dma_wait3A_167] : memref<32768xf32, #tpu.memory_space<vmem>> -> memref<16384xf32, #tpu.memory_space<vmem>>
    tpu.wait_dma2 semaphore(%arg11 : memref<!tpu.dma_semaphore, #tpu.memory_space<semaphore_mem>>) src(%dma_wait3A_168 : memref<16384xf32, #tpu.memory_space<vmem>>) dst(%dma_wait3A_166 : memref<16384xf32, #tpu.memory_space<hbm>>)
    %scan3A_169 = arith.constant 0 : i32
    %scan3A_170 = arith.constant 256 : i32
    %scan3A_171 = arith.constant 256 : i32
    %scan3A_172 = arith.addi %scan3A_170, %scan3A_171 : i32
    %scan3A_173 = arith.constant 1 : i32
    %scan3A_174 = scf.for %scan3A_666 = %scan3A_170 to %scan3A_172 step %scan3A_173 iter_args(%scan3A_667 = %scan3A_169) -> (i32)  : i32 {
      %mul3A_668 = arith.constant 4 : i32
      %mul3A_669 = arith.muli %scan3A_666, %mul3A_668 : i32
      %mul3A_670 = arith.constant 16 : i32
      %mul3A_671 = arith.muli %mul3A_669, %mul3A_670 : i32
      %multiple_of3A = tpu.assume_multiple %mul3A_671, 16 : i32
      %add3A_672 = arith.constant 0 : i32
      %add3A_673 = arith.addi %multiple_of3A, %add3A_672 : i32
      %get3A = arith.index_cast %add3A_673 : i32 to index
      %get3A_674 = tpu.vector_load %arg5[%get3A] {strides = array<i32>} : memref<32768xi32, #tpu.memory_space<vmem>>, vector<16xi32>,
      %add3A_675 = arith.constant 16384 : i32
      %add3A_676 = vector.broadcast %add3A_675 : i32 to vector<16xi32>
      %add3A_677 = arith.addi %get3A_674, %add3A_676 : vector<16xi32>
      %add3A_678 = arith.constant 16 : i32
      %add3A_679 = arith.addi %multiple_of3A, %add3A_678 : i32
      %get3A_680 = arith.index_cast %add3A_679 : i32 to index
      %get3A_681 = tpu.vector_load %arg5[%get3A_680] {strides = array<i32>} : memref<32768xi32, #tpu.memory_space<vmem>>, vector<16xi32>,
      %add3A_682 = arith.constant 16384 : i32
      %add3A_683 = vector.broadcast %add3A_682 : i32 to vector<16xi32>
      %add3A_684 = arith.addi %get3A_681, %add3A_683 : vector<16xi32>
      %add3A_685 = arith.constant 32 : i32
      %add3A_686 = arith.addi %multiple_of3A, %add3A_685 : i32
      %get3A_687 = arith.index_cast %add3A_686 : i32 to index
      %get3A_688 = tpu.vector_load %arg5[%get3A_687] {strides = array<i32>} : memref<32768xi32, #tpu.memory_space<vmem>>, vector<16xi32>,
      %add3A_689 = arith.constant 16384 : i32
      %add3A_690 = vector.broadcast %add3A_689 : i32 to vector<16xi32>
      %add3A_691 = arith.addi %get3A_688, %add3A_690 : vector<16xi32>
      %add3A_692 = arith.constant 48 : i32
      %add3A_693 = arith.addi %multiple_of3A, %add3A_692 : i32
      %get3A_694 = arith.index_cast %add3A_693 : i32 to index
      %get3A_695 = tpu.vector_load %arg5[%get3A_694] {strides = array<i32>} : memref<32768xi32, #tpu.memory_space<vmem>>, vector<16xi32>,
      %add3A_696 = arith.constant 16384 : i32
      %add3A_697 = vector.broadcast %add3A_696 : i32 to vector<16xi32>
      %add3A_698 = arith.addi %get3A_695, %add3A_697 : vector<16xi32>
      %gather3A = tpu.vector_load_idx %arg6[%add3A_677] : memref<32768xf32, #tpu.memory_space<vmem>>[vector<16xi32>], vector<16xf32>,
      %gather3A_699 = tpu.vector_load_idx %arg6[%add3A_684] : memref<32768xf32, #tpu.memory_space<vmem>>[vector<16xi32>], vector<16xf32>,
      %gather3A_700 = tpu.vector_load_idx %arg6[%add3A_691] : memref<32768xf32, #tpu.memory_space<vmem>>[vector<16xi32>], vector<16xf32>,
      %gather3A_701 = tpu.vector_load_idx %arg6[%add3A_698] : memref<32768xf32, #tpu.memory_space<vmem>>[vector<16xi32>], vector<16xf32>,
      %add3A_702 = arith.constant 0 : i32
      %add3A_703 = arith.addi %multiple_of3A, %add3A_702 : i32
      %swap3A = arith.index_cast %add3A_703 : i32 to index
      %swap3A_704 = tpu.vector_load %arg7[%swap3A] {strides = array<i32>} : memref<32768xf32, #tpu.memory_space<vmem>>, vector<16xf32>,
      tpu.vector_store %arg7[%swap3A], %gather3A {strides = array<i32>} : memref<32768xf32, #tpu.memory_space<vmem>>, vector<16xf32>,
      %add3A_705 = arith.constant 16 : i32
      %add3A_706 = arith.addi %multiple_of3A, %add3A_705 : i32
      %swap3A_707 = arith.index_cast %add3A_706 : i32 to index
      %swap3A_708 = tpu.vector_load %arg7[%swap3A_707] {strides = array<i32>} : memref<32768xf32, #tpu.memory_space<vmem>>, vector<16xf32>,
      tpu.vector_store %arg7[%swap3A_707], %gather3A_699 {strides = array<i32>} : memref<32768xf32, #tpu.memory_space<vmem>>, vector<16xf32>,
      %add3A_709 = arith.constant 32 : i32
      %add3A_710 = arith.addi %multiple_of3A, %add3A_709 : i32
      %swap3A_711 = arith.index_cast %add3A_710 : i32 to index
      %swap3A_712 = tpu.vector_load %arg7[%swap3A_711] {strides = array<i32>} : memref<32768xf32, #tpu.memory_space<vmem>>, vector<16xf32>,
      tpu.vector_store %arg7[%swap3A_711], %gather3A_700 {strides = array<i32>} : memref<32768xf32, #tpu.memory_space<vmem>>, vector<16xf32>,
      %add3A_713 = arith.constant 48 : i32
      %add3A_714 = arith.addi %multiple_of3A, %add3A_713 : i32
      %swap3A_715 = arith.index_cast %add3A_714 : i32 to index
      %swap3A_716 = tpu.vector_load %arg7[%swap3A_715] {strides = array<i32>} : memref<32768xf32, #tpu.memory_space<vmem>>, vector<16xf32>,
      tpu.vector_store %arg7[%swap3A_715], %gather3A_701 {strides = array<i32>} : memref<32768xf32, #tpu.memory_space<vmem>>, vector<16xf32>,
      %scan3A_717 = arith.constant 0 : i32
      scf.yield %scan3A_717 : i32
    }
    %scan3A_175 = arith.constant 256 : i32
    %mul3A_176 = arith.constant 64 : i32
    %mul3A_177 = arith.muli %select_n3A, %mul3A_176 : i32
    %add3A_178 = arith.addi %mul3A_177, %mul3A_32 : i32
    %add3A_179 = arith.constant 1 : i32
    %add3A_180 = arith.addi %add3A_178, %add3A_179 : i32
    %mul3A_181 = arith.constant 1024 : i32
    %mul3A_182 = arith.muli %add3A_180, %mul3A_181 : i32
    %mul3A_183 = arith.constant 32 : i32
    %mul3A_184 = arith.muli %mul3A_182, %mul3A_183 : i32
    %add3A_185 = arith.constant 16384 : i32
    %add3A_186 = arith.addi %mul3A_184, %add3A_185 : i32
    %dma_start3A_187 = arith.constant 16384 : i32
    %dma_start3A_188 = tpu.memref_slice %arg7[%dma_start3A_187] : memref<32768xf32, #tpu.memory_space<vmem>> -> memref<16384xf32, #tpu.memory_space<vmem>>
    %dma_start3A_189 = tpu.memref_slice %arg4[%add3A_186] : memref<8388608xf32, #tpu.memory_space<hbm>> -> memref<16384xf32, #tpu.memory_space<hbm>>
    %dma_start3A_190 = tpu.memref_slice %arg4[%add3A_186] : memref<8388608xf32, #tpu.memory_space<hbm>> -> memref<16384xf32, #tpu.memory_space<hbm>>
    %dma_start3A_191 = arith.constant 16384 : i32
    %dma_start3A_192 = tpu.memref_slice %arg7[%dma_start3A_191] : memref<32768xf32, #tpu.memory_space<vmem>> -> memref<16384xf32, #tpu.memory_space<vmem>>
    tpu.enqueue_dma source(%dma_start3A_192 : memref<16384xf32, #tpu.memory_space<vmem>>) target(%dma_start3A_190 : memref<16384xf32, #tpu.memory_space<hbm>>) target_semaphore(%arg11 : memref<!tpu.dma_semaphore, #tpu.memory_space<semaphore_mem>>)
    %dma_wait3A_193 = arith.constant 0 : i32
    %dma_wait3A_194 = tpu.memref_slice %arg6[%dma_wait3A_193] : memref<32768xf32, #tpu.memory_space<vmem>> -> memref<16384xf32, #tpu.memory_space<vmem>>
    %dma_wait3A_195 = tpu.memref_slice %arg2[%mul3A_126] : memref<4194304xf32, #tpu.memory_space<hbm>> -> memref<16384xf32, #tpu.memory_space<hbm>>
    %dma_wait3A_196 = arith.constant 0 : i32
    %dma_wait3A_197 = tpu.memref_slice %arg6[%dma_wait3A_196] : memref<32768xf32, #tpu.memory_space<vmem>> -> memref<16384xf32, #tpu.memory_space<vmem>>
    %dma_wait3A_198 = tpu.memref_slice %arg2[%mul3A_126] : memref<4194304xf32, #tpu.memory_space<hbm>> -> memref<16384xf32, #tpu.memory_space<hbm>>
    tpu.wait_dma2 semaphore(%arg8 : memref<!tpu.dma_semaphore, #tpu.memory_space<semaphore_mem>>) src(%dma_wait3A_198 : memref<16384xf32, #tpu.memory_space<hbm>>) dst(%dma_wait3A_197 : memref<16384xf32, #tpu.memory_space<vmem>>)
    %mul3A_199 = arith.constant 64 : i32
    %mul3A_200 = arith.muli %select_n3A, %mul3A_199 : i32
    %add3A_201 = arith.addi %mul3A_200, %mul3A_32 : i32
    %add3A_202 = arith.constant 3 : i32
    %add3A_203 = arith.addi %add3A_201, %add3A_202 : i32
    %mul3A_204 = arith.constant 16384 : i32
    %mul3A_205 = arith.muli %add3A_203, %mul3A_204 : i32
    %dma_start3A_206 = arith.constant 16384 : i32
    %dma_start3A_207 = tpu.memref_slice %arg6[%dma_start3A_206] : memref<32768xf32, #tpu.memory_space<vmem>> -> memref<16384xf32, #tpu.memory_space<vmem>>
    %dma_start3A_208 = tpu.memref_slice %arg2[%mul3A_205] : memref<4194304xf32, #tpu.memory_space<hbm>> -> memref<16384xf32, #tpu.memory_space<hbm>>
    %dma_start3A_209 = arith.constant 16384 : i32
    %dma_start3A_210 = tpu.memref_slice %arg6[%dma_start3A_209] : memref<32768xf32, #tpu.memory_space<vmem>> -> memref<16384xf32, #tpu.memory_space<vmem>>
    %dma_start3A_211 = tpu.memref_slice %arg2[%mul3A_205] : memref<4194304xf32, #tpu.memory_space<hbm>> -> memref<16384xf32, #tpu.memory_space<hbm>>
    tpu.enqueue_dma source(%dma_start3A_211 : memref<16384xf32, #tpu.memory_space<hbm>>) target(%dma_start3A_210 : memref<16384xf32, #tpu.memory_space<vmem>>) target_semaphore(%arg9 : memref<!tpu.dma_semaphore, #tpu.memory_space<semaphore_mem>>)
    %dma_wait3A_212 = arith.constant 0 : i32
    %dma_wait3A_213 = tpu.memref_slice %arg7[%dma_wait3A_212] : memref<32768xf32, #tpu.memory_space<vmem>> -> memref<16384xf32, #tpu.memory_space<vmem>>
    %dma_wait3A_214 = tpu.memref_slice %arg4[%add3A_156] : memref<8388608xf32, #tpu.memory_space<hbm>> -> memref<16384xf32, #tpu.memory_space<hbm>>
    %dma_wait3A_215 = tpu.memref_slice %arg4[%add3A_156] : memref<8388608xf32, #tpu.memory_space<hbm>> -> memref<16384xf32, #tpu.memory_space<hbm>>
    %dma_wait3A_216 = arith.constant 0 : i32
    %dma_wait3A_217 = tpu.memref_slice %arg7[%dma_wait3A_216] : memref<32768xf32, #tpu.memory_space<vmem>> -> memref<16384xf32, #tpu.memory_space<vmem>>
    tpu.wait_dma2 semaphore(%arg10 : memref<!tpu.dma_semaphore, #tpu.memory_space<semaphore_mem>>) src(%dma_wait3A_217 : memref<16384xf32, #tpu.memory_space<vmem>>) dst(%dma_wait3A_215 : memref<16384xf32, #tpu.memory_space<hbm>>)
    %scan3A_218 = arith.constant 0 : i32
    %scan3A_219 = arith.constant 0 : i32
    %scan3A_220 = arith.constant 256 : i32
    %scan3A_221 = arith.addi %scan3A_219, %scan3A_220 : i32
    %scan3A_222 = arith.constant 1 : i32
    %scan3A_223 = scf.for %scan3A_666 = %scan3A_219 to %scan3A_221 step %scan3A_222 iter_args(%scan3A_667 = %scan3A_218) -> (i32)  : i32 {
      %mul3A_668 = arith.constant 4 : i32
      %mul3A_669 = arith.muli %scan3A_666, %mul3A_668 : i32
      %mul3A_670 = arith.constant 16 : i32
      %mul3A_671 = arith.muli %mul3A_669, %mul3A_670 : i32
      %multiple_of3A = tpu.assume_multiple %mul3A_671, 16 : i32
      %add3A_672 = arith.constant 0 : i32
      %add3A_673 = arith.addi %multiple_of3A, %add3A_672 : i32
      %get3A = arith.index_cast %add3A_673 : i32 to index
      %get3A_674 = tpu.vector_load %arg5[%get3A] {strides = array<i32>} : memref<32768xi32, #tpu.memory_space<vmem>>, vector<16xi32>,
      %add3A_675 = arith.constant 0 : i32
      %add3A_676 = vector.broadcast %add3A_675 : i32 to vector<16xi32>
      %add3A_677 = arith.addi %get3A_674, %add3A_676 : vector<16xi32>
      %add3A_678 = arith.constant 16 : i32
      %add3A_679 = arith.addi %multiple_of3A, %add3A_678 : i32
      %get3A_680 = arith.index_cast %add3A_679 : i32 to index
      %get3A_681 = tpu.vector_load %arg5[%get3A_680] {strides = array<i32>} : memref<32768xi32, #tpu.memory_space<vmem>>, vector<16xi32>,
      %add3A_682 = arith.constant 0 : i32
      %add3A_683 = vector.broadcast %add3A_682 : i32 to vector<16xi32>
      %add3A_684 = arith.addi %get3A_681, %add3A_683 : vector<16xi32>
      %add3A_685 = arith.constant 32 : i32
      %add3A_686 = arith.addi %multiple_of3A, %add3A_685 : i32
      %get3A_687 = arith.index_cast %add3A_686 : i32 to index
      %get3A_688 = tpu.vector_load %arg5[%get3A_687] {strides = array<i32>} : memref<32768xi32, #tpu.memory_space<vmem>>, vector<16xi32>,
      %add3A_689 = arith.constant 0 : i32
      %add3A_690 = vector.broadcast %add3A_689 : i32 to vector<16xi32>
      %add3A_691 = arith.addi %get3A_688, %add3A_690 : vector<16xi32>
      %add3A_692 = arith.constant 48 : i32
      %add3A_693 = arith.addi %multiple_of3A, %add3A_692 : i32
      %get3A_694 = arith.index_cast %add3A_693 : i32 to index
      %get3A_695 = tpu.vector_load %arg5[%get3A_694] {strides = array<i32>} : memref<32768xi32, #tpu.memory_space<vmem>>, vector<16xi32>,
      %add3A_696 = arith.constant 0 : i32
      %add3A_697 = vector.broadcast %add3A_696 : i32 to vector<16xi32>
      %add3A_698 = arith.addi %get3A_695, %add3A_697 : vector<16xi32>
      %gather3A = tpu.vector_load_idx %arg6[%add3A_677] : memref<32768xf32, #tpu.memory_space<vmem>>[vector<16xi32>], vector<16xf32>,
      %gather3A_699 = tpu.vector_load_idx %arg6[%add3A_684] : memref<32768xf32, #tpu.memory_space<vmem>>[vector<16xi32>], vector<16xf32>,
      %gather3A_700 = tpu.vector_load_idx %arg6[%add3A_691] : memref<32768xf32, #tpu.memory_space<vmem>>[vector<16xi32>], vector<16xf32>,
      %gather3A_701 = tpu.vector_load_idx %arg6[%add3A_698] : memref<32768xf32, #tpu.memory_space<vmem>>[vector<16xi32>], vector<16xf32>,
      %add3A_702 = arith.constant 0 : i32
      %add3A_703 = arith.addi %multiple_of3A, %add3A_702 : i32
      %swap3A = arith.index_cast %add3A_703 : i32 to index
      %swap3A_704 = tpu.vector_load %arg7[%swap3A] {strides = array<i32>} : memref<32768xf32, #tpu.memory_space<vmem>>, vector<16xf32>,
      tpu.vector_store %arg7[%swap3A], %gather3A {strides = array<i32>} : memref<32768xf32, #tpu.memory_space<vmem>>, vector<16xf32>,
      %add3A_705 = arith.constant 16 : i32
      %add3A_706 = arith.addi %multiple_of3A, %add3A_705 : i32
      %swap3A_707 = arith.index_cast %add3A_706 : i32 to index
      %swap3A_708 = tpu.vector_load %arg7[%swap3A_707] {strides = array<i32>} : memref<32768xf32, #tpu.memory_space<vmem>>, vector<16xf32>,
      tpu.vector_store %arg7[%swap3A_707], %gather3A_699 {strides = array<i32>} : memref<32768xf32, #tpu.memory_space<vmem>>, vector<16xf32>,
      %add3A_709 = arith.constant 32 : i32
      %add3A_710 = arith.addi %multiple_of3A, %add3A_709 : i32
      %swap3A_711 = arith.index_cast %add3A_710 : i32 to index
      %swap3A_712 = tpu.vector_load %arg7[%swap3A_711] {strides = array<i32>} : memref<32768xf32, #tpu.memory_space<vmem>>, vector<16xf32>,
      tpu.vector_store %arg7[%swap3A_711], %gather3A_700 {strides = array<i32>} : memref<32768xf32, #tpu.memory_space<vmem>>, vector<16xf32>,
      %add3A_713 = arith.constant 48 : i32
      %add3A_714 = arith.addi %multiple_of3A, %add3A_713 : i32
      %swap3A_715 = arith.index_cast %add3A_714 : i32 to index
      %swap3A_716 = tpu.vector_load %arg7[%swap3A_715] {strides = array<i32>} : memref<32768xf32, #tpu.memory_space<vmem>>, vector<16xf32>,
      tpu.vector_store %arg7[%swap3A_715], %gather3A_701 {strides = array<i32>} : memref<32768xf32, #tpu.memory_space<vmem>>, vector<16xf32>,
      %scan3A_717 = arith.constant 0 : i32
      scf.yield %scan3A_717 : i32
    }
    %scan3A_224 = arith.constant 256 : i32
    %mul3A_225 = arith.constant 64 : i32
    %mul3A_226 = arith.muli %select_n3A, %mul3A_225 : i32
    %add3A_227 = arith.addi %mul3A_226, %mul3A_32 : i32
    %add3A_228 = arith.constant 2 : i32
    %add3A_229 = arith.addi %add3A_227, %add3A_228 : i32
    %mul3A_230 = arith.constant 1024 : i32
    %mul3A_231 = arith.muli %add3A_229, %mul3A_230 : i32
    %mul3A_232 = arith.constant 32 : i32
    %mul3A_233 = arith.muli %mul3A_231, %mul3A_232 : i32
    %add3A_234 = arith.constant 0 : i32
    %add3A_235 = arith.addi %mul3A_233, %add3A_234 : i32
    %dma_start3A_236 = arith.constant 0 : i32
    %dma_start3A_237 = tpu.memref_slice %arg7[%dma_start3A_236] : memref<32768xf32, #tpu.memory_space<vmem>> -> memref<16384xf32, #tpu.memory_space<vmem>>
    %dma_start3A_238 = tpu.memref_slice %arg4[%add3A_235] : memref<8388608xf32, #tpu.memory_space<hbm>> -> memref<16384xf32, #tpu.memory_space<hbm>>
    %dma_start3A_239 = tpu.memref_slice %arg4[%add3A_235] : memref<8388608xf32, #tpu.memory_space<hbm>> -> memref<16384xf32, #tpu.memory_space<hbm>>
    %dma_start3A_240 = arith.constant 0 : i32
    %dma_start3A_241 = tpu.memref_slice %arg7[%dma_start3A_240] : memref<32768xf32, #tpu.memory_space<vmem>> -> memref<16384xf32, #tpu.memory_space<vmem>>
    tpu.enqueue_dma source(%dma_start3A_241 : memref<16384xf32, #tpu.memory_space<vmem>>) target(%dma_start3A_239 : memref<16384xf32, #tpu.memory_space<hbm>>) target_semaphore(%arg10 : memref<!tpu.dma_semaphore, #tpu.memory_space<semaphore_mem>>)
    %dma_wait3A_242 = arith.constant 16384 : i32
    %dma_wait3A_243 = tpu.memref_slice %arg7[%dma_wait3A_242] : memref<32768xf32, #tpu.memory_space<vmem>> -> memref<16384xf32, #tpu.memory_space<vmem>>
    %dma_wait3A_244 = tpu.memref_slice %arg4[%add3A_186] : memref<8388608xf32, #tpu.memory_space<hbm>> -> memref<16384xf32, #tpu.memory_space<hbm>>
    %dma_wait3A_245 = tpu.memref_slice %arg4[%add3A_186] : memref<8388608xf32, #tpu.memory_space<hbm>> -> memref<16384xf32, #tpu.memory_space<hbm>>
    %dma_wait3A_246 = arith.constant 16384 : i32
    %dma_wait3A_247 = tpu.memref_slice %arg7[%dma_wait3A_246] : memref<32768xf32, #tpu.memory_space<vmem>> -> memref<16384xf32, #tpu.memory_space<vmem>>
    tpu.wait_dma2 semaphore(%arg11 : memref<!tpu.dma_semaphore, #tpu.memory_space<semaphore_mem>>) src(%dma_wait3A_247 : memref<16384xf32, #tpu.memory_space<vmem>>) dst(%dma_wait3A_245 : memref<16384xf32, #tpu.memory_space<hbm>>)
    %scan3A_248 = arith.constant 0 : i32
    %scan3A_249 = arith.constant 256 : i32
    %scan3A_250 = arith.constant 256 : i32
    %scan3A_251 = arith.addi %scan3A_249, %scan3A_250 : i32
    %scan3A_252 = arith.constant 1 : i32
    %scan3A_253 = scf.for %scan3A_666 = %scan3A_249 to %scan3A_251 step %scan3A_252 iter_args(%scan3A_667 = %scan3A_248) -> (i32)  : i32 {
      %mul3A_668 = arith.constant 4 : i32
      %mul3A_669 = arith.muli %scan3A_666, %mul3A_668 : i32
      %mul3A_670 = arith.constant 16 : i32
      %mul3A_671 = arith.muli %mul3A_669, %mul3A_670 : i32
      %multiple_of3A = tpu.assume_multiple %mul3A_671, 16 : i32
      %add3A_672 = arith.constant 0 : i32
      %add3A_673 = arith.addi %multiple_of3A, %add3A_672 : i32
      %get3A = arith.index_cast %add3A_673 : i32 to index
      %get3A_674 = tpu.vector_load %arg5[%get3A] {strides = array<i32>} : memref<32768xi32, #tpu.memory_space<vmem>>, vector<16xi32>,
      %add3A_675 = arith.constant 0 : i32
      %add3A_676 = vector.broadcast %add3A_675 : i32 to vector<16xi32>
      %add3A_677 = arith.addi %get3A_674, %add3A_676 : vector<16xi32>
      %add3A_678 = arith.constant 16 : i32
      %add3A_679 = arith.addi %multiple_of3A, %add3A_678 : i32
      %get3A_680 = arith.index_cast %add3A_679 : i32 to index
      %get3A_681 = tpu.vector_load %arg5[%get3A_680] {strides = array<i32>} : memref<32768xi32, #tpu.memory_space<vmem>>, vector<16xi32>,
      %add3A_682 = arith.constant 0 : i32
      %add3A_683 = vector.broadcast %add3A_682 : i32 to vector<16xi32>
      %add3A_684 = arith.addi %get3A_681, %add3A_683 : vector<16xi32>
      %add3A_685 = arith.constant 32 : i32
      %add3A_686 = arith.addi %multiple_of3A, %add3A_685 : i32
      %get3A_687 = arith.index_cast %add3A_686 : i32 to index
      %get3A_688 = tpu.vector_load %arg5[%get3A_687] {strides = array<i32>} : memref<32768xi32, #tpu.memory_space<vmem>>, vector<16xi32>,
      %add3A_689 = arith.constant 0 : i32
      %add3A_690 = vector.broadcast %add3A_689 : i32 to vector<16xi32>
      %add3A_691 = arith.addi %get3A_688, %add3A_690 : vector<16xi32>
      %add3A_692 = arith.constant 48 : i32
      %add3A_693 = arith.addi %multiple_of3A, %add3A_692 : i32
      %get3A_694 = arith.index_cast %add3A_693 : i32 to index
      %get3A_695 = tpu.vector_load %arg5[%get3A_694] {strides = array<i32>} : memref<32768xi32, #tpu.memory_space<vmem>>, vector<16xi32>,
      %add3A_696 = arith.constant 0 : i32
      %add3A_697 = vector.broadcast %add3A_696 : i32 to vector<16xi32>
      %add3A_698 = arith.addi %get3A_695, %add3A_697 : vector<16xi32>
      %gather3A = tpu.vector_load_idx %arg6[%add3A_677] : memref<32768xf32, #tpu.memory_space<vmem>>[vector<16xi32>], vector<16xf32>,
      %gather3A_699 = tpu.vector_load_idx %arg6[%add3A_684] : memref<32768xf32, #tpu.memory_space<vmem>>[vector<16xi32>], vector<16xf32>,
      %gather3A_700 = tpu.vector_load_idx %arg6[%add3A_691] : memref<32768xf32, #tpu.memory_space<vmem>>[vector<16xi32>], vector<16xf32>,
      %gather3A_701 = tpu.vector_load_idx %arg6[%add3A_698] : memref<32768xf32, #tpu.memory_space<vmem>>[vector<16xi32>], vector<16xf32>,
      %add3A_702 = arith.constant 0 : i32
      %add3A_703 = arith.addi %multiple_of3A, %add3A_702 : i32
      %swap3A = arith.index_cast %add3A_703 : i32 to index
      %swap3A_704 = tpu.vector_load %arg7[%swap3A] {strides = array<i32>} : memref<32768xf32, #tpu.memory_space<vmem>>, vector<16xf32>,
      tpu.vector_store %arg7[%swap3A], %gather3A {strides = array<i32>} : memref<32768xf32, #tpu.memory_space<vmem>>, vector<16xf32>,
      %add3A_705 = arith.constant 16 : i32
      %add3A_706 = arith.addi %multiple_of3A, %add3A_705 : i32
      %swap3A_707 = arith.index_cast %add3A_706 : i32 to index
      %swap3A_708 = tpu.vector_load %arg7[%swap3A_707] {strides = array<i32>} : memref<32768xf32, #tpu.memory_space<vmem>>, vector<16xf32>,
      tpu.vector_store %arg7[%swap3A_707], %gather3A_699 {strides = array<i32>} : memref<32768xf32, #tpu.memory_space<vmem>>, vector<16xf32>,
      %add3A_709 = arith.constant 32 : i32
      %add3A_710 = arith.addi %multiple_of3A, %add3A_709 : i32
      %swap3A_711 = arith.index_cast %add3A_710 : i32 to index
      %swap3A_712 = tpu.vector_load %arg7[%swap3A_711] {strides = array<i32>} : memref<32768xf32, #tpu.memory_space<vmem>>, vector<16xf32>,
      tpu.vector_store %arg7[%swap3A_711], %gather3A_700 {strides = array<i32>} : memref<32768xf32, #tpu.memory_space<vmem>>, vector<16xf32>,
      %add3A_713 = arith.constant 48 : i32
      %add3A_714 = arith.addi %multiple_of3A, %add3A_713 : i32
      %swap3A_715 = arith.index_cast %add3A_714 : i32 to index
      %swap3A_716 = tpu.vector_load %arg7[%swap3A_715] {strides = array<i32>} : memref<32768xf32, #tpu.memory_space<vmem>>, vector<16xf32>,
      tpu.vector_store %arg7[%swap3A_715], %gather3A_701 {strides = array<i32>} : memref<32768xf32, #tpu.memory_space<vmem>>, vector<16xf32>,
      %scan3A_717 = arith.constant 0 : i32
      scf.yield %scan3A_717 : i32
    }
    %scan3A_254 = arith.constant 256 : i32
    %mul3A_255 = arith.constant 64 : i32
    %mul3A_256 = arith.muli %select_n3A, %mul3A_255 : i32
    %add3A_257 = arith.addi %mul3A_256, %mul3A_32 : i32
    %add3A_258 = arith.constant 2 : i32
    %add3A_259 = arith.addi %add3A_257, %add3A_258 : i32
    %mul3A_260 = arith.constant 1024 : i32
    %mul3A_261 = arith.muli %add3A_259, %mul3A_260 : i32
    %mul3A_262 = arith.constant 32 : i32
    %mul3A_263 = arith.muli %mul3A_261, %mul3A_262 : i32
    %add3A_264 = arith.constant 16384 : i32
    %add3A_265 = arith.addi %mul3A_263, %add3A_264 : i32
    %dma_start3A_266 = arith.constant 16384 : i32
    %dma_start3A_267 = tpu.memref_slice %arg7[%dma_start3A_266] : memref<32768xf32, #tpu.memory_space<vmem>> -> memref<16384xf32, #tpu.memory_space<vmem>>
    %dma_start3A_268 = tpu.memref_slice %arg4[%add3A_265] : memref<8388608xf32, #tpu.memory_space<hbm>> -> memref<16384xf32, #tpu.memory_space<hbm>>
    %dma_start3A_269 = tpu.memref_slice %arg4[%add3A_265] : memref<8388608xf32, #tpu.memory_space<hbm>> -> memref<16384xf32, #tpu.memory_space<hbm>>
    %dma_start3A_270 = arith.constant 16384 : i32
    %dma_start3A_271 = tpu.memref_slice %arg7[%dma_start3A_270] : memref<32768xf32, #tpu.memory_space<vmem>> -> memref<16384xf32, #tpu.memory_space<vmem>>
    tpu.enqueue_dma source(%dma_start3A_271 : memref<16384xf32, #tpu.memory_space<vmem>>) target(%dma_start3A_269 : memref<16384xf32, #tpu.memory_space<hbm>>) target_semaphore(%arg11 : memref<!tpu.dma_semaphore, #tpu.memory_space<semaphore_mem>>)
    %dma_wait3A_272 = arith.constant 16384 : i32
    %dma_wait3A_273 = tpu.memref_slice %arg6[%dma_wait3A_272] : memref<32768xf32, #tpu.memory_space<vmem>> -> memref<16384xf32, #tpu.memory_space<vmem>>
    %dma_wait3A_274 = tpu.memref_slice %arg2[%mul3A_205] : memref<4194304xf32, #tpu.memory_space<hbm>> -> memref<16384xf32, #tpu.memory_space<hbm>>
    %dma_wait3A_275 = arith.constant 16384 : i32
    %dma_wait3A_276 = tpu.memref_slice %arg6[%dma_wait3A_275] : memref<32768xf32, #tpu.memory_space<vmem>> -> memref<16384xf32, #tpu.memory_space<vmem>>
    %dma_wait3A_277 = tpu.memref_slice %arg2[%mul3A_205] : memref<4194304xf32, #tpu.memory_space<hbm>> -> memref<16384xf32, #tpu.memory_space<hbm>>
    tpu.wait_dma2 semaphore(%arg9 : memref<!tpu.dma_semaphore, #tpu.memory_space<semaphore_mem>>) src(%dma_wait3A_277 : memref<16384xf32, #tpu.memory_space<hbm>>) dst(%dma_wait3A_276 : memref<16384xf32, #tpu.memory_space<vmem>>)
    %mul3A_278 = arith.constant 64 : i32
    %mul3A_279 = arith.muli %select_n3A, %mul3A_278 : i32
    %add3A_280 = arith.addi %mul3A_279, %mul3A_32 : i32
    %add3A_281 = arith.constant 4 : i32
    %add3A_282 = arith.addi %add3A_280, %add3A_281 : i32
    %mul3A_283 = arith.constant 16384 : i32
    %mul3A_284 = arith.muli %add3A_282, %mul3A_283 : i32
    %dma_start3A_285 = arith.constant 0 : i32
    %dma_start3A_286 = tpu.memref_slice %arg6[%dma_start3A_285] : memref<32768xf32, #tpu.memory_space<vmem>> -> memref<16384xf32, #tpu.memory_space<vmem>>
    %dma_start3A_287 = tpu.memref_slice %arg2[%mul3A_284] : memref<4194304xf32, #tpu.memory_space<hbm>> -> memref<16384xf32, #tpu.memory_space<hbm>>
    %dma_start3A_288 = arith.constant 0 : i32
    %dma_start3A_289 = tpu.memref_slice %arg6[%dma_start3A_288] : memref<32768xf32, #tpu.memory_space<vmem>> -> memref<16384xf32, #tpu.memory_space<vmem>>
    %dma_start3A_290 = tpu.memref_slice %arg2[%mul3A_284] : memref<4194304xf32, #tpu.memory_space<hbm>> -> memref<16384xf32, #tpu.memory_space<hbm>>
    tpu.enqueue_dma source(%dma_start3A_290 : memref<16384xf32, #tpu.memory_space<hbm>>) target(%dma_start3A_289 : memref<16384xf32, #tpu.memory_space<vmem>>) target_semaphore(%arg8 : memref<!tpu.dma_semaphore, #tpu.memory_space<semaphore_mem>>)
    %dma_wait3A_291 = arith.constant 0 : i32
    %dma_wait3A_292 = tpu.memref_slice %arg7[%dma_wait3A_291] : memref<32768xf32, #tpu.memory_space<vmem>> -> memref<16384xf32, #tpu.memory_space<vmem>>
    %dma_wait3A_293 = tpu.memref_slice %arg4[%add3A_235] : memref<8388608xf32, #tpu.memory_space<hbm>> -> memref<16384xf32, #tpu.memory_space<hbm>>
    %dma_wait3A_294 = tpu.memref_slice %arg4[%add3A_235] : memref<8388608xf32, #tpu.memory_space<hbm>> -> memref<16384xf32, #tpu.memory_space<hbm>>
    %dma_wait3A_295 = arith.constant 0 : i32
    %dma_wait3A_296 = tpu.memref_slice %arg7[%dma_wait3A_295] : memref<32768xf32, #tpu.memory_space<vmem>> -> memref<16384xf32, #tpu.memory_space<vmem>>
    tpu.wait_dma2 semaphore(%arg10 : memref<!tpu.dma_semaphore, #tpu.memory_space<semaphore_mem>>) src(%dma_wait3A_296 : memref<16384xf32, #tpu.memory_space<vmem>>) dst(%dma_wait3A_294 : memref<16384xf32, #tpu.memory_space<hbm>>)
    %scan3A_297 = arith.constant 0 : i32
    %scan3A_298 = arith.constant 0 : i32
    %scan3A_299 = arith.constant 256 : i32
    %scan3A_300 = arith.addi %scan3A_298, %scan3A_299 : i32
    %scan3A_301 = arith.constant 1 : i32
    %scan3A_302 = scf.for %scan3A_666 = %scan3A_298 to %scan3A_300 step %scan3A_301 iter_args(%scan3A_667 = %scan3A_297) -> (i32)  : i32 {
      %mul3A_668 = arith.constant 4 : i32
      %mul3A_669 = arith.muli %scan3A_666, %mul3A_668 : i32
      %mul3A_670 = arith.constant 16 : i32
      %mul3A_671 = arith.muli %mul3A_669, %mul3A_670 : i32
      %multiple_of3A = tpu.assume_multiple %mul3A_671, 16 : i32
      %add3A_672 = arith.constant 0 : i32
      %add3A_673 = arith.addi %multiple_of3A, %add3A_672 : i32
      %get3A = arith.index_cast %add3A_673 : i32 to index
      %get3A_674 = tpu.vector_load %arg5[%get3A] {strides = array<i32>} : memref<32768xi32, #tpu.memory_space<vmem>>, vector<16xi32>,
      %add3A_675 = arith.constant 16384 : i32
      %add3A_676 = vector.broadcast %add3A_675 : i32 to vector<16xi32>
      %add3A_677 = arith.addi %get3A_674, %add3A_676 : vector<16xi32>
      %add3A_678 = arith.constant 16 : i32
      %add3A_679 = arith.addi %multiple_of3A, %add3A_678 : i32
      %get3A_680 = arith.index_cast %add3A_679 : i32 to index
      %get3A_681 = tpu.vector_load %arg5[%get3A_680] {strides = array<i32>} : memref<32768xi32, #tpu.memory_space<vmem>>, vector<16xi32>,
      %add3A_682 = arith.constant 16384 : i32
      %add3A_683 = vector.broadcast %add3A_682 : i32 to vector<16xi32>
      %add3A_684 = arith.addi %get3A_681, %add3A_683 : vector<16xi32>
      %add3A_685 = arith.constant 32 : i32
      %add3A_686 = arith.addi %multiple_of3A, %add3A_685 : i32
      %get3A_687 = arith.index_cast %add3A_686 : i32 to index
      %get3A_688 = tpu.vector_load %arg5[%get3A_687] {strides = array<i32>} : memref<32768xi32, #tpu.memory_space<vmem>>, vector<16xi32>,
      %add3A_689 = arith.constant 16384 : i32
      %add3A_690 = vector.broadcast %add3A_689 : i32 to vector<16xi32>
      %add3A_691 = arith.addi %get3A_688, %add3A_690 : vector<16xi32>
      %add3A_692 = arith.constant 48 : i32
      %add3A_693 = arith.addi %multiple_of3A, %add3A_692 : i32
      %get3A_694 = arith.index_cast %add3A_693 : i32 to index
      %get3A_695 = tpu.vector_load %arg5[%get3A_694] {strides = array<i32>} : memref<32768xi32, #tpu.memory_space<vmem>>, vector<16xi32>,
      %add3A_696 = arith.constant 16384 : i32
      %add3A_697 = vector.broadcast %add3A_696 : i32 to vector<16xi32>
      %add3A_698 = arith.addi %get3A_695, %add3A_697 : vector<16xi32>
      %gather3A = tpu.vector_load_idx %arg6[%add3A_677] : memref<32768xf32, #tpu.memory_space<vmem>>[vector<16xi32>], vector<16xf32>,
      %gather3A_699 = tpu.vector_load_idx %arg6[%add3A_684] : memref<32768xf32, #tpu.memory_space<vmem>>[vector<16xi32>], vector<16xf32>,
      %gather3A_700 = tpu.vector_load_idx %arg6[%add3A_691] : memref<32768xf32, #tpu.memory_space<vmem>>[vector<16xi32>], vector<16xf32>,
      %gather3A_701 = tpu.vector_load_idx %arg6[%add3A_698] : memref<32768xf32, #tpu.memory_space<vmem>>[vector<16xi32>], vector<16xf32>,
      %add3A_702 = arith.constant 0 : i32
      %add3A_703 = arith.addi %multiple_of3A, %add3A_702 : i32
      %swap3A = arith.index_cast %add3A_703 : i32 to index
      %swap3A_704 = tpu.vector_load %arg7[%swap3A] {strides = array<i32>} : memref<32768xf32, #tpu.memory_space<vmem>>, vector<16xf32>,
      tpu.vector_store %arg7[%swap3A], %gather3A {strides = array<i32>} : memref<32768xf32, #tpu.memory_space<vmem>>, vector<16xf32>,
      %add3A_705 = arith.constant 16 : i32
      %add3A_706 = arith.addi %multiple_of3A, %add3A_705 : i32
      %swap3A_707 = arith.index_cast %add3A_706 : i32 to index
      %swap3A_708 = tpu.vector_load %arg7[%swap3A_707] {strides = array<i32>} : memref<32768xf32, #tpu.memory_space<vmem>>, vector<16xf32>,
      tpu.vector_store %arg7[%swap3A_707], %gather3A_699 {strides = array<i32>} : memref<32768xf32, #tpu.memory_space<vmem>>, vector<16xf32>,
      %add3A_709 = arith.constant 32 : i32
      %add3A_710 = arith.addi %multiple_of3A, %add3A_709 : i32
      %swap3A_711 = arith.index_cast %add3A_710 : i32 to index
      %swap3A_712 = tpu.vector_load %arg7[%swap3A_711] {strides = array<i32>} : memref<32768xf32, #tpu.memory_space<vmem>>, vector<16xf32>,
      tpu.vector_store %arg7[%swap3A_711], %gather3A_700 {strides = array<i32>} : memref<32768xf32, #tpu.memory_space<vmem>>, vector<16xf32>,
      %add3A_713 = arith.constant 48 : i32
      %add3A_714 = arith.addi %multiple_of3A, %add3A_713 : i32
      %swap3A_715 = arith.index_cast %add3A_714 : i32 to index
      %swap3A_716 = tpu.vector_load %arg7[%swap3A_715] {strides = array<i32>} : memref<32768xf32, #tpu.memory_space<vmem>>, vector<16xf32>,
      tpu.vector_store %arg7[%swap3A_715], %gather3A_701 {strides = array<i32>} : memref<32768xf32, #tpu.memory_space<vmem>>, vector<16xf32>,
      %scan3A_717 = arith.constant 0 : i32
      scf.yield %scan3A_717 : i32
    }
    %scan3A_303 = arith.constant 256 : i32
    %mul3A_304 = arith.constant 64 : i32
    %mul3A_305 = arith.muli %select_n3A, %mul3A_304 : i32
    %add3A_306 = arith.addi %mul3A_305, %mul3A_32 : i32
    %add3A_307 = arith.constant 3 : i32
    %add3A_308 = arith.addi %add3A_306, %add3A_307 : i32
    %mul3A_309 = arith.constant 1024 : i32
    %mul3A_310 = arith.muli %add3A_308, %mul3A_309 : i32
    %mul3A_311 = arith.constant 32 : i32
    %mul3A_312 = arith.muli %mul3A_310, %mul3A_311 : i32
    %add3A_313 = arith.constant 0 : i32
    %add3A_314 = arith.addi %mul3A_312, %add3A_313 : i32
    %dma_start3A_315 = arith.constant 0 : i32
    %dma_start3A_316 = tpu.memref_slice %arg7[%dma_start3A_315] : memref<32768xf32, #tpu.memory_space<vmem>> -> memref<16384xf32, #tpu.memory_space<vmem>>
    %dma_start3A_317 = tpu.memref_slice %arg4[%add3A_314] : memref<8388608xf32, #tpu.memory_space<hbm>> -> memref<16384xf32, #tpu.memory_space<hbm>>
    %dma_start3A_318 = tpu.memref_slice %arg4[%add3A_314] : memref<8388608xf32, #tpu.memory_space<hbm>> -> memref<16384xf32, #tpu.memory_space<hbm>>
    %dma_start3A_319 = arith.constant 0 : i32
    %dma_start3A_320 = tpu.memref_slice %arg7[%dma_start3A_319] : memref<32768xf32, #tpu.memory_space<vmem>> -> memref<16384xf32, #tpu.memory_space<vmem>>
    tpu.enqueue_dma source(%dma_start3A_320 : memref<16384xf32, #tpu.memory_space<vmem>>) target(%dma_start3A_318 : memref<16384xf32, #tpu.memory_space<hbm>>) target_semaphore(%arg10 : memref<!tpu.dma_semaphore, #tpu.memory_space<semaphore_mem>>)
    %dma_wait3A_321 = arith.constant 16384 : i32
    %dma_wait3A_322 = tpu.memref_slice %arg7[%dma_wait3A_321] : memref<32768xf32, #tpu.memory_space<vmem>> -> memref<16384xf32, #tpu.memory_space<vmem>>
    %dma_wait3A_323 = tpu.memref_slice %arg4[%add3A_265] : memref<8388608xf32, #tpu.memory_space<hbm>> -> memref<16384xf32, #tpu.memory_space<hbm>>
    %dma_wait3A_324 = tpu.memref_slice %arg4[%add3A_265] : memref<8388608xf32, #tpu.memory_space<hbm>> -> memref<16384xf32, #tpu.memory_space<hbm>>
    %dma_wait3A_325 = arith.constant 16384 : i32
    %dma_wait3A_326 = tpu.memref_slice %arg7[%dma_wait3A_325] : memref<32768xf32, #tpu.memory_space<vmem>> -> memref<16384xf32, #tpu.memory_space<vmem>>
    tpu.wait_dma2 semaphore(%arg11 : memref<!tpu.dma_semaphore, #tpu.memory_space<semaphore_mem>>) src(%dma_wait3A_326 : memref<16384xf32, #tpu.memory_space<vmem>>) dst(%dma_wait3A_324 : memref<16384xf32, #tpu.memory_space<hbm>>)
    %scan3A_327 = arith.constant 0 : i32
    %scan3A_328 = arith.constant 256 : i32
    %scan3A_329 = arith.constant 256 : i32
    %scan3A_330 = arith.addi %scan3A_328, %scan3A_329 : i32
    %scan3A_331 = arith.constant 1 : i32
    %scan3A_332 = scf.for %scan3A_666 = %scan3A_328 to %scan3A_330 step %scan3A_331 iter_args(%scan3A_667 = %scan3A_327) -> (i32)  : i32 {
      %mul3A_668 = arith.constant 4 : i32
      %mul3A_669 = arith.muli %scan3A_666, %mul3A_668 : i32
      %mul3A_670 = arith.constant 16 : i32
      %mul3A_671 = arith.muli %mul3A_669, %mul3A_670 : i32
      %multiple_of3A = tpu.assume_multiple %mul3A_671, 16 : i32
      %add3A_672 = arith.constant 0 : i32
      %add3A_673 = arith.addi %multiple_of3A, %add3A_672 : i32
      %get3A = arith.index_cast %add3A_673 : i32 to index
      %get3A_674 = tpu.vector_load %arg5[%get3A] {strides = array<i32>} : memref<32768xi32, #tpu.memory_space<vmem>>, vector<16xi32>,
      %add3A_675 = arith.constant 16384 : i32
      %add3A_676 = vector.broadcast %add3A_675 : i32 to vector<16xi32>
      %add3A_677 = arith.addi %get3A_674, %add3A_676 : vector<16xi32>
      %add3A_678 = arith.constant 16 : i32
      %add3A_679 = arith.addi %multiple_of3A, %add3A_678 : i32
      %get3A_680 = arith.index_cast %add3A_679 : i32 to index
      %get3A_681 = tpu.vector_load %arg5[%get3A_680] {strides = array<i32>} : memref<32768xi32, #tpu.memory_space<vmem>>, vector<16xi32>,
      %add3A_682 = arith.constant 16384 : i32
      %add3A_683 = vector.broadcast %add3A_682 : i32 to vector<16xi32>
      %add3A_684 = arith.addi %get3A_681, %add3A_683 : vector<16xi32>
      %add3A_685 = arith.constant 32 : i32
      %add3A_686 = arith.addi %multiple_of3A, %add3A_685 : i32
      %get3A_687 = arith.index_cast %add3A_686 : i32 to index
      %get3A_688 = tpu.vector_load %arg5[%get3A_687] {strides = array<i32>} : memref<32768xi32, #tpu.memory_space<vmem>>, vector<16xi32>,
      %add3A_689 = arith.constant 16384 : i32
      %add3A_690 = vector.broadcast %add3A_689 : i32 to vector<16xi32>
      %add3A_691 = arith.addi %get3A_688, %add3A_690 : vector<16xi32>
      %add3A_692 = arith.constant 48 : i32
      %add3A_693 = arith.addi %multiple_of3A, %add3A_692 : i32
      %get3A_694 = arith.index_cast %add3A_693 : i32 to index
      %get3A_695 = tpu.vector_load %arg5[%get3A_694] {strides = array<i32>} : memref<32768xi32, #tpu.memory_space<vmem>>, vector<16xi32>,
      %add3A_696 = arith.constant 16384 : i32
      %add3A_697 = vector.broadcast %add3A_696 : i32 to vector<16xi32>
      %add3A_698 = arith.addi %get3A_695, %add3A_697 : vector<16xi32>
      %gather3A = tpu.vector_load_idx %arg6[%add3A_677] : memref<32768xf32, #tpu.memory_space<vmem>>[vector<16xi32>], vector<16xf32>,
      %gather3A_699 = tpu.vector_load_idx %arg6[%add3A_684] : memref<32768xf32, #tpu.memory_space<vmem>>[vector<16xi32>], vector<16xf32>,
      %gather3A_700 = tpu.vector_load_idx %arg6[%add3A_691] : memref<32768xf32, #tpu.memory_space<vmem>>[vector<16xi32>], vector<16xf32>,
      %gather3A_701 = tpu.vector_load_idx %arg6[%add3A_698] : memref<32768xf32, #tpu.memory_space<vmem>>[vector<16xi32>], vector<16xf32>,
      %add3A_702 = arith.constant 0 : i32
      %add3A_703 = arith.addi %multiple_of3A, %add3A_702 : i32
      %swap3A = arith.index_cast %add3A_703 : i32 to index
      %swap3A_704 = tpu.vector_load %arg7[%swap3A] {strides = array<i32>} : memref<32768xf32, #tpu.memory_space<vmem>>, vector<16xf32>,
      tpu.vector_store %arg7[%swap3A], %gather3A {strides = array<i32>} : memref<32768xf32, #tpu.memory_space<vmem>>, vector<16xf32>,
      %add3A_705 = arith.constant 16 : i32
      %add3A_706 = arith.addi %multiple_of3A, %add3A_705 : i32
      %swap3A_707 = arith.index_cast %add3A_706 : i32 to index
      %swap3A_708 = tpu.vector_load %arg7[%swap3A_707] {strides = array<i32>} : memref<32768xf32, #tpu.memory_space<vmem>>, vector<16xf32>,
      tpu.vector_store %arg7[%swap3A_707], %gather3A_699 {strides = array<i32>} : memref<32768xf32, #tpu.memory_space<vmem>>, vector<16xf32>,
      %add3A_709 = arith.constant 32 : i32
      %add3A_710 = arith.addi %multiple_of3A, %add3A_709 : i32
      %swap3A_711 = arith.index_cast %add3A_710 : i32 to index
      %swap3A_712 = tpu.vector_load %arg7[%swap3A_711] {strides = array<i32>} : memref<32768xf32, #tpu.memory_space<vmem>>, vector<16xf32>,
      tpu.vector_store %arg7[%swap3A_711], %gather3A_700 {strides = array<i32>} : memref<32768xf32, #tpu.memory_space<vmem>>, vector<16xf32>,
      %add3A_713 = arith.constant 48 : i32
      %add3A_714 = arith.addi %multiple_of3A, %add3A_713 : i32
      %swap3A_715 = arith.index_cast %add3A_714 : i32 to index
      %swap3A_716 = tpu.vector_load %arg7[%swap3A_715] {strides = array<i32>} : memref<32768xf32, #tpu.memory_space<vmem>>, vector<16xf32>,
      tpu.vector_store %arg7[%swap3A_715], %gather3A_701 {strides = array<i32>} : memref<32768xf32, #tpu.memory_space<vmem>>, vector<16xf32>,
      %scan3A_717 = arith.constant 0 : i32
      scf.yield %scan3A_717 : i32
    }
    %scan3A_333 = arith.constant 256 : i32
    %mul3A_334 = arith.constant 64 : i32
    %mul3A_335 = arith.muli %select_n3A, %mul3A_334 : i32
    %add3A_336 = arith.addi %mul3A_335, %mul3A_32 : i32
    %add3A_337 = arith.constant 3 : i32
    %add3A_338 = arith.addi %add3A_336, %add3A_337 : i32
    %mul3A_339 = arith.constant 1024 : i32
    %mul3A_340 = arith.muli %add3A_338, %mul3A_339 : i32
    %mul3A_341 = arith.constant 32 : i32
    %mul3A_342 = arith.muli %mul3A_340, %mul3A_341 : i32
    %add3A_343 = arith.constant 16384 : i32
    %add3A_344 = arith.addi %mul3A_342, %add3A_343 : i32
    %dma_start3A_345 = arith.constant 16384 : i32
    %dma_start3A_346 = tpu.memref_slice %arg7[%dma_start3A_345] : memref<32768xf32, #tpu.memory_space<vmem>> -> memref<16384xf32, #tpu.memory_space<vmem>>
    %dma_start3A_347 = tpu.memref_slice %arg4[%add3A_344] : memref<8388608xf32, #tpu.memory_space<hbm>> -> memref<16384xf32, #tpu.memory_space<hbm>>
    %dma_start3A_348 = tpu.memref_slice %arg4[%add3A_344] : memref<8388608xf32, #tpu.memory_space<hbm>> -> memref<16384xf32, #tpu.memory_space<hbm>>
    %dma_start3A_349 = arith.constant 16384 : i32
    %dma_start3A_350 = tpu.memref_slice %arg7[%dma_start3A_349] : memref<32768xf32, #tpu.memory_space<vmem>> -> memref<16384xf32, #tpu.memory_space<vmem>>
    tpu.enqueue_dma source(%dma_start3A_350 : memref<16384xf32, #tpu.memory_space<vmem>>) target(%dma_start3A_348 : memref<16384xf32, #tpu.memory_space<hbm>>) target_semaphore(%arg11 : memref<!tpu.dma_semaphore, #tpu.memory_space<semaphore_mem>>)
    %dma_wait3A_351 = arith.constant 0 : i32
    %dma_wait3A_352 = tpu.memref_slice %arg6[%dma_wait3A_351] : memref<32768xf32, #tpu.memory_space<vmem>> -> memref<16384xf32, #tpu.memory_space<vmem>>
    %dma_wait3A_353 = tpu.memref_slice %arg2[%mul3A_284] : memref<4194304xf32, #tpu.memory_space<hbm>> -> memref<16384xf32, #tpu.memory_space<hbm>>
    %dma_wait3A_354 = arith.constant 0 : i32
    %dma_wait3A_355 = tpu.memref_slice %arg6[%dma_wait3A_354] : memref<32768xf32, #tpu.memory_space<vmem>> -> memref<16384xf32, #tpu.memory_space<vmem>>
    %dma_wait3A_356 = tpu.memref_slice %arg2[%mul3A_284] : memref<4194304xf32, #tpu.memory_space<hbm>> -> memref<16384xf32, #tpu.memory_space<hbm>>
    tpu.wait_dma2 semaphore(%arg8 : memref<!tpu.dma_semaphore, #tpu.memory_space<semaphore_mem>>) src(%dma_wait3A_356 : memref<16384xf32, #tpu.memory_space<hbm>>) dst(%dma_wait3A_355 : memref<16384xf32, #tpu.memory_space<vmem>>)
    %mul3A_357 = arith.constant 64 : i32
    %mul3A_358 = arith.muli %select_n3A, %mul3A_357 : i32
    %add3A_359 = arith.addi %mul3A_358, %mul3A_32 : i32
    %add3A_360 = arith.constant 5 : i32
    %add3A_361 = arith.addi %add3A_359, %add3A_360 : i32
    %mul3A_362 = arith.constant 16384 : i32
    %mul3A_363 = arith.muli %add3A_361, %mul3A_362 : i32
    %dma_start3A_364 = arith.constant 16384 : i32
    %dma_start3A_365 = tpu.memref_slice %arg6[%dma_start3A_364] : memref<32768xf32, #tpu.memory_space<vmem>> -> memref<16384xf32, #tpu.memory_space<vmem>>
    %dma_start3A_366 = tpu.memref_slice %arg2[%mul3A_363] : memref<4194304xf32, #tpu.memory_space<hbm>> -> memref<16384xf32, #tpu.memory_space<hbm>>
    %dma_start3A_367 = arith.constant 16384 : i32
    %dma_start3A_368 = tpu.memref_slice %arg6[%dma_start3A_367] : memref<32768xf32, #tpu.memory_space<vmem>> -> memref<16384xf32, #tpu.memory_space<vmem>>
    %dma_start3A_369 = tpu.memref_slice %arg2[%mul3A_363] : memref<4194304xf32, #tpu.memory_space<hbm>> -> memref<16384xf32, #tpu.memory_space<hbm>>
    tpu.enqueue_dma source(%dma_start3A_369 : memref<16384xf32, #tpu.memory_space<hbm>>) target(%dma_start3A_368 : memref<16384xf32, #tpu.memory_space<vmem>>) target_semaphore(%arg9 : memref<!tpu.dma_semaphore, #tpu.memory_space<semaphore_mem>>)
    %dma_wait3A_370 = arith.constant 0 : i32
    %dma_wait3A_371 = tpu.memref_slice %arg7[%dma_wait3A_370] : memref<32768xf32, #tpu.memory_space<vmem>> -> memref<16384xf32, #tpu.memory_space<vmem>>
    %dma_wait3A_372 = tpu.memref_slice %arg4[%add3A_314] : memref<8388608xf32, #tpu.memory_space<hbm>> -> memref<16384xf32, #tpu.memory_space<hbm>>
    %dma_wait3A_373 = tpu.memref_slice %arg4[%add3A_314] : memref<8388608xf32, #tpu.memory_space<hbm>> -> memref<16384xf32, #tpu.memory_space<hbm>>
    %dma_wait3A_374 = arith.constant 0 : i32
    %dma_wait3A_375 = tpu.memref_slice %arg7[%dma_wait3A_374] : memref<32768xf32, #tpu.memory_space<vmem>> -> memref<16384xf32, #tpu.memory_space<vmem>>
    tpu.wait_dma2 semaphore(%arg10 : memref<!tpu.dma_semaphore, #tpu.memory_space<semaphore_mem>>) src(%dma_wait3A_375 : memref<16384xf32, #tpu.memory_space<vmem>>) dst(%dma_wait3A_373 : memref<16384xf32, #tpu.memory_space<hbm>>)
    %scan3A_376 = arith.constant 0 : i32
    %scan3A_377 = arith.constant 0 : i32
    %scan3A_378 = arith.constant 256 : i32
    %scan3A_379 = arith.addi %scan3A_377, %scan3A_378 : i32
    %scan3A_380 = arith.constant 1 : i32
    %scan3A_381 = scf.for %scan3A_666 = %scan3A_377 to %scan3A_379 step %scan3A_380 iter_args(%scan3A_667 = %scan3A_376) -> (i32)  : i32 {
      %mul3A_668 = arith.constant 4 : i32
      %mul3A_669 = arith.muli %scan3A_666, %mul3A_668 : i32
      %mul3A_670 = arith.constant 16 : i32
      %mul3A_671 = arith.muli %mul3A_669, %mul3A_670 : i32
      %multiple_of3A = tpu.assume_multiple %mul3A_671, 16 : i32
      %add3A_672 = arith.constant 0 : i32
      %add3A_673 = arith.addi %multiple_of3A, %add3A_672 : i32
      %get3A = arith.index_cast %add3A_673 : i32 to index
      %get3A_674 = tpu.vector_load %arg5[%get3A] {strides = array<i32>} : memref<32768xi32, #tpu.memory_space<vmem>>, vector<16xi32>,
      %add3A_675 = arith.constant 0 : i32
      %add3A_676 = vector.broadcast %add3A_675 : i32 to vector<16xi32>
      %add3A_677 = arith.addi %get3A_674, %add3A_676 : vector<16xi32>
      %add3A_678 = arith.constant 16 : i32
      %add3A_679 = arith.addi %multiple_of3A, %add3A_678 : i32
      %get3A_680 = arith.index_cast %add3A_679 : i32 to index
      %get3A_681 = tpu.vector_load %arg5[%get3A_680] {strides = array<i32>} : memref<32768xi32, #tpu.memory_space<vmem>>, vector<16xi32>,
      %add3A_682 = arith.constant 0 : i32
      %add3A_683 = vector.broadcast %add3A_682 : i32 to vector<16xi32>
      %add3A_684 = arith.addi %get3A_681, %add3A_683 : vector<16xi32>
      %add3A_685 = arith.constant 32 : i32
      %add3A_686 = arith.addi %multiple_of3A, %add3A_685 : i32
      %get3A_687 = arith.index_cast %add3A_686 : i32 to index
      %get3A_688 = tpu.vector_load %arg5[%get3A_687] {strides = array<i32>} : memref<32768xi32, #tpu.memory_space<vmem>>, vector<16xi32>,
      %add3A_689 = arith.constant 0 : i32
      %add3A_690 = vector.broadcast %add3A_689 : i32 to vector<16xi32>
      %add3A_691 = arith.addi %get3A_688, %add3A_690 : vector<16xi32>
      %add3A_692 = arith.constant 48 : i32
      %add3A_693 = arith.addi %multiple_of3A, %add3A_692 : i32
      %get3A_694 = arith.index_cast %add3A_693 : i32 to index
      %get3A_695 = tpu.vector_load %arg5[%get3A_694] {strides = array<i32>} : memref<32768xi32, #tpu.memory_space<vmem>>, vector<16xi32>,
      %add3A_696 = arith.constant 0 : i32
      %add3A_697 = vector.broadcast %add3A_696 : i32 to vector<16xi32>
      %add3A_698 = arith.addi %get3A_695, %add3A_697 : vector<16xi32>
      %gather3A = tpu.vector_load_idx %arg6[%add3A_677] : memref<32768xf32, #tpu.memory_space<vmem>>[vector<16xi32>], vector<16xf32>,
      %gather3A_699 = tpu.vector_load_idx %arg6[%add3A_684] : memref<32768xf32, #tpu.memory_space<vmem>>[vector<16xi32>], vector<16xf32>,
      %gather3A_700 = tpu.vector_load_idx %arg6[%add3A_691] : memref<32768xf32, #tpu.memory_space<vmem>>[vector<16xi32>], vector<16xf32>,
      %gather3A_701 = tpu.vector_load_idx %arg6[%add3A_698] : memref<32768xf32, #tpu.memory_space<vmem>>[vector<16xi32>], vector<16xf32>,
      %add3A_702 = arith.constant 0 : i32
      %add3A_703 = arith.addi %multiple_of3A, %add3A_702 : i32
      %swap3A = arith.index_cast %add3A_703 : i32 to index
      %swap3A_704 = tpu.vector_load %arg7[%swap3A] {strides = array<i32>} : memref<32768xf32, #tpu.memory_space<vmem>>, vector<16xf32>,
      tpu.vector_store %arg7[%swap3A], %gather3A {strides = array<i32>} : memref<32768xf32, #tpu.memory_space<vmem>>, vector<16xf32>,
      %add3A_705 = arith.constant 16 : i32
      %add3A_706 = arith.addi %multiple_of3A, %add3A_705 : i32
      %swap3A_707 = arith.index_cast %add3A_706 : i32 to index
      %swap3A_708 = tpu.vector_load %arg7[%swap3A_707] {strides = array<i32>} : memref<32768xf32, #tpu.memory_space<vmem>>, vector<16xf32>,
      tpu.vector_store %arg7[%swap3A_707], %gather3A_699 {strides = array<i32>} : memref<32768xf32, #tpu.memory_space<vmem>>, vector<16xf32>,
      %add3A_709 = arith.constant 32 : i32
      %add3A_710 = arith.addi %multiple_of3A, %add3A_709 : i32
      %swap3A_711 = arith.index_cast %add3A_710 : i32 to index
      %swap3A_712 = tpu.vector_load %arg7[%swap3A_711] {strides = array<i32>} : memref<32768xf32, #tpu.memory_space<vmem>>, vector<16xf32>,
      tpu.vector_store %arg7[%swap3A_711], %gather3A_700 {strides = array<i32>} : memref<32768xf32, #tpu.memory_space<vmem>>, vector<16xf32>,
      %add3A_713 = arith.constant 48 : i32
      %add3A_714 = arith.addi %multiple_of3A, %add3A_713 : i32
      %swap3A_715 = arith.index_cast %add3A_714 : i32 to index
      %swap3A_716 = tpu.vector_load %arg7[%swap3A_715] {strides = array<i32>} : memref<32768xf32, #tpu.memory_space<vmem>>, vector<16xf32>,
      tpu.vector_store %arg7[%swap3A_715], %gather3A_701 {strides = array<i32>} : memref<32768xf32, #tpu.memory_space<vmem>>, vector<16xf32>,
      %scan3A_717 = arith.constant 0 : i32
      scf.yield %scan3A_717 : i32
    }
    %scan3A_382 = arith.constant 256 : i32
    %mul3A_383 = arith.constant 64 : i32
    %mul3A_384 = arith.muli %select_n3A, %mul3A_383 : i32
    %add3A_385 = arith.addi %mul3A_384, %mul3A_32 : i32
    %add3A_386 = arith.constant 4 : i32
    %add3A_387 = arith.addi %add3A_385, %add3A_386 : i32
    %mul3A_388 = arith.constant 1024 : i32
    %mul3A_389 = arith.muli %add3A_387, %mul3A_388 : i32
    %mul3A_390 = arith.constant 32 : i32
    %mul3A_391 = arith.muli %mul3A_389, %mul3A_390 : i32
    %add3A_392 = arith.constant 0 : i32
    %add3A_393 = arith.addi %mul3A_391, %add3A_392 : i32
    %dma_start3A_394 = arith.constant 0 : i32
    %dma_start3A_395 = tpu.memref_slice %arg7[%dma_start3A_394] : memref<32768xf32, #tpu.memory_space<vmem>> -> memref<16384xf32, #tpu.memory_space<vmem>>
    %dma_start3A_396 = tpu.memref_slice %arg4[%add3A_393] : memref<8388608xf32, #tpu.memory_space<hbm>> -> memref<16384xf32, #tpu.memory_space<hbm>>
    %dma_start3A_397 = tpu.memref_slice %arg4[%add3A_393] : memref<8388608xf32, #tpu.memory_space<hbm>> -> memref<16384xf32, #tpu.memory_space<hbm>>
    %dma_start3A_398 = arith.constant 0 : i32
    %dma_start3A_399 = tpu.memref_slice %arg7[%dma_start3A_398] : memref<32768xf32, #tpu.memory_space<vmem>> -> memref<16384xf32, #tpu.memory_space<vmem>>
    tpu.enqueue_dma source(%dma_start3A_399 : memref<16384xf32, #tpu.memory_space<vmem>>) target(%dma_start3A_397 : memref<16384xf32, #tpu.memory_space<hbm>>) target_semaphore(%arg10 : memref<!tpu.dma_semaphore, #tpu.memory_space<semaphore_mem>>)
    %dma_wait3A_400 = arith.constant 16384 : i32
    %dma_wait3A_401 = tpu.memref_slice %arg7[%dma_wait3A_400] : memref<32768xf32, #tpu.memory_space<vmem>> -> memref<16384xf32, #tpu.memory_space<vmem>>
    %dma_wait3A_402 = tpu.memref_slice %arg4[%add3A_344] : memref<8388608xf32, #tpu.memory_space<hbm>> -> memref<16384xf32, #tpu.memory_space<hbm>>
    %dma_wait3A_403 = tpu.memref_slice %arg4[%add3A_344] : memref<8388608xf32, #tpu.memory_space<hbm>> -> memref<16384xf32, #tpu.memory_space<hbm>>
    %dma_wait3A_404 = arith.constant 16384 : i32
    %dma_wait3A_405 = tpu.memref_slice %arg7[%dma_wait3A_404] : memref<32768xf32, #tpu.memory_space<vmem>> -> memref<16384xf32, #tpu.memory_space<vmem>>
    tpu.wait_dma2 semaphore(%arg11 : memref<!tpu.dma_semaphore, #tpu.memory_space<semaphore_mem>>) src(%dma_wait3A_405 : memref<16384xf32, #tpu.memory_space<vmem>>) dst(%dma_wait3A_403 : memref<16384xf32, #tpu.memory_space<hbm>>)
    %scan3A_406 = arith.constant 0 : i32
    %scan3A_407 = arith.constant 256 : i32
    %scan3A_408 = arith.constant 256 : i32
    %scan3A_409 = arith.addi %scan3A_407, %scan3A_408 : i32
    %scan3A_410 = arith.constant 1 : i32
    %scan3A_411 = scf.for %scan3A_666 = %scan3A_407 to %scan3A_409 step %scan3A_410 iter_args(%scan3A_667 = %scan3A_406) -> (i32)  : i32 {
      %mul3A_668 = arith.constant 4 : i32
      %mul3A_669 = arith.muli %scan3A_666, %mul3A_668 : i32
      %mul3A_670 = arith.constant 16 : i32
      %mul3A_671 = arith.muli %mul3A_669, %mul3A_670 : i32
      %multiple_of3A = tpu.assume_multiple %mul3A_671, 16 : i32
      %add3A_672 = arith.constant 0 : i32
      %add3A_673 = arith.addi %multiple_of3A, %add3A_672 : i32
      %get3A = arith.index_cast %add3A_673 : i32 to index
      %get3A_674 = tpu.vector_load %arg5[%get3A] {strides = array<i32>} : memref<32768xi32, #tpu.memory_space<vmem>>, vector<16xi32>,
      %add3A_675 = arith.constant 0 : i32
      %add3A_676 = vector.broadcast %add3A_675 : i32 to vector<16xi32>
      %add3A_677 = arith.addi %get3A_674, %add3A_676 : vector<16xi32>
      %add3A_678 = arith.constant 16 : i32
      %add3A_679 = arith.addi %multiple_of3A, %add3A_678 : i32
      %get3A_680 = arith.index_cast %add3A_679 : i32 to index
      %get3A_681 = tpu.vector_load %arg5[%get3A_680] {strides = array<i32>} : memref<32768xi32, #tpu.memory_space<vmem>>, vector<16xi32>,
      %add3A_682 = arith.constant 0 : i32
      %add3A_683 = vector.broadcast %add3A_682 : i32 to vector<16xi32>
      %add3A_684 = arith.addi %get3A_681, %add3A_683 : vector<16xi32>
      %add3A_685 = arith.constant 32 : i32
      %add3A_686 = arith.addi %multiple_of3A, %add3A_685 : i32
      %get3A_687 = arith.index_cast %add3A_686 : i32 to index
      %get3A_688 = tpu.vector_load %arg5[%get3A_687] {strides = array<i32>} : memref<32768xi32, #tpu.memory_space<vmem>>, vector<16xi32>,
      %add3A_689 = arith.constant 0 : i32
      %add3A_690 = vector.broadcast %add3A_689 : i32 to vector<16xi32>
      %add3A_691 = arith.addi %get3A_688, %add3A_690 : vector<16xi32>
      %add3A_692 = arith.constant 48 : i32
      %add3A_693 = arith.addi %multiple_of3A, %add3A_692 : i32
      %get3A_694 = arith.index_cast %add3A_693 : i32 to index
      %get3A_695 = tpu.vector_load %arg5[%get3A_694] {strides = array<i32>} : memref<32768xi32, #tpu.memory_space<vmem>>, vector<16xi32>,
      %add3A_696 = arith.constant 0 : i32
      %add3A_697 = vector.broadcast %add3A_696 : i32 to vector<16xi32>
      %add3A_698 = arith.addi %get3A_695, %add3A_697 : vector<16xi32>
      %gather3A = tpu.vector_load_idx %arg6[%add3A_677] : memref<32768xf32, #tpu.memory_space<vmem>>[vector<16xi32>], vector<16xf32>,
      %gather3A_699 = tpu.vector_load_idx %arg6[%add3A_684] : memref<32768xf32, #tpu.memory_space<vmem>>[vector<16xi32>], vector<16xf32>,
      %gather3A_700 = tpu.vector_load_idx %arg6[%add3A_691] : memref<32768xf32, #tpu.memory_space<vmem>>[vector<16xi32>], vector<16xf32>,
      %gather3A_701 = tpu.vector_load_idx %arg6[%add3A_698] : memref<32768xf32, #tpu.memory_space<vmem>>[vector<16xi32>], vector<16xf32>,
      %add3A_702 = arith.constant 0 : i32
      %add3A_703 = arith.addi %multiple_of3A, %add3A_702 : i32
      %swap3A = arith.index_cast %add3A_703 : i32 to index
      %swap3A_704 = tpu.vector_load %arg7[%swap3A] {strides = array<i32>} : memref<32768xf32, #tpu.memory_space<vmem>>, vector<16xf32>,
      tpu.vector_store %arg7[%swap3A], %gather3A {strides = array<i32>} : memref<32768xf32, #tpu.memory_space<vmem>>, vector<16xf32>,
      %add3A_705 = arith.constant 16 : i32
      %add3A_706 = arith.addi %multiple_of3A, %add3A_705 : i32
      %swap3A_707 = arith.index_cast %add3A_706 : i32 to index
      %swap3A_708 = tpu.vector_load %arg7[%swap3A_707] {strides = array<i32>} : memref<32768xf32, #tpu.memory_space<vmem>>, vector<16xf32>,
      tpu.vector_store %arg7[%swap3A_707], %gather3A_699 {strides = array<i32>} : memref<32768xf32, #tpu.memory_space<vmem>>, vector<16xf32>,
      %add3A_709 = arith.constant 32 : i32
      %add3A_710 = arith.addi %multiple_of3A, %add3A_709 : i32
      %swap3A_711 = arith.index_cast %add3A_710 : i32 to index
      %swap3A_712 = tpu.vector_load %arg7[%swap3A_711] {strides = array<i32>} : memref<32768xf32, #tpu.memory_space<vmem>>, vector<16xf32>,
      tpu.vector_store %arg7[%swap3A_711], %gather3A_700 {strides = array<i32>} : memref<32768xf32, #tpu.memory_space<vmem>>, vector<16xf32>,
      %add3A_713 = arith.constant 48 : i32
      %add3A_714 = arith.addi %multiple_of3A, %add3A_713 : i32
      %swap3A_715 = arith.index_cast %add3A_714 : i32 to index
      %swap3A_716 = tpu.vector_load %arg7[%swap3A_715] {strides = array<i32>} : memref<32768xf32, #tpu.memory_space<vmem>>, vector<16xf32>,
      tpu.vector_store %arg7[%swap3A_715], %gather3A_701 {strides = array<i32>} : memref<32768xf32, #tpu.memory_space<vmem>>, vector<16xf32>,
      %scan3A_717 = arith.constant 0 : i32
      scf.yield %scan3A_717 : i32
    }
    %scan3A_412 = arith.constant 256 : i32
    %mul3A_413 = arith.constant 64 : i32
    %mul3A_414 = arith.muli %select_n3A, %mul3A_413 : i32
    %add3A_415 = arith.addi %mul3A_414, %mul3A_32 : i32
    %add3A_416 = arith.constant 4 : i32
    %add3A_417 = arith.addi %add3A_415, %add3A_416 : i32
    %mul3A_418 = arith.constant 1024 : i32
    %mul3A_419 = arith.muli %add3A_417, %mul3A_418 : i32
    %mul3A_420 = arith.constant 32 : i32
    %mul3A_421 = arith.muli %mul3A_419, %mul3A_420 : i32
    %add3A_422 = arith.constant 16384 : i32
    %add3A_423 = arith.addi %mul3A_421, %add3A_422 : i32
    %dma_start3A_424 = arith.constant 16384 : i32
    %dma_start3A_425 = tpu.memref_slice %arg7[%dma_start3A_424] : memref<32768xf32, #tpu.memory_space<vmem>> -> memref<16384xf32, #tpu.memory_space<vmem>>
    %dma_start3A_426 = tpu.memref_slice %arg4[%add3A_423] : memref<8388608xf32, #tpu.memory_space<hbm>> -> memref<16384xf32, #tpu.memory_space<hbm>>
    %dma_start3A_427 = tpu.memref_slice %arg4[%add3A_423] : memref<8388608xf32, #tpu.memory_space<hbm>> -> memref<16384xf32, #tpu.memory_space<hbm>>
    %dma_start3A_428 = arith.constant 16384 : i32
    %dma_start3A_429 = tpu.memref_slice %arg7[%dma_start3A_428] : memref<32768xf32, #tpu.memory_space<vmem>> -> memref<16384xf32, #tpu.memory_space<vmem>>
    tpu.enqueue_dma source(%dma_start3A_429 : memref<16384xf32, #tpu.memory_space<vmem>>) target(%dma_start3A_427 : memref<16384xf32, #tpu.memory_space<hbm>>) target_semaphore(%arg11 : memref<!tpu.dma_semaphore, #tpu.memory_space<semaphore_mem>>)
    %dma_wait3A_430 = arith.constant 16384 : i32
    %dma_wait3A_431 = tpu.memref_slice %arg6[%dma_wait3A_430] : memref<32768xf32, #tpu.memory_space<vmem>> -> memref<16384xf32, #tpu.memory_space<vmem>>
    %dma_wait3A_432 = tpu.memref_slice %arg2[%mul3A_363] : memref<4194304xf32, #tpu.memory_space<hbm>> -> memref<16384xf32, #tpu.memory_space<hbm>>
    %dma_wait3A_433 = arith.constant 16384 : i32
    %dma_wait3A_434 = tpu.memref_slice %arg6[%dma_wait3A_433] : memref<32768xf32, #tpu.memory_space<vmem>> -> memref<16384xf32, #tpu.memory_space<vmem>>
    %dma_wait3A_435 = tpu.memref_slice %arg2[%mul3A_363] : memref<4194304xf32, #tpu.memory_space<hbm>> -> memref<16384xf32, #tpu.memory_space<hbm>>
    tpu.wait_dma2 semaphore(%arg9 : memref<!tpu.dma_semaphore, #tpu.memory_space<semaphore_mem>>) src(%dma_wait3A_435 : memref<16384xf32, #tpu.memory_space<hbm>>) dst(%dma_wait3A_434 : memref<16384xf32, #tpu.memory_space<vmem>>)
    %mul3A_436 = arith.constant 64 : i32
    %mul3A_437 = arith.muli %select_n3A, %mul3A_436 : i32
    %add3A_438 = arith.addi %mul3A_437, %mul3A_32 : i32
    %add3A_439 = arith.constant 6 : i32
    %add3A_440 = arith.addi %add3A_438, %add3A_439 : i32
    %mul3A_441 = arith.constant 16384 : i32
    %mul3A_442 = arith.muli %add3A_440, %mul3A_441 : i32
    %dma_start3A_443 = arith.constant 0 : i32
    %dma_start3A_444 = tpu.memref_slice %arg6[%dma_start3A_443] : memref<32768xf32, #tpu.memory_space<vmem>> -> memref<16384xf32, #tpu.memory_space<vmem>>
    %dma_start3A_445 = tpu.memref_slice %arg2[%mul3A_442] : memref<4194304xf32, #tpu.memory_space<hbm>> -> memref<16384xf32, #tpu.memory_space<hbm>>
    %dma_start3A_446 = arith.constant 0 : i32
    %dma_start3A_447 = tpu.memref_slice %arg6[%dma_start3A_446] : memref<32768xf32, #tpu.memory_space<vmem>> -> memref<16384xf32, #tpu.memory_space<vmem>>
    %dma_start3A_448 = tpu.memref_slice %arg2[%mul3A_442] : memref<4194304xf32, #tpu.memory_space<hbm>> -> memref<16384xf32, #tpu.memory_space<hbm>>
    tpu.enqueue_dma source(%dma_start3A_448 : memref<16384xf32, #tpu.memory_space<hbm>>) target(%dma_start3A_447 : memref<16384xf32, #tpu.memory_space<vmem>>) target_semaphore(%arg8 : memref<!tpu.dma_semaphore, #tpu.memory_space<semaphore_mem>>)
    %dma_wait3A_449 = arith.constant 0 : i32
    %dma_wait3A_450 = tpu.memref_slice %arg7[%dma_wait3A_449] : memref<32768xf32, #tpu.memory_space<vmem>> -> memref<16384xf32, #tpu.memory_space<vmem>>
    %dma_wait3A_451 = tpu.memref_slice %arg4[%add3A_393] : memref<8388608xf32, #tpu.memory_space<hbm>> -> memref<16384xf32, #tpu.memory_space<hbm>>
    %dma_wait3A_452 = tpu.memref_slice %arg4[%add3A_393] : memref<8388608xf32, #tpu.memory_space<hbm>> -> memref<16384xf32, #tpu.memory_space<hbm>>
    %dma_wait3A_453 = arith.constant 0 : i32
    %dma_wait3A_454 = tpu.memref_slice %arg7[%dma_wait3A_453] : memref<32768xf32, #tpu.memory_space<vmem>> -> memref<16384xf32, #tpu.memory_space<vmem>>
    tpu.wait_dma2 semaphore(%arg10 : memref<!tpu.dma_semaphore, #tpu.memory_space<semaphore_mem>>) src(%dma_wait3A_454 : memref<16384xf32, #tpu.memory_space<vmem>>) dst(%dma_wait3A_452 : memref<16384xf32, #tpu.memory_space<hbm>>)
    %scan3A_455 = arith.constant 0 : i32
    %scan3A_456 = arith.constant 0 : i32
    %scan3A_457 = arith.constant 256 : i32
    %scan3A_458 = arith.addi %scan3A_456, %scan3A_457 : i32
    %scan3A_459 = arith.constant 1 : i32
    %scan3A_460 = scf.for %scan3A_666 = %scan3A_456 to %scan3A_458 step %scan3A_459 iter_args(%scan3A_667 = %scan3A_455) -> (i32)  : i32 {
      %mul3A_668 = arith.constant 4 : i32
      %mul3A_669 = arith.muli %scan3A_666, %mul3A_668 : i32
      %mul3A_670 = arith.constant 16 : i32
      %mul3A_671 = arith.muli %mul3A_669, %mul3A_670 : i32
      %multiple_of3A = tpu.assume_multiple %mul3A_671, 16 : i32
      %add3A_672 = arith.constant 0 : i32
      %add3A_673 = arith.addi %multiple_of3A, %add3A_672 : i32
      %get3A = arith.index_cast %add3A_673 : i32 to index
      %get3A_674 = tpu.vector_load %arg5[%get3A] {strides = array<i32>} : memref<32768xi32, #tpu.memory_space<vmem>>, vector<16xi32>,
      %add3A_675 = arith.constant 16384 : i32
      %add3A_676 = vector.broadcast %add3A_675 : i32 to vector<16xi32>
      %add3A_677 = arith.addi %get3A_674, %add3A_676 : vector<16xi32>
      %add3A_678 = arith.constant 16 : i32
      %add3A_679 = arith.addi %multiple_of3A, %add3A_678 : i32
      %get3A_680 = arith.index_cast %add3A_679 : i32 to index
      %get3A_681 = tpu.vector_load %arg5[%get3A_680] {strides = array<i32>} : memref<32768xi32, #tpu.memory_space<vmem>>, vector<16xi32>,
      %add3A_682 = arith.constant 16384 : i32
      %add3A_683 = vector.broadcast %add3A_682 : i32 to vector<16xi32>
      %add3A_684 = arith.addi %get3A_681, %add3A_683 : vector<16xi32>
      %add3A_685 = arith.constant 32 : i32
      %add3A_686 = arith.addi %multiple_of3A, %add3A_685 : i32
      %get3A_687 = arith.index_cast %add3A_686 : i32 to index
      %get3A_688 = tpu.vector_load %arg5[%get3A_687] {strides = array<i32>} : memref<32768xi32, #tpu.memory_space<vmem>>, vector<16xi32>,
      %add3A_689 = arith.constant 16384 : i32
      %add3A_690 = vector.broadcast %add3A_689 : i32 to vector<16xi32>
      %add3A_691 = arith.addi %get3A_688, %add3A_690 : vector<16xi32>
      %add3A_692 = arith.constant 48 : i32
      %add3A_693 = arith.addi %multiple_of3A, %add3A_692 : i32
      %get3A_694 = arith.index_cast %add3A_693 : i32 to index
      %get3A_695 = tpu.vector_load %arg5[%get3A_694] {strides = array<i32>} : memref<32768xi32, #tpu.memory_space<vmem>>, vector<16xi32>,
      %add3A_696 = arith.constant 16384 : i32
      %add3A_697 = vector.broadcast %add3A_696 : i32 to vector<16xi32>
      %add3A_698 = arith.addi %get3A_695, %add3A_697 : vector<16xi32>
      %gather3A = tpu.vector_load_idx %arg6[%add3A_677] : memref<32768xf32, #tpu.memory_space<vmem>>[vector<16xi32>], vector<16xf32>,
      %gather3A_699 = tpu.vector_load_idx %arg6[%add3A_684] : memref<32768xf32, #tpu.memory_space<vmem>>[vector<16xi32>], vector<16xf32>,
      %gather3A_700 = tpu.vector_load_idx %arg6[%add3A_691] : memref<32768xf32, #tpu.memory_space<vmem>>[vector<16xi32>], vector<16xf32>,
      %gather3A_701 = tpu.vector_load_idx %arg6[%add3A_698] : memref<32768xf32, #tpu.memory_space<vmem>>[vector<16xi32>], vector<16xf32>,
      %add3A_702 = arith.constant 0 : i32
      %add3A_703 = arith.addi %multiple_of3A, %add3A_702 : i32
      %swap3A = arith.index_cast %add3A_703 : i32 to index
      %swap3A_704 = tpu.vector_load %arg7[%swap3A] {strides = array<i32>} : memref<32768xf32, #tpu.memory_space<vmem>>, vector<16xf32>,
      tpu.vector_store %arg7[%swap3A], %gather3A {strides = array<i32>} : memref<32768xf32, #tpu.memory_space<vmem>>, vector<16xf32>,
      %add3A_705 = arith.constant 16 : i32
      %add3A_706 = arith.addi %multiple_of3A, %add3A_705 : i32
      %swap3A_707 = arith.index_cast %add3A_706 : i32 to index
      %swap3A_708 = tpu.vector_load %arg7[%swap3A_707] {strides = array<i32>} : memref<32768xf32, #tpu.memory_space<vmem>>, vector<16xf32>,
      tpu.vector_store %arg7[%swap3A_707], %gather3A_699 {strides = array<i32>} : memref<32768xf32, #tpu.memory_space<vmem>>, vector<16xf32>,
      %add3A_709 = arith.constant 32 : i32
      %add3A_710 = arith.addi %multiple_of3A, %add3A_709 : i32
      %swap3A_711 = arith.index_cast %add3A_710 : i32 to index
      %swap3A_712 = tpu.vector_load %arg7[%swap3A_711] {strides = array<i32>} : memref<32768xf32, #tpu.memory_space<vmem>>, vector<16xf32>,
      tpu.vector_store %arg7[%swap3A_711], %gather3A_700 {strides = array<i32>} : memref<32768xf32, #tpu.memory_space<vmem>>, vector<16xf32>,
      %add3A_713 = arith.constant 48 : i32
      %add3A_714 = arith.addi %multiple_of3A, %add3A_713 : i32
      %swap3A_715 = arith.index_cast %add3A_714 : i32 to index
      %swap3A_716 = tpu.vector_load %arg7[%swap3A_715] {strides = array<i32>} : memref<32768xf32, #tpu.memory_space<vmem>>, vector<16xf32>,
      tpu.vector_store %arg7[%swap3A_715], %gather3A_701 {strides = array<i32>} : memref<32768xf32, #tpu.memory_space<vmem>>, vector<16xf32>,
      %scan3A_717 = arith.constant 0 : i32
      scf.yield %scan3A_717 : i32
    }
    %scan3A_461 = arith.constant 256 : i32
    %mul3A_462 = arith.constant 64 : i32
    %mul3A_463 = arith.muli %select_n3A, %mul3A_462 : i32
    %add3A_464 = arith.addi %mul3A_463, %mul3A_32 : i32
    %add3A_465 = arith.constant 5 : i32
    %add3A_466 = arith.addi %add3A_464, %add3A_465 : i32
    %mul3A_467 = arith.constant 1024 : i32
    %mul3A_468 = arith.muli %add3A_466, %mul3A_467 : i32
    %mul3A_469 = arith.constant 32 : i32
    %mul3A_470 = arith.muli %mul3A_468, %mul3A_469 : i32
    %add3A_471 = arith.constant 0 : i32
    %add3A_472 = arith.addi %mul3A_470, %add3A_471 : i32
    %dma_start3A_473 = arith.constant 0 : i32
    %dma_start3A_474 = tpu.memref_slice %arg7[%dma_start3A_473] : memref<32768xf32, #tpu.memory_space<vmem>> -> memref<16384xf32, #tpu.memory_space<vmem>>
    %dma_start3A_475 = tpu.memref_slice %arg4[%add3A_472] : memref<8388608xf32, #tpu.memory_space<hbm>> -> memref<16384xf32, #tpu.memory_space<hbm>>
    %dma_start3A_476 = tpu.memref_slice %arg4[%add3A_472] : memref<8388608xf32, #tpu.memory_space<hbm>> -> memref<16384xf32, #tpu.memory_space<hbm>>
    %dma_start3A_477 = arith.constant 0 : i32
    %dma_start3A_478 = tpu.memref_slice %arg7[%dma_start3A_477] : memref<32768xf32, #tpu.memory_space<vmem>> -> memref<16384xf32, #tpu.memory_space<vmem>>
    tpu.enqueue_dma source(%dma_start3A_478 : memref<16384xf32, #tpu.memory_space<vmem>>) target(%dma_start3A_476 : memref<16384xf32, #tpu.memory_space<hbm>>) target_semaphore(%arg10 : memref<!tpu.dma_semaphore, #tpu.memory_space<semaphore_mem>>)
    %dma_wait3A_479 = arith.constant 16384 : i32
    %dma_wait3A_480 = tpu.memref_slice %arg7[%dma_wait3A_479] : memref<32768xf32, #tpu.memory_space<vmem>> -> memref<16384xf32, #tpu.memory_space<vmem>>
    %dma_wait3A_481 = tpu.memref_slice %arg4[%add3A_423] : memref<8388608xf32, #tpu.memory_space<hbm>> -> memref<16384xf32, #tpu.memory_space<hbm>>
    %dma_wait3A_482 = tpu.memref_slice %arg4[%add3A_423] : memref<8388608xf32, #tpu.memory_space<hbm>> -> memref<16384xf32, #tpu.memory_space<hbm>>
    %dma_wait3A_483 = arith.constant 16384 : i32
    %dma_wait3A_484 = tpu.memref_slice %arg7[%dma_wait3A_483] : memref<32768xf32, #tpu.memory_space<vmem>> -> memref<16384xf32, #tpu.memory_space<vmem>>
    tpu.wait_dma2 semaphore(%arg11 : memref<!tpu.dma_semaphore, #tpu.memory_space<semaphore_mem>>) src(%dma_wait3A_484 : memref<16384xf32, #tpu.memory_space<vmem>>) dst(%dma_wait3A_482 : memref<16384xf32, #tpu.memory_space<hbm>>)
    %scan3A_485 = arith.constant 0 : i32
    %scan3A_486 = arith.constant 256 : i32
    %scan3A_487 = arith.constant 256 : i32
    %scan3A_488 = arith.addi %scan3A_486, %scan3A_487 : i32
    %scan3A_489 = arith.constant 1 : i32
    %scan3A_490 = scf.for %scan3A_666 = %scan3A_486 to %scan3A_488 step %scan3A_489 iter_args(%scan3A_667 = %scan3A_485) -> (i32)  : i32 {
      %mul3A_668 = arith.constant 4 : i32
      %mul3A_669 = arith.muli %scan3A_666, %mul3A_668 : i32
      %mul3A_670 = arith.constant 16 : i32
      %mul3A_671 = arith.muli %mul3A_669, %mul3A_670 : i32
      %multiple_of3A = tpu.assume_multiple %mul3A_671, 16 : i32
      %add3A_672 = arith.constant 0 : i32
      %add3A_673 = arith.addi %multiple_of3A, %add3A_672 : i32
      %get3A = arith.index_cast %add3A_673 : i32 to index
      %get3A_674 = tpu.vector_load %arg5[%get3A] {strides = array<i32>} : memref<32768xi32, #tpu.memory_space<vmem>>, vector<16xi32>,
      %add3A_675 = arith.constant 16384 : i32
      %add3A_676 = vector.broadcast %add3A_675 : i32 to vector<16xi32>
      %add3A_677 = arith.addi %get3A_674, %add3A_676 : vector<16xi32>
      %add3A_678 = arith.constant 16 : i32
      %add3A_679 = arith.addi %multiple_of3A, %add3A_678 : i32
      %get3A_680 = arith.index_cast %add3A_679 : i32 to index
      %get3A_681 = tpu.vector_load %arg5[%get3A_680] {strides = array<i32>} : memref<32768xi32, #tpu.memory_space<vmem>>, vector<16xi32>,
      %add3A_682 = arith.constant 16384 : i32
      %add3A_683 = vector.broadcast %add3A_682 : i32 to vector<16xi32>
      %add3A_684 = arith.addi %get3A_681, %add3A_683 : vector<16xi32>
      %add3A_685 = arith.constant 32 : i32
      %add3A_686 = arith.addi %multiple_of3A, %add3A_685 : i32
      %get3A_687 = arith.index_cast %add3A_686 : i32 to index
      %get3A_688 = tpu.vector_load %arg5[%get3A_687] {strides = array<i32>} : memref<32768xi32, #tpu.memory_space<vmem>>, vector<16xi32>,
      %add3A_689 = arith.constant 16384 : i32
      %add3A_690 = vector.broadcast %add3A_689 : i32 to vector<16xi32>
      %add3A_691 = arith.addi %get3A_688, %add3A_690 : vector<16xi32>
      %add3A_692 = arith.constant 48 : i32
      %add3A_693 = arith.addi %multiple_of3A, %add3A_692 : i32
      %get3A_694 = arith.index_cast %add3A_693 : i32 to index
      %get3A_695 = tpu.vector_load %arg5[%get3A_694] {strides = array<i32>} : memref<32768xi32, #tpu.memory_space<vmem>>, vector<16xi32>,
      %add3A_696 = arith.constant 16384 : i32
      %add3A_697 = vector.broadcast %add3A_696 : i32 to vector<16xi32>
      %add3A_698 = arith.addi %get3A_695, %add3A_697 : vector<16xi32>
      %gather3A = tpu.vector_load_idx %arg6[%add3A_677] : memref<32768xf32, #tpu.memory_space<vmem>>[vector<16xi32>], vector<16xf32>,
      %gather3A_699 = tpu.vector_load_idx %arg6[%add3A_684] : memref<32768xf32, #tpu.memory_space<vmem>>[vector<16xi32>], vector<16xf32>,
      %gather3A_700 = tpu.vector_load_idx %arg6[%add3A_691] : memref<32768xf32, #tpu.memory_space<vmem>>[vector<16xi32>], vector<16xf32>,
      %gather3A_701 = tpu.vector_load_idx %arg6[%add3A_698] : memref<32768xf32, #tpu.memory_space<vmem>>[vector<16xi32>], vector<16xf32>,
      %add3A_702 = arith.constant 0 : i32
      %add3A_703 = arith.addi %multiple_of3A, %add3A_702 : i32
      %swap3A = arith.index_cast %add3A_703 : i32 to index
      %swap3A_704 = tpu.vector_load %arg7[%swap3A] {strides = array<i32>} : memref<32768xf32, #tpu.memory_space<vmem>>, vector<16xf32>,
      tpu.vector_store %arg7[%swap3A], %gather3A {strides = array<i32>} : memref<32768xf32, #tpu.memory_space<vmem>>, vector<16xf32>,
      %add3A_705 = arith.constant 16 : i32
      %add3A_706 = arith.addi %multiple_of3A, %add3A_705 : i32
      %swap3A_707 = arith.index_cast %add3A_706 : i32 to index
      %swap3A_708 = tpu.vector_load %arg7[%swap3A_707] {strides = array<i32>} : memref<32768xf32, #tpu.memory_space<vmem>>, vector<16xf32>,
      tpu.vector_store %arg7[%swap3A_707], %gather3A_699 {strides = array<i32>} : memref<32768xf32, #tpu.memory_space<vmem>>, vector<16xf32>,
      %add3A_709 = arith.constant 32 : i32
      %add3A_710 = arith.addi %multiple_of3A, %add3A_709 : i32
      %swap3A_711 = arith.index_cast %add3A_710 : i32 to index
      %swap3A_712 = tpu.vector_load %arg7[%swap3A_711] {strides = array<i32>} : memref<32768xf32, #tpu.memory_space<vmem>>, vector<16xf32>,
      tpu.vector_store %arg7[%swap3A_711], %gather3A_700 {strides = array<i32>} : memref<32768xf32, #tpu.memory_space<vmem>>, vector<16xf32>,
      %add3A_713 = arith.constant 48 : i32
      %add3A_714 = arith.addi %multiple_of3A, %add3A_713 : i32
      %swap3A_715 = arith.index_cast %add3A_714 : i32 to index
      %swap3A_716 = tpu.vector_load %arg7[%swap3A_715] {strides = array<i32>} : memref<32768xf32, #tpu.memory_space<vmem>>, vector<16xf32>,
      tpu.vector_store %arg7[%swap3A_715], %gather3A_701 {strides = array<i32>} : memref<32768xf32, #tpu.memory_space<vmem>>, vector<16xf32>,
      %scan3A_717 = arith.constant 0 : i32
      scf.yield %scan3A_717 : i32
    }
    %scan3A_491 = arith.constant 256 : i32
    %mul3A_492 = arith.constant 64 : i32
    %mul3A_493 = arith.muli %select_n3A, %mul3A_492 : i32
    %add3A_494 = arith.addi %mul3A_493, %mul3A_32 : i32
    %add3A_495 = arith.constant 5 : i32
    %add3A_496 = arith.addi %add3A_494, %add3A_495 : i32
    %mul3A_497 = arith.constant 1024 : i32
    %mul3A_498 = arith.muli %add3A_496, %mul3A_497 : i32
    %mul3A_499 = arith.constant 32 : i32
    %mul3A_500 = arith.muli %mul3A_498, %mul3A_499 : i32
    %add3A_501 = arith.constant 16384 : i32
    %add3A_502 = arith.addi %mul3A_500, %add3A_501 : i32
    %dma_start3A_503 = arith.constant 16384 : i32
    %dma_start3A_504 = tpu.memref_slice %arg7[%dma_start3A_503] : memref<32768xf32, #tpu.memory_space<vmem>> -> memref<16384xf32, #tpu.memory_space<vmem>>
    %dma_start3A_505 = tpu.memref_slice %arg4[%add3A_502] : memref<8388608xf32, #tpu.memory_space<hbm>> -> memref<16384xf32, #tpu.memory_space<hbm>>
    %dma_start3A_506 = tpu.memref_slice %arg4[%add3A_502] : memref<8388608xf32, #tpu.memory_space<hbm>> -> memref<16384xf32, #tpu.memory_space<hbm>>
    %dma_start3A_507 = arith.constant 16384 : i32
    %dma_start3A_508 = tpu.memref_slice %arg7[%dma_start3A_507] : memref<32768xf32, #tpu.memory_space<vmem>> -> memref<16384xf32, #tpu.memory_space<vmem>>
    tpu.enqueue_dma source(%dma_start3A_508 : memref<16384xf32, #tpu.memory_space<vmem>>) target(%dma_start3A_506 : memref<16384xf32, #tpu.memory_space<hbm>>) target_semaphore(%arg11 : memref<!tpu.dma_semaphore, #tpu.memory_space<semaphore_mem>>)
    %dma_wait3A_509 = arith.constant 0 : i32
    %dma_wait3A_510 = tpu.memref_slice %arg6[%dma_wait3A_509] : memref<32768xf32, #tpu.memory_space<vmem>> -> memref<16384xf32, #tpu.memory_space<vmem>>
    %dma_wait3A_511 = tpu.memref_slice %arg2[%mul3A_442] : memref<4194304xf32, #tpu.memory_space<hbm>> -> memref<16384xf32, #tpu.memory_space<hbm>>
    %dma_wait3A_512 = arith.constant 0 : i32
    %dma_wait3A_513 = tpu.memref_slice %arg6[%dma_wait3A_512] : memref<32768xf32, #tpu.memory_space<vmem>> -> memref<16384xf32, #tpu.memory_space<vmem>>
    %dma_wait3A_514 = tpu.memref_slice %arg2[%mul3A_442] : memref<4194304xf32, #tpu.memory_space<hbm>> -> memref<16384xf32, #tpu.memory_space<hbm>>
    tpu.wait_dma2 semaphore(%arg8 : memref<!tpu.dma_semaphore, #tpu.memory_space<semaphore_mem>>) src(%dma_wait3A_514 : memref<16384xf32, #tpu.memory_space<hbm>>) dst(%dma_wait3A_513 : memref<16384xf32, #tpu.memory_space<vmem>>)
    %mul3A_515 = arith.constant 64 : i32
    %mul3A_516 = arith.muli %select_n3A, %mul3A_515 : i32
    %add3A_517 = arith.addi %mul3A_516, %mul3A_32 : i32
    %add3A_518 = arith.constant 7 : i32
    %add3A_519 = arith.addi %add3A_517, %add3A_518 : i32
    %mul3A_520 = arith.constant 16384 : i32
    %mul3A_521 = arith.muli %add3A_519, %mul3A_520 : i32
    %dma_start3A_522 = arith.constant 16384 : i32
    %dma_start3A_523 = tpu.memref_slice %arg6[%dma_start3A_522] : memref<32768xf32, #tpu.memory_space<vmem>> -> memref<16384xf32, #tpu.memory_space<vmem>>
    %dma_start3A_524 = tpu.memref_slice %arg2[%mul3A_521] : memref<4194304xf32, #tpu.memory_space<hbm>> -> memref<16384xf32, #tpu.memory_space<hbm>>
    %dma_start3A_525 = arith.constant 16384 : i32
    %dma_start3A_526 = tpu.memref_slice %arg6[%dma_start3A_525] : memref<32768xf32, #tpu.memory_space<vmem>> -> memref<16384xf32, #tpu.memory_space<vmem>>
    %dma_start3A_527 = tpu.memref_slice %arg2[%mul3A_521] : memref<4194304xf32, #tpu.memory_space<hbm>> -> memref<16384xf32, #tpu.memory_space<hbm>>
    tpu.enqueue_dma source(%dma_start3A_527 : memref<16384xf32, #tpu.memory_space<hbm>>) target(%dma_start3A_526 : memref<16384xf32, #tpu.memory_space<vmem>>) target_semaphore(%arg9 : memref<!tpu.dma_semaphore, #tpu.memory_space<semaphore_mem>>)
    %dma_wait3A_528 = arith.constant 0 : i32
    %dma_wait3A_529 = tpu.memref_slice %arg7[%dma_wait3A_528] : memref<32768xf32, #tpu.memory_space<vmem>> -> memref<16384xf32, #tpu.memory_space<vmem>>
    %dma_wait3A_530 = tpu.memref_slice %arg4[%add3A_472] : memref<8388608xf32, #tpu.memory_space<hbm>> -> memref<16384xf32, #tpu.memory_space<hbm>>
    %dma_wait3A_531 = tpu.memref_slice %arg4[%add3A_472] : memref<8388608xf32, #tpu.memory_space<hbm>> -> memref<16384xf32, #tpu.memory_space<hbm>>
    %dma_wait3A_532 = arith.constant 0 : i32
    %dma_wait3A_533 = tpu.memref_slice %arg7[%dma_wait3A_532] : memref<32768xf32, #tpu.memory_space<vmem>> -> memref<16384xf32, #tpu.memory_space<vmem>>
    tpu.wait_dma2 semaphore(%arg10 : memref<!tpu.dma_semaphore, #tpu.memory_space<semaphore_mem>>) src(%dma_wait3A_533 : memref<16384xf32, #tpu.memory_space<vmem>>) dst(%dma_wait3A_531 : memref<16384xf32, #tpu.memory_space<hbm>>)
    %scan3A_534 = arith.constant 0 : i32
    %scan3A_535 = arith.constant 0 : i32
    %scan3A_536 = arith.constant 256 : i32
    %scan3A_537 = arith.addi %scan3A_535, %scan3A_536 : i32
    %scan3A_538 = arith.constant 1 : i32
    %scan3A_539 = scf.for %scan3A_666 = %scan3A_535 to %scan3A_537 step %scan3A_538 iter_args(%scan3A_667 = %scan3A_534) -> (i32)  : i32 {
      %mul3A_668 = arith.constant 4 : i32
      %mul3A_669 = arith.muli %scan3A_666, %mul3A_668 : i32
      %mul3A_670 = arith.constant 16 : i32
      %mul3A_671 = arith.muli %mul3A_669, %mul3A_670 : i32
      %multiple_of3A = tpu.assume_multiple %mul3A_671, 16 : i32
      %add3A_672 = arith.constant 0 : i32
      %add3A_673 = arith.addi %multiple_of3A, %add3A_672 : i32
      %get3A = arith.index_cast %add3A_673 : i32 to index
      %get3A_674 = tpu.vector_load %arg5[%get3A] {strides = array<i32>} : memref<32768xi32, #tpu.memory_space<vmem>>, vector<16xi32>,
      %add3A_675 = arith.constant 0 : i32
      %add3A_676 = vector.broadcast %add3A_675 : i32 to vector<16xi32>
      %add3A_677 = arith.addi %get3A_674, %add3A_676 : vector<16xi32>
      %add3A_678 = arith.constant 16 : i32
      %add3A_679 = arith.addi %multiple_of3A, %add3A_678 : i32
      %get3A_680 = arith.index_cast %add3A_679 : i32 to index
      %get3A_681 = tpu.vector_load %arg5[%get3A_680] {strides = array<i32>} : memref<32768xi32, #tpu.memory_space<vmem>>, vector<16xi32>,
      %add3A_682 = arith.constant 0 : i32
      %add3A_683 = vector.broadcast %add3A_682 : i32 to vector<16xi32>
      %add3A_684 = arith.addi %get3A_681, %add3A_683 : vector<16xi32>
      %add3A_685 = arith.constant 32 : i32
      %add3A_686 = arith.addi %multiple_of3A, %add3A_685 : i32
      %get3A_687 = arith.index_cast %add3A_686 : i32 to index
      %get3A_688 = tpu.vector_load %arg5[%get3A_687] {strides = array<i32>} : memref<32768xi32, #tpu.memory_space<vmem>>, vector<16xi32>,
      %add3A_689 = arith.constant 0 : i32
      %add3A_690 = vector.broadcast %add3A_689 : i32 to vector<16xi32>
      %add3A_691 = arith.addi %get3A_688, %add3A_690 : vector<16xi32>
      %add3A_692 = arith.constant 48 : i32
      %add3A_693 = arith.addi %multiple_of3A, %add3A_692 : i32
      %get3A_694 = arith.index_cast %add3A_693 : i32 to index
      %get3A_695 = tpu.vector_load %arg5[%get3A_694] {strides = array<i32>} : memref<32768xi32, #tpu.memory_space<vmem>>, vector<16xi32>,
      %add3A_696 = arith.constant 0 : i32
      %add3A_697 = vector.broadcast %add3A_696 : i32 to vector<16xi32>
      %add3A_698 = arith.addi %get3A_695, %add3A_697 : vector<16xi32>
      %gather3A = tpu.vector_load_idx %arg6[%add3A_677] : memref<32768xf32, #tpu.memory_space<vmem>>[vector<16xi32>], vector<16xf32>,
      %gather3A_699 = tpu.vector_load_idx %arg6[%add3A_684] : memref<32768xf32, #tpu.memory_space<vmem>>[vector<16xi32>], vector<16xf32>,
      %gather3A_700 = tpu.vector_load_idx %arg6[%add3A_691] : memref<32768xf32, #tpu.memory_space<vmem>>[vector<16xi32>], vector<16xf32>,
      %gather3A_701 = tpu.vector_load_idx %arg6[%add3A_698] : memref<32768xf32, #tpu.memory_space<vmem>>[vector<16xi32>], vector<16xf32>,
      %add3A_702 = arith.constant 0 : i32
      %add3A_703 = arith.addi %multiple_of3A, %add3A_702 : i32
      %swap3A = arith.index_cast %add3A_703 : i32 to index
      %swap3A_704 = tpu.vector_load %arg7[%swap3A] {strides = array<i32>} : memref<32768xf32, #tpu.memory_space<vmem>>, vector<16xf32>,
      tpu.vector_store %arg7[%swap3A], %gather3A {strides = array<i32>} : memref<32768xf32, #tpu.memory_space<vmem>>, vector<16xf32>,
      %add3A_705 = arith.constant 16 : i32
      %add3A_706 = arith.addi %multiple_of3A, %add3A_705 : i32
      %swap3A_707 = arith.index_cast %add3A_706 : i32 to index
      %swap3A_708 = tpu.vector_load %arg7[%swap3A_707] {strides = array<i32>} : memref<32768xf32, #tpu.memory_space<vmem>>, vector<16xf32>,
      tpu.vector_store %arg7[%swap3A_707], %gather3A_699 {strides = array<i32>} : memref<32768xf32, #tpu.memory_space<vmem>>, vector<16xf32>,
      %add3A_709 = arith.constant 32 : i32
      %add3A_710 = arith.addi %multiple_of3A, %add3A_709 : i32
      %swap3A_711 = arith.index_cast %add3A_710 : i32 to index
      %swap3A_712 = tpu.vector_load %arg7[%swap3A_711] {strides = array<i32>} : memref<32768xf32, #tpu.memory_space<vmem>>, vector<16xf32>,
      tpu.vector_store %arg7[%swap3A_711], %gather3A_700 {strides = array<i32>} : memref<32768xf32, #tpu.memory_space<vmem>>, vector<16xf32>,
      %add3A_713 = arith.constant 48 : i32
      %add3A_714 = arith.addi %multiple_of3A, %add3A_713 : i32
      %swap3A_715 = arith.index_cast %add3A_714 : i32 to index
      %swap3A_716 = tpu.vector_load %arg7[%swap3A_715] {strides = array<i32>} : memref<32768xf32, #tpu.memory_space<vmem>>, vector<16xf32>,
      tpu.vector_store %arg7[%swap3A_715], %gather3A_701 {strides = array<i32>} : memref<32768xf32, #tpu.memory_space<vmem>>, vector<16xf32>,
      %scan3A_717 = arith.constant 0 : i32
      scf.yield %scan3A_717 : i32
    }
    %scan3A_540 = arith.constant 256 : i32
    %mul3A_541 = arith.constant 64 : i32
    %mul3A_542 = arith.muli %select_n3A, %mul3A_541 : i32
    %add3A_543 = arith.addi %mul3A_542, %mul3A_32 : i32
    %add3A_544 = arith.constant 6 : i32
    %add3A_545 = arith.addi %add3A_543, %add3A_544 : i32
    %mul3A_546 = arith.constant 1024 : i32
    %mul3A_547 = arith.muli %add3A_545, %mul3A_546 : i32
    %mul3A_548 = arith.constant 32 : i32
    %mul3A_549 = arith.muli %mul3A_547, %mul3A_548 : i32
    %add3A_550 = arith.constant 0 : i32
    %add3A_551 = arith.addi %mul3A_549, %add3A_550 : i32
    %dma_start3A_552 = arith.constant 0 : i32
    %dma_start3A_553 = tpu.memref_slice %arg7[%dma_start3A_552] : memref<32768xf32, #tpu.memory_space<vmem>> -> memref<16384xf32, #tpu.memory_space<vmem>>
    %dma_start3A_554 = tpu.memref_slice %arg4[%add3A_551] : memref<8388608xf32, #tpu.memory_space<hbm>> -> memref<16384xf32, #tpu.memory_space<hbm>>
    %dma_start3A_555 = tpu.memref_slice %arg4[%add3A_551] : memref<8388608xf32, #tpu.memory_space<hbm>> -> memref<16384xf32, #tpu.memory_space<hbm>>
    %dma_start3A_556 = arith.constant 0 : i32
    %dma_start3A_557 = tpu.memref_slice %arg7[%dma_start3A_556] : memref<32768xf32, #tpu.memory_space<vmem>> -> memref<16384xf32, #tpu.memory_space<vmem>>
    tpu.enqueue_dma source(%dma_start3A_557 : memref<16384xf32, #tpu.memory_space<vmem>>) target(%dma_start3A_555 : memref<16384xf32, #tpu.memory_space<hbm>>) target_semaphore(%arg10 : memref<!tpu.dma_semaphore, #tpu.memory_space<semaphore_mem>>)
    %dma_wait3A_558 = arith.constant 16384 : i32
    %dma_wait3A_559 = tpu.memref_slice %arg7[%dma_wait3A_558] : memref<32768xf32, #tpu.memory_space<vmem>> -> memref<16384xf32, #tpu.memory_space<vmem>>
    %dma_wait3A_560 = tpu.memref_slice %arg4[%add3A_502] : memref<8388608xf32, #tpu.memory_space<hbm>> -> memref<16384xf32, #tpu.memory_space<hbm>>
    %dma_wait3A_561 = tpu.memref_slice %arg4[%add3A_502] : memref<8388608xf32, #tpu.memory_space<hbm>> -> memref<16384xf32, #tpu.memory_space<hbm>>
    %dma_wait3A_562 = arith.constant 16384 : i32
    %dma_wait3A_563 = tpu.memref_slice %arg7[%dma_wait3A_562] : memref<32768xf32, #tpu.memory_space<vmem>> -> memref<16384xf32, #tpu.memory_space<vmem>>
    tpu.wait_dma2 semaphore(%arg11 : memref<!tpu.dma_semaphore, #tpu.memory_space<semaphore_mem>>) src(%dma_wait3A_563 : memref<16384xf32, #tpu.memory_space<vmem>>) dst(%dma_wait3A_561 : memref<16384xf32, #tpu.memory_space<hbm>>)
    %scan3A_564 = arith.constant 0 : i32
    %scan3A_565 = arith.constant 256 : i32
    %scan3A_566 = arith.constant 256 : i32
    %scan3A_567 = arith.addi %scan3A_565, %scan3A_566 : i32
    %scan3A_568 = arith.constant 1 : i32
    %scan3A_569 = scf.for %scan3A_666 = %scan3A_565 to %scan3A_567 step %scan3A_568 iter_args(%scan3A_667 = %scan3A_564) -> (i32)  : i32 {
      %mul3A_668 = arith.constant 4 : i32
      %mul3A_669 = arith.muli %scan3A_666, %mul3A_668 : i32
      %mul3A_670 = arith.constant 16 : i32
      %mul3A_671 = arith.muli %mul3A_669, %mul3A_670 : i32
      %multiple_of3A = tpu.assume_multiple %mul3A_671, 16 : i32
      %add3A_672 = arith.constant 0 : i32
      %add3A_673 = arith.addi %multiple_of3A, %add3A_672 : i32
      %get3A = arith.index_cast %add3A_673 : i32 to index
      %get3A_674 = tpu.vector_load %arg5[%get3A] {strides = array<i32>} : memref<32768xi32, #tpu.memory_space<vmem>>, vector<16xi32>,
      %add3A_675 = arith.constant 0 : i32
      %add3A_676 = vector.broadcast %add3A_675 : i32 to vector<16xi32>
      %add3A_677 = arith.addi %get3A_674, %add3A_676 : vector<16xi32>
      %add3A_678 = arith.constant 16 : i32
      %add3A_679 = arith.addi %multiple_of3A, %add3A_678 : i32
      %get3A_680 = arith.index_cast %add3A_679 : i32 to index
      %get3A_681 = tpu.vector_load %arg5[%get3A_680] {strides = array<i32>} : memref<32768xi32, #tpu.memory_space<vmem>>, vector<16xi32>,
      %add3A_682 = arith.constant 0 : i32
      %add3A_683 = vector.broadcast %add3A_682 : i32 to vector<16xi32>
      %add3A_684 = arith.addi %get3A_681, %add3A_683 : vector<16xi32>
      %add3A_685 = arith.constant 32 : i32
      %add3A_686 = arith.addi %multiple_of3A, %add3A_685 : i32
      %get3A_687 = arith.index_cast %add3A_686 : i32 to index
      %get3A_688 = tpu.vector_load %arg5[%get3A_687] {strides = array<i32>} : memref<32768xi32, #tpu.memory_space<vmem>>, vector<16xi32>,
      %add3A_689 = arith.constant 0 : i32
      %add3A_690 = vector.broadcast %add3A_689 : i32 to vector<16xi32>
      %add3A_691 = arith.addi %get3A_688, %add3A_690 : vector<16xi32>
      %add3A_692 = arith.constant 48 : i32
      %add3A_693 = arith.addi %multiple_of3A, %add3A_692 : i32
      %get3A_694 = arith.index_cast %add3A_693 : i32 to index
      %get3A_695 = tpu.vector_load %arg5[%get3A_694] {strides = array<i32>} : memref<32768xi32, #tpu.memory_space<vmem>>, vector<16xi32>,
      %add3A_696 = arith.constant 0 : i32
      %add3A_697 = vector.broadcast %add3A_696 : i32 to vector<16xi32>
      %add3A_698 = arith.addi %get3A_695, %add3A_697 : vector<16xi32>
      %gather3A = tpu.vector_load_idx %arg6[%add3A_677] : memref<32768xf32, #tpu.memory_space<vmem>>[vector<16xi32>], vector<16xf32>,
      %gather3A_699 = tpu.vector_load_idx %arg6[%add3A_684] : memref<32768xf32, #tpu.memory_space<vmem>>[vector<16xi32>], vector<16xf32>,
      %gather3A_700 = tpu.vector_load_idx %arg6[%add3A_691] : memref<32768xf32, #tpu.memory_space<vmem>>[vector<16xi32>], vector<16xf32>,
      %gather3A_701 = tpu.vector_load_idx %arg6[%add3A_698] : memref<32768xf32, #tpu.memory_space<vmem>>[vector<16xi32>], vector<16xf32>,
      %add3A_702 = arith.constant 0 : i32
      %add3A_703 = arith.addi %multiple_of3A, %add3A_702 : i32
      %swap3A = arith.index_cast %add3A_703 : i32 to index
      %swap3A_704 = tpu.vector_load %arg7[%swap3A] {strides = array<i32>} : memref<32768xf32, #tpu.memory_space<vmem>>, vector<16xf32>,
      tpu.vector_store %arg7[%swap3A], %gather3A {strides = array<i32>} : memref<32768xf32, #tpu.memory_space<vmem>>, vector<16xf32>,
      %add3A_705 = arith.constant 16 : i32
      %add3A_706 = arith.addi %multiple_of3A, %add3A_705 : i32
      %swap3A_707 = arith.index_cast %add3A_706 : i32 to index
      %swap3A_708 = tpu.vector_load %arg7[%swap3A_707] {strides = array<i32>} : memref<32768xf32, #tpu.memory_space<vmem>>, vector<16xf32>,
      tpu.vector_store %arg7[%swap3A_707], %gather3A_699 {strides = array<i32>} : memref<32768xf32, #tpu.memory_space<vmem>>, vector<16xf32>,
      %add3A_709 = arith.constant 32 : i32
      %add3A_710 = arith.addi %multiple_of3A, %add3A_709 : i32
      %swap3A_711 = arith.index_cast %add3A_710 : i32 to index
      %swap3A_712 = tpu.vector_load %arg7[%swap3A_711] {strides = array<i32>} : memref<32768xf32, #tpu.memory_space<vmem>>, vector<16xf32>,
      tpu.vector_store %arg7[%swap3A_711], %gather3A_700 {strides = array<i32>} : memref<32768xf32, #tpu.memory_space<vmem>>, vector<16xf32>,
      %add3A_713 = arith.constant 48 : i32
      %add3A_714 = arith.addi %multiple_of3A, %add3A_713 : i32
      %swap3A_715 = arith.index_cast %add3A_714 : i32 to index
      %swap3A_716 = tpu.vector_load %arg7[%swap3A_715] {strides = array<i32>} : memref<32768xf32, #tpu.memory_space<vmem>>, vector<16xf32>,
      tpu.vector_store %arg7[%swap3A_715], %gather3A_701 {strides = array<i32>} : memref<32768xf32, #tpu.memory_space<vmem>>, vector<16xf32>,
      %scan3A_717 = arith.constant 0 : i32
      scf.yield %scan3A_717 : i32
    }
    %scan3A_570 = arith.constant 256 : i32
    %mul3A_571 = arith.constant 64 : i32
    %mul3A_572 = arith.muli %select_n3A, %mul3A_571 : i32
    %add3A_573 = arith.addi %mul3A_572, %mul3A_32 : i32
    %add3A_574 = arith.constant 6 : i32
    %add3A_575 = arith.addi %add3A_573, %add3A_574 : i32
    %mul3A_576 = arith.constant 1024 : i32
    %mul3A_577 = arith.muli %add3A_575, %mul3A_576 : i32
    %mul3A_578 = arith.constant 32 : i32
    %mul3A_579 = arith.muli %mul3A_577, %mul3A_578 : i32
    %add3A_580 = arith.constant 16384 : i32
    %add3A_581 = arith.addi %mul3A_579, %add3A_580 : i32
    %dma_start3A_582 = arith.constant 16384 : i32
    %dma_start3A_583 = tpu.memref_slice %arg7[%dma_start3A_582] : memref<32768xf32, #tpu.memory_space<vmem>> -> memref<16384xf32, #tpu.memory_space<vmem>>
    %dma_start3A_584 = tpu.memref_slice %arg4[%add3A_581] : memref<8388608xf32, #tpu.memory_space<hbm>> -> memref<16384xf32, #tpu.memory_space<hbm>>
    %dma_start3A_585 = tpu.memref_slice %arg4[%add3A_581] : memref<8388608xf32, #tpu.memory_space<hbm>> -> memref<16384xf32, #tpu.memory_space<hbm>>
    %dma_start3A_586 = arith.constant 16384 : i32
    %dma_start3A_587 = tpu.memref_slice %arg7[%dma_start3A_586] : memref<32768xf32, #tpu.memory_space<vmem>> -> memref<16384xf32, #tpu.memory_space<vmem>>
    tpu.enqueue_dma source(%dma_start3A_587 : memref<16384xf32, #tpu.memory_space<vmem>>) target(%dma_start3A_585 : memref<16384xf32, #tpu.memory_space<hbm>>) target_semaphore(%arg11 : memref<!tpu.dma_semaphore, #tpu.memory_space<semaphore_mem>>)
    %dma_wait3A_588 = arith.constant 16384 : i32
    %dma_wait3A_589 = tpu.memref_slice %arg6[%dma_wait3A_588] : memref<32768xf32, #tpu.memory_space<vmem>> -> memref<16384xf32, #tpu.memory_space<vmem>>
    %dma_wait3A_590 = tpu.memref_slice %arg2[%mul3A_521] : memref<4194304xf32, #tpu.memory_space<hbm>> -> memref<16384xf32, #tpu.memory_space<hbm>>
    %dma_wait3A_591 = arith.constant 16384 : i32
    %dma_wait3A_592 = tpu.memref_slice %arg6[%dma_wait3A_591] : memref<32768xf32, #tpu.memory_space<vmem>> -> memref<16384xf32, #tpu.memory_space<vmem>>
    %dma_wait3A_593 = tpu.memref_slice %arg2[%mul3A_521] : memref<4194304xf32, #tpu.memory_space<hbm>> -> memref<16384xf32, #tpu.memory_space<hbm>>
    tpu.wait_dma2 semaphore(%arg9 : memref<!tpu.dma_semaphore, #tpu.memory_space<semaphore_mem>>) src(%dma_wait3A_593 : memref<16384xf32, #tpu.memory_space<hbm>>) dst(%dma_wait3A_592 : memref<16384xf32, #tpu.memory_space<vmem>>)
    %dma_wait3A_594 = arith.constant 0 : i32
    %dma_wait3A_595 = tpu.memref_slice %arg7[%dma_wait3A_594] : memref<32768xf32, #tpu.memory_space<vmem>> -> memref<16384xf32, #tpu.memory_space<vmem>>
    %dma_wait3A_596 = tpu.memref_slice %arg4[%add3A_551] : memref<8388608xf32, #tpu.memory_space<hbm>> -> memref<16384xf32, #tpu.memory_space<hbm>>
    %dma_wait3A_597 = tpu.memref_slice %arg4[%add3A_551] : memref<8388608xf32, #tpu.memory_space<hbm>> -> memref<16384xf32, #tpu.memory_space<hbm>>
    %dma_wait3A_598 = arith.constant 0 : i32
    %dma_wait3A_599 = tpu.memref_slice %arg7[%dma_wait3A_598] : memref<32768xf32, #tpu.memory_space<vmem>> -> memref<16384xf32, #tpu.memory_space<vmem>>
    tpu.wait_dma2 semaphore(%arg10 : memref<!tpu.dma_semaphore, #tpu.memory_space<semaphore_mem>>) src(%dma_wait3A_599 : memref<16384xf32, #tpu.memory_space<vmem>>) dst(%dma_wait3A_597 : memref<16384xf32, #tpu.memory_space<hbm>>)
    %scan3A_600 = arith.constant 0 : i32
    %scan3A_601 = arith.constant 0 : i32
    %scan3A_602 = arith.constant 256 : i32
    %scan3A_603 = arith.addi %scan3A_601, %scan3A_602 : i32
    %scan3A_604 = arith.constant 1 : i32
    %scan3A_605 = scf.for %scan3A_666 = %scan3A_601 to %scan3A_603 step %scan3A_604 iter_args(%scan3A_667 = %scan3A_600) -> (i32)  : i32 {
      %mul3A_668 = arith.constant 4 : i32
      %mul3A_669 = arith.muli %scan3A_666, %mul3A_668 : i32
      %mul3A_670 = arith.constant 16 : i32
      %mul3A_671 = arith.muli %mul3A_669, %mul3A_670 : i32
      %multiple_of3A = tpu.assume_multiple %mul3A_671, 16 : i32
      %add3A_672 = arith.constant 0 : i32
      %add3A_673 = arith.addi %multiple_of3A, %add3A_672 : i32
      %get3A = arith.index_cast %add3A_673 : i32 to index
      %get3A_674 = tpu.vector_load %arg5[%get3A] {strides = array<i32>} : memref<32768xi32, #tpu.memory_space<vmem>>, vector<16xi32>,
      %add3A_675 = arith.constant 16384 : i32
      %add3A_676 = vector.broadcast %add3A_675 : i32 to vector<16xi32>
      %add3A_677 = arith.addi %get3A_674, %add3A_676 : vector<16xi32>
      %add3A_678 = arith.constant 16 : i32
      %add3A_679 = arith.addi %multiple_of3A, %add3A_678 : i32
      %get3A_680 = arith.index_cast %add3A_679 : i32 to index
      %get3A_681 = tpu.vector_load %arg5[%get3A_680] {strides = array<i32>} : memref<32768xi32, #tpu.memory_space<vmem>>, vector<16xi32>,
      %add3A_682 = arith.constant 16384 : i32
      %add3A_683 = vector.broadcast %add3A_682 : i32 to vector<16xi32>
      %add3A_684 = arith.addi %get3A_681, %add3A_683 : vector<16xi32>
      %add3A_685 = arith.constant 32 : i32
      %add3A_686 = arith.addi %multiple_of3A, %add3A_685 : i32
      %get3A_687 = arith.index_cast %add3A_686 : i32 to index
      %get3A_688 = tpu.vector_load %arg5[%get3A_687] {strides = array<i32>} : memref<32768xi32, #tpu.memory_space<vmem>>, vector<16xi32>,
      %add3A_689 = arith.constant 16384 : i32
      %add3A_690 = vector.broadcast %add3A_689 : i32 to vector<16xi32>
      %add3A_691 = arith.addi %get3A_688, %add3A_690 : vector<16xi32>
      %add3A_692 = arith.constant 48 : i32
      %add3A_693 = arith.addi %multiple_of3A, %add3A_692 : i32
      %get3A_694 = arith.index_cast %add3A_693 : i32 to index
      %get3A_695 = tpu.vector_load %arg5[%get3A_694] {strides = array<i32>} : memref<32768xi32, #tpu.memory_space<vmem>>, vector<16xi32>,
      %add3A_696 = arith.constant 16384 : i32
      %add3A_697 = vector.broadcast %add3A_696 : i32 to vector<16xi32>
      %add3A_698 = arith.addi %get3A_695, %add3A_697 : vector<16xi32>
      %gather3A = tpu.vector_load_idx %arg6[%add3A_677] : memref<32768xf32, #tpu.memory_space<vmem>>[vector<16xi32>], vector<16xf32>,
      %gather3A_699 = tpu.vector_load_idx %arg6[%add3A_684] : memref<32768xf32, #tpu.memory_space<vmem>>[vector<16xi32>], vector<16xf32>,
      %gather3A_700 = tpu.vector_load_idx %arg6[%add3A_691] : memref<32768xf32, #tpu.memory_space<vmem>>[vector<16xi32>], vector<16xf32>,
      %gather3A_701 = tpu.vector_load_idx %arg6[%add3A_698] : memref<32768xf32, #tpu.memory_space<vmem>>[vector<16xi32>], vector<16xf32>,
      %add3A_702 = arith.constant 0 : i32
      %add3A_703 = arith.addi %multiple_of3A, %add3A_702 : i32
      %swap3A = arith.index_cast %add3A_703 : i32 to index
      %swap3A_704 = tpu.vector_load %arg7[%swap3A] {strides = array<i32>} : memref<32768xf32, #tpu.memory_space<vmem>>, vector<16xf32>,
      tpu.vector_store %arg7[%swap3A], %gather3A {strides = array<i32>} : memref<32768xf32, #tpu.memory_space<vmem>>, vector<16xf32>,
      %add3A_705 = arith.constant 16 : i32
      %add3A_706 = arith.addi %multiple_of3A, %add3A_705 : i32
      %swap3A_707 = arith.index_cast %add3A_706 : i32 to index
      %swap3A_708 = tpu.vector_load %arg7[%swap3A_707] {strides = array<i32>} : memref<32768xf32, #tpu.memory_space<vmem>>, vector<16xf32>,
      tpu.vector_store %arg7[%swap3A_707], %gather3A_699 {strides = array<i32>} : memref<32768xf32, #tpu.memory_space<vmem>>, vector<16xf32>,
      %add3A_709 = arith.constant 32 : i32
      %add3A_710 = arith.addi %multiple_of3A, %add3A_709 : i32
      %swap3A_711 = arith.index_cast %add3A_710 : i32 to index
      %swap3A_712 = tpu.vector_load %arg7[%swap3A_711] {strides = array<i32>} : memref<32768xf32, #tpu.memory_space<vmem>>, vector<16xf32>,
      tpu.vector_store %arg7[%swap3A_711], %gather3A_700 {strides = array<i32>} : memref<32768xf32, #tpu.memory_space<vmem>>, vector<16xf32>,
      %add3A_713 = arith.constant 48 : i32
      %add3A_714 = arith.addi %multiple_of3A, %add3A_713 : i32
      %swap3A_715 = arith.index_cast %add3A_714 : i32 to index
      %swap3A_716 = tpu.vector_load %arg7[%swap3A_715] {strides = array<i32>} : memref<32768xf32, #tpu.memory_space<vmem>>, vector<16xf32>,
      tpu.vector_store %arg7[%swap3A_715], %gather3A_701 {strides = array<i32>} : memref<32768xf32, #tpu.memory_space<vmem>>, vector<16xf32>,
      %scan3A_717 = arith.constant 0 : i32
      scf.yield %scan3A_717 : i32
    }
    %scan3A_606 = arith.constant 256 : i32
    %mul3A_607 = arith.constant 64 : i32
    %mul3A_608 = arith.muli %select_n3A, %mul3A_607 : i32
    %add3A_609 = arith.addi %mul3A_608, %mul3A_32 : i32
    %add3A_610 = arith.constant 7 : i32
    %add3A_611 = arith.addi %add3A_609, %add3A_610 : i32
    %mul3A_612 = arith.constant 1024 : i32
    %mul3A_613 = arith.muli %add3A_611, %mul3A_612 : i32
    %mul3A_614 = arith.constant 32 : i32
    %mul3A_615 = arith.muli %mul3A_613, %mul3A_614 : i32
    %add3A_616 = arith.constant 0 : i32
    %add3A_617 = arith.addi %mul3A_615, %add3A_616 : i32
    %dma_start3A_618 = arith.constant 0 : i32
    %dma_start3A_619 = tpu.memref_slice %arg7[%dma_start3A_618] : memref<32768xf32, #tpu.memory_space<vmem>> -> memref<16384xf32, #tpu.memory_space<vmem>>
    %dma_start3A_620 = tpu.memref_slice %arg4[%add3A_617] : memref<8388608xf32, #tpu.memory_space<hbm>> -> memref<16384xf32, #tpu.memory_space<hbm>>
    %dma_start3A_621 = tpu.memref_slice %arg4[%add3A_617] : memref<8388608xf32, #tpu.memory_space<hbm>> -> memref<16384xf32, #tpu.memory_space<hbm>>
    %dma_start3A_622 = arith.constant 0 : i32
    %dma_start3A_623 = tpu.memref_slice %arg7[%dma_start3A_622] : memref<32768xf32, #tpu.memory_space<vmem>> -> memref<16384xf32, #tpu.memory_space<vmem>>
    tpu.enqueue_dma source(%dma_start3A_623 : memref<16384xf32, #tpu.memory_space<vmem>>) target(%dma_start3A_621 : memref<16384xf32, #tpu.memory_space<hbm>>) target_semaphore(%arg10 : memref<!tpu.dma_semaphore, #tpu.memory_space<semaphore_mem>>)
    %dma_wait3A_624 = arith.constant 16384 : i32
    %dma_wait3A_625 = tpu.memref_slice %arg7[%dma_wait3A_624] : memref<32768xf32, #tpu.memory_space<vmem>> -> memref<16384xf32, #tpu.memory_space<vmem>>
    %dma_wait3A_626 = tpu.memref_slice %arg4[%add3A_581] : memref<8388608xf32, #tpu.memory_space<hbm>> -> memref<16384xf32, #tpu.memory_space<hbm>>
    %dma_wait3A_627 = tpu.memref_slice %arg4[%add3A_581] : memref<8388608xf32, #tpu.memory_space<hbm>> -> memref<16384xf32, #tpu.memory_space<hbm>>
    %dma_wait3A_628 = arith.constant 16384 : i32
    %dma_wait3A_629 = tpu.memref_slice %arg7[%dma_wait3A_628] : memref<32768xf32, #tpu.memory_space<vmem>> -> memref<16384xf32, #tpu.memory_space<vmem>>
    tpu.wait_dma2 semaphore(%arg11 : memref<!tpu.dma_semaphore, #tpu.memory_space<semaphore_mem>>) src(%dma_wait3A_629 : memref<16384xf32, #tpu.memory_space<vmem>>) dst(%dma_wait3A_627 : memref<16384xf32, #tpu.memory_space<hbm>>)
    %scan3A_630 = arith.constant 0 : i32
    %scan3A_631 = arith.constant 256 : i32
    %scan3A_632 = arith.constant 256 : i32
    %scan3A_633 = arith.addi %scan3A_631, %scan3A_632 : i32
    %scan3A_634 = arith.constant 1 : i32
    %scan3A_635 = scf.for %scan3A_666 = %scan3A_631 to %scan3A_633 step %scan3A_634 iter_args(%scan3A_667 = %scan3A_630) -> (i32)  : i32 {
      %mul3A_668 = arith.constant 4 : i32
      %mul3A_669 = arith.muli %scan3A_666, %mul3A_668 : i32
      %mul3A_670 = arith.constant 16 : i32
      %mul3A_671 = arith.muli %mul3A_669, %mul3A_670 : i32
      %multiple_of3A = tpu.assume_multiple %mul3A_671, 16 : i32
      %add3A_672 = arith.constant 0 : i32
      %add3A_673 = arith.addi %multiple_of3A, %add3A_672 : i32
      %get3A = arith.index_cast %add3A_673 : i32 to index
      %get3A_674 = tpu.vector_load %arg5[%get3A] {strides = array<i32>} : memref<32768xi32, #tpu.memory_space<vmem>>, vector<16xi32>,
      %add3A_675 = arith.constant 16384 : i32
      %add3A_676 = vector.broadcast %add3A_675 : i32 to vector<16xi32>
      %add3A_677 = arith.addi %get3A_674, %add3A_676 : vector<16xi32>
      %add3A_678 = arith.constant 16 : i32
      %add3A_679 = arith.addi %multiple_of3A, %add3A_678 : i32
      %get3A_680 = arith.index_cast %add3A_679 : i32 to index
      %get3A_681 = tpu.vector_load %arg5[%get3A_680] {strides = array<i32>} : memref<32768xi32, #tpu.memory_space<vmem>>, vector<16xi32>,
      %add3A_682 = arith.constant 16384 : i32
      %add3A_683 = vector.broadcast %add3A_682 : i32 to vector<16xi32>
      %add3A_684 = arith.addi %get3A_681, %add3A_683 : vector<16xi32>
      %add3A_685 = arith.constant 32 : i32
      %add3A_686 = arith.addi %multiple_of3A, %add3A_685 : i32
      %get3A_687 = arith.index_cast %add3A_686 : i32 to index
      %get3A_688 = tpu.vector_load %arg5[%get3A_687] {strides = array<i32>} : memref<32768xi32, #tpu.memory_space<vmem>>, vector<16xi32>,
      %add3A_689 = arith.constant 16384 : i32
      %add3A_690 = vector.broadcast %add3A_689 : i32 to vector<16xi32>
      %add3A_691 = arith.addi %get3A_688, %add3A_690 : vector<16xi32>
      %add3A_692 = arith.constant 48 : i32
      %add3A_693 = arith.addi %multiple_of3A, %add3A_692 : i32
      %get3A_694 = arith.index_cast %add3A_693 : i32 to index
      %get3A_695 = tpu.vector_load %arg5[%get3A_694] {strides = array<i32>} : memref<32768xi32, #tpu.memory_space<vmem>>, vector<16xi32>,
      %add3A_696 = arith.constant 16384 : i32
      %add3A_697 = vector.broadcast %add3A_696 : i32 to vector<16xi32>
      %add3A_698 = arith.addi %get3A_695, %add3A_697 : vector<16xi32>
      %gather3A = tpu.vector_load_idx %arg6[%add3A_677] : memref<32768xf32, #tpu.memory_space<vmem>>[vector<16xi32>], vector<16xf32>,
      %gather3A_699 = tpu.vector_load_idx %arg6[%add3A_684] : memref<32768xf32, #tpu.memory_space<vmem>>[vector<16xi32>], vector<16xf32>,
      %gather3A_700 = tpu.vector_load_idx %arg6[%add3A_691] : memref<32768xf32, #tpu.memory_space<vmem>>[vector<16xi32>], vector<16xf32>,
      %gather3A_701 = tpu.vector_load_idx %arg6[%add3A_698] : memref<32768xf32, #tpu.memory_space<vmem>>[vector<16xi32>], vector<16xf32>,
      %add3A_702 = arith.constant 0 : i32
      %add3A_703 = arith.addi %multiple_of3A, %add3A_702 : i32
      %swap3A = arith.index_cast %add3A_703 : i32 to index
      %swap3A_704 = tpu.vector_load %arg7[%swap3A] {strides = array<i32>} : memref<32768xf32, #tpu.memory_space<vmem>>, vector<16xf32>,
      tpu.vector_store %arg7[%swap3A], %gather3A {strides = array<i32>} : memref<32768xf32, #tpu.memory_space<vmem>>, vector<16xf32>,
      %add3A_705 = arith.constant 16 : i32
      %add3A_706 = arith.addi %multiple_of3A, %add3A_705 : i32
      %swap3A_707 = arith.index_cast %add3A_706 : i32 to index
      %swap3A_708 = tpu.vector_load %arg7[%swap3A_707] {strides = array<i32>} : memref<32768xf32, #tpu.memory_space<vmem>>, vector<16xf32>,
      tpu.vector_store %arg7[%swap3A_707], %gather3A_699 {strides = array<i32>} : memref<32768xf32, #tpu.memory_space<vmem>>, vector<16xf32>,
      %add3A_709 = arith.constant 32 : i32
      %add3A_710 = arith.addi %multiple_of3A, %add3A_709 : i32
      %swap3A_711 = arith.index_cast %add3A_710 : i32 to index
      %swap3A_712 = tpu.vector_load %arg7[%swap3A_711] {strides = array<i32>} : memref<32768xf32, #tpu.memory_space<vmem>>, vector<16xf32>,
      tpu.vector_store %arg7[%swap3A_711], %gather3A_700 {strides = array<i32>} : memref<32768xf32, #tpu.memory_space<vmem>>, vector<16xf32>,
      %add3A_713 = arith.constant 48 : i32
      %add3A_714 = arith.addi %multiple_of3A, %add3A_713 : i32
      %swap3A_715 = arith.index_cast %add3A_714 : i32 to index
      %swap3A_716 = tpu.vector_load %arg7[%swap3A_715] {strides = array<i32>} : memref<32768xf32, #tpu.memory_space<vmem>>, vector<16xf32>,
      tpu.vector_store %arg7[%swap3A_715], %gather3A_701 {strides = array<i32>} : memref<32768xf32, #tpu.memory_space<vmem>>, vector<16xf32>,
      %scan3A_717 = arith.constant 0 : i32
      scf.yield %scan3A_717 : i32
    }
    %scan3A_636 = arith.constant 256 : i32
    %mul3A_637 = arith.constant 64 : i32
    %mul3A_638 = arith.muli %select_n3A, %mul3A_637 : i32
    %add3A_639 = arith.addi %mul3A_638, %mul3A_32 : i32
    %add3A_640 = arith.constant 7 : i32
    %add3A_641 = arith.addi %add3A_639, %add3A_640 : i32
    %mul3A_642 = arith.constant 1024 : i32
    %mul3A_643 = arith.muli %add3A_641, %mul3A_642 : i32
    %mul3A_644 = arith.constant 32 : i32
    %mul3A_645 = arith.muli %mul3A_643, %mul3A_644 : i32
    %add3A_646 = arith.constant 16384 : i32
    %add3A_647 = arith.addi %mul3A_645, %add3A_646 : i32
    %dma_start3A_648 = arith.constant 16384 : i32
    %dma_start3A_649 = tpu.memref_slice %arg7[%dma_start3A_648] : memref<32768xf32, #tpu.memory_space<vmem>> -> memref<16384xf32, #tpu.memory_space<vmem>>
    %dma_start3A_650 = tpu.memref_slice %arg4[%add3A_647] : memref<8388608xf32, #tpu.memory_space<hbm>> -> memref<16384xf32, #tpu.memory_space<hbm>>
    %dma_start3A_651 = tpu.memref_slice %arg4[%add3A_647] : memref<8388608xf32, #tpu.memory_space<hbm>> -> memref<16384xf32, #tpu.memory_space<hbm>>
    %dma_start3A_652 = arith.constant 16384 : i32
    %dma_start3A_653 = tpu.memref_slice %arg7[%dma_start3A_652] : memref<32768xf32, #tpu.memory_space<vmem>> -> memref<16384xf32, #tpu.memory_space<vmem>>
    tpu.enqueue_dma source(%dma_start3A_653 : memref<16384xf32, #tpu.memory_space<vmem>>) target(%dma_start3A_651 : memref<16384xf32, #tpu.memory_space<hbm>>) target_semaphore(%arg11 : memref<!tpu.dma_semaphore, #tpu.memory_space<semaphore_mem>>)
    %dma_wait3A_654 = arith.constant 0 : i32
    %dma_wait3A_655 = tpu.memref_slice %arg7[%dma_wait3A_654] : memref<32768xf32, #tpu.memory_space<vmem>> -> memref<16384xf32, #tpu.memory_space<vmem>>
    %dma_wait3A_656 = tpu.memref_slice %arg4[%add3A_617] : memref<8388608xf32, #tpu.memory_space<hbm>> -> memref<16384xf32, #tpu.memory_space<hbm>>
    %dma_wait3A_657 = tpu.memref_slice %arg4[%add3A_617] : memref<8388608xf32, #tpu.memory_space<hbm>> -> memref<16384xf32, #tpu.memory_space<hbm>>
    %dma_wait3A_658 = arith.constant 0 : i32
    %dma_wait3A_659 = tpu.memref_slice %arg7[%dma_wait3A_658] : memref<32768xf32, #tpu.memory_space<vmem>> -> memref<16384xf32, #tpu.memory_space<vmem>>
    tpu.wait_dma2 semaphore(%arg10 : memref<!tpu.dma_semaphore, #tpu.memory_space<semaphore_mem>>) src(%dma_wait3A_659 : memref<16384xf32, #tpu.memory_space<vmem>>) dst(%dma_wait3A_657 : memref<16384xf32, #tpu.memory_space<hbm>>)
    %dma_wait3A_660 = arith.constant 16384 : i32
    %dma_wait3A_661 = tpu.memref_slice %arg7[%dma_wait3A_660] : memref<32768xf32, #tpu.memory_space<vmem>> -> memref<16384xf32, #tpu.memory_space<vmem>>
    %dma_wait3A_662 = tpu.memref_slice %arg4[%add3A_647] : memref<8388608xf32, #tpu.memory_space<hbm>> -> memref<16384xf32, #tpu.memory_space<hbm>>
    %dma_wait3A_663 = tpu.memref_slice %arg4[%add3A_647] : memref<8388608xf32, #tpu.memory_space<hbm>> -> memref<16384xf32, #tpu.memory_space<hbm>>
    %dma_wait3A_664 = arith.constant 16384 : i32
    %dma_wait3A_665 = tpu.memref_slice %arg7[%dma_wait3A_664] : memref<32768xf32, #tpu.memory_space<vmem>> -> memref<16384xf32, #tpu.memory_space<vmem>>
    tpu.wait_dma2 semaphore(%arg11 : memref<!tpu.dma_semaphore, #tpu.memory_space<semaphore_mem>>) src(%dma_wait3A_665 : memref<16384xf32, #tpu.memory_space<vmem>>) dst(%dma_wait3A_663 : memref<16384xf32, #tpu.memory_space<hbm>>)
    return
  }
}

</mosaic_0001>

<sc_bundles>
// kernel: kernel.4.cloned.1.call-start
scs
__scs_entry_jumppad:
0x0: {  	(pc) =	sbr.rel $0x88, $3  }
0x1: {  	(tag) =	ssettag $0x0;
	lr =	simm.s32 $0x1  }
0x2: {  	[smem:$0x3F9E] =	sst lr;
	_ =	strace $0xD0000000  }
0x3: {  	_ = 	snop  }
0x4: {  	_ = 	snop  }
0x5: {  	_ = 	snop  }
0x6: {  	_ = 	snop  }
0x7: {  	_ = 	snop  }
__scs_overlays_trampoline_lowered:
0x8: {  	[smem:$0x3FAD] =	sst s0  }
0x9: {  	[smem:$0x3FAE] =	sst s1  }
0xa: {  	[smem:$0x3FAF] =	sst s2  }
0xb: {  	[smem:$0x3FB0] =	sst s3  }
0xc: {  	[smem:$0x3FB1] =	sst s4  }
0xd: {  	[smem:$0x3FB2] =	sst s5  }
0xe: {  	[smem:$0x3FB3] =	sst s6  }
0xf: {  	[smem:$0x3FB4] =	sst s7  }
0x10: {  	[smem:$0x3FB5] =	sst s8  }
0x11: {  	[smem:$0x3FB6] =	sst s9;
	s0 =	simm.s32 @!p0 $0x0  }
0x12: {  	s1 =	sld [smem:$0x3F9C];
	s0 =	simm.s32 @p0 $0x1  }
0x13: {  	[smem:$0x3FB7] =	sst s0;
	s0 =	simm.s32 @!p1 $0x0  }
0x14: {  	s2 =	sld [smem:$0x3F9B];
	s0 =	simm.s32 @p1 $0x1  }
0x15: {  	[smem:$0x3FB8] =	sst s0;
	s0 =	simm.s32 @!p2 $0x0  }
0x16: {  	s3 =	sld [smem:$0x3FDB];
	s0 =	simm.s32 @p2 $0x1  }
0x17: {  	s4 =	simm.s32 $0x1BF5;
	[smem:$0x3FBA] =	sst s0  }
0x18: {  	s0 =	sld [smem:$0x3F9D];
	_ =	swait.ge [sflag:s4], $0x0  }
0x19: {  	s7 =	sld [smem:$0x3F9E]  }
0x1a: {  	s8 =	sadd.s32 $0xFFFFE003, lr  }
0x1b: {  	s9 =	sadd.s32 $0xFFFFFEF7, lr;
	s5 =	simm.s32 $0xFFFFFFFF;
	p2 =	slt.u32 s8, $0xFFFFF086  }
0x1c: {  	p1 =	slt.u32 s9, $0xF7A;
	s5 =	simm.s32 @!p2 $0x0  }
0x1d: {  	s5 =	simm.s32 @p1 $0x1;
	p0 =	seq.s32 s7, s2  }
0x1e: {  	s7 =	smul.u32 @!p0 $0xF7A, s2;
	p2 =	seq.s32 @!p0 s5, $0x0  }
0x1f: {  	s9 =	smul.u32 $0xF7A, s1;
	s8 =	simm.s32 @!p0 $0x1BF5;
	p2 =	por !p2, p0  }
0x20: {  	[sflag:s8] =	ssyncset.s32 @!p0 $0xFFFFF086;
	s6 =	sadd.s32 @!p0 s3, s7;
	s7 =	simm.s32 @!p0 $0x108  }
0x21: {  	s3 =	sadd.s32 s3, s9;
	s6 =	sadd.s32 @!p0 $0x88, s6;
	s7 =	simm.s32 @p2 $0x1082  }
0x22: {  	[simem:s7], [sflag:s8] =	dma.local @!p0 [hbm:s6], $0xF7A  }
0x23: {  	s9 =	sor.u32 $0xD0000000, s2;
	s6 =	simm.s32 $0x108;
	_ =	swait.ge @!p0 [sflag:s8], $0x0  }
0x24: {  	s3 =	sadd.s32 $0x88, s3;
	s6 =	simm.s32 @!p1 $0x1082;
	[sflag:s4] =	ssyncset.s32 $0xFFFFF086  }
0x25: {  	[simem:s6], [sflag:s4] =	dma.local [hbm:s3], $0xF7A  }
0x26: {  	[smem:$0x3F9E] =	sst s1;
	(tag) =	ssettag s2;
	_ =	strace s9  }
0x27: {  	s1 =	sld [smem:$0x3FAE]  }
0x28: {  	s2 =	sld [smem:$0x3FAF]  }
0x29: {  	s4 =	sld [smem:$0x3FB1]  }
0x2a: {  	p0 =	seq.s32 s5, $0x0;
	s5 =	sld [smem:$0x3FB2]  }
0x2b: {  	s6 =	sld [smem:$0x3FB3]  }
0x2c: {  	s7 =	sld [smem:$0x3FB4]  }
0x2d: {  	s3 =	simm.s32 $0x108;
	s8 =	sld [smem:$0x3FB5]  }
0x2e: {  	s3 =	simm.s32 @!p0 $0x1082;
	s9 =	sld [smem:$0x3FB6]  }
0x2f: {  	lr =	sadd.s32 s0, s3;
	s0 =	sld [smem:$0x3FAD]  }
0x30: {  	s3 =	sld [smem:$0x3FB0]  }
0x31: {  	[smem:$0x3FB9] =	sst s10  }
0x32: {  	s10 =	sld [smem:$0x3FB7];
	_ =	sdelay $0x3  }
0x33: {  	p0 =	seq.s32 s10, $0x1;
	s10 =	sld [smem:$0x3FB9];
	_ =	sdelay $0x3  }
0x34: {  	[smem:$0x3FB9] =	sst s10  }
0x35: {  	s10 =	sld [smem:$0x3FB8];
	_ =	sdelay $0x3  }
0x36: {  	p1 =	seq.s32 s10, $0x1;
	s10 =	sld [smem:$0x3FB9];
	_ =	sdelay $0x3  }
0x37: {  	[smem:$0x3FB9] =	sst s10  }
0x38: {  	s10 =	sld [smem:$0x3FBA]  }
0x39: {  	_ = 	snop;
	(pc) =	sbr.ind lr, $3  }
0x3a: {  	_ = 	snop  }
0x3b: {  	_ = 	snop  }
0x3c: {  	p2 =	seq.s32 s10, $0x1;
	s10 =	sld [smem:$0x3FB9]  }
0x3d: {  	_ =	shalt  }
0x3e: {  	_ =	shalt  }
0x3f: {  	_ =	shalt  }
0x40: {  	_ =	shalt  }
0x41: {  	_ =	shalt  }
0x42: {  	_ =	shalt  }
0x43: {  	_ =	shalt  }
0x44: {  	_ =	shalt  }
0x45: {  	_ =	shalt  }
0x46: {  	_ =	shalt  }
0x47: {  	_ =	shalt  }
0x48: {  	_ =	shalt  }
0x49: {  	_ =	shalt  }
0x4a: {  	_ =	shalt  }
0x4b: {  	_ =	shalt  }
0x4c: {  	_ =	shalt  }
0x4d: {  	_ =	shalt  }
0x4e: {  	_ =	shalt  }
0x4f: {  	_ =	shalt  }
0x50: {  	_ =	shalt  }
0x51: {  	_ =	shalt  }
0x52: {  	_ =	shalt  }
0x53: {  	_ =	shalt  }
0x54: {  	_ =	shalt  }
0x55: {  	_ =	shalt  }
0x56: {  	_ =	shalt  }
0x57: {  	_ =	shalt  }
0x58: {  	_ =	shalt  }
0x59: {  	_ =	shalt  }
0x5a: {  	_ =	shalt  }
0x5b: {  	_ =	shalt  }
0x5c: {  	_ =	shalt  }
0x5d: {  	_ =	shalt  }
0x5e: {  	_ =	shalt  }
0x5f: {  	_ =	shalt  }
0x60: {  	_ =	shalt  }
0x61: {  	_ =	shalt  }
0x62: {  	_ =	shalt  }
0x63: {  	_ =	shalt  }
0x64: {  	_ =	shalt  }
0x65: {  	_ =	shalt  }
0x66: {  	_ =	shalt  }
0x67: {  	_ =	shalt  }
0x68: {  	_ =	shalt  }
0x69: {  	_ =	shalt  }
0x6a: {  	_ =	shalt  }
0x6b: {  	_ =	shalt  }
0x6c: {  	_ =	shalt  }
0x6d: {  	_ =	shalt  }
0x6e: {  	_ =	shalt  }
0x6f: {  	_ =	shalt  }
0x70: {  	_ =	shalt  }
0x71: {  	_ =	shalt  }
0x72: {  	_ =	shalt  }
0x73: {  	_ =	shalt  }
0x74: {  	_ =	shalt  }
0x75: {  	_ =	shalt  }
0x76: {  	_ =	shalt  }
0x77: {  	_ =	shalt  }
0x78: {  	_ =	shalt  }
0x79: {  	_ =	shalt  }
0x7a: {  	_ =	shalt  }
0x7b: {  	_ =	shalt  }
0x7c: {  	_ =	shalt  }
0x7d: {  	_ =	shalt  }
0x7e: {  	_ =	shalt  }
0x7f: {  	_ =	shalt  }
0x80: {  	_ =	shalt  }
0x81: {  	_ =	shalt  }
0x82: {  	_ =	shalt  }
0x83: {  	_ =	shalt  }
0x84: {  	_ =	shalt  }
0x85: {  	_ =	shalt  }
0x86: {  	_ =	shalt  }
0x87: {  	_ =	shalt  }
.Lfunc_end0:
.L_simem_size_0:
called_computation.1_lowered:
.L_overlay_start_0:
0x88: {  	s2 =	sld [smem:$0x3FD9]  }
0x89: {  	s3 =	sld [smem:$0x3FFE];
	_ =	sdelay $0x1  }
0x8a: {  	s1 =	srdreg.scid  }
0x8b: {  	s0 =	sand.u32 $0x1, s1  }
0x8c: {  	s14 =	sshll.u32 s0, $0xA;
	s2 =	sadd.s32 s3, s2  }
0x8d: {  	s2 =	sadd.s32 s2, s14  }
0x8e: {  	[smem:$0x3FC5] =	sst s2  }
0x8f: {  	_ = 	snop  }
0x90: {  	s2 =	sld [smem:$0x3FD0];
	_ =	sdelay $0x2  }
0x91: {  	s15 =	simm.s32 $0xA;
	s4 =	simm.s32 $0x10  }
0x92: {  	[smem:s4], [sflag:s15] =	dma.local [hbm:s2], $0x1  }
0x93: {  	_ =	swait.eq [sflag:s15], $0x1  }
0x94: {  	[sflag:s15] =	ssyncset.done $0x0  }
0x95: {  	s16 =	sld [smem:$0x10];
	[sflag:s15] =	ssyncadd.s32 $0xFFFFFFFF  }
0x96: {  	s17 =	sld [smem:$0x11];
	(tm) =	ssettm $0x1  }
0x97: {  	s18 =	sld [smem:$0x3FFB];
	_ =	sdelay $0x3  }
0x98: {  	_ =	strace s18  }
0x99: {  	s4 =	sld [smem:$0x3FFC];
	_ =	sdelay $0x3  }
0x9a: {  	_ =	strace s4  }
0x9b: {  	s4 =	sld [smem:$0x3FFD];
	_ =	sdelay $0x3  }
0x9c: {  	_ =	strace s4  }
0x9d: {  	_ =	strace $0x8FFFFFFF  }
0x9e: {  	s19 =	sld [smem:$0x3FDB];
	_ =	sdelay $0x1  }
0x9f: {  	s5 =	simm.s32 $_scs_section_size  }
0xa0: {  	s6 =	simm.s32 $_size__tile_overlayer_lowered;
	s7 =	simm.s32 $_tile_overlayer_lowered  }
0xa1: {  	s22 =	simm.s32 $0x1BFF;
	s21 =	sshll.u32 s7, $0x1;
	s4 =	sadd.s32 s5, s19  }
0xa2: {  	s8 =	simm.s32 $0x0;
	s20 =	sshll.u32 s6, $0x1;
	s6 =	sadd.s32 s21, s4  }
0xa3: {  	[timem:s8], [sflag:s22] =	dma.local [hbm:s6], s20  }
0xa4: {  	_ =	swait.ge [sflag:s22], s20  }
0xa5: {  	s5 =	ssub.s32 $0x0, s20;
	[sflag:s22] =	ssyncset.done $0x0  }
0xa6: {  	[sflag:s22] =	ssyncadd.s32 s5;
	_ =	sdelay $0x1  }
0xa7: {  	s23 =	simm.s32 $0x1B8B  }
0xa8: {  	_ =	swait.ge [sflag:s23], $0x1  }
0xa9: {  	[sflag:s23] =	ssyncset.done $0x0  }
0xaa: {  	s25 =	simm.s32 $0x1B8E;
	s24 =	sld [smem:$0x3FFE];
	[sflag:s23] =	ssyncadd.s32 $0xFFFFFFFF  }
0xab: {  	s26 =	simm.s32 $execute0_lowered;
	[smem:$0x3FD2] =	sst s25  }
0xac: {  	s6 =	sshll.u32 s26, $0x1;
	_ =	strace $0x80000046;
	[dreg:$0x1] =	wrdreg $0xFFFFFFFF  }
0xad: {  	s28 =	simm.s32 $_size_execute0_lowered;
	s4 =	sadd.s32 s4, s6;
	[dreg:$0x0] =	wrdreg $0x0  }
0xae: {  	s6 =	sshll.u32 s28, $0x1;
	[dreg:$0x2] =	wrdreg s4  }
0xaf: {  	[dreg:$0x3] =	wrdreg s6  }
0xb0: {  	[dreg:$0x4] =	wrdreg $0xC0  }
0xb1: {  	_ =	task [dreg:s8], $0x5FFFF  }
0xb2: {  	[dreg:$0x1] =	wrdreg $0xFFFFFFFF  }
0xb3: {  	[dreg:$0x0] =	wrdreg $0x60  }
0xb4: {  	[dreg:$0x2] =	wrdreg s17  }
0xb5: {  	[dreg:$0x3] =	wrdreg s24  }
0xb6: {  	[dreg:$0x4] =	wrdreg s16  }
0xb7: {  	[dreg:$0x5] =	wrdreg $0x9  }
0xb8: {  	_ =	task.clear_ibuf [dreg:s8], $0x6FFFF;
	_ =	strace $0x90000046  }
0xb9: {  	s29 =	simm.s32 $0x9;
	_ =	strace $0x80000048  }
0xba: {  	_ =	swait.ge [sflag:s29], $0x1  }
0xbb: {  	[sflag:s29] =	ssyncadd.s32 $0xFFFFFFFF  }
0xbc: {  	_ =	strace $0x90000048  }
0xbd: {  	_ =	sfence  }
0xbe: {  	s30 =	sld [smem:$0x0];
	_ =	sdelay $0x2  }
0xbf: {  	s31 =	sshll.u32 s1, $0xD;
	s1 =	sshrl.u32 s1, $0x2  }
0xc0: {  	s3 =	sand.u32 $0x4000, s31;
	s1 =	sadd.s32 s1, s30  }
0xc1: {  	s0 =	sor.u32 s3, s0;
	s1 =	sshll.u32 s1, $0x11  }
0xc2: {  	s0 =	sor.u32 s1, s0  }
0xc3: {  	s0 =	sadd.s32 $0x8F2B, s0  }
0xc4: {  	[sflag:s0] =	ssyncadd.remote.s32 $0x1  }
0xc5: {  	_ =	sfence.sel $0xFFFF  }
0xc6: {  	[dreg:$0x0] =	wrdreg $0xFFFFFFFF;
	(pc) =	sbr.abs _section_cstart, $3  }
0xc7: {  	[dreg:$0x1] =	wrdreg $0xFFFFFFFF  }
0xc8: {  	_ =	task.clear_ibuf [dreg:s8], $0x2FFFF;
	_ =	strace $0x9FFFFFFF  }
0xc9: {  	(tm) =	ssettm $0x7FFFFFFF  }
tec
execute0_lowered:
.L_overlay_start_1:
0x0: {  	(tag) =	ssettag $0x1  }
0x1: {  	s3 =	rddreg [dreg:$0x0]  }
0x2: {  	s4 =	rddreg [dreg:$0x1]  }
0x3: {  	s10 =	rddreg [dreg:$0x2]  }
0x4: {  	s0 =	rddreg [dreg:$0x3];
	s2 =	simm.s32 $0x0  }
0x5: {  	s1 =	stileid.u32;
	s5 =	srdreg.scid;
	s15 =	simm.s32 $0xC100  }
0x6: {  	s16 =	simm.s32 $0xC180;
	s17 =	simm.s32 $0xD180;
	s18 =	simm.s32 $0xE180  }
0x7: {  	s19 =	simm.s32 $0xF180;
	s20 =	simm.s32 $0x0;
	[smem:$0x7FF] =	sst s2  }
0x8: {  	s6 =	sshll.u32 s1, $0x1;
	s7 =	sshrl.u32 s1, $0x2;
	s5 =	sand.u32 $0x1, s5  }
0x9: {  	s8 =	sadd.s32 $0x1200, s4;
	_ =	strace $0x80000047;
	s9 =	smul.u32 $0xC00, s7  }
0xa: {  	v0 =	vimm.f32 $1.000000010e-01;
	s6 =	sand.u32 $0x6, s6;
	s11 =	sshll.u32 s7, $0xC;
	s7 =	smul.u32 $0x1800, s7  }
0xb: {  	s6 =	sor.u32 s5, s6;
	s5 =	ssub.s32 $0x2, s5;
	s11 =	sadd.s32 s11, s4;
	(erf) = vrcp.f32 v0  }
0xc: {  	s12 =	sshll.u32 s6, $0x7;
	s13 =	sshrl.u32 s5, $0x1;
	s3 =	sadd.s32 s3, s7  }
0xd: {  	s6 =	sshll.u32 s6, $0x9;
	s9 =	sor.u32 s9, s12;
	s23 =	ssub.s32 s5, s13  }
0xe: {  	s11 =	sadd.s32 s6, s11;
	s12 =	simm.s32 $0x1;
	s13 =	simm.s32 $0xC000  }
0xf: {  	s24 =	sshrl.u32 s9, $0x3;
	s25 =	sadd.s32 $0x400, s9;
	s14 =	sadd.s32 $0x800, s9  }
.Ltmp0:
0x10: {  	s7 =	sadd.s32 $0x1800, s11;
	s29 =	sshll.u32 s9, $0x2;
	(pc) =	sbr.rel .LBB2_1-.Ltmp0, $4  }
0x11: {  	s11 =	smax.u32 s23, $0x1;
	s4 =	sadd.s32 s8, s24;
	s26 =	sshrl.u32 s25, $0x3  }
0x12: {  	s28 =	sshrl.u32 s14, $0x3;
	s30 =	sshll.u32 s25, $0x2;
	s31 =	sshll.u32 s14, $0x2  }
0x13: {  	s14 =	simm.s32 $0xC080;
	s5 =	sadd.s32 s8, s26;
	s6 =	sadd.s32 s8, s28  }
0x14: {  	v1 =	vimm.s32 $0x0;
	v2 =	vlaneseq.u32;
	s8 =	sadd.s32 s10, s29;
	s9 =	sadd.s32 s10, s30;
	s10 =	sadd.s32 s10, s31;
	v0 =	vpop (erf)  }
.LBB2_7:
0x15: {  	[hbm4b:s7+s2] =	stream.linear.scatter [tilespmem:s16], [sflag:$0x1], $0x1000, $0x38;
	[tilespmem:$0x10180] =	vst v63  }
0x16: {  	_ =	swait.ge [sflag:s12], $0x1000  }
0x17: {  	[sflag:s12] =	ssyncset.done $0x0  }
0x18: {  	[sflag:s12] =	ssyncadd.s32 $0xFFFFF000  }
0x19: {  	[hbm4b:s8+s2] =	stream.linear.scatter [tilespmem:s17], [sflag:$0x1], $0x1000, $0x38;
	[tilespmem:$0x10180] =	vst v63  }
0x1a: {  	_ =	swait.ge [sflag:s12], $0x1000  }
0x1b: {  	[sflag:s12] =	ssyncset.done $0x0  }
0x1c: {  	[sflag:s12] =	ssyncadd.s32 $0xFFFFF000  }
0x1d: {  	[hbm4b:s9+s2] =	stream.linear.scatter [tilespmem:s18], [sflag:$0x1], $0x1000, $0x38;
	[tilespmem:$0x10180] =	vst v63  }
0x1e: {  	s20 =	sadd.s32 $0x1, s20;
	_ =	swait.ge [sflag:s12], $0x1000  }
0x1f: {  	p0 =	sne.s32 s20, s11;
	[sflag:s12] =	ssyncset.done $0x0  }
.Ltmp1:
0x20: {  	[sflag:s12] =	ssyncadd.s32 $0xFFFFF000;
	(pc) =	sbr.rel @!p0 .LBB2_8-.Ltmp1, $4  }
0x21: {  	[hbm4b:s10+s2] =	stream.linear.scatter [tilespmem:s19], [sflag:$0x1], $0x1000, $0x38;
	[tilespmem:$0x10180] =	vst v63  }
0x22: {  	_ =	swait.ge [sflag:s12], $0x1000  }
0x23: {  	[sflag:s12] =	ssyncset.done $0x0  }
0x24: {  	[sflag:s12] =	ssyncadd.s32 $0xFFFFF000  }
.LBB2_1:
0x25: {  	[tilespmem:s2], [sflag:$0x1] =	stream.linear.gather [hbm4b:s3+s2], $0xC000, $0x38;
	[tilespmem:$0x10180] =	vst v63  }
0x26: {  	_ =	swait.ge [sflag:s12], $0xC000  }
0x27: {  	[sflag:s12] =	ssyncset.done $0x0  }
0x28: {  	[sflag:s12] =	ssyncadd.s32 $0xFFFF4000  }
0x29: {  	[tilespmem:s13], [sflag:$0x1] =	stream.linear.gather [hbm4b:s4+s2], $0x80, $0x38;
	[tilespmem:$0x10180] =	vst v63  }
0x2a: {  	_ =	swait.ge [sflag:s12], $0x80  }
0x2b: {  	[sflag:s12] =	ssyncset.done $0x0  }
0x2c: {  	[sflag:s12] =	ssyncadd.s32 $0xFFFFFF80  }
0x2d: {  	[tilespmem:s14], [sflag:$0x1] =	stream.linear.gather [hbm4b:s5+s2], $0x80, $0x38;
	[tilespmem:$0x10180] =	vst v63  }
0x2e: {  	_ =	swait.ge [sflag:s12], $0x80  }
0x2f: {  	[sflag:s12] =	ssyncset.done $0x0  }
.Ltmp2:
0x30: {  	[sflag:s12] =	ssyncadd.s32 $0xFFFFFF80;
	(pc) =	sbr.rel .LBB2_2-.Ltmp2, $4  }
0x31: {  	[tilespmem:s15], [sflag:$0x1] =	stream.linear.gather [hbm4b:s6+s2], $0x80, $0x38;
	[tilespmem:$0x10180] =	vst v63  }
0x32: {  	_ =	swait.ge [sflag:s12], $0x80  }
0x33: {  	[sflag:s12] =	ssyncset.done $0x0  }
0x34: {  	s21 =	simm.s32 $0x0;
	[sflag:s12] =	ssyncadd.s32 $0xFFFFFF80  }
.LBB2_6:
0x35: {  	v7 =	vld [tilespmem:s22+$0xC180];
	_ =	sdelay $0x4  }
0x36: {  	(v2sf) =	vpush v7, $0x0;
	_ =	sdelay $0xa  }
0x37: {  	v52 =	vmov s26;
	v8 =	vadd.s32 $0x1, v2  }
0x38: {  	v53 =	vadd.s32 $0x11, v2;
	vm0 =	vlt.s32 v52, v8  }
0x39: {  	v9 =	vor.u32 v2, v6;
	v54 =	vor.u32 $0x10, v2;
	vm1 =	vlt.s32 v52, v53  }
0x3a: {  	v55 =	vor.u32 v54, v6  }
0x3b: {  	p0 =	sgt.s32 s26, $0x0;
	s23 =	spop (v2sf)  }
0x3c: {  	s23 =	simm.s32 @!p0 $0x0  }
0x3d: {  	v56 =	vmov s23  }
0x3e: {  	[tilespmem:v9+s16+$0x0] =	vst.idx.msk vm0, v56  }
0x3f: {  	[tilespmem:v55+s16+$0x0] =	vst.idx.msk vm1, v56  }
0x40: {  	v6 =	vld [tilespmem:s22+$0xC180];
	_ =	sdelay $0x7  }
0x41: {  	v7 =	vld.idx.msk [tilespmem:v6+s2+$0x0], $0xffff;
	_ =	sdelay $0x1  }
0x42: {  	v57 =	vld [tilespmem:s22+$0xC190];
	_ =	sdelay $0x2  }
0x43: {  	v7 =	vsub.f32 v7, v5;
	_ =	sdelay $0x1  }
0x44: {  	v7 =	vmul.f32 v7, v0;
	_ =	sdelay $0x1  }
0x45: {  	[tilespmem:s22+$0xD180] =	vst v7  }
0x46: {  	v7 =	vld.idx.msk [tilespmem:v57+s2+$0x0], $0xffff;
	_ =	sdelay $0x4  }
0x47: {  	v59 =	vadd.s32 $0x4000, v6;
	v58 =	vsub.f32 v7, v5;
	_ =	sdelay $0x1  }
0x48: {  	v5 =	vmul.f32 v58, v0;
	_ =	sdelay $0x1  }
0x49: {  	[tilespmem:s22+$0xD190] =	vst v5  }
0x4a: {  	v5 =	vld.idx.msk [tilespmem:v59+s2+$0x0], $0xffff;
	_ =	sdelay $0x4  }
0x4b: {  	v60 =	vadd.s32 $0x4000, v57;
	v5 =	vsub.f32 v5, v4;
	_ =	sdelay $0x1  }
0x4c: {  	v5 =	vmul.f32 v5, v0  }
0x4d: {  	s31 =	sand.u32 $0xFE0, s22  }
0x4e: {  	[tilespmem:s31+$0xE180] =	vst v5  }
0x4f: {  	v5 =	vld.idx.msk [tilespmem:v60+s2+$0x0], $0xffff;
	_ =	sdelay $0x4  }
0x50: {  	v62 =	vadd.s32 $0x8000, v6;
	v61 =	vsub.f32 v5, v4;
	_ =	sdelay $0x1  }
0x51: {  	v4 =	vmul.f32 v61, v0;
	_ =	sdelay $0x1  }
0x52: {  	[tilespmem:s22+$0xE190] =	vst v4  }
0x53: {  	v4 =	vld.idx.msk [tilespmem:v62+s2+$0x0], $0xffff;
	_ =	sdelay $0x4  }
0x54: {  	v63 =	vadd.s32 $0x8000, v57;
	v4 =	vsub.f32 v4, v3;
	_ =	sdelay $0x1  }
0x55: {  	v4 =	vmul.f32 v4, v0;
	_ =	sdelay $0x1  }
0x56: {  	[tilespmem:s31+$0xF180] =	vst v4  }
0x57: {  	v4 =	vld.idx.msk [tilespmem:v63+s2+$0x0], $0xffff;
	_ =	sdelay $0x2  }
0x58: {  	s21 =	sadd.s32 $0x1, s21  }
0x59: {  	p0 =	sne.s32 s21, $0x80  }
.Ltmp3:
0x5a: {  	v3 =	vsub.f32 v4, v3;
	(pc) =	sbr.rel @!p0 .LBB2_7-.Ltmp3, $3  }
0x5b: {  	_ = 	snop  }
0x5c: {  	v3 =	vmul.f32 v3, v0;
	_ =	sdelay $0x1  }
0x5d: {  	[tilespmem:s22+$0xF190] =	vst v3  }
.LBB2_2:
0x5e: {  	v3 =	vmov s21  }
0x5f: {  	v4 =	vor.u32 $0x80, v3  }
0x60: {  	v6 =	vor.u32 $0x100, v3  }
.Ltmp4:
0x61: {  	_ = 	snop;
	(pc) =	sbr.rel .LBB2_3-.Ltmp4, $4  }
0x62: {  	_ = 	snop  }
0x63: {  	v5 =	vld.idx.msk [tilespmem:v3+s13+$0x0], $0xffff  }
0x64: {  	s22 =	sshll.u32 s21, $0x5;
	s25 =	simm.s32 $0x0;
	v4 =	vld.idx.msk [tilespmem:v4+s13+$0x0], $0xffff  }
0x65: {  	s23 =	simm.s32 $0xF0;
	s24 =	simm.s32 $0x80F0;
	s26 =	simm.s32 $0x0;
	v3 =	vld.idx.msk [tilespmem:v6+s13+$0x0], $0xffff;
	v6 =	vmov s22  }
.LBB2_5:
0x66: {  	p0 =	sgt.u32 s25, $0x3EF  }
0x67: {  	p1 =	slt.s32 @!p0 s26, $0x20  }
0x68: {  	p0 =	por p0, !p1  }
.Ltmp5:
0x69: {  	_ = 	snop;
	(pc) =	sbr.rel @p0 .LBB2_6-.Ltmp5, $2  }
0x6a: {  	_ =	sdelay $0x2  }
0x6b: {  	s25 =	sadd.s32 $0x10, s25;
	s23 =	sadd.s32 $0x100, s23;
	s24 =	sadd.s32 $0x100, s24  }
.LBB2_3:
0x6c: {  	v7 =	vld [tilespmem:s24+$0xFFFF7F10]  }
0x6d: {  	v8 =	vld [tilespmem:s24+$0xFFFFBF10]  }
0x6e: {  	v9 =	vld [tilespmem:s24+$0xFFFF7F20]  }
0x6f: {  	v10 =	vld [tilespmem:s24+$0xFFFFBF20]  }
0x70: {  	v11 =	vld [tilespmem:s24+$0xFFFFFF10]  }
0x71: {  	v12 =	vld [tilespmem:s24+$0xFFFFFF20]  }
0x72: {  	v15 =	vld [tilespmem:s24+$0xFFFF7F40]  }
0x73: {  	v16 =	vld [tilespmem:s24+$0xFFFFBF40]  }
0x74: {  	v13 =	vld [tilespmem:s24+$0xFFFF7F30]  }
0x75: {  	v14 =	vld [tilespmem:s24+$0xFFFFBF30];
	v7 =	vsub.f32 v5, v7;
	v8 =	vsub.f32 v4, v8  }
0x76: {  	v17 =	vld [tilespmem:s24+$0xFFFFFF30];
	v9 =	vsub.f32 v5, v9;
	v10 =	vsub.f32 v4, v10  }
0x77: {  	v18 =	vld [tilespmem:s24+$0xFFFFFF40];
	v11 =	vsub.f32 v3, v11;
	v7 =	vmul.f32 v7, v7;
	v8 =	vmul.f32 v8, v8  }
0x78: {  	v20 =	vld [tilespmem:s24+$0xFFFF7F60];
	v15 =	vsub.f32 v5, v15;
	v16 =	vsub.f32 v4, v16  }
0x79: {  	v21 =	vld [tilespmem:s24+$0xFFFF7F80];
	v9 =	vmul.f32 v9, v9;
	v10 =	vmul.f32 v10, v10;
	v7 =	vadd.f32 v8, v7  }
0x7a: {  	v22 =	vld [tilespmem:s24+$0xFFFFBF80];
	v11 =	vmul.f32 v11, v11;
	v8 =	vsub.f32 v3, v12;
	v12 =	vsub.f32 v5, v13  }
0x7b: {  	v9 =	vadd.f32 v10, v9;
	v10 =	vld [tilespmem:s24+$0xFFFF7F50];
	v13 =	vsub.f32 v4, v14  }
0x7c: {  	v14 =	vld [tilespmem:s24+$0xFFFFBF50];
	v19 =	vmul.f32 v8, v8;
	v8 =	vadd.f32 v11, v7;
	v7 =	vmul.f32 v12, v12  }
0x7d: {  	v20 =	vsub.f32 v5, v20;
	v11 =	vmul.f32 v13, v13;
	v12 =	vld [tilespmem:s24+$0xFFFFBF60];
	v13 =	vmul.f32 v15, v15  }
0x7e: {  	v15 =	vmul.f32 v16, v16;
	v16 =	vsub.f32 v3, v17;
	v17 =	vsub.f32 v3, v18;
	v18 =	vld [tilespmem:s24+$0xFFFFBF70]  }
0x7f: {  	v21 =	vsub.f32 v5, v21;
	v9 =	vadd.f32 v19, v9;
	v19 =	vld [tilespmem:s24+$0xFFFFFF50]  }
0x80: {  	v7 =	vadd.f32 v11, v7;
	v11 =	vld [tilespmem:s24+$0xFFFFFF60];
	v13 =	vadd.f32 v15, v13;
	v16 =	vmul.f32 v16, v16  }
0x81: {  	v15 =	vld [tilespmem:s24+$0xFFFF7F70];
	v10 =	vsub.f32 v5, v10;
	v14 =	vsub.f32 v4, v14  }
0x82: {  	v23 =	vld [tilespmem:s24+$0xFFFF7FA0];
	v22 =	vsub.f32 v4, v22;
	v17 =	vmul.f32 v17, v17;
	v16 =	vadd.f32 v16, v7  }
0x83: {  	v24 =	vld [tilespmem:s24+$0xFFFFBFA0];
	v12 =	vsub.f32 v4, v12;
	v7 =	vmul.f32 v10, v10;
	v14 =	vmul.f32 v14, v14  }
0x84: {  	v10 =	vadd.f32 v17, v13;
	v13 =	vmul.f32 v20, v20;
	v20 =	vld [tilespmem:s24+$0xFFFFFF70];
	v17 =	vsub.f32 v3, v19  }
0x85: {  	v12 =	vmul.f32 v12, v12;
	v7 =	vadd.f32 v14, v7;
	v14 =	vld [tilespmem:s24+$0xFFFFFF80];
	v11 =	vsub.f32 v3, v11  }
0x86: {  	v18 =	vsub.f32 v4, v18;
	v15 =	vsub.f32 v5, v15;
	v19 =	vld [tilespmem:s24+$0xFFFFBF90];
	v17 =	vmul.f32 v17, v17  }
0x87: {  	v23 =	vsub.f32 v5, v23;
	v12 =	vadd.f32 v12, v13;
	v13 =	vld [tilespmem:s24+$0xFFFF7F90];
	v11 =	vmul.f32 v11, v11  }
0x88: {  	v26 =	vld [tilespmem:s24+$0xFFFF7FC0];
	v17 =	vadd.f32 v17, v7;
	v7 =	vmul.f32 v15, v15;
	v15 =	vmul.f32 v18, v18  }
0x89: {  	v18 =	vadd.f32 v11, v12;
	v11 =	vmul.f32 v21, v21;
	v12 =	vmul.f32 v22, v22  }
0x8a: {  	v25 =	vld [tilespmem:s24+$0xFFFFBFB0];
	v20 =	vsub.f32 v3, v20;
	v14 =	vsub.f32 v3, v14  }
0x8b: {  	v21 =	vld [tilespmem:s24+$0xFFFFFF90];
	v7 =	vadd.f32 v15, v7;
	v11 =	vadd.f32 v12, v11  }
0x8c: {  	v15 =	vld [tilespmem:s24+$0xFFFFFFA0];
	v12 =	vmul.f32 v20, v20;
	v20 =	vsub.f32 v4, v19;
	v13 =	vsub.f32 v5, v13  }
0x8d: {  	v24 =	vsub.f32 v4, v24;
	v50 =	vsub.f32 v5, v26;
	v22 =	vld [tilespmem:s24+$0xFFFF7FB0];
	v14 =	vmul.f32 v14, v14  }
0x8e: {  	v19 =	vadd.f32 v12, v7;
	v7 =	vmul.f32 v13, v13;
	v13 =	vmul.f32 v20, v20;
	v20 =	vld [tilespmem:s24+$0xFFFFBFC0]  }
0x8f: {  	v12 =	vadd.f32 v14, v11;
	v11 =	vmul.f32 v23, v23;
	v14 =	vmul.f32 v24, v24;
	v23 =	vld [tilespmem:s24+$0xFFFFFFB0]  }
0x90: {  	v21 =	vsub.f32 v3, v21;
	v7 =	vadd.f32 v13, v7;
	v13 =	vld [tilespmem:s24+$0xFFFFFFC0]  }
0x91: {  	v15 =	vsub.f32 v3, v15;
	v11 =	vadd.f32 v14, v11  }
0x92: {  	v49 =	vld [tilespmem:s24+$0xFFFF7FD0];
	v14 =	vsub.f32 v5, v22;
	v22 =	vsub.f32 v4, v25  }
0x93: {  	v51 =	vld [tilespmem:s24+$0xFFFFBFD0];
	v21 =	vmul.f32 v21, v21;
	v25 =	vmul.f32 v50, v50;
	v20 =	vsub.f32 v4, v20  }
0x94: {  	v27 =	vld [tilespmem:s24+$0xFFFFFFD0];
	v14 =	vmul.f32 v14, v14;
	v22 =	vmul.f32 v22, v22;
	v23 =	vsub.f32 v3, v23  }
0x95: {  	v29 =	vld [tilespmem:s24+$0xFFFF7FE0];
	v15 =	vmul.f32 v15, v15;
	v13 =	vsub.f32 v3, v13;
	v28 =	vmul.f32 v20, v20  }
0x96: {  	v14 =	vadd.f32 v22, v14;
	v22 =	vmul.f32 v23, v23;
	v23 =	vld [tilespmem:s24+$0xFFFFBFE0];
	v20 =	vadd.f32 v21, v7  }
0x97: {  	v52 =	vld [tilespmem:s24+$0xFFFFFFE0];
	v21 =	vadd.f32 v15, v11;
	v7 =	vadd.f32 v28, v25;
	v13 =	vmul.f32 v13, v13  }
0x98: {  	v55 =	vld [tilespmem:s24+$0xFFFFFFF0];
	v11 =	vsub.f32 v4, v51;
	v15 =	vadd.f32 v22, v14  }
0x99: {  	v56 =	vld [tilespmem:s24+$0xFFFF8000];
	v14 =	vadd.f32 v13, v7;
	v7 =	vsub.f32 v5, v49  }
0x9a: {  	v53 =	vld [tilespmem:s24+$0xFFFF7FF0];
	v57 =	vmin.f32 v8, v9;
	v22 =	vsub.f32 v5, v29;
	v11 =	vmul.f32 v11, v11  }
0x9b: {  	v54 =	vld [tilespmem:s24+$0xFFFFBFF0];
	v13 =	vsub.f32 v3, v27;
	v23 =	vsub.f32 v4, v23;
	v7 =	vmul.f32 v7, v7  }
0x9c: {  	v30 =	vld [tilespmem:s24+$0x0];
	v25 =	vsub.f32 v3, v52;
	v29 =	vmin.f32 v57, v16;
	v22 =	vmul.f32 v22, v22  }
0x9d: {  	v23 =	vmul.f32 v23, v23;
	v7 =	vadd.f32 v11, v7;
	v11 =	vmul.f32 v13, v13;
	v13 =	vld [tilespmem:s24+$0xFFFFC000]  }
0x9e: {  	v59 =	vsub.f32 v3, v55;
	v60 =	vsub.f32 v5, v56;
	v29 =	vmin.f32 v29, v10  }
0x9f: {  	v25 =	vmul.f32 v25, v25;
	v58 =	vmin.f32 v29, v17;
	v23 =	vadd.f32 v23, v22  }
0xa0: {  	v24 =	vmin.f32 v58, v18;
	v22 =	vadd.f32 v11, v7;
	v11 =	vsub.f32 v5, v53  }
0xa1: {  	v24 =	vmin.f32 v24, v19;
	v7 =	vadd.f32 v25, v23;
	v23 =	vsub.f32 v4, v54  }
0xa2: {  	v61 =	vsub.f32 v3, v30;
	v24 =	vmin.f32 v24, v12;
	v13 =	vsub.f32 v4, v13  }
0xa3: {  	v24 =	vmin.f32 v24, v20;
	v11 =	vmul.f32 v11, v11;
	v23 =	vmul.f32 v23, v23  }
0xa4: {  	v26 =	vmul.f32 v60, v60;
	v24 =	vmin.f32 v24, v21;
	v13 =	vmul.f32 v13, v13  }
0xa5: {  	v24 =	vmin.f32 v24, v15;
	v11 =	vadd.f32 v23, v11;
	v23 =	vmul.f32 v59, v59  }
0xa6: {  	v63 =	vmul.f32 v61, v61;
	v24 =	vmin.f32 v24, v14;
	v62 =	vadd.f32 v13, v26  }
0xa7: {  	v13 =	vadd.f32 v23, v11;
	v23 =	vmin.f32 v24, v22  }
0xa8: {  	v23 =	vmin.f32 v23, v7;
	v11 =	vadd.f32 v63, v62  }
0xa9: {  	v23 =	vmin.f32 v23, v13  }
0xaa: {  	v23 =	vmin.f32 v23, v11  }
0xab: {  	vm0 =	vlt.f32 v23, $9.999999770e-03  }
0xac: {  	v23 =	vmpcnt.ones.xlane vm0;
	_ =	sdelay $0x1  }
0xad: {  	(v2sf) =	vpush v23, $0x0;
	_ =	sdelay $0xe  }
0xae: {  	s28 =	spop (v2sf)  }
0xaf: {  	p0 =	slt.s32 s28, $0x1  }
.Ltmp6:
0xb0: {  	_ = 	snop;
	(pc) =	sbr.rel @p0 .LBB2_5-.Ltmp6, $1  }
0xb1: {  	_ =	sdelay $0x3  }
0xb2: {  	vm0 =	vlt.f32 v8, $9.999999770e-03  }
0xb3: {  	vm1 =	vlt.f32 v9, $9.999999770e-03;
	v8 =	vsel vm0, $0x1, v1  }
0xb4: {  	vm2 =	vlt.f32 v16, $9.999999770e-03;
	vm3 =	vlt.f32 v10, $9.999999770e-03;
	(xrf0) =	vadd.scan.msk.s32 $0xffff, v8;
	v8 =	vsel vm1, $0x1, v1  }
0xb5: {  	vm12 =	vlt.f32 v17, $9.999999770e-03;
	vm7 =	vlt.f32 v18, $9.999999770e-03;
	vm6 =	vlt.f32 v19, $9.999999770e-03;
	(xrf0) =	vadd.scan.msk.s32 $0xffff, v8  }
0xb6: {  	s28 =	sadd.s32 $0xFFFFFF10, s23;
	vm8 =	vlt.f32 v12, $9.999999770e-03;
	vm9 =	vlt.f32 v20, $9.999999770e-03;
	vm11 =	vlt.f32 v21, $9.999999770e-03  }
0xb7: {  	v40 =	vsel vm2, $0x1, v1;
	v23 =	vmpcnt.ones.xlane vm0;
	v9 =	vor.u32 s28, v2  }
0xb8: {  	s31 =	sadd.s32 $0xFFFFFF20, s23;
	v45 =	vmpcnt.ones.xlane vm1;
	v24 =	vsel vm3, $0x1, v1;
	v17 =	vsel vm12, $0x1, v1  }
0xb9: {  	v48 =	vsel vm7, $0x1, v1;
	v16 =	vor.u32 s31, v2;
	v49 =	vmpcnt.ones.xlane vm2;
	(xrf0) =	vadd.scan.msk.s32 $0xffff, v40  }
0xba: {  	v52 =	vmpcnt.ones.xlane vm3;
	v53 =	vsel vm6, $0x1, v1;
	v26 =	vmpcnt.ones.xlane vm12;
	v8, _, _ =	vpop (xrf0)  }
0xbb: {  	v57 =	vsel vm8, $0x1, v1;
	v59 =	vmpcnt.ones.xlane vm7;
	v61 =	vsel vm9, $0x1, v1;
	v43, _, _ =	vpop (xrf0);
	(xrf0) =	vadd.scan.msk.s32 $0xffff, v24  }
0xbc: {  	v62 =	vmpcnt.ones.xlane vm6;
	v63 =	vsel vm11, $0x1, v1;
	v42 =	vadd.s32 s26, v23  }
0xbd: {  	v31 =	vmpcnt.ones.xlane vm8;
	v33 =	vmpcnt.ones.xlane vm9;
	v23 =	vadd.s32 v42, v45  }
0xbe: {  	s29 =	sadd.s32 $0xFFFFFF40, s23;
	v37 =	vmpcnt.ones.xlane vm11;
	v50 =	vadd.s32 v23, v49;
	v8 =	vadd.s32 s26, v8;
	(xrf0) =	vadd.scan.msk.s32 $0xffff, v17  }
0xbf: {  	v49 =	vor.u32 s29, v2;
	v41 =	vadd.s32 $0xFFFFFFFF, v8;
	v44 =	vadd.s32 v42, v43;
	v46, _, _ =	vpop (xrf0);
	(xrf0) =	vadd.scan.msk.s32 $0xffff, v48  }
0xc0: {  	v8 =	vadd.s32 v6, v41;
	vm4 =	vlt.s32 v41, $0x20;
	v25 =	vadd.s32 $0xFFFFFFFF, v44  }
0xc1: {  	v47 =	vadd.s32 v23, v46;
	vm0 =	vmand vm0, vm4;
	vm5 =	vlt.s32 v25, $0x20;
	v51, _, _ =	vpop (xrf0);
	(xrf0) =	vadd.scan.msk.s32 $0xffff, v53  }
0xc2: {  	v10 =	vadd.s32 v6, v25;
	v18 =	vadd.s32 $0xFFFFFFFF, v47;
	vm1 =	vmand vm1, vm5  }
0xc3: {  	v17 =	vadd.s32 v6, v18;
	vm13 =	vlt.s32 v18, $0x20;
	v18 =	vadd.s32 v50, v52  }
0xc4: {  	vm2 =	vmand vm2, vm13;
	v55 =	vadd.s32 v18, v26;
	vm13 =	vlt.f32 v14, $9.999999770e-03;
	v54, _, _ =	vpop (xrf0)  }
0xc5: {  	v12 =	vadd.s32 v55, v59;
	v32 =	vsel vm13, $0x1, v1;
	v19 =	vadd.s32 v50, v51;
	(xrf0) =	vadd.scan.msk.s32 $0xffff, v57;
	v56, _, _ =	vpop (xrf0)  }
0xc6: {  	v40 =	vmpcnt.ones.xlane vm13;
	v19 =	vadd.s32 $0xFFFFFFFF, v19;
	v58 =	vadd.s32 v55, v56  }
0xc7: {  	v18 =	vadd.s32 v18, v54;
	vm14 =	vlt.s32 v19, $0x20;
	v23 =	vadd.s32 $0xFFFFFFFF, v58;
	v60, _, _ =	vpop (xrf0);
	(xrf0) =	vadd.scan.msk.s32 $0xffff, v61  }
0xc8: {  	v18 =	vadd.s32 $0xFFFFFFFF, v18;
	v19 =	vadd.s32 v6, v19;
	vm10 =	vlt.s32 v23, $0x20  }
0xc9: {  	vm3 =	vmand vm3, vm14;
	vm4 =	vmand vm7, vm10;
	vm10 =	vlt.f32 v15, $9.999999770e-03;
	(xrf0) =	vadd.scan.msk.s32 $0xffff, v63  }
0xca: {  	vm15 =	vlt.s32 v18, $0x20;
	vm14 =	vlt.f32 v22, $9.999999770e-03;
	v30 =	vsel vm10, $0x1, v1  }
0xcb: {  	vm5 =	vmand vm12, vm15;
	v20 =	vadd.s32 v12, v60;
	v12 =	vadd.s32 v12, v62;
	v28, _, _ =	vpop (xrf0);
	(xrf0) =	vadd.scan.msk.s32 $0xffff, v30  }
0xcc: {  	v34 =	vsel vm14, $0x1, v1;
	v20 =	vadd.s32 $0xFFFFFFFF, v20;
	v29 =	vadd.s32 v12, v28;
	(xrf0) =	vadd.scan.msk.s32 $0xffff, v32  }
0xcd: {  	v38 =	vmpcnt.ones.xlane vm10;
	vm7 =	vlt.s32 v20, $0x20;
	v15 =	vadd.s32 $0xFFFFFFFF, v29;
	v35, _, _ =	vpop (xrf0);
	(xrf0) =	vadd.scan.msk.s32 $0xffff, v34  }
0xce: {  	v12 =	vadd.s32 v12, v31;
	vm6 =	vmand vm6, vm7;
	vm12 =	vlt.s32 v15, $0x20  }
0xcf: {  	vm7 =	vmand vm8, vm12;
	v36, _, _ =	vpop (xrf0);
	v14 =	vadd.s32 v12, v35;
	v12 =	vadd.s32 v12, v33  }
0xd0: {  	v14 =	vadd.s32 $0xFFFFFFFF, v14;
	v21 =	vadd.s32 v12, v36;
	v12 =	vadd.s32 v12, v37  }
0xd1: {  	v39, _, _ =	vpop (xrf0);
	vm8 =	vlt.s32 v14, $0x20;
	v21 =	vadd.s32 $0xFFFFFFFF, v21;
	v24 =	vadd.s32 v12, v38  }
0xd2: {  	v27, _, _ =	vpop (xrf0);
	v12 =	vadd.s32 v12, v39;
	vm12 =	vlt.s32 v21, $0x20;
	vm9 =	vmand vm9, vm8  }
0xd3: {  	v41 =	vadd.s32 v24, v27;
	v24 =	vadd.s32 v24, v40;
	v12 =	vadd.s32 $0xFFFFFFFF, v12;
	v42, _, _ =	vpop (xrf0)  }
0xd4: {  	vm8 =	vmand vm11, vm12;
	v22 =	vadd.s32 $0xFFFFFFFF, v41;
	v26 =	vadd.s32 v24, v42  }
0xd5: {  	vm11 =	vlt.s32 v12, $0x20;
	vm15 =	vlt.s32 v22, $0x20;
	v26 =	vadd.s32 $0xFFFFFFFF, v26  }
0xd6: {  	vm12 =	vmand vm10, vm11;
	vm11 =	vmand vm13, vm15;
	vm15 =	vlt.s32 v26, $0x20  }
0xd7: {  	v43 =	vmpcnt.ones.xlane vm14;
	vm10 =	vmand vm14, vm15;
	vm15 =	vlt.f32 v7, $9.999999770e-03  }
0xd8: {  	vm13 =	vlt.f32 v13, $9.999999770e-03;
	v7 =	vsel vm15, $0x1, v1;
	v44 =	vmpcnt.ones.xlane vm15  }
0xd9: {  	v24 =	vadd.s32 v24, v43;
	vm14 =	vlt.f32 v11, $9.999999770e-03;
	(xrf0) =	vadd.scan.msk.s32 $0xffff, v7;
	v7 =	vmpcnt.ones.xlane vm13  }
0xda: {  	v46 =	vsel vm13, $0x1, v1;
	v47 =	vmpcnt.ones.xlane vm14;
	v45 =	vadd.s32 v24, v44  }
0xdb: {  	s28 =	sadd.s32 $0xFFFFFF30, s23;
	v18 =	vadd.s32 v6, v18;
	v48 =	vsel vm14, $0x1, v1;
	(xrf0) =	vadd.scan.msk.s32 $0xffff, v46;
	v7 =	vadd.s32 v45, v7  }
0xdc: {  	s31 =	sadd.s32 $0xFFFFFF70, s23;
	v25 =	vor.u32 s28, v2;
	[tilespmem:v8+s16+$0x0] =	vst.idx.msk vm0, v9;
	(xrf0) =	vadd.scan.msk.s32 $0xffff, v48;
	v27 =	vadd.s32 v7, v47  }
0xdd: {  	s30 =	sadd.s32 $0xFFFFFF50, s23;
	s29 =	sadd.s32 $0xFFFFFF60, s23;
	v53 =	vor.u32 s31, v2;
	[tilespmem:v10+s16+$0x0] =	vst.idx.msk vm1, v16;
	v50 =	vadd.s32 v6, v23;
	(v2sf) =	vpush v27, $0x0  }
0xde: {  	s31 =	sadd.s32 $0xFFFFFF90, s23;
	v51 =	vor.u32 s29, v2;
	v8 =	vor.u32 s30, v2;
	s30 =	sadd.s32 $0xFFFFFF80, s23;
	[tilespmem:v17+s16+$0x0] =	vst.idx.msk vm2, v25;
	v52 =	vadd.s32 v6, v20  }
0xdf: {  	s29 =	sadd.s32 $0xFFFFFFA0, s23;
	v56 =	vor.u32 s31, v2;
	v55 =	vor.u32 s30, v2;
	v15 =	vadd.s32 v6, v15;
	[tilespmem:v19+s16+$0x0] =	vst.idx.msk vm3, v49  }
0xe0: {  	[tilespmem:v18+s16+$0x0] =	vst.idx.msk vm5, v8;
	v8 =	vor.u32 s29, v2;
	v14 =	vadd.s32 v6, v14;
	v57 =	vadd.s32 v6, v21;
	v54, _, _ =	vpop (xrf0)  }
0xe1: {  	v12 =	vadd.s32 v6, v12;
	v60 =	vadd.s32 v6, v22;
	v58 =	vadd.s32 v24, v54;
	v59, _, _ =	vpop (xrf0)  }
0xe2: {  	[tilespmem:v50+s16+$0x0] =	vst.idx.msk vm4, v51;
	v61 =	vadd.s32 v6, v26;
	v62 =	vadd.s32 $0xFFFFFFFF, v58;
	v11 =	vadd.s32 v45, v59;
	v63, _, _ =	vpop (xrf0)  }
0xe3: {  	[tilespmem:v52+s16+$0x0] =	vst.idx.msk vm6, v53;
	v7 =	vadd.s32 v7, v63;
	vm6 =	vlt.s32 v62, $0x20;
	v11 =	vadd.s32 $0xFFFFFFFF, v11  }
0xe4: {  	[tilespmem:v15+s16+$0x0] =	vst.idx.msk vm7, v55;
	vm0 =	vmand vm15, vm6;
	vm7 =	vlt.s32 v11, $0x20;
	v7 =	vadd.s32 $0xFFFFFFFF, v7  }
0xe5: {  	s30 =	sadd.s32 $0xFFFFFFB0, s23;
	[tilespmem:v14+s16+$0x0] =	vst.idx.msk vm9, v56;
	v10 =	vadd.s32 v6, v62;
	vm1 =	vmand vm13, vm7;
	vm15 =	vlt.s32 v7, $0x20  }
0xe6: {  	s31 =	sadd.s32 $0xFFFFFFC0, s23;
	[tilespmem:v57+s16+$0x0] =	vst.idx.msk vm8, v8;
	v8 =	vor.u32 s30, v2;
	v11 =	vadd.s32 v6, v11;
	vm2 =	vmand vm14, vm15  }
0xe7: {  	s29 =	sadd.s32 $0xFFFFFFD0, s23;
	[tilespmem:v12+s16+$0x0] =	vst.idx.msk vm12, v8;
	v8 =	vor.u32 s31, v2;
	v7 =	vadd.s32 v6, v7  }
.Ltmp7:
0xe8: {  	s30 =	sadd.s32 $0xFFFFFFE0, s23;
	[tilespmem:v60+s16+$0x0] =	vst.idx.msk vm11, v8;
	v8 =	vor.u32 s29, v2;
	(pc) =	sbr.rel .LBB2_5-.Ltmp7, $4  }
0xe9: {  	s31 =	sadd.s32 $0xFFFFFFF0, s23;
	[tilespmem:v61+s16+$0x0] =	vst.idx.msk vm10, v8;
	v8 =	vor.u32 s30, v2  }
0xea: {  	[tilespmem:v10+s16+$0x0] =	vst.idx.msk vm0, v8;
	v8 =	vor.u32 s31, v2  }
0xeb: {  	[tilespmem:v11+s16+$0x0] =	vst.idx.msk vm1, v8;
	v8 =	vor.u32 s23, v2  }
0xec: {  	[tilespmem:v7+s16+$0x0] =	vst.idx.msk vm2, v8;
	s26 =	spop (v2sf)  }
.LBB2_8:
0xed: {  	_ =	sfence.sel $0x180000  }
0xee: {  	[bflag:$0x0] =	sbarrier.arrive $0xFFFF  }
0xef: {  	p0 =	sne.s32 s1, $0x0;
	_ =	strace $0x90000047  }
0xf0: {  	s0 =	sadd.s32 @!p0 $0x100000, s0;
	[bflag:$0x2] =	sbarrier.arrive $0xFFFF  }
0xf1: {  	[sflag:s0] =	ssyncadd.tile.s32 @!p0 $0x1;
	_ =	shalt  }
.Lfunc_end2:
_tile_overlayer_lowered:
.L_overlay_start_2:
0xf2: {  	(tag) =	ssettag $0x2  }
0xf3: {  	s0 =	rddreg [dreg:$0x0];
	s2 =	stileid.u32  }
0xf4: {  	s1 =	rddreg [dreg:$0x1];
	p0 =	sne.s32 s2, $0x0  }
0xf5: {  	s3 =	rddreg [dreg:$0x2];
	[bflag:$0x3] =	sbarrier.arrive $0xFFFF;
	s2 =	simm.s32 @!p0 $0x1C01  }
0xf6: {  	[timem:s3], [sflag:s2] =	dma.local @!p0 [hbm:s0], s1  }
0xf7: {  	s0 =	simm.s32 @!p0 $0x1  }
0xf8: {  	_ =	swait.ge @!p0 [sflag:s0], s1  }
0xf9: {  	s1 =	ssub.s32 @!p0 $0x0, s1;
	[sflag:s0] =	ssyncset.done @!p0 $0x0  }
0xfa: {  	[sflag:s0] =	ssyncadd.s32 @!p0 s1  }
0xfb: {  	[bflag:$0x3] =	sbarrier.arrive $0xFFFF  }
0xfc: {  	_ =	shalt  }

// kernel: kernel.7.cloned.1.call-start
scs
__scs_entry_jumppad:
0x0: {  	(pc) =	sbr.rel $0x88, $3  }
0x1: {  	(tag) =	ssettag $0x0;
	lr =	simm.s32 $0x1  }
0x2: {  	[smem:$0x3F9E] =	sst lr;
	_ =	strace $0xD0000000  }
0x3: {  	_ = 	snop  }
0x4: {  	_ = 	snop  }
0x5: {  	_ = 	snop  }
0x6: {  	_ = 	snop  }
0x7: {  	_ = 	snop  }
__scs_overlays_trampoline_lowered:
0x8: {  	[smem:$0x3FAD] =	sst s0  }
0x9: {  	[smem:$0x3FAE] =	sst s1  }
0xa: {  	[smem:$0x3FAF] =	sst s2  }
0xb: {  	[smem:$0x3FB0] =	sst s3  }
0xc: {  	[smem:$0x3FB1] =	sst s4  }
0xd: {  	[smem:$0x3FB2] =	sst s5  }
0xe: {  	[smem:$0x3FB3] =	sst s6  }
0xf: {  	[smem:$0x3FB4] =	sst s7  }
0x10: {  	[smem:$0x3FB5] =	sst s8  }
0x11: {  	[smem:$0x3FB6] =	sst s9;
	s0 =	simm.s32 @!p0 $0x0  }
0x12: {  	s1 =	sld [smem:$0x3F9C];
	s0 =	simm.s32 @p0 $0x1  }
0x13: {  	[smem:$0x3FB7] =	sst s0;
	s0 =	simm.s32 @!p1 $0x0  }
0x14: {  	s2 =	sld [smem:$0x3F9B];
	s0 =	simm.s32 @p1 $0x1  }
0x15: {  	[smem:$0x3FB8] =	sst s0;
	s0 =	simm.s32 @!p2 $0x0  }
0x16: {  	s3 =	sld [smem:$0x3FDB];
	s0 =	simm.s32 @p2 $0x1  }
0x17: {  	s4 =	simm.s32 $0x1BF5;
	[smem:$0x3FBA] =	sst s0  }
0x18: {  	s0 =	sld [smem:$0x3F9D];
	_ =	swait.ge [sflag:s4], $0x0  }
0x19: {  	s7 =	sld [smem:$0x3F9E]  }
0x1a: {  	s8 =	sadd.s32 $0xFFFFE003, lr  }
0x1b: {  	s9 =	sadd.s32 $0xFFFFFEF7, lr;
	s5 =	simm.s32 $0xFFFFFFFF;
	p2 =	slt.u32 s8, $0xFFFFF086  }
0x1c: {  	p1 =	slt.u32 s9, $0xF7A;
	s5 =	simm.s32 @!p2 $0x0  }
0x1d: {  	s5 =	simm.s32 @p1 $0x1;
	p0 =	seq.s32 s7, s2  }
0x1e: {  	s7 =	smul.u32 @!p0 $0xF7A, s2;
	p2 =	seq.s32 @!p0 s5, $0x0  }
0x1f: {  	s9 =	smul.u32 $0xF7A, s1;
	s8 =	simm.s32 @!p0 $0x1BF5;
	p2 =	por !p2, p0  }
0x20: {  	[sflag:s8] =	ssyncset.s32 @!p0 $0xFFFFF086;
	s6 =	sadd.s32 @!p0 s3, s7;
	s7 =	simm.s32 @!p0 $0x108  }
0x21: {  	s3 =	sadd.s32 s3, s9;
	s6 =	sadd.s32 @!p0 $0x88, s6;
	s7 =	simm.s32 @p2 $0x1082  }
0x22: {  	[simem:s7], [sflag:s8] =	dma.local @!p0 [hbm:s6], $0xF7A  }
0x23: {  	s9 =	sor.u32 $0xD0000000, s2;
	s6 =	simm.s32 $0x108;
	_ =	swait.ge @!p0 [sflag:s8], $0x0  }
0x24: {  	s3 =	sadd.s32 $0x88, s3;
	s6 =	simm.s32 @!p1 $0x1082;
	[sflag:s4] =	ssyncset.s32 $0xFFFFF086  }
0x25: {  	[simem:s6], [sflag:s4] =	dma.local [hbm:s3], $0xF7A  }
0x26: {  	[smem:$0x3F9E] =	sst s1;
	(tag) =	ssettag s2;
	_ =	strace s9  }
0x27: {  	s1 =	sld [smem:$0x3FAE]  }
0x28: {  	s2 =	sld [smem:$0x3FAF]  }
0x29: {  	s4 =	sld [smem:$0x3FB1]  }
0x2a: {  	p0 =	seq.s32 s5, $0x0;
	s5 =	sld [smem:$0x3FB2]  }
0x2b: {  	s6 =	sld [smem:$0x3FB3]  }
0x2c: {  	s7 =	sld [smem:$0x3FB4]  }
0x2d: {  	s3 =	simm.s32 $0x108;
	s8 =	sld [smem:$0x3FB5]  }
0x2e: {  	s3 =	simm.s32 @!p0 $0x1082;
	s9 =	sld [smem:$0x3FB6]  }
0x2f: {  	lr =	sadd.s32 s0, s3;
	s0 =	sld [smem:$0x3FAD]  }
0x30: {  	s3 =	sld [smem:$0x3FB0]  }
0x31: {  	[smem:$0x3FB9] =	sst s10  }
0x32: {  	s10 =	sld [smem:$0x3FB7];
	_ =	sdelay $0x3  }
0x33: {  	p0 =	seq.s32 s10, $0x1;
	s10 =	sld [smem:$0x3FB9];
	_ =	sdelay $0x3  }
0x34: {  	[smem:$0x3FB9] =	sst s10  }
0x35: {  	s10 =	sld [smem:$0x3FB8];
	_ =	sdelay $0x3  }
0x36: {  	p1 =	seq.s32 s10, $0x1;
	s10 =	sld [smem:$0x3FB9];
	_ =	sdelay $0x3  }
0x37: {  	[smem:$0x3FB9] =	sst s10  }
0x38: {  	s10 =	sld [smem:$0x3FBA]  }
0x39: {  	_ = 	snop;
	(pc) =	sbr.ind lr, $3  }
0x3a: {  	_ = 	snop  }
0x3b: {  	_ = 	snop  }
0x3c: {  	p2 =	seq.s32 s10, $0x1;
	s10 =	sld [smem:$0x3FB9]  }
0x3d: {  	_ =	shalt  }
0x3e: {  	_ =	shalt  }
0x3f: {  	_ =	shalt  }
0x40: {  	_ =	shalt  }
0x41: {  	_ =	shalt  }
0x42: {  	_ =	shalt  }
0x43: {  	_ =	shalt  }
0x44: {  	_ =	shalt  }
0x45: {  	_ =	shalt  }
0x46: {  	_ =	shalt  }
0x47: {  	_ =	shalt  }
0x48: {  	_ =	shalt  }
0x49: {  	_ =	shalt  }
0x4a: {  	_ =	shalt  }
0x4b: {  	_ =	shalt  }
0x4c: {  	_ =	shalt  }
0x4d: {  	_ =	shalt  }
0x4e: {  	_ =	shalt  }
0x4f: {  	_ =	shalt  }
0x50: {  	_ =	shalt  }
0x51: {  	_ =	shalt  }
0x52: {  	_ =	shalt  }
0x53: {  	_ =	shalt  }
0x54: {  	_ =	shalt  }
0x55: {  	_ =	shalt  }
0x56: {  	_ =	shalt  }
0x57: {  	_ =	shalt  }
0x58: {  	_ =	shalt  }
0x59: {  	_ =	shalt  }
0x5a: {  	_ =	shalt  }
0x5b: {  	_ =	shalt  }
0x5c: {  	_ =	shalt  }
0x5d: {  	_ =	shalt  }
0x5e: {  	_ =	shalt  }
0x5f: {  	_ =	shalt  }
0x60: {  	_ =	shalt  }
0x61: {  	_ =	shalt  }
0x62: {  	_ =	shalt  }
0x63: {  	_ =	shalt  }
0x64: {  	_ =	shalt  }
0x65: {  	_ =	shalt  }
0x66: {  	_ =	shalt  }
0x67: {  	_ =	shalt  }
0x68: {  	_ =	shalt  }
0x69: {  	_ =	shalt  }
0x6a: {  	_ =	shalt  }
0x6b: {  	_ =	shalt  }
0x6c: {  	_ =	shalt  }
0x6d: {  	_ =	shalt  }
0x6e: {  	_ =	shalt  }
0x6f: {  	_ =	shalt  }
0x70: {  	_ =	shalt  }
0x71: {  	_ =	shalt  }
0x72: {  	_ =	shalt  }
0x73: {  	_ =	shalt  }
0x74: {  	_ =	shalt  }
0x75: {  	_ =	shalt  }
0x76: {  	_ =	shalt  }
0x77: {  	_ =	shalt  }
0x78: {  	_ =	shalt  }
0x79: {  	_ =	shalt  }
0x7a: {  	_ =	shalt  }
0x7b: {  	_ =	shalt  }
0x7c: {  	_ =	shalt  }
0x7d: {  	_ =	shalt  }
0x7e: {  	_ =	shalt  }
0x7f: {  	_ =	shalt  }
0x80: {  	_ =	shalt  }
0x81: {  	_ =	shalt  }
0x82: {  	_ =	shalt  }
0x83: {  	_ =	shalt  }
0x84: {  	_ =	shalt  }
0x85: {  	_ =	shalt  }
0x86: {  	_ =	shalt  }
0x87: {  	_ =	shalt  }
.Lfunc_end0:
.L_simem_size_0:
called_computation.2_lowered:
.L_overlay_start_0:
0x88: {  	s2 =	sld [smem:$0x3FD9]  }
0x89: {  	s3 =	sld [smem:$0x3FFE];
	_ =	sdelay $0x1  }
0x8a: {  	s1 =	srdreg.scid  }
0x8b: {  	s0 =	sand.u32 $0x1, s1  }
0x8c: {  	s14 =	sshll.u32 s0, $0xA;
	s2 =	sadd.s32 s3, s2  }
0x8d: {  	s2 =	sadd.s32 s2, s14  }
0x8e: {  	[smem:$0x3FC5] =	sst s2  }
0x8f: {  	_ = 	snop  }
0x90: {  	s2 =	sld [smem:$0x3FD0];
	_ =	sdelay $0x2  }
0x91: {  	s15 =	simm.s32 $0xA;
	s4 =	simm.s32 $0x10  }
0x92: {  	[smem:s4], [sflag:s15] =	dma.local [hbm:s2], $0x1  }
0x93: {  	_ =	swait.eq [sflag:s15], $0x1  }
0x94: {  	[sflag:s15] =	ssyncset.done $0x0  }
0x95: {  	[sflag:s15] =	ssyncadd.s32 $0xFFFFFFFF  }
0x96: {  	s16 =	sld [smem:$0x11];
	(tm) =	ssettm $0x1  }
0x97: {  	s17 =	sld [smem:$0x3FFB];
	_ =	sdelay $0x3  }
0x98: {  	_ =	strace s17  }
0x99: {  	s3 =	sld [smem:$0x3FFC];
	_ =	sdelay $0x3  }
0x9a: {  	_ =	strace s3  }
0x9b: {  	s3 =	sld [smem:$0x3FFD];
	_ =	sdelay $0x3  }
0x9c: {  	_ =	strace s3  }
0x9d: {  	_ =	strace $0x8FFFFFFF  }
0x9e: {  	s18 =	sld [smem:$0x3FDB];
	_ =	sdelay $0x1  }
0x9f: {  	s19 =	simm.s32 $_scs_section_size  }
0xa0: {  	s5 =	simm.s32 $_size__tile_overlayer_lowered;
	s6 =	simm.s32 $_tile_overlayer_lowered  }
0xa1: {  	s22 =	simm.s32 $0x1BFF;
	s21 =	sshll.u32 s6, $0x1;
	s3 =	sadd.s32 s19, s18  }
0xa2: {  	s7 =	simm.s32 $0x0;
	s20 =	sshll.u32 s5, $0x1;
	s5 =	sadd.s32 s21, s3  }
0xa3: {  	[timem:s7], [sflag:s22] =	dma.local [hbm:s5], s20  }
0xa4: {  	_ =	swait.ge [sflag:s22], s20  }
0xa5: {  	s4 =	ssub.s32 $0x0, s20;
	[sflag:s22] =	ssyncset.done $0x0  }
0xa6: {  	[sflag:s22] =	ssyncadd.s32 s4;
	_ =	sdelay $0x1  }
0xa7: {  	s23 =	simm.s32 $0x1B8B  }
0xa8: {  	_ =	swait.ge [sflag:s23], $0x1  }
0xa9: {  	[sflag:s23] =	ssyncset.done $0x0  }
0xaa: {  	s25 =	simm.s32 $0x1B8E;
	s24 =	sld [smem:$0x3FFE];
	[sflag:s23] =	ssyncadd.s32 $0xFFFFFFFF  }
0xab: {  	s26 =	simm.s32 $execute0_lowered;
	[smem:$0x3FD2] =	sst s25  }
0xac: {  	s5 =	sshll.u32 s26, $0x1;
	_ =	strace $0x80000049;
	[dreg:$0x1] =	wrdreg $0xFFFFFFFF  }
0xad: {  	s28 =	simm.s32 $_size_execute0_lowered;
	s3 =	sadd.s32 s3, s5;
	[dreg:$0x0] =	wrdreg $0x0  }
0xae: {  	s5 =	sshll.u32 s28, $0x1;
	[dreg:$0x2] =	wrdreg s3  }
0xaf: {  	[dreg:$0x3] =	wrdreg s5  }
0xb0: {  	[dreg:$0x4] =	wrdreg $0xC0  }
0xb1: {  	_ =	task [dreg:s7], $0x5FFFF  }
0xb2: {  	[dreg:$0x1] =	wrdreg $0xFFFFFFFF  }
0xb3: {  	[dreg:$0x0] =	wrdreg $0x60  }
0xb4: {  	[dreg:$0x2] =	wrdreg s24  }
0xb5: {  	[dreg:$0x3] =	wrdreg s16  }
0xb6: {  	[dreg:$0x4] =	wrdreg $0x9  }
0xb7: {  	_ =	task.clear_ibuf [dreg:s7], $0x5FFFF;
	_ =	strace $0x90000049  }
0xb8: {  	s29 =	simm.s32 $0x9;
	_ =	strace $0x8000004B  }
0xb9: {  	_ =	swait.ge [sflag:s29], $0x1  }
0xba: {  	[sflag:s29] =	ssyncadd.s32 $0xFFFFFFFF  }
0xbb: {  	_ =	strace $0x9000004B  }
0xbc: {  	_ =	sfence  }
0xbd: {  	s30 =	sld [smem:$0x0];
	_ =	sdelay $0x2  }
0xbe: {  	s31 =	sshll.u32 s1, $0xD;
	s1 =	sshrl.u32 s1, $0x2  }
0xbf: {  	s3 =	sand.u32 $0x4000, s31;
	s1 =	sadd.s32 s1, s30  }
0xc0: {  	s0 =	sor.u32 s3, s0;
	s1 =	sshll.u32 s1, $0x11  }
0xc1: {  	s0 =	sor.u32 s1, s0  }
0xc2: {  	s0 =	sadd.s32 $0x8F2B, s0  }
0xc3: {  	[sflag:s0] =	ssyncadd.remote.s32 $0x1  }
0xc4: {  	_ =	sfence.sel $0xFFFF  }
0xc5: {  	[dreg:$0x0] =	wrdreg $0xFFFFFFFF;
	(pc) =	sbr.abs _section_cstart, $3  }
0xc6: {  	[dreg:$0x1] =	wrdreg $0xFFFFFFFF  }
0xc7: {  	_ =	task.clear_ibuf [dreg:s7], $0x2FFFF;
	_ =	strace $0x9FFFFFFF  }
0xc8: {  	(tm) =	ssettm $0x7FFFFFFF  }
0xc9: {  	_ =	shalt  }
tec
execute0_lowered:
.L_overlay_start_1:
0x0: {  	(tag) =	ssettag $0x1  }
0x1: {  	s5 =	stileid.u32;
	s2 =	rddreg [dreg:$0x0]  }
0x2: {  	s1 =	srdreg.scid;
	s0 =	rddreg [dreg:$0x1]  }
0x3: {  	s30 =	simm.s32 $0x5;
	s31 =	simm.s32 $0x8000;
	s3 =	sshll.u32 s5, $0x1  }
0x4: {  	s4 =	sand.u32 $0x1, s1;
	s1 =	simm.s32 $0x0;
	s5 =	sshrl.u32 s5, $0x2  }
0x5: {  	s7 =	sadd.s32 $0x5800, s2;
	s11 =	sadd.s32 $0x800, s0;
	s3 =	sand.u32 $0x6, s3  }
0x6: {  	[smem:$0x7FF] =	sst s1;
	s6 =	sshll.u32 s5, $0x6;
	s5 =	sshll.u32 s5, $0xC  }
0x7: {  	s3 =	sor.u32 s4, s3;
	s2 =	sadd.s32 s5, s2;
	s4 =	ssub.s32 $0x2, s4  }
0x8: {  	s3 =	sshll.u32 s3, $0x3;
	s25 =	sshrl.u32 s4, $0x1;
	s28 =	sadd.s32 $0x1800, s2  }
0x9: {  	s2 =	simm.s32 $0x10000;
	s3 =	sor.u32 s6, s3;
	s4 =	ssub.s32 s4, s25  }
0xa: {  	s24 =	sor.u32 $0x1, s3;
	s8 =	sshll.u32 s3, $0xB;
	s12 =	sor.u32 $0x2, s3  }
0xb: {  	s14 =	sor.u32 $0x3, s3;
	s18 =	sor.u32 $0x4, s3;
	s22 =	sor.u32 $0x5, s3  }
0xc: {  	s29 =	smax.u32 s4, $0x1;
	s4 =	simm.s32 $0x2;
	s9 =	sshll.u32 s24, $0xB  }
0xd: {  	s26 =	sadd.s32 s7, s8;
	s13 =	sshll.u32 s12, $0xB;
	s5 =	sshll.u32 s24, $0xC  }
0xe: {  	s16 =	sshll.u32 s14, $0xB;
	s17 =	sshll.u32 s12, $0xC;
	s20 =	sshll.u32 s18, $0xB  }
0xf: {  	s21 =	sshll.u32 s14, $0xC;
	s23 =	sshll.u32 s22, $0xB;
	s25 =	sshll.u32 s22, $0xC  }
0x10: {  	[dreg:$0x3] =	wrdreg s26;
	s8 =	sadd.s32 s7, s9;
	s9 =	sshll.u32 s3, $0xC  }
0x11: {  	s15 =	sadd.s32 s0, s5;
	s5 =	sadd.s32 s5, s11;
	s19 =	sadd.s32 s0, s17  }
0x12: {  	s12 =	sadd.s32 s7, s20;
	s20 =	sor.u32 $0x6, s3;
	[dreg:$0x4] =	wrdreg s8  }
0x13: {  	s3 =	sor.u32 $0x7, s3;
	s22 =	sadd.s32 s25, s11;
	[dreg:$0x8] =	wrdreg s15  }
0x14: {  	s10 =	sadd.s32 s0, s9;
	s6 =	sadd.s32 s9, s11;
	[dreg:$0x9] =	wrdreg s5  }
0x15: {  	s5 =	sadd.s32 s7, s16;
	[dreg:$0xb] =	wrdreg s19;
	s24 =	sshll.u32 s20, $0xB  }
0x16: {  	s15 =	sshll.u32 s3, $0xB;
	s9 =	sshll.u32 s18, $0xC;
	s16 =	sadd.s32 s0, s21  }
0x17: {  	s26 =	sshll.u32 s20, $0xC;
	s3 =	sshll.u32 s3, $0xC;
	[dreg:$0x5] =	wrdreg s10  }
0x18: {  	s20 =	simm.s32 $0x1;
	[dreg:$0x6] =	wrdreg s6;
	s6 =	sadd.s32 s7, s13  }
0x19: {  	[dreg:$0xa] =	wrdreg s5;
	s5 =	sadd.s32 s17, s11;
	s13 =	sadd.s32 s7, s23  }
0x1a: {  	s14 =	sadd.s32 s7, s24;
	s15 =	sadd.s32 s7, s15;
	s17 =	sadd.s32 s21, s11  }
0x1b: {  	s18 =	sadd.s32 s0, s9;
	s19 =	sadd.s32 s9, s11;
	s21 =	sadd.s32 s0, s25  }
0x1c: {  	s23 =	sadd.s32 s0, s26;
	s24 =	sadd.s32 s26, s11;
	s25 =	sadd.s32 s0, s3  }
0x1d: {  	s26 =	sadd.s32 s3, s11;
	s0 =	simm.s32 $0xC000;
	[dreg:$0x7] =	wrdreg s6  }
0x1e: {  	s3 =	simm.s32 $0x14000;
	s7 =	simm.s32 $0x0;
	[dreg:$0xc] =	wrdreg s5  }
0x1f: {  	s5 =	simm.s32 $0x3;
	s6 =	simm.s32 $0x4;
	_ =	strace $0x8000004A  }
.LBB2_1:
0x20: {  	[tilespmem:s1], [sflag:$0x5] =	stream.linear.gather [hbm4b:s28+s1], $0x8000, $0x38;
	[tilespmem:$0x18000] =	vst v63  }
0x21: {  	_ =	swait.ge [sflag:s30], $0x8000  }
0x22: {  	[sflag:s30] =	ssyncset.done $0x0  }
0x23: {  	s8 =	rddreg [dreg:$0x3];
	[sflag:s30] =	ssyncadd.s32 $0xFFFF8000  }
0x24: {  	[tilespmem:s31], [sflag:$0x1] =	stream.linear.gather [hbm4b:s8+s1], $0x4000, $0x38;
	[tilespmem:$0x18000] =	vst v63  }
0x25: {  	_ =	swait.ge [sflag:s20], $0x4000  }
0x26: {  	[sflag:s20] =	ssyncset.done $0x0  }
0x27: {  	s9 =	simm.s32 $0x0;
	s11 =	rddreg [dreg:$0x4];
	[sflag:s20] =	ssyncadd.s32 $0xFFFFC000  }
0x28: {  	[tilespmem:s0], [sflag:$0x2] =	stream.linear.gather [hbm4b:s11+s1], $0x4000, $0x38;
	[tilespmem:$0x18000] =	vst v63  }
0x29: {  	v6 =	vld [tilespmem:s9+$0x0]  }
0x2a: {  	v1 =	vld [tilespmem:s9+$0x20]  }
0x2b: {  	v2 =	vld [tilespmem:s9+$0x30]  }
0x2c: {  	v0 =	vld [tilespmem:s9+$0x10]  }
0x2d: {  	s8 =	simm.s32 $0x40  }
0x2e: {  	v3 =	vld [tilespmem:s8+$0x20]  }
0x2f: {  	v5 =	vld [tilespmem:s8+$0x0]  }
0x30: {  	v4 =	vld [tilespmem:s8+$0x30]  }
0x31: {  	s10 =	simm.s32 $0x200;
	v6 =	vld.idx.msk [tilespmem:v6+s31+$0x0], $0xffff  }
.LBB2_2:
0x32: {  	p0 =	sne.s32 s10, $0xFF00;
	v7 =	vld.idx.msk [tilespmem:v1+s31+$0x0], $0xffff;
	s11 =	smov.u32 s10;
	s10 =	sadd.s32 $0x100, s10  }
0x33: {  	v8 =	vld.idx.msk [tilespmem:v2+s31+$0x0], $0xffff;
	v1 =	vmov v3  }
0x34: {  	v9 =	vld.idx.msk [tilespmem:v0+s31+$0x0], $0xffff;
	v10 =	vmov v5  }
0x35: {  	v0 =	vld [tilespmem:s8+$0x10];
	v2 =	vmov v4;
	_ =	sdelay $0x1  }
.Ltmp0:
0x36: {  	s11 =	sshra.s32 s11, $0x2;
	[tilespmem:s9+$0x10000] =	vst v6;
	(pc) =	sbr.rel @p0 .LBB2_2-.Ltmp0, $4  }
0x37: {  	v3 =	vld [tilespmem:s11+$0x20];
	[tilespmem:s9+$0x10020] =	vst v7  }
0x38: {  	v5 =	vld [tilespmem:s11+$0x0];
	[tilespmem:s9+$0x10030] =	vst v8  }
0x39: {  	v4 =	vld [tilespmem:s11+$0x30];
	[tilespmem:s9+$0x10010] =	vst v9;
	s9 =	smov.u32 s8;
	s8 =	smov.u32 s11  }
0x3a: {  	v6 =	vld.idx.msk [tilespmem:v10+s31+$0x0], $0xffff  }
0x3b: {  	_ =	sdelay $0x3  }
0x3c: {  	v1 =	vld.idx.msk [tilespmem:v1+s31+$0x0], $0xffff  }
0x3d: {  	v2 =	vld.idx.msk [tilespmem:v2+s31+$0x0], $0xffff  }
0x3e: {  	v0 =	vld.idx.msk [tilespmem:v0+s31+$0x0], $0xffff  }
0x3f: {  	v7 =	vld [tilespmem:s8+$0x10]  }
0x40: {  	[tilespmem:s9+$0x10000] =	vst v6  }
0x41: {  	[tilespmem:s9+$0x10020] =	vst v1  }
0x42: {  	[tilespmem:s9+$0x10030] =	vst v2  }
0x43: {  	[tilespmem:s9+$0x10010] =	vst v0  }
0x44: {  	v0 =	vld.idx.msk [tilespmem:v5+s31+$0x0], $0xffff  }
0x45: {  	v1 =	vld.idx.msk [tilespmem:v3+s31+$0x0], $0xffff  }
0x46: {  	v2 =	vld.idx.msk [tilespmem:v4+s31+$0x0], $0xffff  }
0x47: {  	v3 =	vld.idx.msk [tilespmem:v7+s31+$0x0], $0xffff;
	_ =	sdelay $0x1  }
0x48: {  	[tilespmem:s8+$0x10000] =	vst v0  }
0x49: {  	[tilespmem:s8+$0x10020] =	vst v1  }
0x4a: {  	[tilespmem:s8+$0x10030] =	vst v2  }
0x4b: {  	s10 =	simm.s32 $0x0;
	s11 =	rddreg [dreg:$0x5];
	s9 =	simm.s32 $0x0;
	[tilespmem:s8+$0x10010] =	vst v3  }
0x4c: {  	[hbm4b:s11+s10] =	stream.linear.scatter [tilespmem:s2], [sflag:$0x3], $0x4000, $0x38;
	[tilespmem:$0x18000] =	vst v63  }
0x4d: {  	v6 =	vld [tilespmem:s9+$0x4000]  }
0x4e: {  	v1 =	vld [tilespmem:s9+$0x4020]  }
0x4f: {  	v2 =	vld [tilespmem:s9+$0x4030]  }
0x50: {  	v0 =	vld [tilespmem:s9+$0x4010]  }
0x51: {  	s8 =	simm.s32 $0x40  }
0x52: {  	v3 =	vld [tilespmem:s8+$0x4020]  }
0x53: {  	v5 =	vld [tilespmem:s8+$0x4000]  }
0x54: {  	v4 =	vld [tilespmem:s8+$0x4030]  }
0x55: {  	s10 =	simm.s32 $0x200;
	v6 =	vld.idx.msk [tilespmem:v6+s31+$0x0], $0xffff  }
.LBB2_4:
0x56: {  	p0 =	sne.s32 s10, $0xFF00;
	v7 =	vld.idx.msk [tilespmem:v1+s31+$0x0], $0xffff;
	s11 =	smov.u32 s10;
	s10 =	sadd.s32 $0x100, s10  }
0x57: {  	v8 =	vld.idx.msk [tilespmem:v2+s31+$0x0], $0xffff;
	v1 =	vmov v3  }
0x58: {  	v9 =	vld.idx.msk [tilespmem:v0+s31+$0x0], $0xffff;
	v10 =	vmov v5  }
0x59: {  	v0 =	vld [tilespmem:s8+$0x4010];
	v2 =	vmov v4;
	_ =	sdelay $0x1  }
.Ltmp1:
0x5a: {  	s11 =	sshra.s32 s11, $0x2;
	[tilespmem:s9+$0x14000] =	vst v6;
	(pc) =	sbr.rel @p0 .LBB2_4-.Ltmp1, $4  }
0x5b: {  	v3 =	vld [tilespmem:s11+$0x4020];
	[tilespmem:s9+$0x14020] =	vst v7  }
0x5c: {  	v5 =	vld [tilespmem:s11+$0x4000];
	[tilespmem:s9+$0x14030] =	vst v8  }
0x5d: {  	v4 =	vld [tilespmem:s11+$0x4030];
	[tilespmem:s9+$0x14010] =	vst v9;
	s9 =	smov.u32 s8;
	s8 =	smov.u32 s11  }
0x5e: {  	v6 =	vld.idx.msk [tilespmem:v10+s31+$0x0], $0xffff  }
0x5f: {  	_ =	sdelay $0x3  }
0x60: {  	v1 =	vld.idx.msk [tilespmem:v1+s31+$0x0], $0xffff  }
0x61: {  	v2 =	vld.idx.msk [tilespmem:v2+s31+$0x0], $0xffff  }
0x62: {  	v0 =	vld.idx.msk [tilespmem:v0+s31+$0x0], $0xffff  }
0x63: {  	v7 =	vld [tilespmem:s8+$0x4010]  }
0x64: {  	[tilespmem:s9+$0x14000] =	vst v6  }
0x65: {  	[tilespmem:s9+$0x14020] =	vst v1  }
0x66: {  	[tilespmem:s9+$0x14030] =	vst v2  }
0x67: {  	[tilespmem:s9+$0x14010] =	vst v0  }
0x68: {  	v0 =	vld.idx.msk [tilespmem:v5+s31+$0x0], $0xffff  }
0x69: {  	v1 =	vld.idx.msk [tilespmem:v3+s31+$0x0], $0xffff  }
0x6a: {  	v2 =	vld.idx.msk [tilespmem:v4+s31+$0x0], $0xffff  }
0x6b: {  	v3 =	vld.idx.msk [tilespmem:v7+s31+$0x0], $0xffff;
	_ =	sdelay $0x1  }
0x6c: {  	[tilespmem:s8+$0x14000] =	vst v0  }
0x6d: {  	[tilespmem:s8+$0x14020] =	vst v1  }
0x6e: {  	[tilespmem:s8+$0x14030] =	vst v2  }
0x6f: {  	s10 =	rddreg [dreg:$0x6];
	[tilespmem:s8+$0x14010] =	vst v3;
	s8 =	simm.s32 $0x0  }
0x70: {  	[hbm4b:s10+s8] =	stream.linear.scatter [tilespmem:s3], [sflag:$0x4], $0x4000, $0x38;
	[tilespmem:$0x18000] =	vst v63  }
0x71: {  	_ =	swait.ge [sflag:s4], $0x4000  }
0x72: {  	[sflag:s4] =	ssyncset.done $0x0  }
0x73: {  	s11 =	rddreg [dreg:$0x7];
	[sflag:s4] =	ssyncadd.s32 $0xFFFFC000  }
0x74: {  	[tilespmem:s31], [sflag:$0x1] =	stream.linear.gather [hbm4b:s11+s8], $0x4000, $0x38;
	[tilespmem:$0x18000] =	vst v63  }
0x75: {  	_ =	swait.ge [sflag:s5], $0x4000  }
0x76: {  	[sflag:s5] =	ssyncset.done $0x0  }
0x77: {  	s9 =	simm.s32 $0x0;
	[sflag:s5] =	ssyncadd.s32 $0xFFFFC000  }
0x78: {  	v0 =	vld [tilespmem:s9+$0x30]  }
0x79: {  	v1 =	vld [tilespmem:s9+$0x20]  }
0x7a: {  	v2 =	vld [tilespmem:s9+$0x0]  }
0x7b: {  	v4 =	vld [tilespmem:s9+$0x10];
	_ =	sdelay $0x1  }
0x7c: {  	s8 =	simm.s32 $0x40;
	v5 =	vadd.s32 $0x4000, v0  }
0x7d: {  	v7 =	vld [tilespmem:s8+$0x30];
	v6 =	vadd.s32 $0x4000, v1  }
0x7e: {  	v0 =	vld [tilespmem:s8+$0x0];
	v2 =	vadd.s32 $0x4000, v2  }
0x7f: {  	v3 =	vld [tilespmem:s8+$0x20];
	v4 =	vadd.s32 $0x4000, v4  }
0x80: {  	v1 =	vld [tilespmem:s8+$0x10]  }
0x81: {  	v5 =	vld.idx.msk [tilespmem:v5+s31+$0x0], $0xffff  }
0x82: {  	s10 =	simm.s32 $0x200;
	v6 =	vld.idx.msk [tilespmem:v6+s31+$0x0], $0xffff  }
.LBB2_6:
0x83: {  	p0 =	sne.s32 s10, $0xFF00;
	v8 =	vadd.s32 $0x4000, v7;
	v9 =	vld.idx.msk [tilespmem:v2+s31+$0x0], $0xffff;
	v2 =	vadd.s32 $0x4000, v0;
	s11 =	smov.u32 s10;
	s10 =	sadd.s32 $0x100, s10  }
0x84: {  	v10 =	vld.idx.msk [tilespmem:v4+s31+$0x0], $0xffff  }
0x85: {  	v11 =	vadd.s32 $0x4000, v3  }
0x86: {  	s11 =	sshra.s32 s11, $0x2  }
0x87: {  	v4 =	vadd.s32 $0x4000, v1;
	v0 =	vld [tilespmem:s11+$0x0];
	[tilespmem:s9+$0x10030] =	vst v5  }
.Ltmp2:
0x88: {  	v7 =	vld [tilespmem:s11+$0x30];
	[tilespmem:s9+$0x10020] =	vst v6;
	(pc) =	sbr.rel @p0 .LBB2_6-.Ltmp2, $4  }
0x89: {  	v3 =	vld [tilespmem:s11+$0x20];
	[tilespmem:s9+$0x10000] =	vst v9  }
0x8a: {  	v1 =	vld [tilespmem:s11+$0x10];
	[tilespmem:s9+$0x10010] =	vst v10;
	s9 =	smov.u32 s8;
	s8 =	smov.u32 s11  }
0x8b: {  	v5 =	vld.idx.msk [tilespmem:v8+s31+$0x0], $0xffff  }
0x8c: {  	v6 =	vld.idx.msk [tilespmem:v11+s31+$0x0], $0xffff  }
0x8d: {  	_ =	sdelay $0x3  }
0x8e: {  	v2 =	vld.idx.msk [tilespmem:v2+s31+$0x0], $0xffff  }
0x8f: {  	v4 =	vld.idx.msk [tilespmem:v4+s31+$0x0], $0xffff  }
0x90: {  	v7 =	vadd.s32 $0x4000, v7  }
0x91: {  	v3 =	vadd.s32 $0x4000, v3;
	[tilespmem:s9+$0x10030] =	vst v5  }
0x92: {  	v0 =	vadd.s32 $0x4000, v0;
	[tilespmem:s9+$0x10020] =	vst v6  }
0x93: {  	v1 =	vadd.s32 $0x4000, v1;
	[tilespmem:s9+$0x10000] =	vst v2  }
0x94: {  	[tilespmem:s9+$0x10010] =	vst v4  }
0x95: {  	v2 =	vld.idx.msk [tilespmem:v7+s31+$0x0], $0xffff  }
0x96: {  	v3 =	vld.idx.msk [tilespmem:v3+s31+$0x0], $0xffff  }
0x97: {  	v0 =	vld.idx.msk [tilespmem:v0+s31+$0x0], $0xffff  }
0x98: {  	v1 =	vld.idx.msk [tilespmem:v1+s31+$0x0], $0xffff;
	_ =	sdelay $0x1  }
0x99: {  	[tilespmem:s8+$0x10030] =	vst v2  }
0x9a: {  	[tilespmem:s8+$0x10020] =	vst v3  }
0x9b: {  	[tilespmem:s8+$0x10000] =	vst v0  }
0x9c: {  	s10 =	simm.s32 $0x0;
	s11 =	rddreg [dreg:$0x8];
	[tilespmem:s8+$0x10010] =	vst v1  }
0x9d: {  	[hbm4b:s11+s10] =	stream.linear.scatter [tilespmem:s2], [sflag:$0x3], $0x4000, $0x38;
	[tilespmem:$0x18000] =	vst v63  }
0x9e: {  	_ =	swait.ge [sflag:s6], $0x4000  }
0x9f: {  	[sflag:s6] =	ssyncset.done $0x0  }
0xa0: {  	s9 =	simm.s32 $0x0;
	[sflag:s6] =	ssyncadd.s32 $0xFFFFC000  }
0xa1: {  	v0 =	vld [tilespmem:s9+$0x4030]  }
0xa2: {  	v1 =	vld [tilespmem:s9+$0x4020]  }
0xa3: {  	v2 =	vld [tilespmem:s9+$0x4000]  }
0xa4: {  	v4 =	vld [tilespmem:s9+$0x4010];
	_ =	sdelay $0x1  }
0xa5: {  	s8 =	simm.s32 $0x40;
	v5 =	vadd.s32 $0x4000, v0  }
0xa6: {  	v7 =	vld [tilespmem:s8+$0x4030];
	v6 =	vadd.s32 $0x4000, v1  }
0xa7: {  	v0 =	vld [tilespmem:s8+$0x4000];
	v2 =	vadd.s32 $0x4000, v2  }
0xa8: {  	v3 =	vld [tilespmem:s8+$0x4020];
	v4 =	vadd.s32 $0x4000, v4  }
0xa9: {  	v1 =	vld [tilespmem:s8+$0x4010]  }
0xaa: {  	v5 =	vld.idx.msk [tilespmem:v5+s31+$0x0], $0xffff  }
0xab: {  	s10 =	simm.s32 $0x200;
	v6 =	vld.idx.msk [tilespmem:v6+s31+$0x0], $0xffff  }
.LBB2_8:
0xac: {  	p0 =	sne.s32 s10, $0xFF00;
	v8 =	vadd.s32 $0x4000, v7;
	v9 =	vld.idx.msk [tilespmem:v2+s31+$0x0], $0xffff;
	v2 =	vadd.s32 $0x4000, v0;
	s11 =	smov.u32 s10;
	s10 =	sadd.s32 $0x100, s10  }
0xad: {  	v10 =	vld.idx.msk [tilespmem:v4+s31+$0x0], $0xffff  }
0xae: {  	v11 =	vadd.s32 $0x4000, v3  }
0xaf: {  	s11 =	sshra.s32 s11, $0x2  }
0xb0: {  	v4 =	vadd.s32 $0x4000, v1;
	v0 =	vld [tilespmem:s11+$0x4000];
	[tilespmem:s9+$0x14030] =	vst v5  }
.Ltmp3:
0xb1: {  	v7 =	vld [tilespmem:s11+$0x4030];
	[tilespmem:s9+$0x14020] =	vst v6;
	(pc) =	sbr.rel @p0 .LBB2_8-.Ltmp3, $4  }
0xb2: {  	v3 =	vld [tilespmem:s11+$0x4020];
	[tilespmem:s9+$0x14000] =	vst v9  }
0xb3: {  	v1 =	vld [tilespmem:s11+$0x4010];
	[tilespmem:s9+$0x14010] =	vst v10;
	s9 =	smov.u32 s8;
	s8 =	smov.u32 s11  }
0xb4: {  	v5 =	vld.idx.msk [tilespmem:v8+s31+$0x0], $0xffff  }
0xb5: {  	v6 =	vld.idx.msk [tilespmem:v11+s31+$0x0], $0xffff  }
0xb6: {  	_ =	sdelay $0x3  }
0xb7: {  	v2 =	vld.idx.msk [tilespmem:v2+s31+$0x0], $0xffff  }
0xb8: {  	v4 =	vld.idx.msk [tilespmem:v4+s31+$0x0], $0xffff  }
0xb9: {  	v7 =	vadd.s32 $0x4000, v7  }
0xba: {  	v3 =	vadd.s32 $0x4000, v3;
	[tilespmem:s9+$0x14030] =	vst v5  }
0xbb: {  	v0 =	vadd.s32 $0x4000, v0;
	[tilespmem:s9+$0x14020] =	vst v6  }
0xbc: {  	v1 =	vadd.s32 $0x4000, v1;
	[tilespmem:s9+$0x14000] =	vst v2  }
0xbd: {  	[tilespmem:s9+$0x14010] =	vst v4  }
0xbe: {  	v2 =	vld.idx.msk [tilespmem:v7+s31+$0x0], $0xffff  }
0xbf: {  	v3 =	vld.idx.msk [tilespmem:v3+s31+$0x0], $0xffff  }
0xc0: {  	v0 =	vld.idx.msk [tilespmem:v0+s31+$0x0], $0xffff  }
0xc1: {  	v1 =	vld.idx.msk [tilespmem:v1+s31+$0x0], $0xffff;
	_ =	sdelay $0x1  }
0xc2: {  	[tilespmem:s8+$0x14030] =	vst v2  }
0xc3: {  	[tilespmem:s8+$0x14020] =	vst v3  }
0xc4: {  	[tilespmem:s8+$0x14000] =	vst v0  }
0xc5: {  	s10 =	rddreg [dreg:$0x9];
	[tilespmem:s8+$0x14010] =	vst v1;
	s8 =	simm.s32 $0x0  }
0xc6: {  	[hbm4b:s10+s8] =	stream.linear.scatter [tilespmem:s3], [sflag:$0x4], $0x4000, $0x38;
	[tilespmem:$0x18000] =	vst v63  }
0xc7: {  	_ =	swait.ge [sflag:s20], $0x4000  }
0xc8: {  	[sflag:s20] =	ssyncset.done $0x0  }
0xc9: {  	s11 =	rddreg [dreg:$0xa];
	[sflag:s20] =	ssyncadd.s32 $0xFFFFC000  }
0xca: {  	[tilespmem:s0], [sflag:$0x2] =	stream.linear.gather [hbm4b:s11+s8], $0x4000, $0x38;
	[tilespmem:$0x18000] =	vst v63  }
0xcb: {  	_ =	swait.ge [sflag:s5], $0x4000  }
0xcc: {  	[sflag:s5] =	ssyncset.done $0x0  }
0xcd: {  	s9 =	simm.s32 $0x0;
	[sflag:s5] =	ssyncadd.s32 $0xFFFFC000  }
0xce: {  	v6 =	vld [tilespmem:s9+$0x0]  }
0xcf: {  	v1 =	vld [tilespmem:s9+$0x20]  }
0xd0: {  	v2 =	vld [tilespmem:s9+$0x30]  }
0xd1: {  	v0 =	vld [tilespmem:s9+$0x10]  }
0xd2: {  	s8 =	simm.s32 $0x40  }
0xd3: {  	v3 =	vld [tilespmem:s8+$0x20]  }
0xd4: {  	v5 =	vld [tilespmem:s8+$0x0]  }
0xd5: {  	v4 =	vld [tilespmem:s8+$0x30]  }
0xd6: {  	s10 =	simm.s32 $0x200;
	v6 =	vld.idx.msk [tilespmem:v6+s31+$0x0], $0xffff  }
.LBB2_10:
0xd7: {  	p0 =	sne.s32 s10, $0xFF00;
	v7 =	vld.idx.msk [tilespmem:v1+s31+$0x0], $0xffff;
	s11 =	smov.u32 s10;
	s10 =	sadd.s32 $0x100, s10  }
0xd8: {  	v8 =	vld.idx.msk [tilespmem:v2+s31+$0x0], $0xffff;
	v1 =	vmov v3  }
0xd9: {  	v9 =	vld.idx.msk [tilespmem:v0+s31+$0x0], $0xffff;
	v10 =	vmov v5  }
0xda: {  	v0 =	vld [tilespmem:s8+$0x10];
	v2 =	vmov v4;
	_ =	sdelay $0x1  }
.Ltmp4:
0xdb: {  	s11 =	sshra.s32 s11, $0x2;
	[tilespmem:s9+$0x10000] =	vst v6;
	(pc) =	sbr.rel @p0 .LBB2_10-.Ltmp4, $4  }
0xdc: {  	v3 =	vld [tilespmem:s11+$0x20];
	[tilespmem:s9+$0x10020] =	vst v7  }
0xdd: {  	v5 =	vld [tilespmem:s11+$0x0];
	[tilespmem:s9+$0x10030] =	vst v8  }
0xde: {  	v4 =	vld [tilespmem:s11+$0x30];
	[tilespmem:s9+$0x10010] =	vst v9;
	s9 =	smov.u32 s8;
	s8 =	smov.u32 s11  }
0xdf: {  	v6 =	vld.idx.msk [tilespmem:v10+s31+$0x0], $0xffff  }
0xe0: {  	_ =	sdelay $0x3  }
0xe1: {  	v1 =	vld.idx.msk [tilespmem:v1+s31+$0x0], $0xffff  }
0xe2: {  	v2 =	vld.idx.msk [tilespmem:v2+s31+$0x0], $0xffff  }
0xe3: {  	v0 =	vld.idx.msk [tilespmem:v0+s31+$0x0], $0xffff  }
0xe4: {  	v7 =	vld [tilespmem:s8+$0x10]  }
0xe5: {  	[tilespmem:s9+$0x10000] =	vst v6  }
0xe6: {  	[tilespmem:s9+$0x10020] =	vst v1  }
0xe7: {  	[tilespmem:s9+$0x10030] =	vst v2  }
0xe8: {  	[tilespmem:s9+$0x10010] =	vst v0  }
0xe9: {  	v0 =	vld.idx.msk [tilespmem:v5+s31+$0x0], $0xffff  }
0xea: {  	v1 =	vld.idx.msk [tilespmem:v3+s31+$0x0], $0xffff  }
0xeb: {  	v2 =	vld.idx.msk [tilespmem:v4+s31+$0x0], $0xffff  }
0xec: {  	v3 =	vld.idx.msk [tilespmem:v7+s31+$0x0], $0xffff;
	_ =	sdelay $0x1  }
0xed: {  	[tilespmem:s8+$0x10000] =	vst v0  }
0xee: {  	[tilespmem:s8+$0x10020] =	vst v1  }
0xef: {  	[tilespmem:s8+$0x10030] =	vst v2  }
0xf0: {  	s10 =	simm.s32 $0x0;
	s11 =	rddreg [dreg:$0xb];
	[tilespmem:s8+$0x10010] =	vst v3  }
0xf1: {  	[hbm4b:s11+s10] =	stream.linear.scatter [tilespmem:s2], [sflag:$0x3], $0x4000, $0x38;
	[tilespmem:$0x18000] =	vst v63  }
0xf2: {  	_ =	swait.ge [sflag:s6], $0x4000  }
0xf3: {  	[sflag:s6] =	ssyncset.done $0x0  }
0xf4: {  	s9 =	simm.s32 $0x0;
	[sflag:s6] =	ssyncadd.s32 $0xFFFFC000  }
0xf5: {  	v6 =	vld [tilespmem:s9+$0x4000]  }
0xf6: {  	v1 =	vld [tilespmem:s9+$0x4020]  }
0xf7: {  	v2 =	vld [tilespmem:s9+$0x4030]  }
0xf8: {  	v0 =	vld [tilespmem:s9+$0x4010]  }
0xf9: {  	s8 =	simm.s32 $0x40  }
0xfa: {  	v3 =	vld [tilespmem:s8+$0x4020]  }
0xfb: {  	v5 =	vld [tilespmem:s8+$0x4000]  }
0xfc: {  	v4 =	vld [tilespmem:s8+$0x4030]  }
0xfd: {  	s10 =	simm.s32 $0x200;
	v6 =	vld.idx.msk [tilespmem:v6+s31+$0x0], $0xffff  }
.LBB2_12:
0xfe: {  	p0 =	sne.s32 s10, $0xFF00;
	v7 =	vld.idx.msk [tilespmem:v1+s31+$0x0], $0xffff;
	s11 =	smov.u32 s10;
	s10 =	sadd.s32 $0x100, s10  }
0xff: {  	v8 =	vld.idx.msk [tilespmem:v2+s31+$0x0], $0xffff;
	v1 =	vmov v3  }
0x100: {  	v9 =	vld.idx.msk [tilespmem:v0+s31+$0x0], $0xffff;
	v10 =	vmov v5  }
0x101: {  	v0 =	vld [tilespmem:s8+$0x4010];
	v2 =	vmov v4;
	_ =	sdelay $0x1  }
.Ltmp5:
0x102: {  	s11 =	sshra.s32 s11, $0x2;
	[tilespmem:s9+$0x14000] =	vst v6;
	(pc) =	sbr.rel @p0 .LBB2_12-.Ltmp5, $4  }
0x103: {  	v3 =	vld [tilespmem:s11+$0x4020];
	[tilespmem:s9+$0x14020] =	vst v7  }
0x104: {  	v5 =	vld [tilespmem:s11+$0x4000];
	[tilespmem:s9+$0x14030] =	vst v8  }
0x105: {  	v4 =	vld [tilespmem:s11+$0x4030];
	[tilespmem:s9+$0x14010] =	vst v9;
	s9 =	smov.u32 s8;
	s8 =	smov.u32 s11  }
0x106: {  	v6 =	vld.idx.msk [tilespmem:v10+s31+$0x0], $0xffff  }
0x107: {  	_ =	sdelay $0x3  }
0x108: {  	v1 =	vld.idx.msk [tilespmem:v1+s31+$0x0], $0xffff  }
0x109: {  	v2 =	vld.idx.msk [tilespmem:v2+s31+$0x0], $0xffff  }
0x10a: {  	v0 =	vld.idx.msk [tilespmem:v0+s31+$0x0], $0xffff  }
0x10b: {  	v7 =	vld [tilespmem:s8+$0x4010]  }
0x10c: {  	[tilespmem:s9+$0x14000] =	vst v6  }
0x10d: {  	[tilespmem:s9+$0x14020] =	vst v1  }
0x10e: {  	[tilespmem:s9+$0x14030] =	vst v2  }
0x10f: {  	[tilespmem:s9+$0x14010] =	vst v0  }
0x110: {  	v0 =	vld.idx.msk [tilespmem:v5+s31+$0x0], $0xffff  }
0x111: {  	v1 =	vld.idx.msk [tilespmem:v3+s31+$0x0], $0xffff  }
0x112: {  	v2 =	vld.idx.msk [tilespmem:v4+s31+$0x0], $0xffff  }
0x113: {  	v3 =	vld.idx.msk [tilespmem:v7+s31+$0x0], $0xffff;
	_ =	sdelay $0x1  }
0x114: {  	[tilespmem:s8+$0x14000] =	vst v0  }
0x115: {  	[tilespmem:s8+$0x14020] =	vst v1  }
0x116: {  	[tilespmem:s8+$0x14030] =	vst v2  }
0x117: {  	s10 =	simm.s32 $0x0;
	s11 =	rddreg [dreg:$0xc];
	[tilespmem:s8+$0x14010] =	vst v3  }
0x118: {  	[hbm4b:s11+s10] =	stream.linear.scatter [tilespmem:s3], [sflag:$0x4], $0x4000, $0x38;
	[tilespmem:$0x18000] =	vst v63  }
0x119: {  	_ =	swait.ge [sflag:s4], $0x4000  }
0x11a: {  	[sflag:s4] =	ssyncset.done $0x0  }
0x11b: {  	[sflag:s4] =	ssyncadd.s32 $0xFFFFC000  }
0x11c: {  	[tilespmem:s31], [sflag:$0x1] =	stream.linear.gather [hbm4b:s12+s10], $0x4000, $0x38;
	[tilespmem:$0x18000] =	vst v63  }
0x11d: {  	_ =	swait.ge [sflag:s5], $0x4000  }
0x11e: {  	[sflag:s5] =	ssyncset.done $0x0  }
0x11f: {  	s9 =	simm.s32 $0x0;
	[sflag:s5] =	ssyncadd.s32 $0xFFFFC000  }
0x120: {  	v0 =	vld [tilespmem:s9+$0x30]  }
0x121: {  	v1 =	vld [tilespmem:s9+$0x20]  }
0x122: {  	v2 =	vld [tilespmem:s9+$0x0]  }
0x123: {  	v4 =	vld [tilespmem:s9+$0x10];
	_ =	sdelay $0x1  }
0x124: {  	s8 =	simm.s32 $0x40;
	v5 =	vadd.s32 $0x4000, v0  }
0x125: {  	v7 =	vld [tilespmem:s8+$0x30];
	v6 =	vadd.s32 $0x4000, v1  }
0x126: {  	v0 =	vld [tilespmem:s8+$0x0];
	v2 =	vadd.s32 $0x4000, v2  }
0x127: {  	v3 =	vld [tilespmem:s8+$0x20];
	v4 =	vadd.s32 $0x4000, v4  }
0x128: {  	v1 =	vld [tilespmem:s8+$0x10]  }
0x129: {  	v5 =	vld.idx.msk [tilespmem:v5+s31+$0x0], $0xffff  }
0x12a: {  	s10 =	simm.s32 $0x200;
	v6 =	vld.idx.msk [tilespmem:v6+s31+$0x0], $0xffff  }
.LBB2_14:
0x12b: {  	p0 =	sne.s32 s10, $0xFF00;
	v8 =	vadd.s32 $0x4000, v7;
	v9 =	vld.idx.msk [tilespmem:v2+s31+$0x0], $0xffff;
	v2 =	vadd.s32 $0x4000, v0;
	s11 =	smov.u32 s10;
	s10 =	sadd.s32 $0x100, s10  }
0x12c: {  	v10 =	vld.idx.msk [tilespmem:v4+s31+$0x0], $0xffff  }
0x12d: {  	v11 =	vadd.s32 $0x4000, v3  }
0x12e: {  	s11 =	sshra.s32 s11, $0x2  }
0x12f: {  	v4 =	vadd.s32 $0x4000, v1;
	v0 =	vld [tilespmem:s11+$0x0];
	[tilespmem:s9+$0x10030] =	vst v5  }
.Ltmp6:
0x130: {  	v7 =	vld [tilespmem:s11+$0x30];
	[tilespmem:s9+$0x10020] =	vst v6;
	(pc) =	sbr.rel @p0 .LBB2_14-.Ltmp6, $4  }
0x131: {  	v3 =	vld [tilespmem:s11+$0x20];
	[tilespmem:s9+$0x10000] =	vst v9  }
0x132: {  	v1 =	vld [tilespmem:s11+$0x10];
	[tilespmem:s9+$0x10010] =	vst v10;
	s9 =	smov.u32 s8;
	s8 =	smov.u32 s11  }
0x133: {  	v5 =	vld.idx.msk [tilespmem:v8+s31+$0x0], $0xffff  }
0x134: {  	v6 =	vld.idx.msk [tilespmem:v11+s31+$0x0], $0xffff  }
0x135: {  	_ =	sdelay $0x3  }
0x136: {  	v2 =	vld.idx.msk [tilespmem:v2+s31+$0x0], $0xffff  }
0x137: {  	v4 =	vld.idx.msk [tilespmem:v4+s31+$0x0], $0xffff  }
0x138: {  	v7 =	vadd.s32 $0x4000, v7  }
0x139: {  	v3 =	vadd.s32 $0x4000, v3;
	[tilespmem:s9+$0x10030] =	vst v5  }
0x13a: {  	v0 =	vadd.s32 $0x4000, v0;
	[tilespmem:s9+$0x10020] =	vst v6  }
0x13b: {  	v1 =	vadd.s32 $0x4000, v1;
	[tilespmem:s9+$0x10000] =	vst v2  }
0x13c: {  	[tilespmem:s9+$0x10010] =	vst v4  }
0x13d: {  	v2 =	vld.idx.msk [tilespmem:v7+s31+$0x0], $0xffff  }
0x13e: {  	v3 =	vld.idx.msk [tilespmem:v3+s31+$0x0], $0xffff  }
0x13f: {  	v0 =	vld.idx.msk [tilespmem:v0+s31+$0x0], $0xffff  }
0x140: {  	v1 =	vld.idx.msk [tilespmem:v1+s31+$0x0], $0xffff;
	_ =	sdelay $0x1  }
0x141: {  	[tilespmem:s8+$0x10030] =	vst v2  }
0x142: {  	[tilespmem:s8+$0x10020] =	vst v3  }
0x143: {  	[tilespmem:s8+$0x10000] =	vst v0  }
0x144: {  	s11 =	simm.s32 $0x0;
	[tilespmem:s8+$0x10010] =	vst v1  }
0x145: {  	[hbm4b:s16+s11] =	stream.linear.scatter [tilespmem:s2], [sflag:$0x3], $0x4000, $0x38;
	[tilespmem:$0x18000] =	vst v63  }
0x146: {  	_ =	swait.ge [sflag:s6], $0x4000  }
0x147: {  	[sflag:s6] =	ssyncset.done $0x0  }
0x148: {  	s9 =	simm.s32 $0x0;
	[sflag:s6] =	ssyncadd.s32 $0xFFFFC000  }
0x149: {  	v0 =	vld [tilespmem:s9+$0x4030]  }
0x14a: {  	v1 =	vld [tilespmem:s9+$0x4020]  }
0x14b: {  	v2 =	vld [tilespmem:s9+$0x4000]  }
0x14c: {  	v4 =	vld [tilespmem:s9+$0x4010];
	_ =	sdelay $0x1  }
0x14d: {  	s8 =	simm.s32 $0x40;
	v5 =	vadd.s32 $0x4000, v0  }
0x14e: {  	v7 =	vld [tilespmem:s8+$0x4030];
	v6 =	vadd.s32 $0x4000, v1  }
0x14f: {  	v0 =	vld [tilespmem:s8+$0x4000];
	v2 =	vadd.s32 $0x4000, v2  }
0x150: {  	v3 =	vld [tilespmem:s8+$0x4020];
	v4 =	vadd.s32 $0x4000, v4  }
0x151: {  	v1 =	vld [tilespmem:s8+$0x4010]  }
0x152: {  	v5 =	vld.idx.msk [tilespmem:v5+s31+$0x0], $0xffff  }
0x153: {  	s10 =	simm.s32 $0x200;
	v6 =	vld.idx.msk [tilespmem:v6+s31+$0x0], $0xffff  }
.LBB2_16:
0x154: {  	p0 =	sne.s32 s10, $0xFF00;
	v8 =	vadd.s32 $0x4000, v7;
	v9 =	vld.idx.msk [tilespmem:v2+s31+$0x0], $0xffff;
	v2 =	vadd.s32 $0x4000, v0;
	s11 =	smov.u32 s10;
	s10 =	sadd.s32 $0x100, s10  }
0x155: {  	v10 =	vld.idx.msk [tilespmem:v4+s31+$0x0], $0xffff  }
0x156: {  	v11 =	vadd.s32 $0x4000, v3  }
0x157: {  	s11 =	sshra.s32 s11, $0x2  }
0x158: {  	v4 =	vadd.s32 $0x4000, v1;
	v0 =	vld [tilespmem:s11+$0x4000];
	[tilespmem:s9+$0x14030] =	vst v5  }
.Ltmp7:
0x159: {  	v7 =	vld [tilespmem:s11+$0x4030];
	[tilespmem:s9+$0x14020] =	vst v6;
	(pc) =	sbr.rel @p0 .LBB2_16-.Ltmp7, $4  }
0x15a: {  	v3 =	vld [tilespmem:s11+$0x4020];
	[tilespmem:s9+$0x14000] =	vst v9  }
0x15b: {  	v1 =	vld [tilespmem:s11+$0x4010];
	[tilespmem:s9+$0x14010] =	vst v10;
	s9 =	smov.u32 s8;
	s8 =	smov.u32 s11  }
0x15c: {  	v5 =	vld.idx.msk [tilespmem:v8+s31+$0x0], $0xffff  }
0x15d: {  	v6 =	vld.idx.msk [tilespmem:v11+s31+$0x0], $0xffff  }
0x15e: {  	_ =	sdelay $0x3  }
0x15f: {  	v2 =	vld.idx.msk [tilespmem:v2+s31+$0x0], $0xffff  }
0x160: {  	v4 =	vld.idx.msk [tilespmem:v4+s31+$0x0], $0xffff  }
0x161: {  	v7 =	vadd.s32 $0x4000, v7  }
0x162: {  	v3 =	vadd.s32 $0x4000, v3;
	[tilespmem:s9+$0x14030] =	vst v5  }
0x163: {  	v0 =	vadd.s32 $0x4000, v0;
	[tilespmem:s9+$0x14020] =	vst v6  }
0x164: {  	v1 =	vadd.s32 $0x4000, v1;
	[tilespmem:s9+$0x14000] =	vst v2  }
0x165: {  	[tilespmem:s9+$0x14010] =	vst v4  }
0x166: {  	v2 =	vld.idx.msk [tilespmem:v7+s31+$0x0], $0xffff  }
0x167: {  	v3 =	vld.idx.msk [tilespmem:v3+s31+$0x0], $0xffff  }
0x168: {  	v0 =	vld.idx.msk [tilespmem:v0+s31+$0x0], $0xffff  }
0x169: {  	v1 =	vld.idx.msk [tilespmem:v1+s31+$0x0], $0xffff;
	_ =	sdelay $0x1  }
0x16a: {  	[tilespmem:s8+$0x14030] =	vst v2  }
0x16b: {  	[tilespmem:s8+$0x14020] =	vst v3  }
0x16c: {  	[tilespmem:s8+$0x14000] =	vst v0  }
0x16d: {  	s11 =	simm.s32 $0x0;
	[tilespmem:s8+$0x14010] =	vst v1  }
0x16e: {  	[hbm4b:s17+s11] =	stream.linear.scatter [tilespmem:s3], [sflag:$0x4], $0x4000, $0x38;
	[tilespmem:$0x18000] =	vst v63  }
0x16f: {  	_ =	swait.ge [sflag:s20], $0x4000  }
0x170: {  	[sflag:s20] =	ssyncset.done $0x0  }
0x171: {  	[sflag:s20] =	ssyncadd.s32 $0xFFFFC000  }
0x172: {  	[tilespmem:s0], [sflag:$0x2] =	stream.linear.gather [hbm4b:s13+s11], $0x4000, $0x38;
	[tilespmem:$0x18000] =	vst v63  }
0x173: {  	_ =	swait.ge [sflag:s5], $0x4000  }
0x174: {  	[sflag:s5] =	ssyncset.done $0x0  }
0x175: {  	s9 =	simm.s32 $0x0;
	[sflag:s5] =	ssyncadd.s32 $0xFFFFC000  }
0x176: {  	v6 =	vld [tilespmem:s9+$0x0]  }
0x177: {  	v1 =	vld [tilespmem:s9+$0x20]  }
0x178: {  	v2 =	vld [tilespmem:s9+$0x30]  }
0x179: {  	v0 =	vld [tilespmem:s9+$0x10]  }
0x17a: {  	s8 =	simm.s32 $0x40  }
0x17b: {  	v3 =	vld [tilespmem:s8+$0x20]  }
0x17c: {  	v5 =	vld [tilespmem:s8+$0x0]  }
0x17d: {  	v4 =	vld [tilespmem:s8+$0x30]  }
0x17e: {  	s10 =	simm.s32 $0x200;
	v6 =	vld.idx.msk [tilespmem:v6+s31+$0x0], $0xffff  }
.LBB2_18:
0x17f: {  	p0 =	sne.s32 s10, $0xFF00;
	v7 =	vld.idx.msk [tilespmem:v1+s31+$0x0], $0xffff;
	s11 =	smov.u32 s10;
	s10 =	sadd.s32 $0x100, s10  }
0x180: {  	v8 =	vld.idx.msk [tilespmem:v2+s31+$0x0], $0xffff;
	v1 =	vmov v3  }
0x181: {  	v9 =	vld.idx.msk [tilespmem:v0+s31+$0x0], $0xffff;
	v10 =	vmov v5  }
0x182: {  	v0 =	vld [tilespmem:s8+$0x10];
	v2 =	vmov v4;
	_ =	sdelay $0x1  }
.Ltmp8:
0x183: {  	s11 =	sshra.s32 s11, $0x2;
	[tilespmem:s9+$0x10000] =	vst v6;
	(pc) =	sbr.rel @p0 .LBB2_18-.Ltmp8, $4  }
0x184: {  	v3 =	vld [tilespmem:s11+$0x20];
	[tilespmem:s9+$0x10020] =	vst v7  }
0x185: {  	v5 =	vld [tilespmem:s11+$0x0];
	[tilespmem:s9+$0x10030] =	vst v8  }
0x186: {  	v4 =	vld [tilespmem:s11+$0x30];
	[tilespmem:s9+$0x10010] =	vst v9;
	s9 =	smov.u32 s8;
	s8 =	smov.u32 s11  }
0x187: {  	v6 =	vld.idx.msk [tilespmem:v10+s31+$0x0], $0xffff  }
0x188: {  	_ =	sdelay $0x3  }
0x189: {  	v1 =	vld.idx.msk [tilespmem:v1+s31+$0x0], $0xffff  }
0x18a: {  	v2 =	vld.idx.msk [tilespmem:v2+s31+$0x0], $0xffff  }
0x18b: {  	v0 =	vld.idx.msk [tilespmem:v0+s31+$0x0], $0xffff  }
0x18c: {  	v7 =	vld [tilespmem:s8+$0x10]  }
0x18d: {  	[tilespmem:s9+$0x10000] =	vst v6  }
0x18e: {  	[tilespmem:s9+$0x10020] =	vst v1  }
0x18f: {  	[tilespmem:s9+$0x10030] =	vst v2  }
0x190: {  	[tilespmem:s9+$0x10010] =	vst v0  }
0x191: {  	v0 =	vld.idx.msk [tilespmem:v5+s31+$0x0], $0xffff  }
0x192: {  	v1 =	vld.idx.msk [tilespmem:v3+s31+$0x0], $0xffff  }
0x193: {  	v2 =	vld.idx.msk [tilespmem:v4+s31+$0x0], $0xffff  }
0x194: {  	v3 =	vld.idx.msk [tilespmem:v7+s31+$0x0], $0xffff;
	_ =	sdelay $0x1  }
0x195: {  	[tilespmem:s8+$0x10000] =	vst v0  }
0x196: {  	[tilespmem:s8+$0x10020] =	vst v1  }
0x197: {  	[tilespmem:s8+$0x10030] =	vst v2  }
0x198: {  	s11 =	simm.s32 $0x0;
	[tilespmem:s8+$0x10010] =	vst v3  }
0x199: {  	[hbm4b:s18+s11] =	stream.linear.scatter [tilespmem:s2], [sflag:$0x3], $0x4000, $0x38;
	[tilespmem:$0x18000] =	vst v63  }
0x19a: {  	_ =	swait.ge [sflag:s6], $0x4000  }
0x19b: {  	[sflag:s6] =	ssyncset.done $0x0  }
0x19c: {  	s9 =	simm.s32 $0x0;
	[sflag:s6] =	ssyncadd.s32 $0xFFFFC000  }
0x19d: {  	v6 =	vld [tilespmem:s9+$0x4000]  }
0x19e: {  	v1 =	vld [tilespmem:s9+$0x4020]  }
0x19f: {  	v2 =	vld [tilespmem:s9+$0x4030]  }
0x1a0: {  	v0 =	vld [tilespmem:s9+$0x4010]  }
0x1a1: {  	s8 =	simm.s32 $0x40  }
0x1a2: {  	v3 =	vld [tilespmem:s8+$0x4020]  }
0x1a3: {  	v5 =	vld [tilespmem:s8+$0x4000]  }
0x1a4: {  	v4 =	vld [tilespmem:s8+$0x4030]  }
0x1a5: {  	s10 =	simm.s32 $0x200;
	v6 =	vld.idx.msk [tilespmem:v6+s31+$0x0], $0xffff  }
.LBB2_20:
0x1a6: {  	p0 =	sne.s32 s10, $0xFF00;
	v7 =	vld.idx.msk [tilespmem:v1+s31+$0x0], $0xffff;
	s11 =	smov.u32 s10;
	s10 =	sadd.s32 $0x100, s10  }
0x1a7: {  	v8 =	vld.idx.msk [tilespmem:v2+s31+$0x0], $0xffff;
	v1 =	vmov v3  }
0x1a8: {  	v9 =	vld.idx.msk [tilespmem:v0+s31+$0x0], $0xffff;
	v10 =	vmov v5  }
0x1a9: {  	v0 =	vld [tilespmem:s8+$0x4010];
	v2 =	vmov v4;
	_ =	sdelay $0x1  }
.Ltmp9:
0x1aa: {  	s11 =	sshra.s32 s11, $0x2;
	[tilespmem:s9+$0x14000] =	vst v6;
	(pc) =	sbr.rel @p0 .LBB2_20-.Ltmp9, $4  }
0x1ab: {  	v3 =	vld [tilespmem:s11+$0x4020];
	[tilespmem:s9+$0x14020] =	vst v7  }
0x1ac: {  	v5 =	vld [tilespmem:s11+$0x4000];
	[tilespmem:s9+$0x14030] =	vst v8  }
0x1ad: {  	v4 =	vld [tilespmem:s11+$0x4030];
	[tilespmem:s9+$0x14010] =	vst v9;
	s9 =	smov.u32 s8;
	s8 =	smov.u32 s11  }
0x1ae: {  	v6 =	vld.idx.msk [tilespmem:v10+s31+$0x0], $0xffff  }
0x1af: {  	_ =	sdelay $0x3  }
0x1b0: {  	v1 =	vld.idx.msk [tilespmem:v1+s31+$0x0], $0xffff  }
0x1b1: {  	v2 =	vld.idx.msk [tilespmem:v2+s31+$0x0], $0xffff  }
0x1b2: {  	v0 =	vld.idx.msk [tilespmem:v0+s31+$0x0], $0xffff  }
0x1b3: {  	v7 =	vld [tilespmem:s8+$0x4010]  }
0x1b4: {  	[tilespmem:s9+$0x14000] =	vst v6  }
0x1b5: {  	[tilespmem:s9+$0x14020] =	vst v1  }
0x1b6: {  	[tilespmem:s9+$0x14030] =	vst v2  }
0x1b7: {  	[tilespmem:s9+$0x14010] =	vst v0  }
0x1b8: {  	v0 =	vld.idx.msk [tilespmem:v5+s31+$0x0], $0xffff  }
0x1b9: {  	v1 =	vld.idx.msk [tilespmem:v3+s31+$0x0], $0xffff  }
0x1ba: {  	v2 =	vld.idx.msk [tilespmem:v4+s31+$0x0], $0xffff  }
0x1bb: {  	v3 =	vld.idx.msk [tilespmem:v7+s31+$0x0], $0xffff;
	_ =	sdelay $0x1  }
0x1bc: {  	[tilespmem:s8+$0x14000] =	vst v0  }
0x1bd: {  	[tilespmem:s8+$0x14020] =	vst v1  }
0x1be: {  	[tilespmem:s8+$0x14030] =	vst v2  }
0x1bf: {  	s11 =	simm.s32 $0x0;
	[tilespmem:s8+$0x14010] =	vst v3  }
0x1c0: {  	[hbm4b:s19+s11] =	stream.linear.scatter [tilespmem:s3], [sflag:$0x4], $0x4000, $0x38;
	[tilespmem:$0x18000] =	vst v63  }
0x1c1: {  	_ =	swait.ge [sflag:s4], $0x4000  }
0x1c2: {  	[sflag:s4] =	ssyncset.done $0x0  }
0x1c3: {  	[sflag:s4] =	ssyncadd.s32 $0xFFFFC000  }
0x1c4: {  	[tilespmem:s31], [sflag:$0x1] =	stream.linear.gather [hbm4b:s14+s11], $0x4000, $0x38;
	[tilespmem:$0x18000] =	vst v63  }
0x1c5: {  	_ =	swait.ge [sflag:s5], $0x4000  }
0x1c6: {  	[sflag:s5] =	ssyncset.done $0x0  }
0x1c7: {  	s9 =	simm.s32 $0x0;
	[sflag:s5] =	ssyncadd.s32 $0xFFFFC000  }
0x1c8: {  	v0 =	vld [tilespmem:s9+$0x30]  }
0x1c9: {  	v1 =	vld [tilespmem:s9+$0x20]  }
0x1ca: {  	v2 =	vld [tilespmem:s9+$0x0]  }
0x1cb: {  	v4 =	vld [tilespmem:s9+$0x10];
	_ =	sdelay $0x1  }
0x1cc: {  	s8 =	simm.s32 $0x40;
	v5 =	vadd.s32 $0x4000, v0  }
0x1cd: {  	v7 =	vld [tilespmem:s8+$0x30];
	v6 =	vadd.s32 $0x4000, v1  }
0x1ce: {  	v0 =	vld [tilespmem:s8+$0x0];
	v2 =	vadd.s32 $0x4000, v2  }
0x1cf: {  	v3 =	vld [tilespmem:s8+$0x20];
	v4 =	vadd.s32 $0x4000, v4  }
0x1d0: {  	v1 =	vld [tilespmem:s8+$0x10]  }
0x1d1: {  	v5 =	vld.idx.msk [tilespmem:v5+s31+$0x0], $0xffff  }
0x1d2: {  	s10 =	simm.s32 $0x200;
	v6 =	vld.idx.msk [tilespmem:v6+s31+$0x0], $0xffff  }
.LBB2_22:
0x1d3: {  	p0 =	sne.s32 s10, $0xFF00;
	v8 =	vadd.s32 $0x4000, v7;
	v9 =	vld.idx.msk [tilespmem:v2+s31+$0x0], $0xffff;
	v2 =	vadd.s32 $0x4000, v0;
	s11 =	smov.u32 s10;
	s10 =	sadd.s32 $0x100, s10  }
0x1d4: {  	v10 =	vld.idx.msk [tilespmem:v4+s31+$0x0], $0xffff  }
0x1d5: {  	v11 =	vadd.s32 $0x4000, v3  }
0x1d6: {  	s11 =	sshra.s32 s11, $0x2  }
0x1d7: {  	v4 =	vadd.s32 $0x4000, v1;
	v0 =	vld [tilespmem:s11+$0x0];
	[tilespmem:s9+$0x10030] =	vst v5  }
.Ltmp10:
0x1d8: {  	v7 =	vld [tilespmem:s11+$0x30];
	[tilespmem:s9+$0x10020] =	vst v6;
	(pc) =	sbr.rel @p0 .LBB2_22-.Ltmp10, $4  }
0x1d9: {  	v3 =	vld [tilespmem:s11+$0x20];
	[tilespmem:s9+$0x10000] =	vst v9  }
0x1da: {  	v1 =	vld [tilespmem:s11+$0x10];
	[tilespmem:s9+$0x10010] =	vst v10;
	s9 =	smov.u32 s8;
	s8 =	smov.u32 s11  }
0x1db: {  	v5 =	vld.idx.msk [tilespmem:v8+s31+$0x0], $0xffff  }
0x1dc: {  	v6 =	vld.idx.msk [tilespmem:v11+s31+$0x0], $0xffff  }
0x1dd: {  	_ =	sdelay $0x3  }
0x1de: {  	v2 =	vld.idx.msk [tilespmem:v2+s31+$0x0], $0xffff  }
0x1df: {  	v4 =	vld.idx.msk [tilespmem:v4+s31+$0x0], $0xffff  }
0x1e0: {  	v7 =	vadd.s32 $0x4000, v7  }
0x1e1: {  	v3 =	vadd.s32 $0x4000, v3;
	[tilespmem:s9+$0x10030] =	vst v5  }
0x1e2: {  	v0 =	vadd.s32 $0x4000, v0;
	[tilespmem:s9+$0x10020] =	vst v6  }
0x1e3: {  	v1 =	vadd.s32 $0x4000, v1;
	[tilespmem:s9+$0x10000] =	vst v2  }
0x1e4: {  	[tilespmem:s9+$0x10010] =	vst v4  }
0x1e5: {  	v2 =	vld.idx.msk [tilespmem:v7+s31+$0x0], $0xffff  }
0x1e6: {  	v3 =	vld.idx.msk [tilespmem:v3+s31+$0x0], $0xffff  }
0x1e7: {  	v0 =	vld.idx.msk [tilespmem:v0+s31+$0x0], $0xffff  }
0x1e8: {  	v1 =	vld.idx.msk [tilespmem:v1+s31+$0x0], $0xffff;
	_ =	sdelay $0x1  }
0x1e9: {  	[tilespmem:s8+$0x10030] =	vst v2  }
0x1ea: {  	[tilespmem:s8+$0x10020] =	vst v3  }
0x1eb: {  	[tilespmem:s8+$0x10000] =	vst v0  }
0x1ec: {  	s11 =	simm.s32 $0x0;
	[tilespmem:s8+$0x10010] =	vst v1  }
0x1ed: {  	[hbm4b:s21+s11] =	stream.linear.scatter [tilespmem:s2], [sflag:$0x3], $0x4000, $0x38;
	[tilespmem:$0x18000] =	vst v63  }
0x1ee: {  	_ =	swait.ge [sflag:s6], $0x4000  }
0x1ef: {  	[sflag:s6] =	ssyncset.done $0x0  }
0x1f0: {  	s9 =	simm.s32 $0x0;
	[sflag:s6] =	ssyncadd.s32 $0xFFFFC000  }
0x1f1: {  	v0 =	vld [tilespmem:s9+$0x4030]  }
0x1f2: {  	v1 =	vld [tilespmem:s9+$0x4020]  }
0x1f3: {  	v2 =	vld [tilespmem:s9+$0x4000]  }
0x1f4: {  	v4 =	vld [tilespmem:s9+$0x4010];
	_ =	sdelay $0x1  }
0x1f5: {  	s8 =	simm.s32 $0x40;
	v5 =	vadd.s32 $0x4000, v0  }
0x1f6: {  	v7 =	vld [tilespmem:s8+$0x4030];
	v6 =	vadd.s32 $0x4000, v1  }
0x1f7: {  	v0 =	vld [tilespmem:s8+$0x4000];
	v2 =	vadd.s32 $0x4000, v2  }
0x1f8: {  	v3 =	vld [tilespmem:s8+$0x4020];
	v4 =	vadd.s32 $0x4000, v4  }
0x1f9: {  	v1 =	vld [tilespmem:s8+$0x4010]  }
0x1fa: {  	v5 =	vld.idx.msk [tilespmem:v5+s31+$0x0], $0xffff  }
0x1fb: {  	s10 =	simm.s32 $0x200;
	v6 =	vld.idx.msk [tilespmem:v6+s31+$0x0], $0xffff  }
.LBB2_24:
0x1fc: {  	p0 =	sne.s32 s10, $0xFF00;
	v8 =	vadd.s32 $0x4000, v7;
	v9 =	vld.idx.msk [tilespmem:v2+s31+$0x0], $0xffff;
	v2 =	vadd.s32 $0x4000, v0;
	s11 =	smov.u32 s10;
	s10 =	sadd.s32 $0x100, s10  }
0x1fd: {  	v10 =	vld.idx.msk [tilespmem:v4+s31+$0x0], $0xffff  }
0x1fe: {  	v11 =	vadd.s32 $0x4000, v3  }
0x1ff: {  	s11 =	sshra.s32 s11, $0x2  }
0x200: {  	v4 =	vadd.s32 $0x4000, v1;
	v0 =	vld [tilespmem:s11+$0x4000];
	[tilespmem:s9+$0x14030] =	vst v5  }
.Ltmp11:
0x201: {  	v7 =	vld [tilespmem:s11+$0x4030];
	[tilespmem:s9+$0x14020] =	vst v6;
	(pc) =	sbr.rel @p0 .LBB2_24-.Ltmp11, $4  }
0x202: {  	v3 =	vld [tilespmem:s11+$0x4020];
	[tilespmem:s9+$0x14000] =	vst v9  }
0x203: {  	v1 =	vld [tilespmem:s11+$0x4010];
	[tilespmem:s9+$0x14010] =	vst v10;
	s9 =	smov.u32 s8;
	s8 =	smov.u32 s11  }
0x204: {  	v5 =	vld.idx.msk [tilespmem:v8+s31+$0x0], $0xffff  }
0x205: {  	v6 =	vld.idx.msk [tilespmem:v11+s31+$0x0], $0xffff  }
0x206: {  	_ =	sdelay $0x3  }
0x207: {  	v2 =	vld.idx.msk [tilespmem:v2+s31+$0x0], $0xffff  }
0x208: {  	v4 =	vld.idx.msk [tilespmem:v4+s31+$0x0], $0xffff  }
0x209: {  	v7 =	vadd.s32 $0x4000, v7  }
0x20a: {  	v3 =	vadd.s32 $0x4000, v3;
	[tilespmem:s9+$0x14030] =	vst v5  }
0x20b: {  	v0 =	vadd.s32 $0x4000, v0;
	[tilespmem:s9+$0x14020] =	vst v6  }
0x20c: {  	v1 =	vadd.s32 $0x4000, v1;
	[tilespmem:s9+$0x14000] =	vst v2  }
0x20d: {  	[tilespmem:s9+$0x14010] =	vst v4  }
0x20e: {  	v2 =	vld.idx.msk [tilespmem:v7+s31+$0x0], $0xffff  }
0x20f: {  	v3 =	vld.idx.msk [tilespmem:v3+s31+$0x0], $0xffff  }
0x210: {  	v0 =	vld.idx.msk [tilespmem:v0+s31+$0x0], $0xffff  }
0x211: {  	v1 =	vld.idx.msk [tilespmem:v1+s31+$0x0], $0xffff;
	_ =	sdelay $0x1  }
0x212: {  	[tilespmem:s8+$0x14030] =	vst v2  }
0x213: {  	[tilespmem:s8+$0x14020] =	vst v3  }
0x214: {  	[tilespmem:s8+$0x14000] =	vst v0  }
0x215: {  	s11 =	simm.s32 $0x0;
	[tilespmem:s8+$0x14010] =	vst v1  }
0x216: {  	[hbm4b:s22+s11] =	stream.linear.scatter [tilespmem:s3], [sflag:$0x4], $0x4000, $0x38;
	[tilespmem:$0x18000] =	vst v63  }
0x217: {  	_ =	swait.ge [sflag:s20], $0x4000  }
0x218: {  	[sflag:s20] =	ssyncset.done $0x0  }
0x219: {  	[sflag:s20] =	ssyncadd.s32 $0xFFFFC000  }
0x21a: {  	[tilespmem:s0], [sflag:$0x2] =	stream.linear.gather [hbm4b:s15+s11], $0x4000, $0x38;
	[tilespmem:$0x18000] =	vst v63  }
0x21b: {  	_ =	swait.ge [sflag:s5], $0x4000  }
0x21c: {  	[sflag:s5] =	ssyncset.done $0x0  }
0x21d: {  	s9 =	simm.s32 $0x0;
	[sflag:s5] =	ssyncadd.s32 $0xFFFFC000  }
0x21e: {  	v6 =	vld [tilespmem:s9+$0x0]  }
0x21f: {  	v1 =	vld [tilespmem:s9+$0x20]  }
0x220: {  	v2 =	vld [tilespmem:s9+$0x30]  }
0x221: {  	v0 =	vld [tilespmem:s9+$0x10]  }
0x222: {  	s8 =	simm.s32 $0x40  }
0x223: {  	v3 =	vld [tilespmem:s8+$0x20]  }
0x224: {  	v5 =	vld [tilespmem:s8+$0x0]  }
0x225: {  	v4 =	vld [tilespmem:s8+$0x30]  }
0x226: {  	s10 =	simm.s32 $0x200;
	v6 =	vld.idx.msk [tilespmem:v6+s31+$0x0], $0xffff  }
.LBB2_26:
0x227: {  	p0 =	sne.s32 s10, $0xFF00;
	v7 =	vld.idx.msk [tilespmem:v1+s31+$0x0], $0xffff;
	s11 =	smov.u32 s10;
	s10 =	sadd.s32 $0x100, s10  }
0x228: {  	v8 =	vld.idx.msk [tilespmem:v2+s31+$0x0], $0xffff;
	v1 =	vmov v3  }
0x229: {  	v9 =	vld.idx.msk [tilespmem:v0+s31+$0x0], $0xffff;
	v10 =	vmov v5  }
0x22a: {  	v0 =	vld [tilespmem:s8+$0x10];
	v2 =	vmov v4;
	_ =	sdelay $0x1  }
.Ltmp12:
0x22b: {  	s11 =	sshra.s32 s11, $0x2;
	[tilespmem:s9+$0x10000] =	vst v6;
	(pc) =	sbr.rel @p0 .LBB2_26-.Ltmp12, $4  }
0x22c: {  	v3 =	vld [tilespmem:s11+$0x20];
	[tilespmem:s9+$0x10020] =	vst v7  }
0x22d: {  	v5 =	vld [tilespmem:s11+$0x0];
	[tilespmem:s9+$0x10030] =	vst v8  }
0x22e: {  	v4 =	vld [tilespmem:s11+$0x30];
	[tilespmem:s9+$0x10010] =	vst v9;
	s9 =	smov.u32 s8;
	s8 =	smov.u32 s11  }
0x22f: {  	v6 =	vld.idx.msk [tilespmem:v10+s31+$0x0], $0xffff  }
0x230: {  	_ =	sdelay $0x3  }
0x231: {  	v1 =	vld.idx.msk [tilespmem:v1+s31+$0x0], $0xffff  }
0x232: {  	v2 =	vld.idx.msk [tilespmem:v2+s31+$0x0], $0xffff  }
0x233: {  	v0 =	vld.idx.msk [tilespmem:v0+s31+$0x0], $0xffff  }
0x234: {  	v7 =	vld [tilespmem:s8+$0x10]  }
0x235: {  	[tilespmem:s9+$0x10000] =	vst v6  }
0x236: {  	[tilespmem:s9+$0x10020] =	vst v1  }
0x237: {  	[tilespmem:s9+$0x10030] =	vst v2  }
0x238: {  	[tilespmem:s9+$0x10010] =	vst v0  }
0x239: {  	v0 =	vld.idx.msk [tilespmem:v5+s31+$0x0], $0xffff  }
0x23a: {  	v1 =	vld.idx.msk [tilespmem:v3+s31+$0x0], $0xffff  }
0x23b: {  	v2 =	vld.idx.msk [tilespmem:v4+s31+$0x0], $0xffff  }
0x23c: {  	v3 =	vld.idx.msk [tilespmem:v7+s31+$0x0], $0xffff;
	_ =	sdelay $0x1  }
0x23d: {  	[tilespmem:s8+$0x10000] =	vst v0  }
0x23e: {  	[tilespmem:s8+$0x10020] =	vst v1  }
0x23f: {  	[tilespmem:s8+$0x10030] =	vst v2  }
0x240: {  	s11 =	simm.s32 $0x0;
	[tilespmem:s8+$0x10010] =	vst v3  }
0x241: {  	[hbm4b:s23+s11] =	stream.linear.scatter [tilespmem:s2], [sflag:$0x3], $0x4000, $0x38;
	[tilespmem:$0x18000] =	vst v63  }
0x242: {  	_ =	swait.ge [sflag:s6], $0x4000  }
0x243: {  	[sflag:s6] =	ssyncset.done $0x0  }
0x244: {  	s9 =	simm.s32 $0x0;
	[sflag:s6] =	ssyncadd.s32 $0xFFFFC000  }
0x245: {  	v6 =	vld [tilespmem:s9+$0x4000]  }
0x246: {  	v1 =	vld [tilespmem:s9+$0x4020]  }
0x247: {  	v2 =	vld [tilespmem:s9+$0x4030]  }
0x248: {  	v0 =	vld [tilespmem:s9+$0x4010]  }
0x249: {  	s8 =	simm.s32 $0x40  }
0x24a: {  	v3 =	vld [tilespmem:s8+$0x4020]  }
0x24b: {  	v5 =	vld [tilespmem:s8+$0x4000]  }
0x24c: {  	v4 =	vld [tilespmem:s8+$0x4030]  }
0x24d: {  	s10 =	simm.s32 $0x200;
	v6 =	vld.idx.msk [tilespmem:v6+s31+$0x0], $0xffff  }
.LBB2_28:
0x24e: {  	p0 =	sne.s32 s10, $0xFF00;
	v7 =	vld.idx.msk [tilespmem:v1+s31+$0x0], $0xffff;
	s11 =	smov.u32 s10;
	s10 =	sadd.s32 $0x100, s10  }
0x24f: {  	v8 =	vld.idx.msk [tilespmem:v2+s31+$0x0], $0xffff;
	v1 =	vmov v3  }
0x250: {  	v9 =	vld.idx.msk [tilespmem:v0+s31+$0x0], $0xffff;
	v10 =	vmov v5  }
0x251: {  	v0 =	vld [tilespmem:s8+$0x4010];
	v2 =	vmov v4;
	_ =	sdelay $0x1  }
.Ltmp13:
0x252: {  	s11 =	sshra.s32 s11, $0x2;
	[tilespmem:s9+$0x14000] =	vst v6;
	(pc) =	sbr.rel @p0 .LBB2_28-.Ltmp13, $4  }
0x253: {  	v3 =	vld [tilespmem:s11+$0x4020];
	[tilespmem:s9+$0x14020] =	vst v7  }
0x254: {  	v5 =	vld [tilespmem:s11+$0x4000];
	[tilespmem:s9+$0x14030] =	vst v8  }
0x255: {  	v4 =	vld [tilespmem:s11+$0x4030];
	[tilespmem:s9+$0x14010] =	vst v9;
	s9 =	smov.u32 s8;
	s8 =	smov.u32 s11  }
0x256: {  	v6 =	vld.idx.msk [tilespmem:v10+s31+$0x0], $0xffff  }
0x257: {  	_ =	sdelay $0x3  }
0x258: {  	v1 =	vld.idx.msk [tilespmem:v1+s31+$0x0], $0xffff  }
0x259: {  	v2 =	vld.idx.msk [tilespmem:v2+s31+$0x0], $0xffff  }
0x25a: {  	v0 =	vld.idx.msk [tilespmem:v0+s31+$0x0], $0xffff  }
0x25b: {  	v7 =	vld [tilespmem:s8+$0x4010]  }
0x25c: {  	[tilespmem:s9+$0x14000] =	vst v6  }
0x25d: {  	[tilespmem:s9+$0x14020] =	vst v1  }
0x25e: {  	[tilespmem:s9+$0x14030] =	vst v2  }
0x25f: {  	[tilespmem:s9+$0x14010] =	vst v0  }
0x260: {  	v0 =	vld.idx.msk [tilespmem:v5+s31+$0x0], $0xffff  }
0x261: {  	v1 =	vld.idx.msk [tilespmem:v3+s31+$0x0], $0xffff  }
0x262: {  	v2 =	vld.idx.msk [tilespmem:v4+s31+$0x0], $0xffff  }
0x263: {  	v3 =	vld.idx.msk [tilespmem:v7+s31+$0x0], $0xffff;
	_ =	sdelay $0x1  }
0x264: {  	[tilespmem:s8+$0x14000] =	vst v0  }
0x265: {  	[tilespmem:s8+$0x14020] =	vst v1  }
0x266: {  	[tilespmem:s8+$0x14030] =	vst v2  }
0x267: {  	s11 =	simm.s32 $0x0;
	[tilespmem:s8+$0x14010] =	vst v3  }
0x268: {  	[hbm4b:s24+s11] =	stream.linear.scatter [tilespmem:s3], [sflag:$0x4], $0x4000, $0x38;
	[tilespmem:$0x18000] =	vst v63  }
0x269: {  	_ =	swait.ge [sflag:s4], $0x4000  }
0x26a: {  	[sflag:s4] =	ssyncset.done $0x0  }
0x26b: {  	[sflag:s4] =	ssyncadd.s32 $0xFFFFC000  }
0x26c: {  	_ =	swait.ge [sflag:s5], $0x4000  }
0x26d: {  	[sflag:s5] =	ssyncset.done $0x0  }
0x26e: {  	s9 =	simm.s32 $0x0;
	[sflag:s5] =	ssyncadd.s32 $0xFFFFC000  }
0x26f: {  	v0 =	vld [tilespmem:s9+$0x30]  }
0x270: {  	v1 =	vld [tilespmem:s9+$0x20]  }
0x271: {  	v2 =	vld [tilespmem:s9+$0x0]  }
0x272: {  	v4 =	vld [tilespmem:s9+$0x10];
	_ =	sdelay $0x1  }
0x273: {  	s8 =	simm.s32 $0x40;
	v5 =	vadd.s32 $0x4000, v0  }
0x274: {  	v7 =	vld [tilespmem:s8+$0x30];
	v6 =	vadd.s32 $0x4000, v1  }
0x275: {  	v0 =	vld [tilespmem:s8+$0x0];
	v2 =	vadd.s32 $0x4000, v2  }
0x276: {  	v3 =	vld [tilespmem:s8+$0x20];
	v4 =	vadd.s32 $0x4000, v4  }
0x277: {  	v1 =	vld [tilespmem:s8+$0x10]  }
0x278: {  	v5 =	vld.idx.msk [tilespmem:v5+s31+$0x0], $0xffff  }
0x279: {  	s10 =	simm.s32 $0x200;
	v6 =	vld.idx.msk [tilespmem:v6+s31+$0x0], $0xffff  }
.LBB2_30:
0x27a: {  	p0 =	sne.s32 s10, $0xFF00;
	v8 =	vadd.s32 $0x4000, v7;
	v9 =	vld.idx.msk [tilespmem:v2+s31+$0x0], $0xffff;
	v2 =	vadd.s32 $0x4000, v0;
	s11 =	smov.u32 s10;
	s10 =	sadd.s32 $0x100, s10  }
0x27b: {  	v10 =	vld.idx.msk [tilespmem:v4+s31+$0x0], $0xffff  }
0x27c: {  	v11 =	vadd.s32 $0x4000, v3  }
0x27d: {  	s11 =	sshra.s32 s11, $0x2  }
0x27e: {  	v4 =	vadd.s32 $0x4000, v1;
	v0 =	vld [tilespmem:s11+$0x0];
	[tilespmem:s9+$0x10030] =	vst v5  }
.Ltmp14:
0x27f: {  	v7 =	vld [tilespmem:s11+$0x30];
	[tilespmem:s9+$0x10020] =	vst v6;
	(pc) =	sbr.rel @p0 .LBB2_30-.Ltmp14, $4  }
0x280: {  	v3 =	vld [tilespmem:s11+$0x20];
	[tilespmem:s9+$0x10000] =	vst v9  }
0x281: {  	v1 =	vld [tilespmem:s11+$0x10];
	[tilespmem:s9+$0x10010] =	vst v10;
	s9 =	smov.u32 s8;
	s8 =	smov.u32 s11  }
0x282: {  	v5 =	vld.idx.msk [tilespmem:v8+s31+$0x0], $0xffff  }
0x283: {  	v6 =	vld.idx.msk [tilespmem:v11+s31+$0x0], $0xffff  }
0x284: {  	_ =	sdelay $0x3  }
0x285: {  	v2 =	vld.idx.msk [tilespmem:v2+s31+$0x0], $0xffff  }
0x286: {  	v4 =	vld.idx.msk [tilespmem:v4+s31+$0x0], $0xffff  }
0x287: {  	v7 =	vadd.s32 $0x4000, v7  }
0x288: {  	v3 =	vadd.s32 $0x4000, v3;
	[tilespmem:s9+$0x10030] =	vst v5  }
0x289: {  	v0 =	vadd.s32 $0x4000, v0;
	[tilespmem:s9+$0x10020] =	vst v6  }
0x28a: {  	v1 =	vadd.s32 $0x4000, v1;
	[tilespmem:s9+$0x10000] =	vst v2  }
0x28b: {  	[tilespmem:s9+$0x10010] =	vst v4  }
0x28c: {  	v2 =	vld.idx.msk [tilespmem:v7+s31+$0x0], $0xffff  }
0x28d: {  	v3 =	vld.idx.msk [tilespmem:v3+s31+$0x0], $0xffff  }
0x28e: {  	v0 =	vld.idx.msk [tilespmem:v0+s31+$0x0], $0xffff  }
0x28f: {  	v1 =	vld.idx.msk [tilespmem:v1+s31+$0x0], $0xffff;
	_ =	sdelay $0x1  }
0x290: {  	[tilespmem:s8+$0x10030] =	vst v2  }
0x291: {  	[tilespmem:s8+$0x10020] =	vst v3  }
0x292: {  	[tilespmem:s8+$0x10000] =	vst v0  }
0x293: {  	s11 =	simm.s32 $0x0;
	[tilespmem:s8+$0x10010] =	vst v1  }
0x294: {  	[hbm4b:s25+s11] =	stream.linear.scatter [tilespmem:s2], [sflag:$0x3], $0x4000, $0x38;
	[tilespmem:$0x18000] =	vst v63  }
0x295: {  	_ =	swait.ge [sflag:s6], $0x4000  }
0x296: {  	[sflag:s6] =	ssyncset.done $0x0  }
0x297: {  	s9 =	simm.s32 $0x0;
	[sflag:s6] =	ssyncadd.s32 $0xFFFFC000  }
0x298: {  	v0 =	vld [tilespmem:s9+$0x4030]  }
0x299: {  	v1 =	vld [tilespmem:s9+$0x4020]  }
0x29a: {  	v2 =	vld [tilespmem:s9+$0x4000]  }
0x29b: {  	v4 =	vld [tilespmem:s9+$0x4010];
	_ =	sdelay $0x1  }
0x29c: {  	s8 =	simm.s32 $0x40;
	v5 =	vadd.s32 $0x4000, v0  }
0x29d: {  	v7 =	vld [tilespmem:s8+$0x4030];
	v6 =	vadd.s32 $0x4000, v1  }
0x29e: {  	v0 =	vld [tilespmem:s8+$0x4000];
	v2 =	vadd.s32 $0x4000, v2  }
0x29f: {  	v3 =	vld [tilespmem:s8+$0x4020];
	v4 =	vadd.s32 $0x4000, v4  }
0x2a0: {  	v1 =	vld [tilespmem:s8+$0x4010]  }
0x2a1: {  	v5 =	vld.idx.msk [tilespmem:v5+s31+$0x0], $0xffff  }
0x2a2: {  	s10 =	simm.s32 $0x200;
	v6 =	vld.idx.msk [tilespmem:v6+s31+$0x0], $0xffff  }
.LBB2_32:
0x2a3: {  	p0 =	sne.s32 s10, $0xFF00;
	v8 =	vadd.s32 $0x4000, v7;
	v9 =	vld.idx.msk [tilespmem:v2+s31+$0x0], $0xffff;
	v2 =	vadd.s32 $0x4000, v0;
	s11 =	smov.u32 s10;
	s10 =	sadd.s32 $0x100, s10  }
0x2a4: {  	v10 =	vld.idx.msk [tilespmem:v4+s31+$0x0], $0xffff  }
0x2a5: {  	v11 =	vadd.s32 $0x4000, v3  }
0x2a6: {  	s11 =	sshra.s32 s11, $0x2  }
0x2a7: {  	v4 =	vadd.s32 $0x4000, v1;
	v0 =	vld [tilespmem:s11+$0x4000];
	[tilespmem:s9+$0x14030] =	vst v5  }
.Ltmp15:
0x2a8: {  	v7 =	vld [tilespmem:s11+$0x4030];
	[tilespmem:s9+$0x14020] =	vst v6;
	(pc) =	sbr.rel @p0 .LBB2_32-.Ltmp15, $4  }
0x2a9: {  	v3 =	vld [tilespmem:s11+$0x4020];
	[tilespmem:s9+$0x14000] =	vst v9  }
0x2aa: {  	v1 =	vld [tilespmem:s11+$0x4010];
	[tilespmem:s9+$0x14010] =	vst v10;
	s9 =	smov.u32 s8;
	s8 =	smov.u32 s11  }
0x2ab: {  	v5 =	vld.idx.msk [tilespmem:v8+s31+$0x0], $0xffff  }
0x2ac: {  	v6 =	vld.idx.msk [tilespmem:v11+s31+$0x0], $0xffff  }
0x2ad: {  	_ =	sdelay $0x3  }
0x2ae: {  	v2 =	vld.idx.msk [tilespmem:v2+s31+$0x0], $0xffff  }
0x2af: {  	v4 =	vld.idx.msk [tilespmem:v4+s31+$0x0], $0xffff  }
0x2b0: {  	v7 =	vadd.s32 $0x4000, v7  }
0x2b1: {  	v3 =	vadd.s32 $0x4000, v3;
	[tilespmem:s9+$0x14030] =	vst v5  }
0x2b2: {  	v0 =	vadd.s32 $0x4000, v0;
	[tilespmem:s9+$0x14020] =	vst v6  }
0x2b3: {  	v1 =	vadd.s32 $0x4000, v1;
	[tilespmem:s9+$0x14000] =	vst v2  }
0x2b4: {  	[tilespmem:s9+$0x14010] =	vst v4  }
0x2b5: {  	v2 =	vld.idx.msk [tilespmem:v7+s31+$0x0], $0xffff  }
0x2b6: {  	v3 =	vld.idx.msk [tilespmem:v3+s31+$0x0], $0xffff  }
0x2b7: {  	v0 =	vld.idx.msk [tilespmem:v0+s31+$0x0], $0xffff  }
0x2b8: {  	v1 =	vld.idx.msk [tilespmem:v1+s31+$0x0], $0xffff;
	_ =	sdelay $0x1  }
0x2b9: {  	[tilespmem:s8+$0x14030] =	vst v2  }
0x2ba: {  	[tilespmem:s8+$0x14020] =	vst v3  }
0x2bb: {  	[tilespmem:s8+$0x14000] =	vst v0  }
0x2bc: {  	s7 =	sadd.s32 $0x1, s7;
	[tilespmem:s8+$0x14010] =	vst v1  }
0x2bd: {  	[hbm4b:s26+s1] =	stream.linear.scatter [tilespmem:s3], [sflag:$0x4], $0x4000, $0x38;
	[tilespmem:$0x18000] =	vst v63  }
0x2be: {  	p0 =	sne.s32 s7, s29;
	_ =	swait.ge [sflag:s5], $0x4000  }
.Ltmp16:
0x2bf: {  	[sflag:s5] =	ssyncset.done $0x0;
	(pc) =	sbr.rel @p0 .LBB2_1-.Ltmp16, $4  }
0x2c0: {  	[sflag:s5] =	ssyncadd.s32 $0xFFFFC000  }
0x2c1: {  	_ =	swait.ge [sflag:s6], $0x4000  }
0x2c2: {  	[sflag:s6] =	ssyncset.done $0x0  }
0x2c3: {  	[sflag:s6] =	ssyncadd.s32 $0xFFFFC000  }
0x2c4: {  	_ =	sfence.sel $0x180000  }
0x2c5: {  	[bflag:$0x0] =	sbarrier.arrive $0xFFFF  }
0x2c6: {  	_ =	strace $0x9000004A  }
0x2c7: {  	s0 =	stileid.u32;
	[bflag:$0x2] =	sbarrier.arrive $0xFFFF  }
0x2c8: {  	p0 =	sne.s32 s0, $0x0;
	s0 =	rddreg [dreg:$0x2]  }
0x2c9: {  	s0 =	sadd.s32 @!p0 $0x100000, s0  }
0x2ca: {  	[sflag:s0] =	ssyncadd.tile.s32 @!p0 $0x1;
	_ =	shalt  }
.Lfunc_end2:
_tile_overlayer_lowered:
.L_overlay_start_2:
0x2cb: {  	(tag) =	ssettag $0x2  }
0x2cc: {  	s0 =	rddreg [dreg:$0x0];
	s2 =	stileid.u32  }
0x2cd: {  	s1 =	rddreg [dreg:$0x1];
	p0 =	sne.s32 s2, $0x0  }
0x2ce: {  	s3 =	rddreg [dreg:$0x2];
	[bflag:$0x3] =	sbarrier.arrive $0xFFFF;
	s2 =	simm.s32 @!p0 $0x1C05  }
0x2cf: {  	[timem:s3], [sflag:s2] =	dma.local @!p0 [hbm:s0], s1  }
0x2d0: {  	s0 =	simm.s32 @!p0 $0x5  }
0x2d1: {  	_ =	swait.ge @!p0 [sflag:s0], s1  }
0x2d2: {  	s1 =	ssub.s32 @!p0 $0x0, s1;
	[sflag:s0] =	ssyncset.done @!p0 $0x0  }
0x2d3: {  	[sflag:s0] =	ssyncadd.s32 @!p0 s1  }
0x2d4: {  	[bflag:$0x3] =	sbarrier.arrive $0xFFFF  }
0x2d5: {  	_ =	shalt  }

// kernel: sparse-core-data-format-call.cloned.1.call-start
scs
called_computation_lowered:
.L_overlay_start_0:
0x0: {  	s2 =	sld [smem:$0x3FD9]  }
0x1: {  	s3 =	sld [smem:$0x3FFE];
	_ =	sdelay $0x1  }
0x2: {  	s1 =	srdreg.scid  }
0x3: {  	s0 =	sand.u32 $0x1, s1  }
0x4: {  	s15 =	sshll.u32 s0, $0xA;
	s2 =	sadd.s32 s3, s2  }
0x5: {  	s2 =	sadd.s32 s2, s15  }
0x6: {  	[smem:$0x3FC5] =	sst s2  }
0x7: {  	_ = 	snop  }
0x8: {  	s2 =	sld [smem:$0x3FD0];
	_ =	sdelay $0x2  }
0x9: {  	s16 =	simm.s32 $0xA;
	s4 =	simm.s32 $0x10  }
0xa: {  	[smem:s4], [sflag:s16] =	dma.local [hbm:s2], $0x1  }
0xb: {  	_ =	swait.eq [sflag:s16], $0x1  }
0xc: {  	[sflag:s16] =	ssyncset.done $0x0  }
0xd: {  	[sflag:s16] =	ssyncadd.s32 $0xFFFFFFFF  }
0xe: {  	s17 =	sld [smem:$0x11];
	(tm) =	ssettm $0x1  }
0xf: {  	s18 =	sld [smem:$0x3FFB];
	_ =	sdelay $0x3  }
0x10: {  	_ =	strace s18  }
0x11: {  	s3 =	sld [smem:$0x3FFC];
	_ =	sdelay $0x3  }
0x12: {  	_ =	strace s3  }
0x13: {  	s3 =	sld [smem:$0x3FFD];
	_ =	sdelay $0x3  }
0x14: {  	_ =	strace s3  }
0x15: {  	_ =	strace $0x8FFFFFFF  }
0x16: {  	s19 =	sld [smem:$0x3FDB];
	_ =	sdelay $0x1  }
0x17: {  	s20 =	simm.s32 $_scs_section_size  }
0x18: {  	s5 =	simm.s32 $_size__tile_overlayer_lowered;
	s6 =	simm.s32 $_tile_overlayer_lowered  }
0x19: {  	s23 =	simm.s32 $0x1BFF;
	s22 =	sshll.u32 s6, $0x1;
	s3 =	sadd.s32 s20, s19  }
0x1a: {  	s7 =	simm.s32 $0x0;
	s21 =	sshll.u32 s5, $0x1;
	s5 =	sadd.s32 s22, s3  }
0x1b: {  	[timem:s7], [sflag:s23] =	dma.local [hbm:s5], s21  }
0x1c: {  	_ =	swait.ge [sflag:s23], s21  }
0x1d: {  	s4 =	ssub.s32 $0x0, s21;
	[sflag:s23] =	ssyncset.done $0x0  }
0x1e: {  	[sflag:s23] =	ssyncadd.s32 s4;
	_ =	sdelay $0x1  }
0x1f: {  	s24 =	simm.s32 $0x1B8B  }
0x20: {  	_ =	swait.ge [sflag:s24], $0x1  }
0x21: {  	[sflag:s24] =	ssyncset.done $0x0  }
0x22: {  	s26 =	simm.s32 $0x1B8E;
	s25 =	sld [smem:$0x3FFE];
	[sflag:s24] =	ssyncadd.s32 $0xFFFFFFFF  }
0x23: {  	s27 =	simm.s32 $execute0_lowered;
	[smem:$0x3FD2] =	sst s26  }
0x24: {  	s5 =	sshll.u32 s27, $0x1;
	_ =	strace $0x8000004C;
	[dreg:$0x1] =	wrdreg $0xFFFFFFFF  }
0x25: {  	s28 =	simm.s32 $_size_execute0_lowered;
	s3 =	sadd.s32 s3, s5;
	[dreg:$0x0] =	wrdreg $0x0  }
0x26: {  	s5 =	sshll.u32 s28, $0x1;
	[dreg:$0x2] =	wrdreg s3  }
0x27: {  	[dreg:$0x3] =	wrdreg s5  }
0x28: {  	[dreg:$0x4] =	wrdreg $0xC0  }
0x29: {  	_ =	task [dreg:s7], $0x5FFFF  }
0x2a: {  	[dreg:$0x1] =	wrdreg $0xFFFFFFFF  }
0x2b: {  	[dreg:$0x0] =	wrdreg $0x60  }
0x2c: {  	[dreg:$0x2] =	wrdreg s25  }
0x2d: {  	[dreg:$0x3] =	wrdreg s17  }
0x2e: {  	[dreg:$0x4] =	wrdreg $0x9  }
0x2f: {  	_ =	task.clear_ibuf [dreg:s7], $0x5FFFF;
	_ =	strace $0x9000004C  }
0x30: {  	s29 =	simm.s32 $0x9;
	_ =	strace $0x8000004E  }
0x31: {  	_ =	swait.ge [sflag:s29], $0x1  }
0x32: {  	[sflag:s29] =	ssyncadd.s32 $0xFFFFFFFF  }
0x33: {  	_ =	strace $0x9000004E  }
0x34: {  	_ =	sfence  }
0x35: {  	s30 =	sld [smem:$0x0];
	_ =	sdelay $0x2  }
0x36: {  	s31 =	sshll.u32 s1, $0xD;
	s1 =	sshrl.u32 s1, $0x2  }
0x37: {  	s3 =	sand.u32 $0x4000, s31;
	s1 =	sadd.s32 s1, s30  }
0x38: {  	s0 =	sor.u32 s3, s0;
	s1 =	sshll.u32 s1, $0x11  }
0x39: {  	s0 =	sor.u32 s1, s0  }
0x3a: {  	s0 =	sadd.s32 $0x8F2B, s0  }
0x3b: {  	[sflag:s0] =	ssyncadd.remote.s32 $0x1  }
0x3c: {  	_ =	sfence.sel $0xFFFF  }
0x3d: {  	[dreg:$0x0] =	wrdreg $0xFFFFFFFF;
	(pc) =	sbr.abs _section_cstart, $3  }
0x3e: {  	[dreg:$0x1] =	wrdreg $0xFFFFFFFF  }
0x3f: {  	_ =	task.clear_ibuf [dreg:s7], $0x2FFFF;
	_ =	strace $0x9FFFFFFF  }
0x40: {  	(tm) =	ssettm $0x7FFFFFFF  }
0x41: {  	_ =	shalt  }
tec
execute0_lowered:
.L_overlay_start_1:
0x0: {  	(tag) =	ssettag $0x1  }
0x1: {  	s1 =	srdreg.scid;
	s10 =	rddreg [dreg:$0x0]  }
0x2: {  	s0 =	stileid.u32;
	s2 =	rddreg [dreg:$0x1]  }
0x3: {  	s5 =	simm.s32 $0x1;
	s8 =	simm.s32 $0x2;
	s17 =	simm.s32 $0x0  }
0x4: {  	s12 =	simm.s32 $0x2000;
	s18 =	simm.s32 $0x0;
	s1 =	sshll.u32 s1, $0x4  }
0x5: {  	s19 =	simm.s32 $0x0;
	s13 =	simm.s32 $0x0;
	s3 =	sor.u32 s0, s1  }
0x6: {  	s1 =	rddreg [dreg:$0x2];
	_ =	strace $0x8000004D;
	s3 =	sand.u32 $0x1C, s3  }
0x7: {  	s16 =	simm.s32 $0x0;
	[sflag:s5] =	ssyncpa.u1 $0x0;
	s6 =	ssub.s32 $0x40, s3  }
0x8: {  	s4 =	sadd.s32 $0x1200, s10;
	[sflag:s8] =	ssyncpa.u1 $0x0;
	s7 =	sand.u32 $0x1C, s6  }
.Ltmp0:
0x9: {  	p0 =	sne.s32 s7, $0x0;
	s7 =	simm.s32 $0x1;
	(pc) =	sbr.rel .LBB1_1-.Ltmp0, $4  }
0xa: {  	s8 =	sadd.s32 $0x5200, s10;
	s9 =	sshrl.u32 s6, $0x5;
	s7 =	simm.s32 @!p0 $0x0  }
0xb: {  	s14 =	smov.u32 s3;
	s6 =	sand.u32 $0x3, s0;
	s7 =	sadd.s32 s7, s9  }
0xc: {  	s15 =	smov.u32 s6;
	p0 =	por $0x0, $0x0;
	s7 =	sshll.u32 s7, $0x3  }
0xd: {  	s9 =	sadd.s32 $0x9200, s10;
	s10 =	sadd.s32 $0xD200, s10;
	s11 =	sor.u32 $0x1, s7  }
.LBB1_7:
0xe: {  	s20 =	sadd.s32 $0x80, s13  }
0xf: {  	s17 =	sadd.s32 $0x20, s14;
	s21 =	smov.u32 s14;
	p2 =	sgt.s32 s20, $0x3FF  }
0x10: {  	s21 =	smov.u32 @p2 s17  }
0x11: {  	s23 =	smov.u32 s15;
	s17 =	sadd.s32 $0x4, s15;
	p3 =	sgt.s32 s21, $0x3F  }
0x12: {  	s23 =	smov.u32 @p3 s17  }
0x13: {  	s20 =	simm.s32 @p2 $0x0;
	p2 =	sgt.s32 s23, $0x3  }
0x14: {  	p1 =	slt.u32 s16, $0x2;
	s23 =	smov.u32 @p2 s6;
	p2 =	sne.s32 s16, s11  }
.Ltmp1:
0x15: {  	s22 =	simm.s32 @!p1 $0x2;
	(pc) =	sbr.rel @!p2 .LBB1_8-.Ltmp1, $4  }
0x16: {  	s18 =	smov.u32 s14;
	s19 =	smov.u32 s15;
	_ =	swait.ge @!p1 [sflag:s22], $0x4000  }
0x17: {  	p0 =	por !p0, !p0;
	[sflag:s22] =	ssyncset.done @!p1 $0x0;
	s21 =	smov.u32 @p3 s3  }
0x18: {  	s17 =	smov.u32 s13;
	[sflag:s22] =	ssyncadd.s32 @!p1 $0xFFFFC000;
	s13 =	smov.u32 s20  }
0x19: {  	s14 =	smov.u32 s21;
	s16 =	sadd.s32 $0x1, s16;
	s15 =	smov.u32 s23  }
.LBB1_1:
0x1a: {  	p1 =	sge.u32 s16, s7  }
0x1b: {  	s20 =	sxor.u32 @!p1 $0xFFFFFFFF, s16;
	s21 =	sshll.u32 @!p1 s15, $0x14;
	s22 =	sshll.u32 @!p1 s14, $0xE  }
0x1c: {  	s24 =	sshll.u32 @!p1 s13, $0x4;
	s25 =	simm.s32 @!p1 $0x20;
	s23 =	sadd.s32 @!p1 s21, s22  }
0x1d: {  	s20 =	sshll.u32 @!p1 s20, $0xE;
	s24 =	sand.u32 @!p1 $0x3FF0, s24;
	s23 =	sadd.s32 @!p1 s4, s23  }
0x1e: {  	s26 =	simm.s32 @!p1 $0x80;
	s20 =	sand.u32 @!p1 $0x4000, s20;
	s23 =	sadd.s32 @!p1 s24, s23  }
0x1f: {  	[tilespmem:s20], [sflag:$0x1] =	stream.strided.gather @!p1 [hbm4b:s23+s25], $0x1000, s26, s25, $0x38;
	[tilespmem:$0x10100] =	vst v63  }
0x20: {  	s23 =	sadd.s32 @!p1 s21, s8  }
0x21: {  	s23 =	sadd.s32 @!p1 s22, s23  }
0x22: {  	s27 =	sor.u32 @!p1 $0x1000, s20;
	s23 =	sadd.s32 @!p1 s24, s23  }
0x23: {  	[tilespmem:s27], [sflag:$0x1] =	stream.strided.gather @!p1 [hbm4b:s23+s25], $0x1000, s26, s25, $0x38;
	[tilespmem:$0x10100] =	vst v63  }
0x24: {  	s23 =	sadd.s32 @!p1 s21, s9  }
0x25: {  	s21 =	sadd.s32 @!p1 s21, s10;
	s23 =	sadd.s32 @!p1 s22, s23  }
0x26: {  	s27 =	sor.u32 @!p1 $0x2000, s20;
	s21 =	sadd.s32 @!p1 s22, s21;
	s23 =	sadd.s32 @!p1 s24, s23  }
0x27: {  	[tilespmem:s27], [sflag:$0x1] =	stream.strided.gather @!p1 [hbm4b:s23+s25], $0x1000, s26, s25, $0x38;
	[tilespmem:$0x10100] =	vst v63  }
0x28: {  	s31 =	sadd.s32 $0xFFFFFFFF, s16;
	s20 =	sor.u32 @!p1 $0x3000, s20;
	s21 =	sadd.s32 @!p1 s24, s21  }
0x29: {  	[tilespmem:s20], [sflag:$0x1] =	stream.strided.gather @!p1 [hbm4b:s21+s25], $0x1000, s26, s25, $0x38;
	[tilespmem:$0x10100] =	vst v63  }
0x2a: {  	p1 =	sge.u32 s31, s7  }
.Ltmp2:
0x2b: {  	_ = 	snop;
	(pc) =	sbr.rel @p1 .LBB1_7-.Ltmp2, $1  }
0x2c: {  	_ =	sdelay $0x3  }
0x2d: {  	s20 =	simm.s32 $0x1;
	s22 =	sand.u32 $0x1, s16  }
0x2e: {  	_ =	swait.ge [sflag:s5], $0x4000;
	s20 =	simm.s32 @!p0 $0x0;
	s23 =	smul.u32 $0x10200, s22  }
0x2f: {  	[sflag:s5] =	ssyncset.done $0x0;
	s21 =	smul.u32 $0x10200, s20  }
0x30: {  	s20 =	sshll.u32 s20, $0xE;
	[sflag:s5] =	ssyncadd.s32 $0xFFFFC000  }
0x31: {  	s22 =	sor.u32 $0x10, s20;
	s31 =	sshrl.u32 s23, $0x2;
	s21 =	sshrl.u32 s21, $0x2  }
0x32: {  	s23 =	simm.s32 $0x0;
	s20 =	sor.u32 $0x8000, s31;
	s21 =	sor.u32 $0x8000, s21  }
.LBB1_3:
0x33: {  	v1 =	vld [tilespmem:s22+$0x0]  }
0x34: {  	v0 =	vld [tilespmem:s22+$0xFFFFFFF0];
	_ =	sdelay $0x2  }
0x35: {  	s26 =	sadd.s32 $0x0, s21  }
0x36: {  	s24 =	simm.s32 $0x4;
	s25 =	sadd.s32 $0x20, s22;
	[tilespmem:s26+$0x810 ss:$0x81] =	vst.msk $0xffff, v1  }
.LBB1_4:
0x37: {  	v1 =	vld [tilespmem:s25+$0x0];
	p1 =	sne.s32 s24, $0x1FC;
	[tilespmem:s26+$0x0 ss:$0x81] =	vst.msk $0xffff, v0;
	s26 =	smov.u32 s24;
	s24 =	sadd.s32 $0x4, s24  }
.Ltmp3:
0x38: {  	v0 =	vld [tilespmem:s25+$0xFFFFFFF0];
	(pc) =	sbr.rel @p1 .LBB1_4-.Ltmp3, $4  }
0x39: {  	_ = 	snop  }
0x3a: {  	s26 =	sshra.s32 s26, $0x2  }
0x3b: {  	s26 =	sadd.s32 s26, s21  }
0x3c: {  	s25 =	sadd.s32 $0x20, s25;
	[tilespmem:s26+$0x810 ss:$0x81] =	vst.msk $0xffff, v1  }
0x3d: {  	s23 =	sadd.s32 $0x1, s23  }
0x3e: {  	p1 =	sne.s32 s23, $0x4  }
.Ltmp4:
0x3f: {  	_ = 	snop;
	(pc) =	sbr.rel @p1 .LBB1_3-.Ltmp4, $2  }
0x40: {  	_ =	sdelay $0x2  }
0x41: {  	[tilespmem:s26+$0x0 ss:$0x81] =	vst.msk $0xffff, v0;
	s21 =	sadd.s32 $0x1020, s21;
	s22 =	sadd.s32 $0x1000, s22  }
0x42: {  	s19 =	sshll.u32 s19, $0x12;
	s21 =	sand.u32 $0xF80, s17  }
.Ltmp5:
0x43: {  	s18 =	sshll.u32 s18, $0xC;
	s19 =	sadd.s32 s2, s19;
	(pc) =	sbr.rel .LBB1_7-.Ltmp5, $4  }
0x44: {  	s22 =	sshrl.u32 s17, $0x3;
	s30 =	sand.u32 $0x7, s17;
	s18 =	sadd.s32 s18, s19  }
0x45: {  	s31 =	sand.u32 $0xF, s22;
	s17 =	sshll.u32 s30, $0x12;
	s18 =	sadd.s32 s21, s18  }
0x46: {  	s17 =	sor.u32 $0x400, s17;
	s18 =	sadd.s32 s31, s18  }
0x47: {  	[hbm4b:s18+s17] =	stream.strided.scatter [tilespmem:s20], [sflag:$0x2], $0x4000, s12, s17, $0x20;
	[tilespmem:$0x10100] =	vst v63  }
.LBB1_8:
0x48: {  	_ =	sfence.sel $0x180000  }
0x49: {  	s2 =	simm.s32 $0x1;
	[bflag:$0x0] =	sbarrier.arrive $0xFFFF  }
0x4a: {  	s31 =	simm.s32 $0x2;
	[sflag:s2] =	ssyncpa.u1 $0x1  }
0x4b: {  	[sflag:s31] =	ssyncpa.u1 $0x1  }
0x4c: {  	p0 =	sne.s32 s0, $0x0;
	_ =	strace $0x9000004D  }
0x4d: {  	s0 =	sadd.s32 @!p0 $0x100000, s1;
	[bflag:$0x2] =	sbarrier.arrive $0xFFFF  }
0x4e: {  	[sflag:s0] =	ssyncadd.tile.s32 @!p0 $0x1;
	_ =	shalt  }
.Lfunc_end1:
_tile_overlayer_lowered:
.L_overlay_start_2:
0x4f: {  	(tag) =	ssettag $0x2  }
0x50: {  	s0 =	rddreg [dreg:$0x0];
	s2 =	stileid.u32  }
0x51: {  	s1 =	rddreg [dreg:$0x1];
	p0 =	sne.s32 s2, $0x0  }
0x52: {  	s3 =	rddreg [dreg:$0x2];
	[bflag:$0x3] =	sbarrier.arrive $0xFFFF;
	s2 =	simm.s32 @!p0 $0x1C01  }
0x53: {  	[timem:s3], [sflag:s2] =	dma.local @!p0 [hbm:s0], s1  }
0x54: {  	s0 =	simm.s32 @!p0 $0x1  }
0x55: {  	_ =	swait.ge @!p0 [sflag:s0], s1  }
0x56: {  	s1 =	ssub.s32 @!p0 $0x0, s1;
	[sflag:s0] =	ssyncset.done @!p0 $0x0  }
0x57: {  	[sflag:s0] =	ssyncadd.s32 @!p0 s1  }
0x58: {  	[bflag:$0x3] =	sbarrier.arrive $0xFFFF  }
0x59: {  	_ =	shalt  }

</sc_bundles>
